<compile_context>
chip_gen: v7x
topology: tpu7x:2x2x1
jax: 0.10.2.dev20260603
libtpu: 0.0.44.dev20260713+nightly
codegen_flags: <defaults>
</compile_context>

<pallas_src>
import jax
import jax.numpy as jnp
from jax import lax
from jax.experimental import pallas as pl
from jax.experimental.pallas import tpu as pltpu
from jax.experimental.pallas import tpu_sc as plsc

_FEAT = 128
_BATCH = 16384
_NC = 2
_NS = 16
_NW = _NC * _NS
_L = 16
_CH = _FEAT // _L

_ROWS = 128
_B_SC = _NW * _ROWS
_B_TC = _BATCH - _B_SC

_BLK = 128
_NBLK = _ROWS // _BLK
_GRP = _BLK // _L

_TBLK = 4096
_TGRID = _B_TC // _TBLK


def _sc_body(feat_hbm, label_hbm, wei_hbm, centers_hbm, out_hbm,
             fbuf, lbuf, wbuf, cbuf, obuf, sem0, sem1):
    wid = lax.axis_index("s") * _NC + lax.axis_index("c")
    base = wid * _ROWS
    sems = (sem0, sem1)
    copies = [None] * _NBLK

    def start(b):
        copies[b] = pltpu.async_copy(
            feat_hbm.at[pl.ds(base + b * _BLK, _BLK), :],
            fbuf.at[b % 2], sems[b % 2])

    start(0)
    if _NBLK > 1:
        start(1)
    pltpu.sync_copy(label_hbm.at[pl.ds(base, _ROWS)], lbuf)
    pltpu.sync_copy(wei_hbm.at[pl.ds(base, _ROWS)], wbuf)
    pltpu.sync_copy(centers_hbm, cbuf)

    zero = jnp.zeros((_L,), jnp.float32)
    carry = (
        tuple(zero for _ in range(_CH)),
        tuple(zero for _ in range(_CH)),
        tuple(zero for _ in range(_CH)),
        tuple(zero for _ in range(_CH)),
        zero, zero, zero,
    )

    for b in range(_NBLK):
        copies[b].wait()
        buf = fbuf.at[b % 2]

        def group_step(g, c, b=b, buf=buf):
            qv, pt, av, bv, wv_s, wav_s, wbv_s = c
            r0 = g * _L
            w16 = wbuf[pl.ds(b * _BLK + r0, _L)]
            lf16 = lbuf[pl.ds(b * _BLK + r0, _L)].astype(jnp.float32)
            a16 = w16 * lf16
            b16 = a16 * lf16
            qv = list(qv)
            pt = list(pt)
            av = list(av)
            bv = list(bv)
            for j in range(_L):
                w = w16[j]
                a = a16[j]
                bb = b16[j]
                for d in range(_CH):
                    f = buf[r0 + j, pl.ds(d * _L, _L)]
                    wf = w * f
                    qv[d] = qv[d] + wf * f
                    pt[d] = pt[d] + wf
                    av[d] = av[d] + a * f
                    bv[d] = bv[d] + bb * f
            return (tuple(qv), tuple(pt), tuple(av), tuple(bv),
                    wv_s + w16, wav_s + a16, wbv_s + b16)

        carry = lax.fori_loop(0, _GRP, group_step, carry)
        if b + 2 < _NBLK:
            start(b + 2)

    qv, pt, av, bv, wv_s, wav_s, wbv_s = carry
    w_s = jnp.sum(wv_s)
    wa_s = jnp.sum(wav_s)
    wb_s = jnp.sum(wbv_s)

    q16 = zero
    s1_16 = zero
    s2_16 = zero
    for d in range(_CH):
        c0 = cbuf[0, pl.ds(d * _L, _L)]
        c1 = cbuf[1, pl.ds(d * _L, _L)]
        c2 = cbuf[2, pl.ds(d * _L, _L)]
        u = c0
        v = 0.5 * (-3.0 * c0 + 4.0 * c1 - c2)
        z = 0.5 * (c0 - 2.0 * c1 + c2)
        q16 = q16 + qv[d]
        s1_16 = s1_16 + pt[d] * u + av[d] * v + bv[d] * z
        s2_16 = s2_16 + pt[d] * (c0 + c1 + c2)

    q_sc = jnp.sum(q16)
    s1_sc = jnp.sum(s1_16)
    s2_sc = jnp.sum(s2_16)

    lanes = lax.iota(jnp.int32, 16)
    outv = jnp.where(lanes == 0, q_sc, 0.0)
    outv = jnp.where(lanes == 1, s1_sc, outv)
    outv = jnp.where(lanes == 2, s2_sc, outv)
    outv = jnp.where(lanes == 3, w_s, outv)
    outv = jnp.where(lanes == 4, wa_s, outv)
    outv = jnp.where(lanes == 5, wb_s, outv)
    obuf[...] = outv
    pltpu.sync_copy(obuf, out_hbm.at[wid])


def _sc_partials(feat, label, wei, centers):
    mesh = plsc.VectorSubcoreMesh(core_axis_name="c", subcore_axis_name="s")
    return pl.kernel(
        _sc_body,
        out_type=jax.ShapeDtypeStruct((_NW, _L), jnp.float32),
        mesh=mesh,
        compiler_params=pltpu.CompilerParams(needs_layout_passes=False),
        scratch_types=[
            pltpu.VMEM((2, _BLK, _FEAT), jnp.float32),
            pltpu.VMEM((_ROWS,), jnp.int32),
            pltpu.VMEM((_ROWS,), jnp.float32),
            pltpu.VMEM((3, _FEAT), jnp.float32),
            pltpu.VMEM((_L,), jnp.float32),
            pltpu.SemaphoreType.DMA,
            pltpu.SemaphoreType.DMA,
        ],
    )(feat, label, wei, centers)


def _tc_body(feat_ref, lab_ref, wei_ref, cen_ref, sc_ref, out_ref, acc_ref):
    i = pl.program_id(0)

    @pl.when(i == 0)
    def _():
        acc_ref[...] = jnp.zeros((8, _FEAT), jnp.float32)

    lf = lab_ref[0, 0, :].astype(jnp.float32)
    w = wei_ref[0, 0, :]
    a = w * lf
    b = a * lf
    wab = jnp.concatenate([w[None, :], a[None, :], b[None, :]], axis=0)
    f = feat_ref[...]
    pab = jnp.dot(wab, f, preferred_element_type=jnp.float32)
    qv = jnp.dot(w[None, :], f * f,
                 preferred_element_type=jnp.float32)
    lane1 = lax.broadcasted_iota(jnp.int32, (1, _FEAT), 1)
    wrow = jnp.where(lane1 == 0, jnp.sum(w), 0.0)
    wrow = jnp.where(lane1 == 1, jnp.sum(a), wrow)
    wrow = jnp.where(lane1 == 2, jnp.sum(b), wrow)
    upd = jnp.concatenate(
        [pab, qv, wrow, jnp.zeros((3, _FEAT), jnp.float32)], axis=0)
    acc_ref[...] += upd

    @pl.when(i == _TGRID - 1)
    def _():
        acc = acc_ref[...]
        c0 = cen_ref[0, :]
        c1 = cen_ref[1, :]
        c2 = cen_ref[2, :]
        u = c0
        v = 0.5 * (-3.0 * c0 + 4.0 * c1 - c2)
        z = 0.5 * (c0 - 2.0 * c1 + c2)

        t2 = jnp.sum(sc_ref[...], axis=0, keepdims=True)
        lane16 = lax.broadcasted_iota(jnp.int32, (1, 16), 1)

        def sc_lane(k):
            return jnp.sum(jnp.where(lane16 == k, t2, 0.0))

        wrow_acc = acc[4:5, :]

        def w_lane(k):
            return jnp.sum(jnp.where(lane1 == k, wrow_acc, 0.0))

        q = sc_lane(0) + jnp.sum(acc[3, :])
        s1 = sc_lane(1) + jnp.sum(acc[0, :] * u + acc[1, :] * v
                                  + acc[2, :] * z)
        s2 = sc_lane(2) + jnp.sum(acc[0, :] * (c0 + c1 + c2))
        w_s = sc_lane(3) + w_lane(0)
        wa_s = sc_lane(4) + w_lane(1)
        wb_s = sc_lane(5) + w_lane(2)

        ck0 = jnp.sum(c0 * c0)
        ck1 = jnp.sum(c1 * c1)
        ck2_ = jnp.sum(c2 * c2)
        t_own = (w_s * ck0
                 + wa_s * 0.5 * (-3.0 * ck0 + 4.0 * ck1 - ck2_)
                 + wb_s * 0.5 * (ck0 - 2.0 * ck1 + ck2_))
        s_own = q - 2.0 * s1 + t_own
        s_all = 3.0 * q - 2.0 * s2 + w_s * (ck0 + ck1 + ck2_)
        distocen = s_all - s_own
        loss = s_own * (1.0 + 1.0 / distocen) / 2.0 / _BATCH
        out_ref[0] = loss


def _tc_final(feat, label, wei, centers, sc_part):
    lab2 = label.reshape(-1, 1, _TBLK)
    wei2 = wei.reshape(-1, 1, _TBLK)
    off = _B_SC // _TBLK
    return pl.pallas_call(
        _tc_body,
        grid=(_TGRID,),
        in_specs=[
            pl.BlockSpec((_TBLK, _FEAT), lambda i: (i + off, 0)),
            pl.BlockSpec((1, 1, _TBLK), lambda i: (i + off, 0, 0)),
            pl.BlockSpec((1, 1, _TBLK), lambda i: (i + off, 0, 0)),
            pl.BlockSpec((3, _FEAT), lambda i: (0, 0)),
            pl.BlockSpec((_NW, _L), lambda i: (0, 0)),
        ],
        out_specs=pl.BlockSpec(memory_space=pltpu.SMEM),
        out_shape=jax.ShapeDtypeStruct((1,), jnp.float32),
        scratch_shapes=[pltpu.VMEM((8, _FEAT), jnp.float32)],
        compiler_params=pltpu.CompilerParams(
            dimension_semantics=("arbitrary",)),
    )(feat, lab2, wei2, centers, sc_part)


@jax.jit
def _loss(feat, label, wei, centers):
    sc_part = _sc_partials(feat, label, wei, centers)
    out = _tc_final(feat, label, wei, centers, sc_part)
    return out[0]


def kernel(feat, label, wei, centers):
    return _loss(feat, label.astype(jnp.int32), wei, centers)

# --- scband reference (transcript-rebuilt; emitter-appended) ---
"""Pipeline reference for scband-center-loss-b-51951924413099 (READ-ONLY COPY).

The authoritative reference and input builder live on the scoring server;
editing this copy changes nothing except your own understanding.
"""

import jax, jax.numpy as jnp
import numpy as np

NUM_CLASSES = 3
FEAT_DIM = 128
BATCH = 16384


def setup_inputs(seed: int = 0) -> dict:
    key = jax.random.key(seed)
    k1, k2, k3, k4 = jax.random.split(key, 4)
    feat = jax.random.normal(k1, (BATCH, FEAT_DIM), dtype=jnp.float32)
    label = jax.random.randint(k2, (BATCH,), 0, 3)
    wei = jax.random.uniform(k3, (BATCH,), dtype=jnp.float32)
    centers = jax.random.normal(k4, (NUM_CLASSES, FEAT_DIM), dtype=jnp.float32)
    return {"feat": feat, "label": label, "wei": wei, "centers": centers}


def reference(feat, label, wei, centers):
    batch_size = feat.shape[0]
    feat = feat.reshape(batch_size, -1)
    # label==0 -> others (1,2); label==1 -> (0,2); label==2 -> (0,1)
    ex1_map = jnp.array([1, 0, 0], dtype=label.dtype)
    ex2_map = jnp.array([2, 2, 1], dtype=label.dtype)
    labelex1 = ex1_map[label]
    labelex2 = ex2_map[label]
    centers_batch = jnp.take(centers, label, axis=0)
    centers_batch1 = jnp.take(centers, labelex1, axis=0)
    centers_batch2 = jnp.take(centers, labelex2, axis=0)
    w = wei.reshape(batch_size, 1)
    distocen = (w * (feat - centers_batch1) ** 2).sum() + (w * (feat - centers_batch2) ** 2).sum()
    loss = (w * (feat - centers_batch) ** 2).sum() * (1.0 + 1.0 / distocen) / 2.0 / batch_size
    return loss

if __name__ == "__main__":
    import jax
    _d = setup_inputs()
    print(jax.jit(kernel)(*tuple(_d.values())))

</pallas_src>

<mosaic_0001>
#map = affine_map<(d0, d1) -> (0, 0)>
#map1 = affine_map<(d0, d1) -> (0)>
module attributes {stable_mosaic.version = 14 : i64} {
  func.func @_sc_body(%arg0: i32, %arg1: i32, %arg2: memref<16384x128xf32, #tpu.memory_space<hbm>>, %arg3: memref<16384xi32, #tpu.memory_space<hbm>>, %arg4: memref<16384xf32, #tpu.memory_space<hbm>>, %arg5: memref<3x128xf32, #tpu.memory_space<hbm>>, %arg6: memref<32x16xf32, #tpu.memory_space<hbm>>, %arg7: memref<2x128x128xf32, #tpu.memory_space<vmem>>, %arg8: memref<128xi32, #tpu.memory_space<vmem>>, %arg9: memref<128xf32, #tpu.memory_space<vmem>>, %arg10: memref<3x128xf32, #tpu.memory_space<vmem>>, %arg11: memref<16xf32, #tpu.memory_space<vmem>>, %arg12: memref<!tpu.dma_semaphore, #tpu.memory_space<semaphore_mem>>, %arg13: memref<!tpu.dma_semaphore, #tpu.memory_space<semaphore_mem>>) attributes {dimension_semantics = [#tpu.dimension_semantics<core_parallel>, #tpu.dimension_semantics<subcore_parallel>], iteration_bounds = array<i64: 2, 16>, scalar_prefetch = 0 : i64, scratch_operands = 7 : i64, tpu.core_type = #tpu.core_type<sc_vector_subcore>, window_params = [{transform_indices = #map}, {transform_indices = #map1}, {transform_indices = #map1}, {transform_indices = #map}, {transform_indices = #map}]} {
    %mul3A = arith.constant 2 : i32
    %mul3A_0 = arith.muli %arg1, %mul3A : i32
    %add3A = arith.addi %mul3A_0, %arg0 : i32
    %mul3A_1 = arith.constant 128 : i32
    %mul3A_2 = arith.muli %add3A, %mul3A_1 : i32
    %add3A_3 = arith.constant 0 : i32
    %add3A_4 = arith.addi %mul3A_2, %add3A_3 : i32
    %dma_start3A = arith.constant 0 : i32
    %dma_start3A_5 = arith.constant 0 : i32
    %dma_start3A_6 = arith.constant 0 : i32
    %dma_start3A_7 = tpu.memref_slice %arg7[%dma_start3A, %dma_start3A_5, %dma_start3A_6] : memref<2x128x128xf32, #tpu.memory_space<vmem>> -> memref<1x128x128xf32, #tpu.memory_space<vmem>>
    %dma_start3A_8 = tpu.memref_squeeze %dma_start3A_7 : memref<1x128x128xf32, #tpu.memory_space<vmem>> -> memref<128x128xf32, #tpu.memory_space<vmem>>
    %dma_start3A_9 = arith.constant 0 : i32
    %dma_start3A_10 = tpu.memref_slice %arg2[%add3A_4, %dma_start3A_9] : memref<16384x128xf32, #tpu.memory_space<hbm>> -> memref<128x128xf32, #tpu.memory_space<hbm>>
    %dma_start3A_11 = arith.constant 0 : i32
    %dma_start3A_12 = arith.constant 0 : i32
    %dma_start3A_13 = tpu.memref_slice %arg7[%dma_start3A, %dma_start3A_11, %dma_start3A_12] : memref<2x128x128xf32, #tpu.memory_space<vmem>> -> memref<1x128x128xf32, #tpu.memory_space<vmem>>
    %dma_start3A_14 = tpu.memref_squeeze %dma_start3A_13 : memref<1x128x128xf32, #tpu.memory_space<vmem>> -> memref<128x128xf32, #tpu.memory_space<vmem>>
    %dma_start3A_15 = arith.constant 0 : i32
    %dma_start3A_16 = tpu.memref_slice %arg2[%add3A_4, %dma_start3A_15] : memref<16384x128xf32, #tpu.memory_space<hbm>> -> memref<128x128xf32, #tpu.memory_space<hbm>>
    tpu.enqueue_dma source(%dma_start3A_16 : memref<128x128xf32, #tpu.memory_space<hbm>>) target(%dma_start3A_14 : memref<128x128xf32, #tpu.memory_space<vmem>>) target_semaphore(%arg12 : memref<!tpu.dma_semaphore, #tpu.memory_space<semaphore_mem>>)
    "tpu.region"() ({
      %run_scoped3A = tpu.sem_alloc : memref<!tpu.dma_semaphore, #tpu.memory_space<semaphore_mem>>
      %dma_start3A_423 = tpu.memref_slice %arg3[%mul3A_2] : memref<16384xi32, #tpu.memory_space<hbm>> -> memref<128xi32, #tpu.memory_space<hbm>>
      %dma_start3A_424 = tpu.memref_slice %arg3[%mul3A_2] : memref<16384xi32, #tpu.memory_space<hbm>> -> memref<128xi32, #tpu.memory_space<hbm>>
      tpu.enqueue_dma source(%dma_start3A_424 : memref<128xi32, #tpu.memory_space<hbm>>) target(%arg8 : memref<128xi32, #tpu.memory_space<vmem>>) target_semaphore(%run_scoped3A : memref<!tpu.dma_semaphore, #tpu.memory_space<semaphore_mem>>)
      %dma_wait3A_425 = tpu.memref_slice %arg3[%mul3A_2] : memref<16384xi32, #tpu.memory_space<hbm>> -> memref<128xi32, #tpu.memory_space<hbm>>
      %dma_wait3A_426 = tpu.memref_slice %arg3[%mul3A_2] : memref<16384xi32, #tpu.memory_space<hbm>> -> memref<128xi32, #tpu.memory_space<hbm>>
      tpu.wait_dma2 semaphore(%run_scoped3A : memref<!tpu.dma_semaphore, #tpu.memory_space<semaphore_mem>>) src(%dma_wait3A_426 : memref<128xi32, #tpu.memory_space<hbm>>) dst(%arg8 : memref<128xi32, #tpu.memory_space<vmem>>)
      tpu.yield
    }) : () -> ()
    "tpu.region"() ({
      %run_scoped3A = tpu.sem_alloc : memref<!tpu.dma_semaphore, #tpu.memory_space<semaphore_mem>>
      %dma_start3A_423 = tpu.memref_slice %arg4[%mul3A_2] : memref<16384xf32, #tpu.memory_space<hbm>> -> memref<128xf32, #tpu.memory_space<hbm>>
      %dma_start3A_424 = tpu.memref_slice %arg4[%mul3A_2] : memref<16384xf32, #tpu.memory_space<hbm>> -> memref<128xf32, #tpu.memory_space<hbm>>
      tpu.enqueue_dma source(%dma_start3A_424 : memref<128xf32, #tpu.memory_space<hbm>>) target(%arg9 : memref<128xf32, #tpu.memory_space<vmem>>) target_semaphore(%run_scoped3A : memref<!tpu.dma_semaphore, #tpu.memory_space<semaphore_mem>>)
      %dma_wait3A_425 = tpu.memref_slice %arg4[%mul3A_2] : memref<16384xf32, #tpu.memory_space<hbm>> -> memref<128xf32, #tpu.memory_space<hbm>>
      %dma_wait3A_426 = tpu.memref_slice %arg4[%mul3A_2] : memref<16384xf32, #tpu.memory_space<hbm>> -> memref<128xf32, #tpu.memory_space<hbm>>
      tpu.wait_dma2 semaphore(%run_scoped3A : memref<!tpu.dma_semaphore, #tpu.memory_space<semaphore_mem>>) src(%dma_wait3A_426 : memref<128xf32, #tpu.memory_space<hbm>>) dst(%arg9 : memref<128xf32, #tpu.memory_space<vmem>>)
      tpu.yield
    }) : () -> ()
    "tpu.region"() ({
      %run_scoped3A = tpu.sem_alloc : memref<!tpu.dma_semaphore, #tpu.memory_space<semaphore_mem>>
      tpu.enqueue_dma source(%arg5 : memref<3x128xf32, #tpu.memory_space<hbm>>) target(%arg10 : memref<3x128xf32, #tpu.memory_space<vmem>>) target_semaphore(%run_scoped3A : memref<!tpu.dma_semaphore, #tpu.memory_space<semaphore_mem>>)
      tpu.wait_dma2 semaphore(%run_scoped3A : memref<!tpu.dma_semaphore, #tpu.memory_space<semaphore_mem>>) src(%arg5 : memref<3x128xf32, #tpu.memory_space<hbm>>) dst(%arg10 : memref<3x128xf32, #tpu.memory_space<vmem>>)
      tpu.yield
    }) : () -> ()
    %broadcast_in_dim3A = arith.constant 0.000000e+00 : f32
    %broadcast_in_dim3A_17 = vector.broadcast %broadcast_in_dim3A : f32 to vector<16xf32>
    %dma_wait3A = arith.constant 0 : i32
    %dma_wait3A_18 = arith.constant 0 : i32
    %dma_wait3A_19 = arith.constant 0 : i32
    %dma_wait3A_20 = tpu.memref_slice %arg7[%dma_wait3A, %dma_wait3A_18, %dma_wait3A_19] : memref<2x128x128xf32, #tpu.memory_space<vmem>> -> memref<1x128x128xf32, #tpu.memory_space<vmem>>
    %dma_wait3A_21 = tpu.memref_squeeze %dma_wait3A_20 : memref<1x128x128xf32, #tpu.memory_space<vmem>> -> memref<128x128xf32, #tpu.memory_space<vmem>>
    %dma_wait3A_22 = arith.constant 0 : i32
    %dma_wait3A_23 = tpu.memref_slice %arg2[%add3A_4, %dma_wait3A_22] : memref<16384x128xf32, #tpu.memory_space<hbm>> -> memref<128x128xf32, #tpu.memory_space<hbm>>
    %dma_wait3A_24 = arith.constant 0 : i32
    %dma_wait3A_25 = arith.constant 0 : i32
    %dma_wait3A_26 = tpu.memref_slice %arg7[%dma_wait3A, %dma_wait3A_24, %dma_wait3A_25] : memref<2x128x128xf32, #tpu.memory_space<vmem>> -> memref<1x128x128xf32, #tpu.memory_space<vmem>>
    %dma_wait3A_27 = tpu.memref_squeeze %dma_wait3A_26 : memref<1x128x128xf32, #tpu.memory_space<vmem>> -> memref<128x128xf32, #tpu.memory_space<vmem>>
    %dma_wait3A_28 = arith.constant 0 : i32
    %dma_wait3A_29 = tpu.memref_slice %arg2[%add3A_4, %dma_wait3A_28] : memref<16384x128xf32, #tpu.memory_space<hbm>> -> memref<128x128xf32, #tpu.memory_space<hbm>>
    tpu.wait_dma2 semaphore(%arg12 : memref<!tpu.dma_semaphore, #tpu.memory_space<semaphore_mem>>) src(%dma_wait3A_29 : memref<128x128xf32, #tpu.memory_space<hbm>>) dst(%dma_wait3A_27 : memref<128x128xf32, #tpu.memory_space<vmem>>)
    %scan3A = arith.constant 0 : i32
    %scan3A_30 = arith.constant 0 : i32
    %scan3A_31 = arith.constant 8 : i32
    %scan3A_32 = arith.addi %scan3A_30, %scan3A_31 : i32
    %scan3A_33 = arith.constant 1 : i32
    %scan3A_34:35 = scf.for %scan3A_423 = %scan3A_30 to %scan3A_32 step %scan3A_33 iter_args(%scan3A_424 = %broadcast_in_dim3A_17, %scan3A_425 = %broadcast_in_dim3A_17, %scan3A_426 = %broadcast_in_dim3A_17, %scan3A_427 = %broadcast_in_dim3A_17, %scan3A_428 = %broadcast_in_dim3A_17, %scan3A_429 = %broadcast_in_dim3A_17, %scan3A_430 = %broadcast_in_dim3A_17, %scan3A_431 = %broadcast_in_dim3A_17, %scan3A_432 = %broadcast_in_dim3A_17, %scan3A_433 = %broadcast_in_dim3A_17, %scan3A_434 = %broadcast_in_dim3A_17, %scan3A_435 = %broadcast_in_dim3A_17, %scan3A_436 = %broadcast_in_dim3A_17, %scan3A_437 = %broadcast_in_dim3A_17, %scan3A_438 = %broadcast_in_dim3A_17, %scan3A_439 = %broadcast_in_dim3A_17, %scan3A_440 = %broadcast_in_dim3A_17, %scan3A_441 = %broadcast_in_dim3A_17, %scan3A_442 = %broadcast_in_dim3A_17, %scan3A_443 = %broadcast_in_dim3A_17, %scan3A_444 = %broadcast_in_dim3A_17, %scan3A_445 = %broadcast_in_dim3A_17, %scan3A_446 = %broadcast_in_dim3A_17, %scan3A_447 = %broadcast_in_dim3A_17, %scan3A_448 = %broadcast_in_dim3A_17, %scan3A_449 = %broadcast_in_dim3A_17, %scan3A_450 = %broadcast_in_dim3A_17, %scan3A_451 = %broadcast_in_dim3A_17, %scan3A_452 = %broadcast_in_dim3A_17, %scan3A_453 = %broadcast_in_dim3A_17, %scan3A_454 = %broadcast_in_dim3A_17, %scan3A_455 = %broadcast_in_dim3A_17, %scan3A_456 = %broadcast_in_dim3A_17, %scan3A_457 = %broadcast_in_dim3A_17, %scan3A_458 = %broadcast_in_dim3A_17) -> (vector<16xf32>, vector<16xf32>, vector<16xf32>, vector<16xf32>, vector<16xf32>, vector<16xf32>, vector<16xf32>, vector<16xf32>, vector<16xf32>, vector<16xf32>, vector<16xf32>, vector<16xf32>, vector<16xf32>, vector<16xf32>, vector<16xf32>, vector<16xf32>, vector<16xf32>, vector<16xf32>, vector<16xf32>, vector<16xf32>, vector<16xf32>, vector<16xf32>, vector<16xf32>, vector<16xf32>, vector<16xf32>, vector<16xf32>, vector<16xf32>, vector<16xf32>, vector<16xf32>, vector<16xf32>, vector<16xf32>, vector<16xf32>, vector<16xf32>, vector<16xf32>, vector<16xf32>)  : i32 {
      %mul3A_459 = arith.constant 16 : i32
      %mul3A_460 = arith.muli %scan3A_423, %mul3A_459 : i32
      %add3A_461 = arith.constant 0 : i32
      %add3A_462 = arith.addi %add3A_461, %mul3A_460 : i32
      %get3A_463 = arith.index_cast %add3A_462 : i32 to index
      %get3A_464 = tpu.vector_load %arg9[%get3A_463] {strides = array<i32>} : memref<128xf32, #tpu.memory_space<vmem>>, vector<16xf32>,
      %add3A_465 = arith.constant 0 : i32
      %add3A_466 = arith.addi %add3A_465, %mul3A_460 : i32
      %get3A_467 = arith.index_cast %add3A_466 : i32 to index
      %get3A_468 = tpu.vector_load %arg8[%get3A_467] {strides = array<i32>} : memref<128xi32, #tpu.memory_space<vmem>>, vector<16xi32>,
      %convert_element_type3A = arith.sitofp %get3A_468 : vector<16xi32> to vector<16xf32>
      %mul3A_469 = arith.mulf %get3A_464, %convert_element_type3A : vector<16xf32>
      %mul3A_470 = arith.mulf %mul3A_469, %convert_element_type3A : vector<16xf32>
      %slice3A = vector.extract_strided_slice %get3A_464 {offsets = [0], sizes = [1], strides = [1]} : vector<16xf32> to vector<1xf32>
      %squeeze3A = vector.extract %slice3A[0] : f32 from vector<1xf32>
      %slice3A_471 = vector.extract_strided_slice %mul3A_469 {offsets = [0], sizes = [1], strides = [1]} : vector<16xf32> to vector<1xf32>
      %squeeze3A_472 = vector.extract %slice3A_471[0] : f32 from vector<1xf32>
      %slice3A_473 = vector.extract_strided_slice %mul3A_470 {offsets = [0], sizes = [1], strides = [1]} : vector<16xf32> to vector<1xf32>
      %squeeze3A_474 = vector.extract %slice3A_473[0] : f32 from vector<1xf32>
      %add3A_475 = arith.constant 0 : i32
      %add3A_476 = arith.addi %mul3A_460, %add3A_475 : i32
      %get3A_477 = arith.constant 0 : i32
      %get3A_478 = arith.constant 0 : i32
      %get3A_479 = tpu.memref_slice %arg7[%scan3A, %get3A_477, %get3A_478] : memref<2x128x128xf32, #tpu.memory_space<vmem>> -> memref<1x128x128xf32, #tpu.memory_space<vmem>>
      %get3A_480 = tpu.memref_squeeze %get3A_479 : memref<1x128x128xf32, #tpu.memory_space<vmem>> -> memref<128x128xf32, #tpu.memory_space<vmem>>
      %get3A_481 = arith.index_cast %add3A_476 : i32 to index
      %get3A_482 = arith.constant 0 : index
      %get3A_483 = tpu.vector_load %get3A_480[%get3A_481, %get3A_482] {strides = array<i32>} : memref<128x128xf32, #tpu.memory_space<vmem>>, vector<16xf32>,
      %mul3A_484 = vector.broadcast %squeeze3A : f32 to vector<16xf32>
      %mul3A_485 = arith.mulf %mul3A_484, %get3A_483 : vector<16xf32>
      %mul3A_486 = arith.mulf %mul3A_485, %get3A_483 : vector<16xf32>
      %add3A_487 = arith.addf %scan3A_424, %mul3A_486 : vector<16xf32>
      %add3A_488 = arith.addf %scan3A_432, %mul3A_485 : vector<16xf32>
      %mul3A_489 = vector.broadcast %squeeze3A_472 : f32 to vector<16xf32>
      %mul3A_490 = arith.mulf %mul3A_489, %get3A_483 : vector<16xf32>
      %add3A_491 = arith.addf %scan3A_440, %mul3A_490 : vector<16xf32>
      %mul3A_492 = vector.broadcast %squeeze3A_474 : f32 to vector<16xf32>
      %mul3A_493 = arith.mulf %mul3A_492, %get3A_483 : vector<16xf32>
      %add3A_494 = arith.addf %scan3A_448, %mul3A_493 : vector<16xf32>
      %add3A_495 = arith.constant 0 : i32
      %add3A_496 = arith.addi %mul3A_460, %add3A_495 : i32
      %get3A_497 = arith.constant 0 : i32
      %get3A_498 = arith.constant 0 : i32
      %get3A_499 = tpu.memref_slice %arg7[%scan3A, %get3A_497, %get3A_498] : memref<2x128x128xf32, #tpu.memory_space<vmem>> -> memref<1x128x128xf32, #tpu.memory_space<vmem>>
      %get3A_500 = tpu.memref_squeeze %get3A_499 : memref<1x128x128xf32, #tpu.memory_space<vmem>> -> memref<128x128xf32, #tpu.memory_space<vmem>>
      %get3A_501 = arith.index_cast %add3A_496 : i32 to index
      %get3A_502 = arith.constant 16 : index
      %get3A_503 = tpu.vector_load %get3A_500[%get3A_501, %get3A_502] {strides = array<i32>} : memref<128x128xf32, #tpu.memory_space<vmem>>, vector<16xf32>,
      %mul3A_504 = vector.broadcast %squeeze3A : f32 to vector<16xf32>
      %mul3A_505 = arith.mulf %mul3A_504, %get3A_503 : vector<16xf32>
      %mul3A_506 = arith.mulf %mul3A_505, %get3A_503 : vector<16xf32>
      %add3A_507 = arith.addf %scan3A_425, %mul3A_506 : vector<16xf32>
      %add3A_508 = arith.addf %scan3A_433, %mul3A_505 : vector<16xf32>
      %mul3A_509 = vector.broadcast %squeeze3A_472 : f32 to vector<16xf32>
      %mul3A_510 = arith.mulf %mul3A_509, %get3A_503 : vector<16xf32>
      %add3A_511 = arith.addf %scan3A_441, %mul3A_510 : vector<16xf32>
      %mul3A_512 = vector.broadcast %squeeze3A_474 : f32 to vector<16xf32>
      %mul3A_513 = arith.mulf %mul3A_512, %get3A_503 : vector<16xf32>
      %add3A_514 = arith.addf %scan3A_449, %mul3A_513 : vector<16xf32>
      %add3A_515 = arith.constant 0 : i32
      %add3A_516 = arith.addi %mul3A_460, %add3A_515 : i32
      %get3A_517 = arith.constant 0 : i32
      %get3A_518 = arith.constant 0 : i32
      %get3A_519 = tpu.memref_slice %arg7[%scan3A, %get3A_517, %get3A_518] : memref<2x128x128xf32, #tpu.memory_space<vmem>> -> memref<1x128x128xf32, #tpu.memory_space<vmem>>
      %get3A_520 = tpu.memref_squeeze %get3A_519 : memref<1x128x128xf32, #tpu.memory_space<vmem>> -> memref<128x128xf32, #tpu.memory_space<vmem>>
      %get3A_521 = arith.index_cast %add3A_516 : i32 to index
      %get3A_522 = arith.constant 32 : index
      %get3A_523 = tpu.vector_load %get3A_520[%get3A_521, %get3A_522] {strides = array<i32>} : memref<128x128xf32, #tpu.memory_space<vmem>>, vector<16xf32>,
      %mul3A_524 = vector.broadcast %squeeze3A : f32 to vector<16xf32>
      %mul3A_525 = arith.mulf %mul3A_524, %get3A_523 : vector<16xf32>
      %mul3A_526 = arith.mulf %mul3A_525, %get3A_523 : vector<16xf32>
      %add3A_527 = arith.addf %scan3A_426, %mul3A_526 : vector<16xf32>
      %add3A_528 = arith.addf %scan3A_434, %mul3A_525 : vector<16xf32>
      %mul3A_529 = vector.broadcast %squeeze3A_472 : f32 to vector<16xf32>
      %mul3A_530 = arith.mulf %mul3A_529, %get3A_523 : vector<16xf32>
      %add3A_531 = arith.addf %scan3A_442, %mul3A_530 : vector<16xf32>
      %mul3A_532 = vector.broadcast %squeeze3A_474 : f32 to vector<16xf32>
      %mul3A_533 = arith.mulf %mul3A_532, %get3A_523 : vector<16xf32>
      %add3A_534 = arith.addf %scan3A_450, %mul3A_533 : vector<16xf32>
      %add3A_535 = arith.constant 0 : i32
      %add3A_536 = arith.addi %mul3A_460, %add3A_535 : i32
      %get3A_537 = arith.constant 0 : i32
      %get3A_538 = arith.constant 0 : i32
      %get3A_539 = tpu.memref_slice %arg7[%scan3A, %get3A_537, %get3A_538] : memref<2x128x128xf32, #tpu.memory_space<vmem>> -> memref<1x128x128xf32, #tpu.memory_space<vmem>>
      %get3A_540 = tpu.memref_squeeze %get3A_539 : memref<1x128x128xf32, #tpu.memory_space<vmem>> -> memref<128x128xf32, #tpu.memory_space<vmem>>
      %get3A_541 = arith.index_cast %add3A_536 : i32 to index
      %get3A_542 = arith.constant 48 : index
      %get3A_543 = tpu.vector_load %get3A_540[%get3A_541, %get3A_542] {strides = array<i32>} : memref<128x128xf32, #tpu.memory_space<vmem>>, vector<16xf32>,
      %mul3A_544 = vector.broadcast %squeeze3A : f32 to vector<16xf32>
      %mul3A_545 = arith.mulf %mul3A_544, %get3A_543 : vector<16xf32>
      %mul3A_546 = arith.mulf %mul3A_545, %get3A_543 : vector<16xf32>
      %add3A_547 = arith.addf %scan3A_427, %mul3A_546 : vector<16xf32>
      %add3A_548 = arith.addf %scan3A_435, %mul3A_545 : vector<16xf32>
      %mul3A_549 = vector.broadcast %squeeze3A_472 : f32 to vector<16xf32>
      %mul3A_550 = arith.mulf %mul3A_549, %get3A_543 : vector<16xf32>
      %add3A_551 = arith.addf %scan3A_443, %mul3A_550 : vector<16xf32>
      %mul3A_552 = vector.broadcast %squeeze3A_474 : f32 to vector<16xf32>
      %mul3A_553 = arith.mulf %mul3A_552, %get3A_543 : vector<16xf32>
      %add3A_554 = arith.addf %scan3A_451, %mul3A_553 : vector<16xf32>
      %add3A_555 = arith.constant 0 : i32
      %add3A_556 = arith.addi %mul3A_460, %add3A_555 : i32
      %get3A_557 = arith.constant 0 : i32
      %get3A_558 = arith.constant 0 : i32
      %get3A_559 = tpu.memref_slice %arg7[%scan3A, %get3A_557, %get3A_558] : memref<2x128x128xf32, #tpu.memory_space<vmem>> -> memref<1x128x128xf32, #tpu.memory_space<vmem>>
      %get3A_560 = tpu.memref_squeeze %get3A_559 : memref<1x128x128xf32, #tpu.memory_space<vmem>> -> memref<128x128xf32, #tpu.memory_space<vmem>>
      %get3A_561 = arith.index_cast %add3A_556 : i32 to index
      %get3A_562 = arith.constant 64 : index
      %get3A_563 = tpu.vector_load %get3A_560[%get3A_561, %get3A_562] {strides = array<i32>} : memref<128x128xf32, #tpu.memory_space<vmem>>, vector<16xf32>,
      %mul3A_564 = vector.broadcast %squeeze3A : f32 to vector<16xf32>
      %mul3A_565 = arith.mulf %mul3A_564, %get3A_563 : vector<16xf32>
      %mul3A_566 = arith.mulf %mul3A_565, %get3A_563 : vector<16xf32>
      %add3A_567 = arith.addf %scan3A_428, %mul3A_566 : vector<16xf32>
      %add3A_568 = arith.addf %scan3A_436, %mul3A_565 : vector<16xf32>
      %mul3A_569 = vector.broadcast %squeeze3A_472 : f32 to vector<16xf32>
      %mul3A_570 = arith.mulf %mul3A_569, %get3A_563 : vector<16xf32>
      %add3A_571 = arith.addf %scan3A_444, %mul3A_570 : vector<16xf32>
      %mul3A_572 = vector.broadcast %squeeze3A_474 : f32 to vector<16xf32>
      %mul3A_573 = arith.mulf %mul3A_572, %get3A_563 : vector<16xf32>
      %add3A_574 = arith.addf %scan3A_452, %mul3A_573 : vector<16xf32>
      %add3A_575 = arith.constant 0 : i32
      %add3A_576 = arith.addi %mul3A_460, %add3A_575 : i32
      %get3A_577 = arith.constant 0 : i32
      %get3A_578 = arith.constant 0 : i32
      %get3A_579 = tpu.memref_slice %arg7[%scan3A, %get3A_577, %get3A_578] : memref<2x128x128xf32, #tpu.memory_space<vmem>> -> memref<1x128x128xf32, #tpu.memory_space<vmem>>
      %get3A_580 = tpu.memref_squeeze %get3A_579 : memref<1x128x128xf32, #tpu.memory_space<vmem>> -> memref<128x128xf32, #tpu.memory_space<vmem>>
      %get3A_581 = arith.index_cast %add3A_576 : i32 to index
      %get3A_582 = arith.constant 80 : index
      %get3A_583 = tpu.vector_load %get3A_580[%get3A_581, %get3A_582] {strides = array<i32>} : memref<128x128xf32, #tpu.memory_space<vmem>>, vector<16xf32>,
      %mul3A_584 = vector.broadcast %squeeze3A : f32 to vector<16xf32>
      %mul3A_585 = arith.mulf %mul3A_584, %get3A_583 : vector<16xf32>
      %mul3A_586 = arith.mulf %mul3A_585, %get3A_583 : vector<16xf32>
      %add3A_587 = arith.addf %scan3A_429, %mul3A_586 : vector<16xf32>
      %add3A_588 = arith.addf %scan3A_437, %mul3A_585 : vector<16xf32>
      %mul3A_589 = vector.broadcast %squeeze3A_472 : f32 to vector<16xf32>
      %mul3A_590 = arith.mulf %mul3A_589, %get3A_583 : vector<16xf32>
      %add3A_591 = arith.addf %scan3A_445, %mul3A_590 : vector<16xf32>
      %mul3A_592 = vector.broadcast %squeeze3A_474 : f32 to vector<16xf32>
      %mul3A_593 = arith.mulf %mul3A_592, %get3A_583 : vector<16xf32>
      %add3A_594 = arith.addf %scan3A_453, %mul3A_593 : vector<16xf32>
      %add3A_595 = arith.constant 0 : i32
      %add3A_596 = arith.addi %mul3A_460, %add3A_595 : i32
      %get3A_597 = arith.constant 0 : i32
      %get3A_598 = arith.constant 0 : i32
      %get3A_599 = tpu.memref_slice %arg7[%scan3A, %get3A_597, %get3A_598] : memref<2x128x128xf32, #tpu.memory_space<vmem>> -> memref<1x128x128xf32, #tpu.memory_space<vmem>>
      %get3A_600 = tpu.memref_squeeze %get3A_599 : memref<1x128x128xf32, #tpu.memory_space<vmem>> -> memref<128x128xf32, #tpu.memory_space<vmem>>
      %get3A_601 = arith.index_cast %add3A_596 : i32 to index
      %get3A_602 = arith.constant 96 : index
      %get3A_603 = tpu.vector_load %get3A_600[%get3A_601, %get3A_602] {strides = array<i32>} : memref<128x128xf32, #tpu.memory_space<vmem>>, vector<16xf32>,
      %mul3A_604 = vector.broadcast %squeeze3A : f32 to vector<16xf32>
      %mul3A_605 = arith.mulf %mul3A_604, %get3A_603 : vector<16xf32>
      %mul3A_606 = arith.mulf %mul3A_605, %get3A_603 : vector<16xf32>
      %add3A_607 = arith.addf %scan3A_430, %mul3A_606 : vector<16xf32>
      %add3A_608 = arith.addf %scan3A_438, %mul3A_605 : vector<16xf32>
      %mul3A_609 = vector.broadcast %squeeze3A_472 : f32 to vector<16xf32>
      %mul3A_610 = arith.mulf %mul3A_609, %get3A_603 : vector<16xf32>
      %add3A_611 = arith.addf %scan3A_446, %mul3A_610 : vector<16xf32>
      %mul3A_612 = vector.broadcast %squeeze3A_474 : f32 to vector<16xf32>
      %mul3A_613 = arith.mulf %mul3A_612, %get3A_603 : vector<16xf32>
      %add3A_614 = arith.addf %scan3A_454, %mul3A_613 : vector<16xf32>
      %add3A_615 = arith.constant 0 : i32
      %add3A_616 = arith.addi %mul3A_460, %add3A_615 : i32
      %get3A_617 = arith.constant 0 : i32
      %get3A_618 = arith.constant 0 : i32
      %get3A_619 = tpu.memref_slice %arg7[%scan3A, %get3A_617, %get3A_618] : memref<2x128x128xf32, #tpu.memory_space<vmem>> -> memref<1x128x128xf32, #tpu.memory_space<vmem>>
      %get3A_620 = tpu.memref_squeeze %get3A_619 : memref<1x128x128xf32, #tpu.memory_space<vmem>> -> memref<128x128xf32, #tpu.memory_space<vmem>>
      %get3A_621 = arith.index_cast %add3A_616 : i32 to index
      %get3A_622 = arith.constant 112 : index
      %get3A_623 = tpu.vector_load %get3A_620[%get3A_621, %get3A_622] {strides = array<i32>} : memref<128x128xf32, #tpu.memory_space<vmem>>, vector<16xf32>,
      %mul3A_624 = vector.broadcast %squeeze3A : f32 to vector<16xf32>
      %mul3A_625 = arith.mulf %mul3A_624, %get3A_623 : vector<16xf32>
      %mul3A_626 = arith.mulf %mul3A_625, %get3A_623 : vector<16xf32>
      %add3A_627 = arith.addf %scan3A_431, %mul3A_626 : vector<16xf32>
      %add3A_628 = arith.addf %scan3A_439, %mul3A_625 : vector<16xf32>
      %mul3A_629 = vector.broadcast %squeeze3A_472 : f32 to vector<16xf32>
      %mul3A_630 = arith.mulf %mul3A_629, %get3A_623 : vector<16xf32>
      %add3A_631 = arith.addf %scan3A_447, %mul3A_630 : vector<16xf32>
      %mul3A_632 = vector.broadcast %squeeze3A_474 : f32 to vector<16xf32>
      %mul3A_633 = arith.mulf %mul3A_632, %get3A_623 : vector<16xf32>
      %add3A_634 = arith.addf %scan3A_455, %mul3A_633 : vector<16xf32>
      %slice3A_635 = vector.extract_strided_slice %get3A_464 {offsets = [1], sizes = [1], strides = [1]} : vector<16xf32> to vector<1xf32>
      %squeeze3A_636 = vector.extract %slice3A_635[0] : f32 from vector<1xf32>
      %slice3A_637 = vector.extract_strided_slice %mul3A_469 {offsets = [1], sizes = [1], strides = [1]} : vector<16xf32> to vector<1xf32>
      %squeeze3A_638 = vector.extract %slice3A_637[0] : f32 from vector<1xf32>
      %slice3A_639 = vector.extract_strided_slice %mul3A_470 {offsets = [1], sizes = [1], strides = [1]} : vector<16xf32> to vector<1xf32>
      %squeeze3A_640 = vector.extract %slice3A_639[0] : f32 from vector<1xf32>
      %add3A_641 = arith.constant 1 : i32
      %add3A_642 = arith.addi %mul3A_460, %add3A_641 : i32
      %get3A_643 = arith.constant 0 : i32
      %get3A_644 = arith.constant 0 : i32
      %get3A_645 = tpu.memref_slice %arg7[%scan3A, %get3A_643, %get3A_644] : memref<2x128x128xf32, #tpu.memory_space<vmem>> -> memref<1x128x128xf32, #tpu.memory_space<vmem>>
      %get3A_646 = tpu.memref_squeeze %get3A_645 : memref<1x128x128xf32, #tpu.memory_space<vmem>> -> memref<128x128xf32, #tpu.memory_space<vmem>>
      %get3A_647 = arith.index_cast %add3A_642 : i32 to index
      %get3A_648 = arith.constant 0 : index
      %get3A_649 = tpu.vector_load %get3A_646[%get3A_647, %get3A_648] {strides = array<i32>} : memref<128x128xf32, #tpu.memory_space<vmem>>, vector<16xf32>,
      %mul3A_650 = vector.broadcast %squeeze3A_636 : f32 to vector<16xf32>
      %mul3A_651 = arith.mulf %mul3A_650, %get3A_649 : vector<16xf32>
      %mul3A_652 = arith.mulf %mul3A_651, %get3A_649 : vector<16xf32>
      %add3A_653 = arith.addf %add3A_487, %mul3A_652 : vector<16xf32>
      %add3A_654 = arith.addf %add3A_488, %mul3A_651 : vector<16xf32>
      %mul3A_655 = vector.broadcast %squeeze3A_638 : f32 to vector<16xf32>
      %mul3A_656 = arith.mulf %mul3A_655, %get3A_649 : vector<16xf32>
      %add3A_657 = arith.addf %add3A_491, %mul3A_656 : vector<16xf32>
      %mul3A_658 = vector.broadcast %squeeze3A_640 : f32 to vector<16xf32>
      %mul3A_659 = arith.mulf %mul3A_658, %get3A_649 : vector<16xf32>
      %add3A_660 = arith.addf %add3A_494, %mul3A_659 : vector<16xf32>
      %add3A_661 = arith.constant 1 : i32
      %add3A_662 = arith.addi %mul3A_460, %add3A_661 : i32
      %get3A_663 = arith.constant 0 : i32
      %get3A_664 = arith.constant 0 : i32
      %get3A_665 = tpu.memref_slice %arg7[%scan3A, %get3A_663, %get3A_664] : memref<2x128x128xf32, #tpu.memory_space<vmem>> -> memref<1x128x128xf32, #tpu.memory_space<vmem>>
      %get3A_666 = tpu.memref_squeeze %get3A_665 : memref<1x128x128xf32, #tpu.memory_space<vmem>> -> memref<128x128xf32, #tpu.memory_space<vmem>>
      %get3A_667 = arith.index_cast %add3A_662 : i32 to index
      %get3A_668 = arith.constant 16 : index
      %get3A_669 = tpu.vector_load %get3A_666[%get3A_667, %get3A_668] {strides = array<i32>} : memref<128x128xf32, #tpu.memory_space<vmem>>, vector<16xf32>,
      %mul3A_670 = vector.broadcast %squeeze3A_636 : f32 to vector<16xf32>
      %mul3A_671 = arith.mulf %mul3A_670, %get3A_669 : vector<16xf32>
      %mul3A_672 = arith.mulf %mul3A_671, %get3A_669 : vector<16xf32>
      %add3A_673 = arith.addf %add3A_507, %mul3A_672 : vector<16xf32>
      %add3A_674 = arith.addf %add3A_508, %mul3A_671 : vector<16xf32>
      %mul3A_675 = vector.broadcast %squeeze3A_638 : f32 to vector<16xf32>
      %mul3A_676 = arith.mulf %mul3A_675, %get3A_669 : vector<16xf32>
      %add3A_677 = arith.addf %add3A_511, %mul3A_676 : vector<16xf32>
      %mul3A_678 = vector.broadcast %squeeze3A_640 : f32 to vector<16xf32>
      %mul3A_679 = arith.mulf %mul3A_678, %get3A_669 : vector<16xf32>
      %add3A_680 = arith.addf %add3A_514, %mul3A_679 : vector<16xf32>
      %add3A_681 = arith.constant 1 : i32
      %add3A_682 = arith.addi %mul3A_460, %add3A_681 : i32
      %get3A_683 = arith.constant 0 : i32
      %get3A_684 = arith.constant 0 : i32
      %get3A_685 = tpu.memref_slice %arg7[%scan3A, %get3A_683, %get3A_684] : memref<2x128x128xf32, #tpu.memory_space<vmem>> -> memref<1x128x128xf32, #tpu.memory_space<vmem>>
      %get3A_686 = tpu.memref_squeeze %get3A_685 : memref<1x128x128xf32, #tpu.memory_space<vmem>> -> memref<128x128xf32, #tpu.memory_space<vmem>>
      %get3A_687 = arith.index_cast %add3A_682 : i32 to index
      %get3A_688 = arith.constant 32 : index
      %get3A_689 = tpu.vector_load %get3A_686[%get3A_687, %get3A_688] {strides = array<i32>} : memref<128x128xf32, #tpu.memory_space<vmem>>, vector<16xf32>,
      %mul3A_690 = vector.broadcast %squeeze3A_636 : f32 to vector<16xf32>
      %mul3A_691 = arith.mulf %mul3A_690, %get3A_689 : vector<16xf32>
      %mul3A_692 = arith.mulf %mul3A_691, %get3A_689 : vector<16xf32>
      %add3A_693 = arith.addf %add3A_527, %mul3A_692 : vector<16xf32>
      %add3A_694 = arith.addf %add3A_528, %mul3A_691 : vector<16xf32>
      %mul3A_695 = vector.broadcast %squeeze3A_638 : f32 to vector<16xf32>
      %mul3A_696 = arith.mulf %mul3A_695, %get3A_689 : vector<16xf32>
      %add3A_697 = arith.addf %add3A_531, %mul3A_696 : vector<16xf32>
      %mul3A_698 = vector.broadcast %squeeze3A_640 : f32 to vector<16xf32>
      %mul3A_699 = arith.mulf %mul3A_698, %get3A_689 : vector<16xf32>
      %add3A_700 = arith.addf %add3A_534, %mul3A_699 : vector<16xf32>
      %add3A_701 = arith.constant 1 : i32
      %add3A_702 = arith.addi %mul3A_460, %add3A_701 : i32
      %get3A_703 = arith.constant 0 : i32
      %get3A_704 = arith.constant 0 : i32
      %get3A_705 = tpu.memref_slice %arg7[%scan3A, %get3A_703, %get3A_704] : memref<2x128x128xf32, #tpu.memory_space<vmem>> -> memref<1x128x128xf32, #tpu.memory_space<vmem>>
      %get3A_706 = tpu.memref_squeeze %get3A_705 : memref<1x128x128xf32, #tpu.memory_space<vmem>> -> memref<128x128xf32, #tpu.memory_space<vmem>>
      %get3A_707 = arith.index_cast %add3A_702 : i32 to index
      %get3A_708 = arith.constant 48 : index
      %get3A_709 = tpu.vector_load %get3A_706[%get3A_707, %get3A_708] {strides = array<i32>} : memref<128x128xf32, #tpu.memory_space<vmem>>, vector<16xf32>,
      %mul3A_710 = vector.broadcast %squeeze3A_636 : f32 to vector<16xf32>
      %mul3A_711 = arith.mulf %mul3A_710, %get3A_709 : vector<16xf32>
      %mul3A_712 = arith.mulf %mul3A_711, %get3A_709 : vector<16xf32>
      %add3A_713 = arith.addf %add3A_547, %mul3A_712 : vector<16xf32>
      %add3A_714 = arith.addf %add3A_548, %mul3A_711 : vector<16xf32>
      %mul3A_715 = vector.broadcast %squeeze3A_638 : f32 to vector<16xf32>
      %mul3A_716 = arith.mulf %mul3A_715, %get3A_709 : vector<16xf32>
      %add3A_717 = arith.addf %add3A_551, %mul3A_716 : vector<16xf32>
      %mul3A_718 = vector.broadcast %squeeze3A_640 : f32 to vector<16xf32>
      %mul3A_719 = arith.mulf %mul3A_718, %get3A_709 : vector<16xf32>
      %add3A_720 = arith.addf %add3A_554, %mul3A_719 : vector<16xf32>
      %add3A_721 = arith.constant 1 : i32
      %add3A_722 = arith.addi %mul3A_460, %add3A_721 : i32
      %get3A_723 = arith.constant 0 : i32
      %get3A_724 = arith.constant 0 : i32
      %get3A_725 = tpu.memref_slice %arg7[%scan3A, %get3A_723, %get3A_724] : memref<2x128x128xf32, #tpu.memory_space<vmem>> -> memref<1x128x128xf32, #tpu.memory_space<vmem>>
      %get3A_726 = tpu.memref_squeeze %get3A_725 : memref<1x128x128xf32, #tpu.memory_space<vmem>> -> memref<128x128xf32, #tpu.memory_space<vmem>>
      %get3A_727 = arith.index_cast %add3A_722 : i32 to index
      %get3A_728 = arith.constant 64 : index
      %get3A_729 = tpu.vector_load %get3A_726[%get3A_727, %get3A_728] {strides = array<i32>} : memref<128x128xf32, #tpu.memory_space<vmem>>, vector<16xf32>,
      %mul3A_730 = vector.broadcast %squeeze3A_636 : f32 to vector<16xf32>
      %mul3A_731 = arith.mulf %mul3A_730, %get3A_729 : vector<16xf32>
      %mul3A_732 = arith.mulf %mul3A_731, %get3A_729 : vector<16xf32>
      %add3A_733 = arith.addf %add3A_567, %mul3A_732 : vector<16xf32>
      %add3A_734 = arith.addf %add3A_568, %mul3A_731 : vector<16xf32>
      %mul3A_735 = vector.broadcast %squeeze3A_638 : f32 to vector<16xf32>
      %mul3A_736 = arith.mulf %mul3A_735, %get3A_729 : vector<16xf32>
      %add3A_737 = arith.addf %add3A_571, %mul3A_736 : vector<16xf32>
      %mul3A_738 = vector.broadcast %squeeze3A_640 : f32 to vector<16xf32>
      %mul3A_739 = arith.mulf %mul3A_738, %get3A_729 : vector<16xf32>
      %add3A_740 = arith.addf %add3A_574, %mul3A_739 : vector<16xf32>
      %add3A_741 = arith.constant 1 : i32
      %add3A_742 = arith.addi %mul3A_460, %add3A_741 : i32
      %get3A_743 = arith.constant 0 : i32
      %get3A_744 = arith.constant 0 : i32
      %get3A_745 = tpu.memref_slice %arg7[%scan3A, %get3A_743, %get3A_744] : memref<2x128x128xf32, #tpu.memory_space<vmem>> -> memref<1x128x128xf32, #tpu.memory_space<vmem>>
      %get3A_746 = tpu.memref_squeeze %get3A_745 : memref<1x128x128xf32, #tpu.memory_space<vmem>> -> memref<128x128xf32, #tpu.memory_space<vmem>>
      %get3A_747 = arith.index_cast %add3A_742 : i32 to index
      %get3A_748 = arith.constant 80 : index
      %get3A_749 = tpu.vector_load %get3A_746[%get3A_747, %get3A_748] {strides = array<i32>} : memref<128x128xf32, #tpu.memory_space<vmem>>, vector<16xf32>,
      %mul3A_750 = vector.broadcast %squeeze3A_636 : f32 to vector<16xf32>
      %mul3A_751 = arith.mulf %mul3A_750, %get3A_749 : vector<16xf32>
      %mul3A_752 = arith.mulf %mul3A_751, %get3A_749 : vector<16xf32>
      %add3A_753 = arith.addf %add3A_587, %mul3A_752 : vector<16xf32>
      %add3A_754 = arith.addf %add3A_588, %mul3A_751 : vector<16xf32>
      %mul3A_755 = vector.broadcast %squeeze3A_638 : f32 to vector<16xf32>
      %mul3A_756 = arith.mulf %mul3A_755, %get3A_749 : vector<16xf32>
      %add3A_757 = arith.addf %add3A_591, %mul3A_756 : vector<16xf32>
      %mul3A_758 = vector.broadcast %squeeze3A_640 : f32 to vector<16xf32>
      %mul3A_759 = arith.mulf %mul3A_758, %get3A_749 : vector<16xf32>
      %add3A_760 = arith.addf %add3A_594, %mul3A_759 : vector<16xf32>
      %add3A_761 = arith.constant 1 : i32
      %add3A_762 = arith.addi %mul3A_460, %add3A_761 : i32
      %get3A_763 = arith.constant 0 : i32
      %get3A_764 = arith.constant 0 : i32
      %get3A_765 = tpu.memref_slice %arg7[%scan3A, %get3A_763, %get3A_764] : memref<2x128x128xf32, #tpu.memory_space<vmem>> -> memref<1x128x128xf32, #tpu.memory_space<vmem>>
      %get3A_766 = tpu.memref_squeeze %get3A_765 : memref<1x128x128xf32, #tpu.memory_space<vmem>> -> memref<128x128xf32, #tpu.memory_space<vmem>>
      %get3A_767 = arith.index_cast %add3A_762 : i32 to index
      %get3A_768 = arith.constant 96 : index
      %get3A_769 = tpu.vector_load %get3A_766[%get3A_767, %get3A_768] {strides = array<i32>} : memref<128x128xf32, #tpu.memory_space<vmem>>, vector<16xf32>,
      %mul3A_770 = vector.broadcast %squeeze3A_636 : f32 to vector<16xf32>
      %mul3A_771 = arith.mulf %mul3A_770, %get3A_769 : vector<16xf32>
      %mul3A_772 = arith.mulf %mul3A_771, %get3A_769 : vector<16xf32>
      %add3A_773 = arith.addf %add3A_607, %mul3A_772 : vector<16xf32>
      %add3A_774 = arith.addf %add3A_608, %mul3A_771 : vector<16xf32>
      %mul3A_775 = vector.broadcast %squeeze3A_638 : f32 to vector<16xf32>
      %mul3A_776 = arith.mulf %mul3A_775, %get3A_769 : vector<16xf32>
      %add3A_777 = arith.addf %add3A_611, %mul3A_776 : vector<16xf32>
      %mul3A_778 = vector.broadcast %squeeze3A_640 : f32 to vector<16xf32>
      %mul3A_779 = arith.mulf %mul3A_778, %get3A_769 : vector<16xf32>
      %add3A_780 = arith.addf %add3A_614, %mul3A_779 : vector<16xf32>
      %add3A_781 = arith.constant 1 : i32
      %add3A_782 = arith.addi %mul3A_460, %add3A_781 : i32
      %get3A_783 = arith.constant 0 : i32
      %get3A_784 = arith.constant 0 : i32
      %get3A_785 = tpu.memref_slice %arg7[%scan3A, %get3A_783, %get3A_784] : memref<2x128x128xf32, #tpu.memory_space<vmem>> -> memref<1x128x128xf32, #tpu.memory_space<vmem>>
      %get3A_786 = tpu.memref_squeeze %get3A_785 : memref<1x128x128xf32, #tpu.memory_space<vmem>> -> memref<128x128xf32, #tpu.memory_space<vmem>>
      %get3A_787 = arith.index_cast %add3A_782 : i32 to index
      %get3A_788 = arith.constant 112 : index
      %get3A_789 = tpu.vector_load %get3A_786[%get3A_787, %get3A_788] {strides = array<i32>} : memref<128x128xf32, #tpu.memory_space<vmem>>, vector<16xf32>,
      %mul3A_790 = vector.broadcast %squeeze3A_636 : f32 to vector<16xf32>
      %mul3A_791 = arith.mulf %mul3A_790, %get3A_789 : vector<16xf32>
      %mul3A_792 = arith.mulf %mul3A_791, %get3A_789 : vector<16xf32>
      %add3A_793 = arith.addf %add3A_627, %mul3A_792 : vector<16xf32>
      %add3A_794 = arith.addf %add3A_628, %mul3A_791 : vector<16xf32>
      %mul3A_795 = vector.broadcast %squeeze3A_638 : f32 to vector<16xf32>
      %mul3A_796 = arith.mulf %mul3A_795, %get3A_789 : vector<16xf32>
      %add3A_797 = arith.addf %add3A_631, %mul3A_796 : vector<16xf32>
      %mul3A_798 = vector.broadcast %squeeze3A_640 : f32 to vector<16xf32>
      %mul3A_799 = arith.mulf %mul3A_798, %get3A_789 : vector<16xf32>
      %add3A_800 = arith.addf %add3A_634, %mul3A_799 : vector<16xf32>
      %slice3A_801 = vector.extract_strided_slice %get3A_464 {offsets = [2], sizes = [1], strides = [1]} : vector<16xf32> to vector<1xf32>
      %squeeze3A_802 = vector.extract %slice3A_801[0] : f32 from vector<1xf32>
      %slice3A_803 = vector.extract_strided_slice %mul3A_469 {offsets = [2], sizes = [1], strides = [1]} : vector<16xf32> to vector<1xf32>
      %squeeze3A_804 = vector.extract %slice3A_803[0] : f32 from vector<1xf32>
      %slice3A_805 = vector.extract_strided_slice %mul3A_470 {offsets = [2], sizes = [1], strides = [1]} : vector<16xf32> to vector<1xf32>
      %squeeze3A_806 = vector.extract %slice3A_805[0] : f32 from vector<1xf32>
      %add3A_807 = arith.constant 2 : i32
      %add3A_808 = arith.addi %mul3A_460, %add3A_807 : i32
      %get3A_809 = arith.constant 0 : i32
      %get3A_810 = arith.constant 0 : i32
      %get3A_811 = tpu.memref_slice %arg7[%scan3A, %get3A_809, %get3A_810] : memref<2x128x128xf32, #tpu.memory_space<vmem>> -> memref<1x128x128xf32, #tpu.memory_space<vmem>>
      %get3A_812 = tpu.memref_squeeze %get3A_811 : memref<1x128x128xf32, #tpu.memory_space<vmem>> -> memref<128x128xf32, #tpu.memory_space<vmem>>
      %get3A_813 = arith.index_cast %add3A_808 : i32 to index
      %get3A_814 = arith.constant 0 : index
      %get3A_815 = tpu.vector_load %get3A_812[%get3A_813, %get3A_814] {strides = array<i32>} : memref<128x128xf32, #tpu.memory_space<vmem>>, vector<16xf32>,
      %mul3A_816 = vector.broadcast %squeeze3A_802 : f32 to vector<16xf32>
      %mul3A_817 = arith.mulf %mul3A_816, %get3A_815 : vector<16xf32>
      %mul3A_818 = arith.mulf %mul3A_817, %get3A_815 : vector<16xf32>
      %add3A_819 = arith.addf %add3A_653, %mul3A_818 : vector<16xf32>
      %add3A_820 = arith.addf %add3A_654, %mul3A_817 : vector<16xf32>
      %mul3A_821 = vector.broadcast %squeeze3A_804 : f32 to vector<16xf32>
      %mul3A_822 = arith.mulf %mul3A_821, %get3A_815 : vector<16xf32>
      %add3A_823 = arith.addf %add3A_657, %mul3A_822 : vector<16xf32>
      %mul3A_824 = vector.broadcast %squeeze3A_806 : f32 to vector<16xf32>
      %mul3A_825 = arith.mulf %mul3A_824, %get3A_815 : vector<16xf32>
      %add3A_826 = arith.addf %add3A_660, %mul3A_825 : vector<16xf32>
      %add3A_827 = arith.constant 2 : i32
      %add3A_828 = arith.addi %mul3A_460, %add3A_827 : i32
      %get3A_829 = arith.constant 0 : i32
      %get3A_830 = arith.constant 0 : i32
      %get3A_831 = tpu.memref_slice %arg7[%scan3A, %get3A_829, %get3A_830] : memref<2x128x128xf32, #tpu.memory_space<vmem>> -> memref<1x128x128xf32, #tpu.memory_space<vmem>>
      %get3A_832 = tpu.memref_squeeze %get3A_831 : memref<1x128x128xf32, #tpu.memory_space<vmem>> -> memref<128x128xf32, #tpu.memory_space<vmem>>
      %get3A_833 = arith.index_cast %add3A_828 : i32 to index
      %get3A_834 = arith.constant 16 : index
      %get3A_835 = tpu.vector_load %get3A_832[%get3A_833, %get3A_834] {strides = array<i32>} : memref<128x128xf32, #tpu.memory_space<vmem>>, vector<16xf32>,
      %mul3A_836 = vector.broadcast %squeeze3A_802 : f32 to vector<16xf32>
      %mul3A_837 = arith.mulf %mul3A_836, %get3A_835 : vector<16xf32>
      %mul3A_838 = arith.mulf %mul3A_837, %get3A_835 : vector<16xf32>
      %add3A_839 = arith.addf %add3A_673, %mul3A_838 : vector<16xf32>
      %add3A_840 = arith.addf %add3A_674, %mul3A_837 : vector<16xf32>
      %mul3A_841 = vector.broadcast %squeeze3A_804 : f32 to vector<16xf32>
      %mul3A_842 = arith.mulf %mul3A_841, %get3A_835 : vector<16xf32>
      %add3A_843 = arith.addf %add3A_677, %mul3A_842 : vector<16xf32>
      %mul3A_844 = vector.broadcast %squeeze3A_806 : f32 to vector<16xf32>
      %mul3A_845 = arith.mulf %mul3A_844, %get3A_835 : vector<16xf32>
      %add3A_846 = arith.addf %add3A_680, %mul3A_845 : vector<16xf32>
      %add3A_847 = arith.constant 2 : i32
      %add3A_848 = arith.addi %mul3A_460, %add3A_847 : i32
      %get3A_849 = arith.constant 0 : i32
      %get3A_850 = arith.constant 0 : i32
      %get3A_851 = tpu.memref_slice %arg7[%scan3A, %get3A_849, %get3A_850] : memref<2x128x128xf32, #tpu.memory_space<vmem>> -> memref<1x128x128xf32, #tpu.memory_space<vmem>>
      %get3A_852 = tpu.memref_squeeze %get3A_851 : memref<1x128x128xf32, #tpu.memory_space<vmem>> -> memref<128x128xf32, #tpu.memory_space<vmem>>
      %get3A_853 = arith.index_cast %add3A_848 : i32 to index
      %get3A_854 = arith.constant 32 : index
      %get3A_855 = tpu.vector_load %get3A_852[%get3A_853, %get3A_854] {strides = array<i32>} : memref<128x128xf32, #tpu.memory_space<vmem>>, vector<16xf32>,
      %mul3A_856 = vector.broadcast %squeeze3A_802 : f32 to vector<16xf32>
      %mul3A_857 = arith.mulf %mul3A_856, %get3A_855 : vector<16xf32>
      %mul3A_858 = arith.mulf %mul3A_857, %get3A_855 : vector<16xf32>
      %add3A_859 = arith.addf %add3A_693, %mul3A_858 : vector<16xf32>
      %add3A_860 = arith.addf %add3A_694, %mul3A_857 : vector<16xf32>
      %mul3A_861 = vector.broadcast %squeeze3A_804 : f32 to vector<16xf32>
      %mul3A_862 = arith.mulf %mul3A_861, %get3A_855 : vector<16xf32>
      %add3A_863 = arith.addf %add3A_697, %mul3A_862 : vector<16xf32>
      %mul3A_864 = vector.broadcast %squeeze3A_806 : f32 to vector<16xf32>
      %mul3A_865 = arith.mulf %mul3A_864, %get3A_855 : vector<16xf32>
      %add3A_866 = arith.addf %add3A_700, %mul3A_865 : vector<16xf32>
      %add3A_867 = arith.constant 2 : i32
      %add3A_868 = arith.addi %mul3A_460, %add3A_867 : i32
      %get3A_869 = arith.constant 0 : i32
      %get3A_870 = arith.constant 0 : i32
      %get3A_871 = tpu.memref_slice %arg7[%scan3A, %get3A_869, %get3A_870] : memref<2x128x128xf32, #tpu.memory_space<vmem>> -> memref<1x128x128xf32, #tpu.memory_space<vmem>>
      %get3A_872 = tpu.memref_squeeze %get3A_871 : memref<1x128x128xf32, #tpu.memory_space<vmem>> -> memref<128x128xf32, #tpu.memory_space<vmem>>
      %get3A_873 = arith.index_cast %add3A_868 : i32 to index
      %get3A_874 = arith.constant 48 : index
      %get3A_875 = tpu.vector_load %get3A_872[%get3A_873, %get3A_874] {strides = array<i32>} : memref<128x128xf32, #tpu.memory_space<vmem>>, vector<16xf32>,
      %mul3A_876 = vector.broadcast %squeeze3A_802 : f32 to vector<16xf32>
      %mul3A_877 = arith.mulf %mul3A_876, %get3A_875 : vector<16xf32>
      %mul3A_878 = arith.mulf %mul3A_877, %get3A_875 : vector<16xf32>
      %add3A_879 = arith.addf %add3A_713, %mul3A_878 : vector<16xf32>
      %add3A_880 = arith.addf %add3A_714, %mul3A_877 : vector<16xf32>
      %mul3A_881 = vector.broadcast %squeeze3A_804 : f32 to vector<16xf32>
      %mul3A_882 = arith.mulf %mul3A_881, %get3A_875 : vector<16xf32>
      %add3A_883 = arith.addf %add3A_717, %mul3A_882 : vector<16xf32>
      %mul3A_884 = vector.broadcast %squeeze3A_806 : f32 to vector<16xf32>
      %mul3A_885 = arith.mulf %mul3A_884, %get3A_875 : vector<16xf32>
      %add3A_886 = arith.addf %add3A_720, %mul3A_885 : vector<16xf32>
      %add3A_887 = arith.constant 2 : i32
      %add3A_888 = arith.addi %mul3A_460, %add3A_887 : i32
      %get3A_889 = arith.constant 0 : i32
      %get3A_890 = arith.constant 0 : i32
      %get3A_891 = tpu.memref_slice %arg7[%scan3A, %get3A_889, %get3A_890] : memref<2x128x128xf32, #tpu.memory_space<vmem>> -> memref<1x128x128xf32, #tpu.memory_space<vmem>>
      %get3A_892 = tpu.memref_squeeze %get3A_891 : memref<1x128x128xf32, #tpu.memory_space<vmem>> -> memref<128x128xf32, #tpu.memory_space<vmem>>
      %get3A_893 = arith.index_cast %add3A_888 : i32 to index
      %get3A_894 = arith.constant 64 : index
      %get3A_895 = tpu.vector_load %get3A_892[%get3A_893, %get3A_894] {strides = array<i32>} : memref<128x128xf32, #tpu.memory_space<vmem>>, vector<16xf32>,
      %mul3A_896 = vector.broadcast %squeeze3A_802 : f32 to vector<16xf32>
      %mul3A_897 = arith.mulf %mul3A_896, %get3A_895 : vector<16xf32>
      %mul3A_898 = arith.mulf %mul3A_897, %get3A_895 : vector<16xf32>
      %add3A_899 = arith.addf %add3A_733, %mul3A_898 : vector<16xf32>
      %add3A_900 = arith.addf %add3A_734, %mul3A_897 : vector<16xf32>
      %mul3A_901 = vector.broadcast %squeeze3A_804 : f32 to vector<16xf32>
      %mul3A_902 = arith.mulf %mul3A_901, %get3A_895 : vector<16xf32>
      %add3A_903 = arith.addf %add3A_737, %mul3A_902 : vector<16xf32>
      %mul3A_904 = vector.broadcast %squeeze3A_806 : f32 to vector<16xf32>
      %mul3A_905 = arith.mulf %mul3A_904, %get3A_895 : vector<16xf32>
      %add3A_906 = arith.addf %add3A_740, %mul3A_905 : vector<16xf32>
      %add3A_907 = arith.constant 2 : i32
      %add3A_908 = arith.addi %mul3A_460, %add3A_907 : i32
      %get3A_909 = arith.constant 0 : i32
      %get3A_910 = arith.constant 0 : i32
      %get3A_911 = tpu.memref_slice %arg7[%scan3A, %get3A_909, %get3A_910] : memref<2x128x128xf32, #tpu.memory_space<vmem>> -> memref<1x128x128xf32, #tpu.memory_space<vmem>>
      %get3A_912 = tpu.memref_squeeze %get3A_911 : memref<1x128x128xf32, #tpu.memory_space<vmem>> -> memref<128x128xf32, #tpu.memory_space<vmem>>
      %get3A_913 = arith.index_cast %add3A_908 : i32 to index
      %get3A_914 = arith.constant 80 : index
      %get3A_915 = tpu.vector_load %get3A_912[%get3A_913, %get3A_914] {strides = array<i32>} : memref<128x128xf32, #tpu.memory_space<vmem>>, vector<16xf32>,
      %mul3A_916 = vector.broadcast %squeeze3A_802 : f32 to vector<16xf32>
      %mul3A_917 = arith.mulf %mul3A_916, %get3A_915 : vector<16xf32>
      %mul3A_918 = arith.mulf %mul3A_917, %get3A_915 : vector<16xf32>
      %add3A_919 = arith.addf %add3A_753, %mul3A_918 : vector<16xf32>
      %add3A_920 = arith.addf %add3A_754, %mul3A_917 : vector<16xf32>
      %mul3A_921 = vector.broadcast %squeeze3A_804 : f32 to vector<16xf32>
      %mul3A_922 = arith.mulf %mul3A_921, %get3A_915 : vector<16xf32>
      %add3A_923 = arith.addf %add3A_757, %mul3A_922 : vector<16xf32>
      %mul3A_924 = vector.broadcast %squeeze3A_806 : f32 to vector<16xf32>
      %mul3A_925 = arith.mulf %mul3A_924, %get3A_915 : vector<16xf32>
      %add3A_926 = arith.addf %add3A_760, %mul3A_925 : vector<16xf32>
      %add3A_927 = arith.constant 2 : i32
      %add3A_928 = arith.addi %mul3A_460, %add3A_927 : i32
      %get3A_929 = arith.constant 0 : i32
      %get3A_930 = arith.constant 0 : i32
      %get3A_931 = tpu.memref_slice %arg7[%scan3A, %get3A_929, %get3A_930] : memref<2x128x128xf32, #tpu.memory_space<vmem>> -> memref<1x128x128xf32, #tpu.memory_space<vmem>>
      %get3A_932 = tpu.memref_squeeze %get3A_931 : memref<1x128x128xf32, #tpu.memory_space<vmem>> -> memref<128x128xf32, #tpu.memory_space<vmem>>
      %get3A_933 = arith.index_cast %add3A_928 : i32 to index
      %get3A_934 = arith.constant 96 : index
      %get3A_935 = tpu.vector_load %get3A_932[%get3A_933, %get3A_934] {strides = array<i32>} : memref<128x128xf32, #tpu.memory_space<vmem>>, vector<16xf32>,
      %mul3A_936 = vector.broadcast %squeeze3A_802 : f32 to vector<16xf32>
      %mul3A_937 = arith.mulf %mul3A_936, %get3A_935 : vector<16xf32>
      %mul3A_938 = arith.mulf %mul3A_937, %get3A_935 : vector<16xf32>
      %add3A_939 = arith.addf %add3A_773, %mul3A_938 : vector<16xf32>
      %add3A_940 = arith.addf %add3A_774, %mul3A_937 : vector<16xf32>
      %mul3A_941 = vector.broadcast %squeeze3A_804 : f32 to vector<16xf32>
      %mul3A_942 = arith.mulf %mul3A_941, %get3A_935 : vector<16xf32>
      %add3A_943 = arith.addf %add3A_777, %mul3A_942 : vector<16xf32>
      %mul3A_944 = vector.broadcast %squeeze3A_806 : f32 to vector<16xf32>
      %mul3A_945 = arith.mulf %mul3A_944, %get3A_935 : vector<16xf32>
      %add3A_946 = arith.addf %add3A_780, %mul3A_945 : vector<16xf32>
      %add3A_947 = arith.constant 2 : i32
      %add3A_948 = arith.addi %mul3A_460, %add3A_947 : i32
      %get3A_949 = arith.constant 0 : i32
      %get3A_950 = arith.constant 0 : i32
      %get3A_951 = tpu.memref_slice %arg7[%scan3A, %get3A_949, %get3A_950] : memref<2x128x128xf32, #tpu.memory_space<vmem>> -> memref<1x128x128xf32, #tpu.memory_space<vmem>>
      %get3A_952 = tpu.memref_squeeze %get3A_951 : memref<1x128x128xf32, #tpu.memory_space<vmem>> -> memref<128x128xf32, #tpu.memory_space<vmem>>
      %get3A_953 = arith.index_cast %add3A_948 : i32 to index
      %get3A_954 = arith.constant 112 : index
      %get3A_955 = tpu.vector_load %get3A_952[%get3A_953, %get3A_954] {strides = array<i32>} : memref<128x128xf32, #tpu.memory_space<vmem>>, vector<16xf32>,
      %mul3A_956 = vector.broadcast %squeeze3A_802 : f32 to vector<16xf32>
      %mul3A_957 = arith.mulf %mul3A_956, %get3A_955 : vector<16xf32>
      %mul3A_958 = arith.mulf %mul3A_957, %get3A_955 : vector<16xf32>
      %add3A_959 = arith.addf %add3A_793, %mul3A_958 : vector<16xf32>
      %add3A_960 = arith.addf %add3A_794, %mul3A_957 : vector<16xf32>
      %mul3A_961 = vector.broadcast %squeeze3A_804 : f32 to vector<16xf32>
      %mul3A_962 = arith.mulf %mul3A_961, %get3A_955 : vector<16xf32>
      %add3A_963 = arith.addf %add3A_797, %mul3A_962 : vector<16xf32>
      %mul3A_964 = vector.broadcast %squeeze3A_806 : f32 to vector<16xf32>
      %mul3A_965 = arith.mulf %mul3A_964, %get3A_955 : vector<16xf32>
      %add3A_966 = arith.addf %add3A_800, %mul3A_965 : vector<16xf32>
      %slice3A_967 = vector.extract_strided_slice %get3A_464 {offsets = [3], sizes = [1], strides = [1]} : vector<16xf32> to vector<1xf32>
      %squeeze3A_968 = vector.extract %slice3A_967[0] : f32 from vector<1xf32>
      %slice3A_969 = vector.extract_strided_slice %mul3A_469 {offsets = [3], sizes = [1], strides = [1]} : vector<16xf32> to vector<1xf32>
      %squeeze3A_970 = vector.extract %slice3A_969[0] : f32 from vector<1xf32>
      %slice3A_971 = vector.extract_strided_slice %mul3A_470 {offsets = [3], sizes = [1], strides = [1]} : vector<16xf32> to vector<1xf32>
      %squeeze3A_972 = vector.extract %slice3A_971[0] : f32 from vector<1xf32>
      %add3A_973 = arith.constant 3 : i32
      %add3A_974 = arith.addi %mul3A_460, %add3A_973 : i32
      %get3A_975 = arith.constant 0 : i32
      %get3A_976 = arith.constant 0 : i32
      %get3A_977 = tpu.memref_slice %arg7[%scan3A, %get3A_975, %get3A_976] : memref<2x128x128xf32, #tpu.memory_space<vmem>> -> memref<1x128x128xf32, #tpu.memory_space<vmem>>
      %get3A_978 = tpu.memref_squeeze %get3A_977 : memref<1x128x128xf32, #tpu.memory_space<vmem>> -> memref<128x128xf32, #tpu.memory_space<vmem>>
      %get3A_979 = arith.index_cast %add3A_974 : i32 to index
      %get3A_980 = arith.constant 0 : index
      %get3A_981 = tpu.vector_load %get3A_978[%get3A_979, %get3A_980] {strides = array<i32>} : memref<128x128xf32, #tpu.memory_space<vmem>>, vector<16xf32>,
      %mul3A_982 = vector.broadcast %squeeze3A_968 : f32 to vector<16xf32>
      %mul3A_983 = arith.mulf %mul3A_982, %get3A_981 : vector<16xf32>
      %mul3A_984 = arith.mulf %mul3A_983, %get3A_981 : vector<16xf32>
      %add3A_985 = arith.addf %add3A_819, %mul3A_984 : vector<16xf32>
      %add3A_986 = arith.addf %add3A_820, %mul3A_983 : vector<16xf32>
      %mul3A_987 = vector.broadcast %squeeze3A_970 : f32 to vector<16xf32>
      %mul3A_988 = arith.mulf %mul3A_987, %get3A_981 : vector<16xf32>
      %add3A_989 = arith.addf %add3A_823, %mul3A_988 : vector<16xf32>
      %mul3A_990 = vector.broadcast %squeeze3A_972 : f32 to vector<16xf32>
      %mul3A_991 = arith.mulf %mul3A_990, %get3A_981 : vector<16xf32>
      %add3A_992 = arith.addf %add3A_826, %mul3A_991 : vector<16xf32>
      %add3A_993 = arith.constant 3 : i32
      %add3A_994 = arith.addi %mul3A_460, %add3A_993 : i32
      %get3A_995 = arith.constant 0 : i32
      %get3A_996 = arith.constant 0 : i32
      %get3A_997 = tpu.memref_slice %arg7[%scan3A, %get3A_995, %get3A_996] : memref<2x128x128xf32, #tpu.memory_space<vmem>> -> memref<1x128x128xf32, #tpu.memory_space<vmem>>
      %get3A_998 = tpu.memref_squeeze %get3A_997 : memref<1x128x128xf32, #tpu.memory_space<vmem>> -> memref<128x128xf32, #tpu.memory_space<vmem>>
      %get3A_999 = arith.index_cast %add3A_994 : i32 to index
      %get3A_1000 = arith.constant 16 : index
      %get3A_1001 = tpu.vector_load %get3A_998[%get3A_999, %get3A_1000] {strides = array<i32>} : memref<128x128xf32, #tpu.memory_space<vmem>>, vector<16xf32>,
      %mul3A_1002 = vector.broadcast %squeeze3A_968 : f32 to vector<16xf32>
      %mul3A_1003 = arith.mulf %mul3A_1002, %get3A_1001 : vector<16xf32>
      %mul3A_1004 = arith.mulf %mul3A_1003, %get3A_1001 : vector<16xf32>
      %add3A_1005 = arith.addf %add3A_839, %mul3A_1004 : vector<16xf32>
      %add3A_1006 = arith.addf %add3A_840, %mul3A_1003 : vector<16xf32>
      %mul3A_1007 = vector.broadcast %squeeze3A_970 : f32 to vector<16xf32>
      %mul3A_1008 = arith.mulf %mul3A_1007, %get3A_1001 : vector<16xf32>
      %add3A_1009 = arith.addf %add3A_843, %mul3A_1008 : vector<16xf32>
      %mul3A_1010 = vector.broadcast %squeeze3A_972 : f32 to vector<16xf32>
      %mul3A_1011 = arith.mulf %mul3A_1010, %get3A_1001 : vector<16xf32>
      %add3A_1012 = arith.addf %add3A_846, %mul3A_1011 : vector<16xf32>
      %add3A_1013 = arith.constant 3 : i32
      %add3A_1014 = arith.addi %mul3A_460, %add3A_1013 : i32
      %get3A_1015 = arith.constant 0 : i32
      %get3A_1016 = arith.constant 0 : i32
      %get3A_1017 = tpu.memref_slice %arg7[%scan3A, %get3A_1015, %get3A_1016] : memref<2x128x128xf32, #tpu.memory_space<vmem>> -> memref<1x128x128xf32, #tpu.memory_space<vmem>>
      %get3A_1018 = tpu.memref_squeeze %get3A_1017 : memref<1x128x128xf32, #tpu.memory_space<vmem>> -> memref<128x128xf32, #tpu.memory_space<vmem>>
      %get3A_1019 = arith.index_cast %add3A_1014 : i32 to index
      %get3A_1020 = arith.constant 32 : index
      %get3A_1021 = tpu.vector_load %get3A_1018[%get3A_1019, %get3A_1020] {strides = array<i32>} : memref<128x128xf32, #tpu.memory_space<vmem>>, vector<16xf32>,
      %mul3A_1022 = vector.broadcast %squeeze3A_968 : f32 to vector<16xf32>
      %mul3A_1023 = arith.mulf %mul3A_1022, %get3A_1021 : vector<16xf32>
      %mul3A_1024 = arith.mulf %mul3A_1023, %get3A_1021 : vector<16xf32>
      %add3A_1025 = arith.addf %add3A_859, %mul3A_1024 : vector<16xf32>
      %add3A_1026 = arith.addf %add3A_860, %mul3A_1023 : vector<16xf32>
      %mul3A_1027 = vector.broadcast %squeeze3A_970 : f32 to vector<16xf32>
      %mul3A_1028 = arith.mulf %mul3A_1027, %get3A_1021 : vector<16xf32>
      %add3A_1029 = arith.addf %add3A_863, %mul3A_1028 : vector<16xf32>
      %mul3A_1030 = vector.broadcast %squeeze3A_972 : f32 to vector<16xf32>
      %mul3A_1031 = arith.mulf %mul3A_1030, %get3A_1021 : vector<16xf32>
      %add3A_1032 = arith.addf %add3A_866, %mul3A_1031 : vector<16xf32>
      %add3A_1033 = arith.constant 3 : i32
      %add3A_1034 = arith.addi %mul3A_460, %add3A_1033 : i32
      %get3A_1035 = arith.constant 0 : i32
      %get3A_1036 = arith.constant 0 : i32
      %get3A_1037 = tpu.memref_slice %arg7[%scan3A, %get3A_1035, %get3A_1036] : memref<2x128x128xf32, #tpu.memory_space<vmem>> -> memref<1x128x128xf32, #tpu.memory_space<vmem>>
      %get3A_1038 = tpu.memref_squeeze %get3A_1037 : memref<1x128x128xf32, #tpu.memory_space<vmem>> -> memref<128x128xf32, #tpu.memory_space<vmem>>
      %get3A_1039 = arith.index_cast %add3A_1034 : i32 to index
      %get3A_1040 = arith.constant 48 : index
      %get3A_1041 = tpu.vector_load %get3A_1038[%get3A_1039, %get3A_1040] {strides = array<i32>} : memref<128x128xf32, #tpu.memory_space<vmem>>, vector<16xf32>,
      %mul3A_1042 = vector.broadcast %squeeze3A_968 : f32 to vector<16xf32>
      %mul3A_1043 = arith.mulf %mul3A_1042, %get3A_1041 : vector<16xf32>
      %mul3A_1044 = arith.mulf %mul3A_1043, %get3A_1041 : vector<16xf32>
      %add3A_1045 = arith.addf %add3A_879, %mul3A_1044 : vector<16xf32>
      %add3A_1046 = arith.addf %add3A_880, %mul3A_1043 : vector<16xf32>
      %mul3A_1047 = vector.broadcast %squeeze3A_970 : f32 to vector<16xf32>
      %mul3A_1048 = arith.mulf %mul3A_1047, %get3A_1041 : vector<16xf32>
      %add3A_1049 = arith.addf %add3A_883, %mul3A_1048 : vector<16xf32>
      %mul3A_1050 = vector.broadcast %squeeze3A_972 : f32 to vector<16xf32>
      %mul3A_1051 = arith.mulf %mul3A_1050, %get3A_1041 : vector<16xf32>
      %add3A_1052 = arith.addf %add3A_886, %mul3A_1051 : vector<16xf32>
      %add3A_1053 = arith.constant 3 : i32
      %add3A_1054 = arith.addi %mul3A_460, %add3A_1053 : i32
      %get3A_1055 = arith.constant 0 : i32
      %get3A_1056 = arith.constant 0 : i32
      %get3A_1057 = tpu.memref_slice %arg7[%scan3A, %get3A_1055, %get3A_1056] : memref<2x128x128xf32, #tpu.memory_space<vmem>> -> memref<1x128x128xf32, #tpu.memory_space<vmem>>
      %get3A_1058 = tpu.memref_squeeze %get3A_1057 : memref<1x128x128xf32, #tpu.memory_space<vmem>> -> memref<128x128xf32, #tpu.memory_space<vmem>>
      %get3A_1059 = arith.index_cast %add3A_1054 : i32 to index
      %get3A_1060 = arith.constant 64 : index
      %get3A_1061 = tpu.vector_load %get3A_1058[%get3A_1059, %get3A_1060] {strides = array<i32>} : memref<128x128xf32, #tpu.memory_space<vmem>>, vector<16xf32>,
      %mul3A_1062 = vector.broadcast %squeeze3A_968 : f32 to vector<16xf32>
      %mul3A_1063 = arith.mulf %mul3A_1062, %get3A_1061 : vector<16xf32>
      %mul3A_1064 = arith.mulf %mul3A_1063, %get3A_1061 : vector<16xf32>
      %add3A_1065 = arith.addf %add3A_899, %mul3A_1064 : vector<16xf32>
      %add3A_1066 = arith.addf %add3A_900, %mul3A_1063 : vector<16xf32>
      %mul3A_1067 = vector.broadcast %squeeze3A_970 : f32 to vector<16xf32>
      %mul3A_1068 = arith.mulf %mul3A_1067, %get3A_1061 : vector<16xf32>
      %add3A_1069 = arith.addf %add3A_903, %mul3A_1068 : vector<16xf32>
      %mul3A_1070 = vector.broadcast %squeeze3A_972 : f32 to vector<16xf32>
      %mul3A_1071 = arith.mulf %mul3A_1070, %get3A_1061 : vector<16xf32>
      %add3A_1072 = arith.addf %add3A_906, %mul3A_1071 : vector<16xf32>
      %add3A_1073 = arith.constant 3 : i32
      %add3A_1074 = arith.addi %mul3A_460, %add3A_1073 : i32
      %get3A_1075 = arith.constant 0 : i32
      %get3A_1076 = arith.constant 0 : i32
      %get3A_1077 = tpu.memref_slice %arg7[%scan3A, %get3A_1075, %get3A_1076] : memref<2x128x128xf32, #tpu.memory_space<vmem>> -> memref<1x128x128xf32, #tpu.memory_space<vmem>>
      %get3A_1078 = tpu.memref_squeeze %get3A_1077 : memref<1x128x128xf32, #tpu.memory_space<vmem>> -> memref<128x128xf32, #tpu.memory_space<vmem>>
      %get3A_1079 = arith.index_cast %add3A_1074 : i32 to index
      %get3A_1080 = arith.constant 80 : index
      %get3A_1081 = tpu.vector_load %get3A_1078[%get3A_1079, %get3A_1080] {strides = array<i32>} : memref<128x128xf32, #tpu.memory_space<vmem>>, vector<16xf32>,
      %mul3A_1082 = vector.broadcast %squeeze3A_968 : f32 to vector<16xf32>
      %mul3A_1083 = arith.mulf %mul3A_1082, %get3A_1081 : vector<16xf32>
      %mul3A_1084 = arith.mulf %mul3A_1083, %get3A_1081 : vector<16xf32>
      %add3A_1085 = arith.addf %add3A_919, %mul3A_1084 : vector<16xf32>
      %add3A_1086 = arith.addf %add3A_920, %mul3A_1083 : vector<16xf32>
      %mul3A_1087 = vector.broadcast %squeeze3A_970 : f32 to vector<16xf32>
      %mul3A_1088 = arith.mulf %mul3A_1087, %get3A_1081 : vector<16xf32>
      %add3A_1089 = arith.addf %add3A_923, %mul3A_1088 : vector<16xf32>
      %mul3A_1090 = vector.broadcast %squeeze3A_972 : f32 to vector<16xf32>
      %mul3A_1091 = arith.mulf %mul3A_1090, %get3A_1081 : vector<16xf32>
      %add3A_1092 = arith.addf %add3A_926, %mul3A_1091 : vector<16xf32>
      %add3A_1093 = arith.constant 3 : i32
      %add3A_1094 = arith.addi %mul3A_460, %add3A_1093 : i32
      %get3A_1095 = arith.constant 0 : i32
      %get3A_1096 = arith.constant 0 : i32
      %get3A_1097 = tpu.memref_slice %arg7[%scan3A, %get3A_1095, %get3A_1096] : memref<2x128x128xf32, #tpu.memory_space<vmem>> -> memref<1x128x128xf32, #tpu.memory_space<vmem>>
      %get3A_1098 = tpu.memref_squeeze %get3A_1097 : memref<1x128x128xf32, #tpu.memory_space<vmem>> -> memref<128x128xf32, #tpu.memory_space<vmem>>
      %get3A_1099 = arith.index_cast %add3A_1094 : i32 to index
      %get3A_1100 = arith.constant 96 : index
      %get3A_1101 = tpu.vector_load %get3A_1098[%get3A_1099, %get3A_1100] {strides = array<i32>} : memref<128x128xf32, #tpu.memory_space<vmem>>, vector<16xf32>,
      %mul3A_1102 = vector.broadcast %squeeze3A_968 : f32 to vector<16xf32>
      %mul3A_1103 = arith.mulf %mul3A_1102, %get3A_1101 : vector<16xf32>
      %mul3A_1104 = arith.mulf %mul3A_1103, %get3A_1101 : vector<16xf32>
      %add3A_1105 = arith.addf %add3A_939, %mul3A_1104 : vector<16xf32>
      %add3A_1106 = arith.addf %add3A_940, %mul3A_1103 : vector<16xf32>
      %mul3A_1107 = vector.broadcast %squeeze3A_970 : f32 to vector<16xf32>
      %mul3A_1108 = arith.mulf %mul3A_1107, %get3A_1101 : vector<16xf32>
      %add3A_1109 = arith.addf %add3A_943, %mul3A_1108 : vector<16xf32>
      %mul3A_1110 = vector.broadcast %squeeze3A_972 : f32 to vector<16xf32>
      %mul3A_1111 = arith.mulf %mul3A_1110, %get3A_1101 : vector<16xf32>
      %add3A_1112 = arith.addf %add3A_946, %mul3A_1111 : vector<16xf32>
      %add3A_1113 = arith.constant 3 : i32
      %add3A_1114 = arith.addi %mul3A_460, %add3A_1113 : i32
      %get3A_1115 = arith.constant 0 : i32
      %get3A_1116 = arith.constant 0 : i32
      %get3A_1117 = tpu.memref_slice %arg7[%scan3A, %get3A_1115, %get3A_1116] : memref<2x128x128xf32, #tpu.memory_space<vmem>> -> memref<1x128x128xf32, #tpu.memory_space<vmem>>
      %get3A_1118 = tpu.memref_squeeze %get3A_1117 : memref<1x128x128xf32, #tpu.memory_space<vmem>> -> memref<128x128xf32, #tpu.memory_space<vmem>>
      %get3A_1119 = arith.index_cast %add3A_1114 : i32 to index
      %get3A_1120 = arith.constant 112 : index
      %get3A_1121 = tpu.vector_load %get3A_1118[%get3A_1119, %get3A_1120] {strides = array<i32>} : memref<128x128xf32, #tpu.memory_space<vmem>>, vector<16xf32>,
      %mul3A_1122 = vector.broadcast %squeeze3A_968 : f32 to vector<16xf32>
      %mul3A_1123 = arith.mulf %mul3A_1122, %get3A_1121 : vector<16xf32>
      %mul3A_1124 = arith.mulf %mul3A_1123, %get3A_1121 : vector<16xf32>
      %add3A_1125 = arith.addf %add3A_959, %mul3A_1124 : vector<16xf32>
      %add3A_1126 = arith.addf %add3A_960, %mul3A_1123 : vector<16xf32>
      %mul3A_1127 = vector.broadcast %squeeze3A_970 : f32 to vector<16xf32>
      %mul3A_1128 = arith.mulf %mul3A_1127, %get3A_1121 : vector<16xf32>
      %add3A_1129 = arith.addf %add3A_963, %mul3A_1128 : vector<16xf32>
      %mul3A_1130 = vector.broadcast %squeeze3A_972 : f32 to vector<16xf32>
      %mul3A_1131 = arith.mulf %mul3A_1130, %get3A_1121 : vector<16xf32>
      %add3A_1132 = arith.addf %add3A_966, %mul3A_1131 : vector<16xf32>
      %slice3A_1133 = vector.extract_strided_slice %get3A_464 {offsets = [4], sizes = [1], strides = [1]} : vector<16xf32> to vector<1xf32>
      %squeeze3A_1134 = vector.extract %slice3A_1133[0] : f32 from vector<1xf32>
      %slice3A_1135 = vector.extract_strided_slice %mul3A_469 {offsets = [4], sizes = [1], strides = [1]} : vector<16xf32> to vector<1xf32>
      %squeeze3A_1136 = vector.extract %slice3A_1135[0] : f32 from vector<1xf32>
      %slice3A_1137 = vector.extract_strided_slice %mul3A_470 {offsets = [4], sizes = [1], strides = [1]} : vector<16xf32> to vector<1xf32>
      %squeeze3A_1138 = vector.extract %slice3A_1137[0] : f32 from vector<1xf32>
      %add3A_1139 = arith.constant 4 : i32
      %add3A_1140 = arith.addi %mul3A_460, %add3A_1139 : i32
      %get3A_1141 = arith.constant 0 : i32
      %get3A_1142 = arith.constant 0 : i32
      %get3A_1143 = tpu.memref_slice %arg7[%scan3A, %get3A_1141, %get3A_1142] : memref<2x128x128xf32, #tpu.memory_space<vmem>> -> memref<1x128x128xf32, #tpu.memory_space<vmem>>
      %get3A_1144 = tpu.memref_squeeze %get3A_1143 : memref<1x128x128xf32, #tpu.memory_space<vmem>> -> memref<128x128xf32, #tpu.memory_space<vmem>>
      %get3A_1145 = arith.index_cast %add3A_1140 : i32 to index
      %get3A_1146 = arith.constant 0 : index
      %get3A_1147 = tpu.vector_load %get3A_1144[%get3A_1145, %get3A_1146] {strides = array<i32>} : memref<128x128xf32, #tpu.memory_space<vmem>>, vector<16xf32>,
      %mul3A_1148 = vector.broadcast %squeeze3A_1134 : f32 to vector<16xf32>
      %mul3A_1149 = arith.mulf %mul3A_1148, %get3A_1147 : vector<16xf32>
      %mul3A_1150 = arith.mulf %mul3A_1149, %get3A_1147 : vector<16xf32>
      %add3A_1151 = arith.addf %add3A_985, %mul3A_1150 : vector<16xf32>
      %add3A_1152 = arith.addf %add3A_986, %mul3A_1149 : vector<16xf32>
      %mul3A_1153 = vector.broadcast %squeeze3A_1136 : f32 to vector<16xf32>
      %mul3A_1154 = arith.mulf %mul3A_1153, %get3A_1147 : vector<16xf32>
      %add3A_1155 = arith.addf %add3A_989, %mul3A_1154 : vector<16xf32>
      %mul3A_1156 = vector.broadcast %squeeze3A_1138 : f32 to vector<16xf32>
      %mul3A_1157 = arith.mulf %mul3A_1156, %get3A_1147 : vector<16xf32>
      %add3A_1158 = arith.addf %add3A_992, %mul3A_1157 : vector<16xf32>
      %add3A_1159 = arith.constant 4 : i32
      %add3A_1160 = arith.addi %mul3A_460, %add3A_1159 : i32
      %get3A_1161 = arith.constant 0 : i32
      %get3A_1162 = arith.constant 0 : i32
      %get3A_1163 = tpu.memref_slice %arg7[%scan3A, %get3A_1161, %get3A_1162] : memref<2x128x128xf32, #tpu.memory_space<vmem>> -> memref<1x128x128xf32, #tpu.memory_space<vmem>>
      %get3A_1164 = tpu.memref_squeeze %get3A_1163 : memref<1x128x128xf32, #tpu.memory_space<vmem>> -> memref<128x128xf32, #tpu.memory_space<vmem>>
      %get3A_1165 = arith.index_cast %add3A_1160 : i32 to index
      %get3A_1166 = arith.constant 16 : index
      %get3A_1167 = tpu.vector_load %get3A_1164[%get3A_1165, %get3A_1166] {strides = array<i32>} : memref<128x128xf32, #tpu.memory_space<vmem>>, vector<16xf32>,
      %mul3A_1168 = vector.broadcast %squeeze3A_1134 : f32 to vector<16xf32>
      %mul3A_1169 = arith.mulf %mul3A_1168, %get3A_1167 : vector<16xf32>
      %mul3A_1170 = arith.mulf %mul3A_1169, %get3A_1167 : vector<16xf32>
      %add3A_1171 = arith.addf %add3A_1005, %mul3A_1170 : vector<16xf32>
      %add3A_1172 = arith.addf %add3A_1006, %mul3A_1169 : vector<16xf32>
      %mul3A_1173 = vector.broadcast %squeeze3A_1136 : f32 to vector<16xf32>
      %mul3A_1174 = arith.mulf %mul3A_1173, %get3A_1167 : vector<16xf32>
      %add3A_1175 = arith.addf %add3A_1009, %mul3A_1174 : vector<16xf32>
      %mul3A_1176 = vector.broadcast %squeeze3A_1138 : f32 to vector<16xf32>
      %mul3A_1177 = arith.mulf %mul3A_1176, %get3A_1167 : vector<16xf32>
      %add3A_1178 = arith.addf %add3A_1012, %mul3A_1177 : vector<16xf32>
      %add3A_1179 = arith.constant 4 : i32
      %add3A_1180 = arith.addi %mul3A_460, %add3A_1179 : i32
      %get3A_1181 = arith.constant 0 : i32
      %get3A_1182 = arith.constant 0 : i32
      %get3A_1183 = tpu.memref_slice %arg7[%scan3A, %get3A_1181, %get3A_1182] : memref<2x128x128xf32, #tpu.memory_space<vmem>> -> memref<1x128x128xf32, #tpu.memory_space<vmem>>
      %get3A_1184 = tpu.memref_squeeze %get3A_1183 : memref<1x128x128xf32, #tpu.memory_space<vmem>> -> memref<128x128xf32, #tpu.memory_space<vmem>>
      %get3A_1185 = arith.index_cast %add3A_1180 : i32 to index
      %get3A_1186 = arith.constant 32 : index
      %get3A_1187 = tpu.vector_load %get3A_1184[%get3A_1185, %get3A_1186] {strides = array<i32>} : memref<128x128xf32, #tpu.memory_space<vmem>>, vector<16xf32>,
      %mul3A_1188 = vector.broadcast %squeeze3A_1134 : f32 to vector<16xf32>
      %mul3A_1189 = arith.mulf %mul3A_1188, %get3A_1187 : vector<16xf32>
      %mul3A_1190 = arith.mulf %mul3A_1189, %get3A_1187 : vector<16xf32>
      %add3A_1191 = arith.addf %add3A_1025, %mul3A_1190 : vector<16xf32>
      %add3A_1192 = arith.addf %add3A_1026, %mul3A_1189 : vector<16xf32>
      %mul3A_1193 = vector.broadcast %squeeze3A_1136 : f32 to vector<16xf32>
      %mul3A_1194 = arith.mulf %mul3A_1193, %get3A_1187 : vector<16xf32>
      %add3A_1195 = arith.addf %add3A_1029, %mul3A_1194 : vector<16xf32>
      %mul3A_1196 = vector.broadcast %squeeze3A_1138 : f32 to vector<16xf32>
      %mul3A_1197 = arith.mulf %mul3A_1196, %get3A_1187 : vector<16xf32>
      %add3A_1198 = arith.addf %add3A_1032, %mul3A_1197 : vector<16xf32>
      %add3A_1199 = arith.constant 4 : i32
      %add3A_1200 = arith.addi %mul3A_460, %add3A_1199 : i32
      %get3A_1201 = arith.constant 0 : i32
      %get3A_1202 = arith.constant 0 : i32
      %get3A_1203 = tpu.memref_slice %arg7[%scan3A, %get3A_1201, %get3A_1202] : memref<2x128x128xf32, #tpu.memory_space<vmem>> -> memref<1x128x128xf32, #tpu.memory_space<vmem>>
      %get3A_1204 = tpu.memref_squeeze %get3A_1203 : memref<1x128x128xf32, #tpu.memory_space<vmem>> -> memref<128x128xf32, #tpu.memory_space<vmem>>
      %get3A_1205 = arith.index_cast %add3A_1200 : i32 to index
      %get3A_1206 = arith.constant 48 : index
      %get3A_1207 = tpu.vector_load %get3A_1204[%get3A_1205, %get3A_1206] {strides = array<i32>} : memref<128x128xf32, #tpu.memory_space<vmem>>, vector<16xf32>,
      %mul3A_1208 = vector.broadcast %squeeze3A_1134 : f32 to vector<16xf32>
      %mul3A_1209 = arith.mulf %mul3A_1208, %get3A_1207 : vector<16xf32>
      %mul3A_1210 = arith.mulf %mul3A_1209, %get3A_1207 : vector<16xf32>
      %add3A_1211 = arith.addf %add3A_1045, %mul3A_1210 : vector<16xf32>
      %add3A_1212 = arith.addf %add3A_1046, %mul3A_1209 : vector<16xf32>
      %mul3A_1213 = vector.broadcast %squeeze3A_1136 : f32 to vector<16xf32>
      %mul3A_1214 = arith.mulf %mul3A_1213, %get3A_1207 : vector<16xf32>
      %add3A_1215 = arith.addf %add3A_1049, %mul3A_1214 : vector<16xf32>
      %mul3A_1216 = vector.broadcast %squeeze3A_1138 : f32 to vector<16xf32>
      %mul3A_1217 = arith.mulf %mul3A_1216, %get3A_1207 : vector<16xf32>
      %add3A_1218 = arith.addf %add3A_1052, %mul3A_1217 : vector<16xf32>
      %add3A_1219 = arith.constant 4 : i32
      %add3A_1220 = arith.addi %mul3A_460, %add3A_1219 : i32
      %get3A_1221 = arith.constant 0 : i32
      %get3A_1222 = arith.constant 0 : i32
      %get3A_1223 = tpu.memref_slice %arg7[%scan3A, %get3A_1221, %get3A_1222] : memref<2x128x128xf32, #tpu.memory_space<vmem>> -> memref<1x128x128xf32, #tpu.memory_space<vmem>>
      %get3A_1224 = tpu.memref_squeeze %get3A_1223 : memref<1x128x128xf32, #tpu.memory_space<vmem>> -> memref<128x128xf32, #tpu.memory_space<vmem>>
      %get3A_1225 = arith.index_cast %add3A_1220 : i32 to index
      %get3A_1226 = arith.constant 64 : index
      %get3A_1227 = tpu.vector_load %get3A_1224[%get3A_1225, %get3A_1226] {strides = array<i32>} : memref<128x128xf32, #tpu.memory_space<vmem>>, vector<16xf32>,
      %mul3A_1228 = vector.broadcast %squeeze3A_1134 : f32 to vector<16xf32>
      %mul3A_1229 = arith.mulf %mul3A_1228, %get3A_1227 : vector<16xf32>
      %mul3A_1230 = arith.mulf %mul3A_1229, %get3A_1227 : vector<16xf32>
      %add3A_1231 = arith.addf %add3A_1065, %mul3A_1230 : vector<16xf32>
      %add3A_1232 = arith.addf %add3A_1066, %mul3A_1229 : vector<16xf32>
      %mul3A_1233 = vector.broadcast %squeeze3A_1136 : f32 to vector<16xf32>
      %mul3A_1234 = arith.mulf %mul3A_1233, %get3A_1227 : vector<16xf32>
      %add3A_1235 = arith.addf %add3A_1069, %mul3A_1234 : vector<16xf32>
      %mul3A_1236 = vector.broadcast %squeeze3A_1138 : f32 to vector<16xf32>
      %mul3A_1237 = arith.mulf %mul3A_1236, %get3A_1227 : vector<16xf32>
      %add3A_1238 = arith.addf %add3A_1072, %mul3A_1237 : vector<16xf32>
      %add3A_1239 = arith.constant 4 : i32
      %add3A_1240 = arith.addi %mul3A_460, %add3A_1239 : i32
      %get3A_1241 = arith.constant 0 : i32
      %get3A_1242 = arith.constant 0 : i32
      %get3A_1243 = tpu.memref_slice %arg7[%scan3A, %get3A_1241, %get3A_1242] : memref<2x128x128xf32, #tpu.memory_space<vmem>> -> memref<1x128x128xf32, #tpu.memory_space<vmem>>
      %get3A_1244 = tpu.memref_squeeze %get3A_1243 : memref<1x128x128xf32, #tpu.memory_space<vmem>> -> memref<128x128xf32, #tpu.memory_space<vmem>>
      %get3A_1245 = arith.index_cast %add3A_1240 : i32 to index
      %get3A_1246 = arith.constant 80 : index
      %get3A_1247 = tpu.vector_load %get3A_1244[%get3A_1245, %get3A_1246] {strides = array<i32>} : memref<128x128xf32, #tpu.memory_space<vmem>>, vector<16xf32>,
      %mul3A_1248 = vector.broadcast %squeeze3A_1134 : f32 to vector<16xf32>
      %mul3A_1249 = arith.mulf %mul3A_1248, %get3A_1247 : vector<16xf32>
      %mul3A_1250 = arith.mulf %mul3A_1249, %get3A_1247 : vector<16xf32>
      %add3A_1251 = arith.addf %add3A_1085, %mul3A_1250 : vector<16xf32>
      %add3A_1252 = arith.addf %add3A_1086, %mul3A_1249 : vector<16xf32>
      %mul3A_1253 = vector.broadcast %squeeze3A_1136 : f32 to vector<16xf32>
      %mul3A_1254 = arith.mulf %mul3A_1253, %get3A_1247 : vector<16xf32>
      %add3A_1255 = arith.addf %add3A_1089, %mul3A_1254 : vector<16xf32>
      %mul3A_1256 = vector.broadcast %squeeze3A_1138 : f32 to vector<16xf32>
      %mul3A_1257 = arith.mulf %mul3A_1256, %get3A_1247 : vector<16xf32>
      %add3A_1258 = arith.addf %add3A_1092, %mul3A_1257 : vector<16xf32>
      %add3A_1259 = arith.constant 4 : i32
      %add3A_1260 = arith.addi %mul3A_460, %add3A_1259 : i32
      %get3A_1261 = arith.constant 0 : i32
      %get3A_1262 = arith.constant 0 : i32
      %get3A_1263 = tpu.memref_slice %arg7[%scan3A, %get3A_1261, %get3A_1262] : memref<2x128x128xf32, #tpu.memory_space<vmem>> -> memref<1x128x128xf32, #tpu.memory_space<vmem>>
      %get3A_1264 = tpu.memref_squeeze %get3A_1263 : memref<1x128x128xf32, #tpu.memory_space<vmem>> -> memref<128x128xf32, #tpu.memory_space<vmem>>
      %get3A_1265 = arith.index_cast %add3A_1260 : i32 to index
      %get3A_1266 = arith.constant 96 : index
      %get3A_1267 = tpu.vector_load %get3A_1264[%get3A_1265, %get3A_1266] {strides = array<i32>} : memref<128x128xf32, #tpu.memory_space<vmem>>, vector<16xf32>,
      %mul3A_1268 = vector.broadcast %squeeze3A_1134 : f32 to vector<16xf32>
      %mul3A_1269 = arith.mulf %mul3A_1268, %get3A_1267 : vector<16xf32>
      %mul3A_1270 = arith.mulf %mul3A_1269, %get3A_1267 : vector<16xf32>
      %add3A_1271 = arith.addf %add3A_1105, %mul3A_1270 : vector<16xf32>
      %add3A_1272 = arith.addf %add3A_1106, %mul3A_1269 : vector<16xf32>
      %mul3A_1273 = vector.broadcast %squeeze3A_1136 : f32 to vector<16xf32>
      %mul3A_1274 = arith.mulf %mul3A_1273, %get3A_1267 : vector<16xf32>
      %add3A_1275 = arith.addf %add3A_1109, %mul3A_1274 : vector<16xf32>
      %mul3A_1276 = vector.broadcast %squeeze3A_1138 : f32 to vector<16xf32>
      %mul3A_1277 = arith.mulf %mul3A_1276, %get3A_1267 : vector<16xf32>
      %add3A_1278 = arith.addf %add3A_1112, %mul3A_1277 : vector<16xf32>
      %add3A_1279 = arith.constant 4 : i32
      %add3A_1280 = arith.addi %mul3A_460, %add3A_1279 : i32
      %get3A_1281 = arith.constant 0 : i32
      %get3A_1282 = arith.constant 0 : i32
      %get3A_1283 = tpu.memref_slice %arg7[%scan3A, %get3A_1281, %get3A_1282] : memref<2x128x128xf32, #tpu.memory_space<vmem>> -> memref<1x128x128xf32, #tpu.memory_space<vmem>>
      %get3A_1284 = tpu.memref_squeeze %get3A_1283 : memref<1x128x128xf32, #tpu.memory_space<vmem>> -> memref<128x128xf32, #tpu.memory_space<vmem>>
      %get3A_1285 = arith.index_cast %add3A_1280 : i32 to index
      %get3A_1286 = arith.constant 112 : index
      %get3A_1287 = tpu.vector_load %get3A_1284[%get3A_1285, %get3A_1286] {strides = array<i32>} : memref<128x128xf32, #tpu.memory_space<vmem>>, vector<16xf32>,
      %mul3A_1288 = vector.broadcast %squeeze3A_1134 : f32 to vector<16xf32>
      %mul3A_1289 = arith.mulf %mul3A_1288, %get3A_1287 : vector<16xf32>
      %mul3A_1290 = arith.mulf %mul3A_1289, %get3A_1287 : vector<16xf32>
      %add3A_1291 = arith.addf %add3A_1125, %mul3A_1290 : vector<16xf32>
      %add3A_1292 = arith.addf %add3A_1126, %mul3A_1289 : vector<16xf32>
      %mul3A_1293 = vector.broadcast %squeeze3A_1136 : f32 to vector<16xf32>
      %mul3A_1294 = arith.mulf %mul3A_1293, %get3A_1287 : vector<16xf32>
      %add3A_1295 = arith.addf %add3A_1129, %mul3A_1294 : vector<16xf32>
      %mul3A_1296 = vector.broadcast %squeeze3A_1138 : f32 to vector<16xf32>
      %mul3A_1297 = arith.mulf %mul3A_1296, %get3A_1287 : vector<16xf32>
      %add3A_1298 = arith.addf %add3A_1132, %mul3A_1297 : vector<16xf32>
      %slice3A_1299 = vector.extract_strided_slice %get3A_464 {offsets = [5], sizes = [1], strides = [1]} : vector<16xf32> to vector<1xf32>
      %squeeze3A_1300 = vector.extract %slice3A_1299[0] : f32 from vector<1xf32>
      %slice3A_1301 = vector.extract_strided_slice %mul3A_469 {offsets = [5], sizes = [1], strides = [1]} : vector<16xf32> to vector<1xf32>
      %squeeze3A_1302 = vector.extract %slice3A_1301[0] : f32 from vector<1xf32>
      %slice3A_1303 = vector.extract_strided_slice %mul3A_470 {offsets = [5], sizes = [1], strides = [1]} : vector<16xf32> to vector<1xf32>
      %squeeze3A_1304 = vector.extract %slice3A_1303[0] : f32 from vector<1xf32>
      %add3A_1305 = arith.constant 5 : i32
      %add3A_1306 = arith.addi %mul3A_460, %add3A_1305 : i32
      %get3A_1307 = arith.constant 0 : i32
      %get3A_1308 = arith.constant 0 : i32
      %get3A_1309 = tpu.memref_slice %arg7[%scan3A, %get3A_1307, %get3A_1308] : memref<2x128x128xf32, #tpu.memory_space<vmem>> -> memref<1x128x128xf32, #tpu.memory_space<vmem>>
      %get3A_1310 = tpu.memref_squeeze %get3A_1309 : memref<1x128x128xf32, #tpu.memory_space<vmem>> -> memref<128x128xf32, #tpu.memory_space<vmem>>
      %get3A_1311 = arith.index_cast %add3A_1306 : i32 to index
      %get3A_1312 = arith.constant 0 : index
      %get3A_1313 = tpu.vector_load %get3A_1310[%get3A_1311, %get3A_1312] {strides = array<i32>} : memref<128x128xf32, #tpu.memory_space<vmem>>, vector<16xf32>,
      %mul3A_1314 = vector.broadcast %squeeze3A_1300 : f32 to vector<16xf32>
      %mul3A_1315 = arith.mulf %mul3A_1314, %get3A_1313 : vector<16xf32>
      %mul3A_1316 = arith.mulf %mul3A_1315, %get3A_1313 : vector<16xf32>
      %add3A_1317 = arith.addf %add3A_1151, %mul3A_1316 : vector<16xf32>
      %add3A_1318 = arith.addf %add3A_1152, %mul3A_1315 : vector<16xf32>
      %mul3A_1319 = vector.broadcast %squeeze3A_1302 : f32 to vector<16xf32>
      %mul3A_1320 = arith.mulf %mul3A_1319, %get3A_1313 : vector<16xf32>
      %add3A_1321 = arith.addf %add3A_1155, %mul3A_1320 : vector<16xf32>
      %mul3A_1322 = vector.broadcast %squeeze3A_1304 : f32 to vector<16xf32>
      %mul3A_1323 = arith.mulf %mul3A_1322, %get3A_1313 : vector<16xf32>
      %add3A_1324 = arith.addf %add3A_1158, %mul3A_1323 : vector<16xf32>
      %add3A_1325 = arith.constant 5 : i32
      %add3A_1326 = arith.addi %mul3A_460, %add3A_1325 : i32
      %get3A_1327 = arith.constant 0 : i32
      %get3A_1328 = arith.constant 0 : i32
      %get3A_1329 = tpu.memref_slice %arg7[%scan3A, %get3A_1327, %get3A_1328] : memref<2x128x128xf32, #tpu.memory_space<vmem>> -> memref<1x128x128xf32, #tpu.memory_space<vmem>>
      %get3A_1330 = tpu.memref_squeeze %get3A_1329 : memref<1x128x128xf32, #tpu.memory_space<vmem>> -> memref<128x128xf32, #tpu.memory_space<vmem>>
      %get3A_1331 = arith.index_cast %add3A_1326 : i32 to index
      %get3A_1332 = arith.constant 16 : index
      %get3A_1333 = tpu.vector_load %get3A_1330[%get3A_1331, %get3A_1332] {strides = array<i32>} : memref<128x128xf32, #tpu.memory_space<vmem>>, vector<16xf32>,
      %mul3A_1334 = vector.broadcast %squeeze3A_1300 : f32 to vector<16xf32>
      %mul3A_1335 = arith.mulf %mul3A_1334, %get3A_1333 : vector<16xf32>
      %mul3A_1336 = arith.mulf %mul3A_1335, %get3A_1333 : vector<16xf32>
      %add3A_1337 = arith.addf %add3A_1171, %mul3A_1336 : vector<16xf32>
      %add3A_1338 = arith.addf %add3A_1172, %mul3A_1335 : vector<16xf32>
      %mul3A_1339 = vector.broadcast %squeeze3A_1302 : f32 to vector<16xf32>
      %mul3A_1340 = arith.mulf %mul3A_1339, %get3A_1333 : vector<16xf32>
      %add3A_1341 = arith.addf %add3A_1175, %mul3A_1340 : vector<16xf32>
      %mul3A_1342 = vector.broadcast %squeeze3A_1304 : f32 to vector<16xf32>
      %mul3A_1343 = arith.mulf %mul3A_1342, %get3A_1333 : vector<16xf32>
      %add3A_1344 = arith.addf %add3A_1178, %mul3A_1343 : vector<16xf32>
      %add3A_1345 = arith.constant 5 : i32
      %add3A_1346 = arith.addi %mul3A_460, %add3A_1345 : i32
      %get3A_1347 = arith.constant 0 : i32
      %get3A_1348 = arith.constant 0 : i32
      %get3A_1349 = tpu.memref_slice %arg7[%scan3A, %get3A_1347, %get3A_1348] : memref<2x128x128xf32, #tpu.memory_space<vmem>> -> memref<1x128x128xf32, #tpu.memory_space<vmem>>
      %get3A_1350 = tpu.memref_squeeze %get3A_1349 : memref<1x128x128xf32, #tpu.memory_space<vmem>> -> memref<128x128xf32, #tpu.memory_space<vmem>>
      %get3A_1351 = arith.index_cast %add3A_1346 : i32 to index
      %get3A_1352 = arith.constant 32 : index
      %get3A_1353 = tpu.vector_load %get3A_1350[%get3A_1351, %get3A_1352] {strides = array<i32>} : memref<128x128xf32, #tpu.memory_space<vmem>>, vector<16xf32>,
      %mul3A_1354 = vector.broadcast %squeeze3A_1300 : f32 to vector<16xf32>
      %mul3A_1355 = arith.mulf %mul3A_1354, %get3A_1353 : vector<16xf32>
      %mul3A_1356 = arith.mulf %mul3A_1355, %get3A_1353 : vector<16xf32>
      %add3A_1357 = arith.addf %add3A_1191, %mul3A_1356 : vector<16xf32>
      %add3A_1358 = arith.addf %add3A_1192, %mul3A_1355 : vector<16xf32>
      %mul3A_1359 = vector.broadcast %squeeze3A_1302 : f32 to vector<16xf32>
      %mul3A_1360 = arith.mulf %mul3A_1359, %get3A_1353 : vector<16xf32>
      %add3A_1361 = arith.addf %add3A_1195, %mul3A_1360 : vector<16xf32>
      %mul3A_1362 = vector.broadcast %squeeze3A_1304 : f32 to vector<16xf32>
      %mul3A_1363 = arith.mulf %mul3A_1362, %get3A_1353 : vector<16xf32>
      %add3A_1364 = arith.addf %add3A_1198, %mul3A_1363 : vector<16xf32>
      %add3A_1365 = arith.constant 5 : i32
      %add3A_1366 = arith.addi %mul3A_460, %add3A_1365 : i32
      %get3A_1367 = arith.constant 0 : i32
      %get3A_1368 = arith.constant 0 : i32
      %get3A_1369 = tpu.memref_slice %arg7[%scan3A, %get3A_1367, %get3A_1368] : memref<2x128x128xf32, #tpu.memory_space<vmem>> -> memref<1x128x128xf32, #tpu.memory_space<vmem>>
      %get3A_1370 = tpu.memref_squeeze %get3A_1369 : memref<1x128x128xf32, #tpu.memory_space<vmem>> -> memref<128x128xf32, #tpu.memory_space<vmem>>
      %get3A_1371 = arith.index_cast %add3A_1366 : i32 to index
      %get3A_1372 = arith.constant 48 : index
      %get3A_1373 = tpu.vector_load %get3A_1370[%get3A_1371, %get3A_1372] {strides = array<i32>} : memref<128x128xf32, #tpu.memory_space<vmem>>, vector<16xf32>,
      %mul3A_1374 = vector.broadcast %squeeze3A_1300 : f32 to vector<16xf32>
      %mul3A_1375 = arith.mulf %mul3A_1374, %get3A_1373 : vector<16xf32>
      %mul3A_1376 = arith.mulf %mul3A_1375, %get3A_1373 : vector<16xf32>
      %add3A_1377 = arith.addf %add3A_1211, %mul3A_1376 : vector<16xf32>
      %add3A_1378 = arith.addf %add3A_1212, %mul3A_1375 : vector<16xf32>
      %mul3A_1379 = vector.broadcast %squeeze3A_1302 : f32 to vector<16xf32>
      %mul3A_1380 = arith.mulf %mul3A_1379, %get3A_1373 : vector<16xf32>
      %add3A_1381 = arith.addf %add3A_1215, %mul3A_1380 : vector<16xf32>
      %mul3A_1382 = vector.broadcast %squeeze3A_1304 : f32 to vector<16xf32>
      %mul3A_1383 = arith.mulf %mul3A_1382, %get3A_1373 : vector<16xf32>
      %add3A_1384 = arith.addf %add3A_1218, %mul3A_1383 : vector<16xf32>
      %add3A_1385 = arith.constant 5 : i32
      %add3A_1386 = arith.addi %mul3A_460, %add3A_1385 : i32
      %get3A_1387 = arith.constant 0 : i32
      %get3A_1388 = arith.constant 0 : i32
      %get3A_1389 = tpu.memref_slice %arg7[%scan3A, %get3A_1387, %get3A_1388] : memref<2x128x128xf32, #tpu.memory_space<vmem>> -> memref<1x128x128xf32, #tpu.memory_space<vmem>>
      %get3A_1390 = tpu.memref_squeeze %get3A_1389 : memref<1x128x128xf32, #tpu.memory_space<vmem>> -> memref<128x128xf32, #tpu.memory_space<vmem>>
      %get3A_1391 = arith.index_cast %add3A_1386 : i32 to index
      %get3A_1392 = arith.constant 64 : index
      %get3A_1393 = tpu.vector_load %get3A_1390[%get3A_1391, %get3A_1392] {strides = array<i32>} : memref<128x128xf32, #tpu.memory_space<vmem>>, vector<16xf32>,
      %mul3A_1394 = vector.broadcast %squeeze3A_1300 : f32 to vector<16xf32>
      %mul3A_1395 = arith.mulf %mul3A_1394, %get3A_1393 : vector<16xf32>
      %mul3A_1396 = arith.mulf %mul3A_1395, %get3A_1393 : vector<16xf32>
      %add3A_1397 = arith.addf %add3A_1231, %mul3A_1396 : vector<16xf32>
      %add3A_1398 = arith.addf %add3A_1232, %mul3A_1395 : vector<16xf32>
      %mul3A_1399 = vector.broadcast %squeeze3A_1302 : f32 to vector<16xf32>
      %mul3A_1400 = arith.mulf %mul3A_1399, %get3A_1393 : vector<16xf32>
      %add3A_1401 = arith.addf %add3A_1235, %mul3A_1400 : vector<16xf32>
      %mul3A_1402 = vector.broadcast %squeeze3A_1304 : f32 to vector<16xf32>
      %mul3A_1403 = arith.mulf %mul3A_1402, %get3A_1393 : vector<16xf32>
      %add3A_1404 = arith.addf %add3A_1238, %mul3A_1403 : vector<16xf32>
      %add3A_1405 = arith.constant 5 : i32
      %add3A_1406 = arith.addi %mul3A_460, %add3A_1405 : i32
      %get3A_1407 = arith.constant 0 : i32
      %get3A_1408 = arith.constant 0 : i32
      %get3A_1409 = tpu.memref_slice %arg7[%scan3A, %get3A_1407, %get3A_1408] : memref<2x128x128xf32, #tpu.memory_space<vmem>> -> memref<1x128x128xf32, #tpu.memory_space<vmem>>
      %get3A_1410 = tpu.memref_squeeze %get3A_1409 : memref<1x128x128xf32, #tpu.memory_space<vmem>> -> memref<128x128xf32, #tpu.memory_space<vmem>>
      %get3A_1411 = arith.index_cast %add3A_1406 : i32 to index
      %get3A_1412 = arith.constant 80 : index
      %get3A_1413 = tpu.vector_load %get3A_1410[%get3A_1411, %get3A_1412] {strides = array<i32>} : memref<128x128xf32, #tpu.memory_space<vmem>>, vector<16xf32>,
      %mul3A_1414 = vector.broadcast %squeeze3A_1300 : f32 to vector<16xf32>
      %mul3A_1415 = arith.mulf %mul3A_1414, %get3A_1413 : vector<16xf32>
      %mul3A_1416 = arith.mulf %mul3A_1415, %get3A_1413 : vector<16xf32>
      %add3A_1417 = arith.addf %add3A_1251, %mul3A_1416 : vector<16xf32>
      %add3A_1418 = arith.addf %add3A_1252, %mul3A_1415 : vector<16xf32>
      %mul3A_1419 = vector.broadcast %squeeze3A_1302 : f32 to vector<16xf32>
      %mul3A_1420 = arith.mulf %mul3A_1419, %get3A_1413 : vector<16xf32>
      %add3A_1421 = arith.addf %add3A_1255, %mul3A_1420 : vector<16xf32>
      %mul3A_1422 = vector.broadcast %squeeze3A_1304 : f32 to vector<16xf32>
      %mul3A_1423 = arith.mulf %mul3A_1422, %get3A_1413 : vector<16xf32>
      %add3A_1424 = arith.addf %add3A_1258, %mul3A_1423 : vector<16xf32>
      %add3A_1425 = arith.constant 5 : i32
      %add3A_1426 = arith.addi %mul3A_460, %add3A_1425 : i32
      %get3A_1427 = arith.constant 0 : i32
      %get3A_1428 = arith.constant 0 : i32
      %get3A_1429 = tpu.memref_slice %arg7[%scan3A, %get3A_1427, %get3A_1428] : memref<2x128x128xf32, #tpu.memory_space<vmem>> -> memref<1x128x128xf32, #tpu.memory_space<vmem>>
      %get3A_1430 = tpu.memref_squeeze %get3A_1429 : memref<1x128x128xf32, #tpu.memory_space<vmem>> -> memref<128x128xf32, #tpu.memory_space<vmem>>
      %get3A_1431 = arith.index_cast %add3A_1426 : i32 to index
      %get3A_1432 = arith.constant 96 : index
      %get3A_1433 = tpu.vector_load %get3A_1430[%get3A_1431, %get3A_1432] {strides = array<i32>} : memref<128x128xf32, #tpu.memory_space<vmem>>, vector<16xf32>,
      %mul3A_1434 = vector.broadcast %squeeze3A_1300 : f32 to vector<16xf32>
      %mul3A_1435 = arith.mulf %mul3A_1434, %get3A_1433 : vector<16xf32>
      %mul3A_1436 = arith.mulf %mul3A_1435, %get3A_1433 : vector<16xf32>
      %add3A_1437 = arith.addf %add3A_1271, %mul3A_1436 : vector<16xf32>
      %add3A_1438 = arith.addf %add3A_1272, %mul3A_1435 : vector<16xf32>
      %mul3A_1439 = vector.broadcast %squeeze3A_1302 : f32 to vector<16xf32>
      %mul3A_1440 = arith.mulf %mul3A_1439, %get3A_1433 : vector<16xf32>
      %add3A_1441 = arith.addf %add3A_1275, %mul3A_1440 : vector<16xf32>
      %mul3A_1442 = vector.broadcast %squeeze3A_1304 : f32 to vector<16xf32>
      %mul3A_1443 = arith.mulf %mul3A_1442, %get3A_1433 : vector<16xf32>
      %add3A_1444 = arith.addf %add3A_1278, %mul3A_1443 : vector<16xf32>
      %add3A_1445 = arith.constant 5 : i32
      %add3A_1446 = arith.addi %mul3A_460, %add3A_1445 : i32
      %get3A_1447 = arith.constant 0 : i32
      %get3A_1448 = arith.constant 0 : i32
      %get3A_1449 = tpu.memref_slice %arg7[%scan3A, %get3A_1447, %get3A_1448] : memref<2x128x128xf32, #tpu.memory_space<vmem>> -> memref<1x128x128xf32, #tpu.memory_space<vmem>>
      %get3A_1450 = tpu.memref_squeeze %get3A_1449 : memref<1x128x128xf32, #tpu.memory_space<vmem>> -> memref<128x128xf32, #tpu.memory_space<vmem>>
      %get3A_1451 = arith.index_cast %add3A_1446 : i32 to index
      %get3A_1452 = arith.constant 112 : index
      %get3A_1453 = tpu.vector_load %get3A_1450[%get3A_1451, %get3A_1452] {strides = array<i32>} : memref<128x128xf32, #tpu.memory_space<vmem>>, vector<16xf32>,
      %mul3A_1454 = vector.broadcast %squeeze3A_1300 : f32 to vector<16xf32>
      %mul3A_1455 = arith.mulf %mul3A_1454, %get3A_1453 : vector<16xf32>
      %mul3A_1456 = arith.mulf %mul3A_1455, %get3A_1453 : vector<16xf32>
      %add3A_1457 = arith.addf %add3A_1291, %mul3A_1456 : vector<16xf32>
      %add3A_1458 = arith.addf %add3A_1292, %mul3A_1455 : vector<16xf32>
      %mul3A_1459 = vector.broadcast %squeeze3A_1302 : f32 to vector<16xf32>
      %mul3A_1460 = arith.mulf %mul3A_1459, %get3A_1453 : vector<16xf32>
      %add3A_1461 = arith.addf %add3A_1295, %mul3A_1460 : vector<16xf32>
      %mul3A_1462 = vector.broadcast %squeeze3A_1304 : f32 to vector<16xf32>
      %mul3A_1463 = arith.mulf %mul3A_1462, %get3A_1453 : vector<16xf32>
      %add3A_1464 = arith.addf %add3A_1298, %mul3A_1463 : vector<16xf32>
      %slice3A_1465 = vector.extract_strided_slice %get3A_464 {offsets = [6], sizes = [1], strides = [1]} : vector<16xf32> to vector<1xf32>
      %squeeze3A_1466 = vector.extract %slice3A_1465[0] : f32 from vector<1xf32>
      %slice3A_1467 = vector.extract_strided_slice %mul3A_469 {offsets = [6], sizes = [1], strides = [1]} : vector<16xf32> to vector<1xf32>
      %squeeze3A_1468 = vector.extract %slice3A_1467[0] : f32 from vector<1xf32>
      %slice3A_1469 = vector.extract_strided_slice %mul3A_470 {offsets = [6], sizes = [1], strides = [1]} : vector<16xf32> to vector<1xf32>
      %squeeze3A_1470 = vector.extract %slice3A_1469[0] : f32 from vector<1xf32>
      %add3A_1471 = arith.constant 6 : i32
      %add3A_1472 = arith.addi %mul3A_460, %add3A_1471 : i32
      %get3A_1473 = arith.constant 0 : i32
      %get3A_1474 = arith.constant 0 : i32
      %get3A_1475 = tpu.memref_slice %arg7[%scan3A, %get3A_1473, %get3A_1474] : memref<2x128x128xf32, #tpu.memory_space<vmem>> -> memref<1x128x128xf32, #tpu.memory_space<vmem>>
      %get3A_1476 = tpu.memref_squeeze %get3A_1475 : memref<1x128x128xf32, #tpu.memory_space<vmem>> -> memref<128x128xf32, #tpu.memory_space<vmem>>
      %get3A_1477 = arith.index_cast %add3A_1472 : i32 to index
      %get3A_1478 = arith.constant 0 : index
      %get3A_1479 = tpu.vector_load %get3A_1476[%get3A_1477, %get3A_1478] {strides = array<i32>} : memref<128x128xf32, #tpu.memory_space<vmem>>, vector<16xf32>,
      %mul3A_1480 = vector.broadcast %squeeze3A_1466 : f32 to vector<16xf32>
      %mul3A_1481 = arith.mulf %mul3A_1480, %get3A_1479 : vector<16xf32>
      %mul3A_1482 = arith.mulf %mul3A_1481, %get3A_1479 : vector<16xf32>
      %add3A_1483 = arith.addf %add3A_1317, %mul3A_1482 : vector<16xf32>
      %add3A_1484 = arith.addf %add3A_1318, %mul3A_1481 : vector<16xf32>
      %mul3A_1485 = vector.broadcast %squeeze3A_1468 : f32 to vector<16xf32>
      %mul3A_1486 = arith.mulf %mul3A_1485, %get3A_1479 : vector<16xf32>
      %add3A_1487 = arith.addf %add3A_1321, %mul3A_1486 : vector<16xf32>
      %mul3A_1488 = vector.broadcast %squeeze3A_1470 : f32 to vector<16xf32>
      %mul3A_1489 = arith.mulf %mul3A_1488, %get3A_1479 : vector<16xf32>
      %add3A_1490 = arith.addf %add3A_1324, %mul3A_1489 : vector<16xf32>
      %add3A_1491 = arith.constant 6 : i32
      %add3A_1492 = arith.addi %mul3A_460, %add3A_1491 : i32
      %get3A_1493 = arith.constant 0 : i32
      %get3A_1494 = arith.constant 0 : i32
      %get3A_1495 = tpu.memref_slice %arg7[%scan3A, %get3A_1493, %get3A_1494] : memref<2x128x128xf32, #tpu.memory_space<vmem>> -> memref<1x128x128xf32, #tpu.memory_space<vmem>>
      %get3A_1496 = tpu.memref_squeeze %get3A_1495 : memref<1x128x128xf32, #tpu.memory_space<vmem>> -> memref<128x128xf32, #tpu.memory_space<vmem>>
      %get3A_1497 = arith.index_cast %add3A_1492 : i32 to index
      %get3A_1498 = arith.constant 16 : index
      %get3A_1499 = tpu.vector_load %get3A_1496[%get3A_1497, %get3A_1498] {strides = array<i32>} : memref<128x128xf32, #tpu.memory_space<vmem>>, vector<16xf32>,
      %mul3A_1500 = vector.broadcast %squeeze3A_1466 : f32 to vector<16xf32>
      %mul3A_1501 = arith.mulf %mul3A_1500, %get3A_1499 : vector<16xf32>
      %mul3A_1502 = arith.mulf %mul3A_1501, %get3A_1499 : vector<16xf32>
      %add3A_1503 = arith.addf %add3A_1337, %mul3A_1502 : vector<16xf32>
      %add3A_1504 = arith.addf %add3A_1338, %mul3A_1501 : vector<16xf32>
      %mul3A_1505 = vector.broadcast %squeeze3A_1468 : f32 to vector<16xf32>
      %mul3A_1506 = arith.mulf %mul3A_1505, %get3A_1499 : vector<16xf32>
      %add3A_1507 = arith.addf %add3A_1341, %mul3A_1506 : vector<16xf32>
      %mul3A_1508 = vector.broadcast %squeeze3A_1470 : f32 to vector<16xf32>
      %mul3A_1509 = arith.mulf %mul3A_1508, %get3A_1499 : vector<16xf32>
      %add3A_1510 = arith.addf %add3A_1344, %mul3A_1509 : vector<16xf32>
      %add3A_1511 = arith.constant 6 : i32
      %add3A_1512 = arith.addi %mul3A_460, %add3A_1511 : i32
      %get3A_1513 = arith.constant 0 : i32
      %get3A_1514 = arith.constant 0 : i32
      %get3A_1515 = tpu.memref_slice %arg7[%scan3A, %get3A_1513, %get3A_1514] : memref<2x128x128xf32, #tpu.memory_space<vmem>> -> memref<1x128x128xf32, #tpu.memory_space<vmem>>
      %get3A_1516 = tpu.memref_squeeze %get3A_1515 : memref<1x128x128xf32, #tpu.memory_space<vmem>> -> memref<128x128xf32, #tpu.memory_space<vmem>>
      %get3A_1517 = arith.index_cast %add3A_1512 : i32 to index
      %get3A_1518 = arith.constant 32 : index
      %get3A_1519 = tpu.vector_load %get3A_1516[%get3A_1517, %get3A_1518] {strides = array<i32>} : memref<128x128xf32, #tpu.memory_space<vmem>>, vector<16xf32>,
      %mul3A_1520 = vector.broadcast %squeeze3A_1466 : f32 to vector<16xf32>
      %mul3A_1521 = arith.mulf %mul3A_1520, %get3A_1519 : vector<16xf32>
      %mul3A_1522 = arith.mulf %mul3A_1521, %get3A_1519 : vector<16xf32>
      %add3A_1523 = arith.addf %add3A_1357, %mul3A_1522 : vector<16xf32>
      %add3A_1524 = arith.addf %add3A_1358, %mul3A_1521 : vector<16xf32>
      %mul3A_1525 = vector.broadcast %squeeze3A_1468 : f32 to vector<16xf32>
      %mul3A_1526 = arith.mulf %mul3A_1525, %get3A_1519 : vector<16xf32>
      %add3A_1527 = arith.addf %add3A_1361, %mul3A_1526 : vector<16xf32>
      %mul3A_1528 = vector.broadcast %squeeze3A_1470 : f32 to vector<16xf32>
      %mul3A_1529 = arith.mulf %mul3A_1528, %get3A_1519 : vector<16xf32>
      %add3A_1530 = arith.addf %add3A_1364, %mul3A_1529 : vector<16xf32>
      %add3A_1531 = arith.constant 6 : i32
      %add3A_1532 = arith.addi %mul3A_460, %add3A_1531 : i32
      %get3A_1533 = arith.constant 0 : i32
      %get3A_1534 = arith.constant 0 : i32
      %get3A_1535 = tpu.memref_slice %arg7[%scan3A, %get3A_1533, %get3A_1534] : memref<2x128x128xf32, #tpu.memory_space<vmem>> -> memref<1x128x128xf32, #tpu.memory_space<vmem>>
      %get3A_1536 = tpu.memref_squeeze %get3A_1535 : memref<1x128x128xf32, #tpu.memory_space<vmem>> -> memref<128x128xf32, #tpu.memory_space<vmem>>
      %get3A_1537 = arith.index_cast %add3A_1532 : i32 to index
      %get3A_1538 = arith.constant 48 : index
      %get3A_1539 = tpu.vector_load %get3A_1536[%get3A_1537, %get3A_1538] {strides = array<i32>} : memref<128x128xf32, #tpu.memory_space<vmem>>, vector<16xf32>,
      %mul3A_1540 = vector.broadcast %squeeze3A_1466 : f32 to vector<16xf32>
      %mul3A_1541 = arith.mulf %mul3A_1540, %get3A_1539 : vector<16xf32>
      %mul3A_1542 = arith.mulf %mul3A_1541, %get3A_1539 : vector<16xf32>
      %add3A_1543 = arith.addf %add3A_1377, %mul3A_1542 : vector<16xf32>
      %add3A_1544 = arith.addf %add3A_1378, %mul3A_1541 : vector<16xf32>
      %mul3A_1545 = vector.broadcast %squeeze3A_1468 : f32 to vector<16xf32>
      %mul3A_1546 = arith.mulf %mul3A_1545, %get3A_1539 : vector<16xf32>
      %add3A_1547 = arith.addf %add3A_1381, %mul3A_1546 : vector<16xf32>
      %mul3A_1548 = vector.broadcast %squeeze3A_1470 : f32 to vector<16xf32>
      %mul3A_1549 = arith.mulf %mul3A_1548, %get3A_1539 : vector<16xf32>
      %add3A_1550 = arith.addf %add3A_1384, %mul3A_1549 : vector<16xf32>
      %add3A_1551 = arith.constant 6 : i32
      %add3A_1552 = arith.addi %mul3A_460, %add3A_1551 : i32
      %get3A_1553 = arith.constant 0 : i32
      %get3A_1554 = arith.constant 0 : i32
      %get3A_1555 = tpu.memref_slice %arg7[%scan3A, %get3A_1553, %get3A_1554] : memref<2x128x128xf32, #tpu.memory_space<vmem>> -> memref<1x128x128xf32, #tpu.memory_space<vmem>>
      %get3A_1556 = tpu.memref_squeeze %get3A_1555 : memref<1x128x128xf32, #tpu.memory_space<vmem>> -> memref<128x128xf32, #tpu.memory_space<vmem>>
      %get3A_1557 = arith.index_cast %add3A_1552 : i32 to index
      %get3A_1558 = arith.constant 64 : index
      %get3A_1559 = tpu.vector_load %get3A_1556[%get3A_1557, %get3A_1558] {strides = array<i32>} : memref<128x128xf32, #tpu.memory_space<vmem>>, vector<16xf32>,
      %mul3A_1560 = vector.broadcast %squeeze3A_1466 : f32 to vector<16xf32>
      %mul3A_1561 = arith.mulf %mul3A_1560, %get3A_1559 : vector<16xf32>
      %mul3A_1562 = arith.mulf %mul3A_1561, %get3A_1559 : vector<16xf32>
      %add3A_1563 = arith.addf %add3A_1397, %mul3A_1562 : vector<16xf32>
      %add3A_1564 = arith.addf %add3A_1398, %mul3A_1561 : vector<16xf32>
      %mul3A_1565 = vector.broadcast %squeeze3A_1468 : f32 to vector<16xf32>
      %mul3A_1566 = arith.mulf %mul3A_1565, %get3A_1559 : vector<16xf32>
      %add3A_1567 = arith.addf %add3A_1401, %mul3A_1566 : vector<16xf32>
      %mul3A_1568 = vector.broadcast %squeeze3A_1470 : f32 to vector<16xf32>
      %mul3A_1569 = arith.mulf %mul3A_1568, %get3A_1559 : vector<16xf32>
      %add3A_1570 = arith.addf %add3A_1404, %mul3A_1569 : vector<16xf32>
      %add3A_1571 = arith.constant 6 : i32
      %add3A_1572 = arith.addi %mul3A_460, %add3A_1571 : i32
      %get3A_1573 = arith.constant 0 : i32
      %get3A_1574 = arith.constant 0 : i32
      %get3A_1575 = tpu.memref_slice %arg7[%scan3A, %get3A_1573, %get3A_1574] : memref<2x128x128xf32, #tpu.memory_space<vmem>> -> memref<1x128x128xf32, #tpu.memory_space<vmem>>
      %get3A_1576 = tpu.memref_squeeze %get3A_1575 : memref<1x128x128xf32, #tpu.memory_space<vmem>> -> memref<128x128xf32, #tpu.memory_space<vmem>>
      %get3A_1577 = arith.index_cast %add3A_1572 : i32 to index
      %get3A_1578 = arith.constant 80 : index
      %get3A_1579 = tpu.vector_load %get3A_1576[%get3A_1577, %get3A_1578] {strides = array<i32>} : memref<128x128xf32, #tpu.memory_space<vmem>>, vector<16xf32>,
      %mul3A_1580 = vector.broadcast %squeeze3A_1466 : f32 to vector<16xf32>
      %mul3A_1581 = arith.mulf %mul3A_1580, %get3A_1579 : vector<16xf32>
      %mul3A_1582 = arith.mulf %mul3A_1581, %get3A_1579 : vector<16xf32>
      %add3A_1583 = arith.addf %add3A_1417, %mul3A_1582 : vector<16xf32>
      %add3A_1584 = arith.addf %add3A_1418, %mul3A_1581 : vector<16xf32>
      %mul3A_1585 = vector.broadcast %squeeze3A_1468 : f32 to vector<16xf32>
      %mul3A_1586 = arith.mulf %mul3A_1585, %get3A_1579 : vector<16xf32>
      %add3A_1587 = arith.addf %add3A_1421, %mul3A_1586 : vector<16xf32>
      %mul3A_1588 = vector.broadcast %squeeze3A_1470 : f32 to vector<16xf32>
      %mul3A_1589 = arith.mulf %mul3A_1588, %get3A_1579 : vector<16xf32>
      %add3A_1590 = arith.addf %add3A_1424, %mul3A_1589 : vector<16xf32>
      %add3A_1591 = arith.constant 6 : i32
      %add3A_1592 = arith.addi %mul3A_460, %add3A_1591 : i32
      %get3A_1593 = arith.constant 0 : i32
      %get3A_1594 = arith.constant 0 : i32
      %get3A_1595 = tpu.memref_slice %arg7[%scan3A, %get3A_1593, %get3A_1594] : memref<2x128x128xf32, #tpu.memory_space<vmem>> -> memref<1x128x128xf32, #tpu.memory_space<vmem>>
      %get3A_1596 = tpu.memref_squeeze %get3A_1595 : memref<1x128x128xf32, #tpu.memory_space<vmem>> -> memref<128x128xf32, #tpu.memory_space<vmem>>
      %get3A_1597 = arith.index_cast %add3A_1592 : i32 to index
      %get3A_1598 = arith.constant 96 : index
      %get3A_1599 = tpu.vector_load %get3A_1596[%get3A_1597, %get3A_1598] {strides = array<i32>} : memref<128x128xf32, #tpu.memory_space<vmem>>, vector<16xf32>,
      %mul3A_1600 = vector.broadcast %squeeze3A_1466 : f32 to vector<16xf32>
      %mul3A_1601 = arith.mulf %mul3A_1600, %get3A_1599 : vector<16xf32>
      %mul3A_1602 = arith.mulf %mul3A_1601, %get3A_1599 : vector<16xf32>
      %add3A_1603 = arith.addf %add3A_1437, %mul3A_1602 : vector<16xf32>
      %add3A_1604 = arith.addf %add3A_1438, %mul3A_1601 : vector<16xf32>
      %mul3A_1605 = vector.broadcast %squeeze3A_1468 : f32 to vector<16xf32>
      %mul3A_1606 = arith.mulf %mul3A_1605, %get3A_1599 : vector<16xf32>
      %add3A_1607 = arith.addf %add3A_1441, %mul3A_1606 : vector<16xf32>
      %mul3A_1608 = vector.broadcast %squeeze3A_1470 : f32 to vector<16xf32>
      %mul3A_1609 = arith.mulf %mul3A_1608, %get3A_1599 : vector<16xf32>
      %add3A_1610 = arith.addf %add3A_1444, %mul3A_1609 : vector<16xf32>
      %add3A_1611 = arith.constant 6 : i32
      %add3A_1612 = arith.addi %mul3A_460, %add3A_1611 : i32
      %get3A_1613 = arith.constant 0 : i32
      %get3A_1614 = arith.constant 0 : i32
      %get3A_1615 = tpu.memref_slice %arg7[%scan3A, %get3A_1613, %get3A_1614] : memref<2x128x128xf32, #tpu.memory_space<vmem>> -> memref<1x128x128xf32, #tpu.memory_space<vmem>>
      %get3A_1616 = tpu.memref_squeeze %get3A_1615 : memref<1x128x128xf32, #tpu.memory_space<vmem>> -> memref<128x128xf32, #tpu.memory_space<vmem>>
      %get3A_1617 = arith.index_cast %add3A_1612 : i32 to index
      %get3A_1618 = arith.constant 112 : index
      %get3A_1619 = tpu.vector_load %get3A_1616[%get3A_1617, %get3A_1618] {strides = array<i32>} : memref<128x128xf32, #tpu.memory_space<vmem>>, vector<16xf32>,
      %mul3A_1620 = vector.broadcast %squeeze3A_1466 : f32 to vector<16xf32>
      %mul3A_1621 = arith.mulf %mul3A_1620, %get3A_1619 : vector<16xf32>
      %mul3A_1622 = arith.mulf %mul3A_1621, %get3A_1619 : vector<16xf32>
      %add3A_1623 = arith.addf %add3A_1457, %mul3A_1622 : vector<16xf32>
      %add3A_1624 = arith.addf %add3A_1458, %mul3A_1621 : vector<16xf32>
      %mul3A_1625 = vector.broadcast %squeeze3A_1468 : f32 to vector<16xf32>
      %mul3A_1626 = arith.mulf %mul3A_1625, %get3A_1619 : vector<16xf32>
      %add3A_1627 = arith.addf %add3A_1461, %mul3A_1626 : vector<16xf32>
      %mul3A_1628 = vector.broadcast %squeeze3A_1470 : f32 to vector<16xf32>
      %mul3A_1629 = arith.mulf %mul3A_1628, %get3A_1619 : vector<16xf32>
      %add3A_1630 = arith.addf %add3A_1464, %mul3A_1629 : vector<16xf32>
      %slice3A_1631 = vector.extract_strided_slice %get3A_464 {offsets = [7], sizes = [1], strides = [1]} : vector<16xf32> to vector<1xf32>
      %squeeze3A_1632 = vector.extract %slice3A_1631[0] : f32 from vector<1xf32>
      %slice3A_1633 = vector.extract_strided_slice %mul3A_469 {offsets = [7], sizes = [1], strides = [1]} : vector<16xf32> to vector<1xf32>
      %squeeze3A_1634 = vector.extract %slice3A_1633[0] : f32 from vector<1xf32>
      %slice3A_1635 = vector.extract_strided_slice %mul3A_470 {offsets = [7], sizes = [1], strides = [1]} : vector<16xf32> to vector<1xf32>
      %squeeze3A_1636 = vector.extract %slice3A_1635[0] : f32 from vector<1xf32>
      %add3A_1637 = arith.constant 7 : i32
      %add3A_1638 = arith.addi %mul3A_460, %add3A_1637 : i32
      %get3A_1639 = arith.constant 0 : i32
      %get3A_1640 = arith.constant 0 : i32
      %get3A_1641 = tpu.memref_slice %arg7[%scan3A, %get3A_1639, %get3A_1640] : memref<2x128x128xf32, #tpu.memory_space<vmem>> -> memref<1x128x128xf32, #tpu.memory_space<vmem>>
      %get3A_1642 = tpu.memref_squeeze %get3A_1641 : memref<1x128x128xf32, #tpu.memory_space<vmem>> -> memref<128x128xf32, #tpu.memory_space<vmem>>
      %get3A_1643 = arith.index_cast %add3A_1638 : i32 to index
      %get3A_1644 = arith.constant 0 : index
      %get3A_1645 = tpu.vector_load %get3A_1642[%get3A_1643, %get3A_1644] {strides = array<i32>} : memref<128x128xf32, #tpu.memory_space<vmem>>, vector<16xf32>,
      %mul3A_1646 = vector.broadcast %squeeze3A_1632 : f32 to vector<16xf32>
      %mul3A_1647 = arith.mulf %mul3A_1646, %get3A_1645 : vector<16xf32>
      %mul3A_1648 = arith.mulf %mul3A_1647, %get3A_1645 : vector<16xf32>
      %add3A_1649 = arith.addf %add3A_1483, %mul3A_1648 : vector<16xf32>
      %add3A_1650 = arith.addf %add3A_1484, %mul3A_1647 : vector<16xf32>
      %mul3A_1651 = vector.broadcast %squeeze3A_1634 : f32 to vector<16xf32>
      %mul3A_1652 = arith.mulf %mul3A_1651, %get3A_1645 : vector<16xf32>
      %add3A_1653 = arith.addf %add3A_1487, %mul3A_1652 : vector<16xf32>
      %mul3A_1654 = vector.broadcast %squeeze3A_1636 : f32 to vector<16xf32>
      %mul3A_1655 = arith.mulf %mul3A_1654, %get3A_1645 : vector<16xf32>
      %add3A_1656 = arith.addf %add3A_1490, %mul3A_1655 : vector<16xf32>
      %add3A_1657 = arith.constant 7 : i32
      %add3A_1658 = arith.addi %mul3A_460, %add3A_1657 : i32
      %get3A_1659 = arith.constant 0 : i32
      %get3A_1660 = arith.constant 0 : i32
      %get3A_1661 = tpu.memref_slice %arg7[%scan3A, %get3A_1659, %get3A_1660] : memref<2x128x128xf32, #tpu.memory_space<vmem>> -> memref<1x128x128xf32, #tpu.memory_space<vmem>>
      %get3A_1662 = tpu.memref_squeeze %get3A_1661 : memref<1x128x128xf32, #tpu.memory_space<vmem>> -> memref<128x128xf32, #tpu.memory_space<vmem>>
      %get3A_1663 = arith.index_cast %add3A_1658 : i32 to index
      %get3A_1664 = arith.constant 16 : index
      %get3A_1665 = tpu.vector_load %get3A_1662[%get3A_1663, %get3A_1664] {strides = array<i32>} : memref<128x128xf32, #tpu.memory_space<vmem>>, vector<16xf32>,
      %mul3A_1666 = vector.broadcast %squeeze3A_1632 : f32 to vector<16xf32>
      %mul3A_1667 = arith.mulf %mul3A_1666, %get3A_1665 : vector<16xf32>
      %mul3A_1668 = arith.mulf %mul3A_1667, %get3A_1665 : vector<16xf32>
      %add3A_1669 = arith.addf %add3A_1503, %mul3A_1668 : vector<16xf32>
      %add3A_1670 = arith.addf %add3A_1504, %mul3A_1667 : vector<16xf32>
      %mul3A_1671 = vector.broadcast %squeeze3A_1634 : f32 to vector<16xf32>
      %mul3A_1672 = arith.mulf %mul3A_1671, %get3A_1665 : vector<16xf32>
      %add3A_1673 = arith.addf %add3A_1507, %mul3A_1672 : vector<16xf32>
      %mul3A_1674 = vector.broadcast %squeeze3A_1636 : f32 to vector<16xf32>
      %mul3A_1675 = arith.mulf %mul3A_1674, %get3A_1665 : vector<16xf32>
      %add3A_1676 = arith.addf %add3A_1510, %mul3A_1675 : vector<16xf32>
      %add3A_1677 = arith.constant 7 : i32
      %add3A_1678 = arith.addi %mul3A_460, %add3A_1677 : i32
      %get3A_1679 = arith.constant 0 : i32
      %get3A_1680 = arith.constant 0 : i32
      %get3A_1681 = tpu.memref_slice %arg7[%scan3A, %get3A_1679, %get3A_1680] : memref<2x128x128xf32, #tpu.memory_space<vmem>> -> memref<1x128x128xf32, #tpu.memory_space<vmem>>
      %get3A_1682 = tpu.memref_squeeze %get3A_1681 : memref<1x128x128xf32, #tpu.memory_space<vmem>> -> memref<128x128xf32, #tpu.memory_space<vmem>>
      %get3A_1683 = arith.index_cast %add3A_1678 : i32 to index
      %get3A_1684 = arith.constant 32 : index
      %get3A_1685 = tpu.vector_load %get3A_1682[%get3A_1683, %get3A_1684] {strides = array<i32>} : memref<128x128xf32, #tpu.memory_space<vmem>>, vector<16xf32>,
      %mul3A_1686 = vector.broadcast %squeeze3A_1632 : f32 to vector<16xf32>
      %mul3A_1687 = arith.mulf %mul3A_1686, %get3A_1685 : vector<16xf32>
      %mul3A_1688 = arith.mulf %mul3A_1687, %get3A_1685 : vector<16xf32>
      %add3A_1689 = arith.addf %add3A_1523, %mul3A_1688 : vector<16xf32>
      %add3A_1690 = arith.addf %add3A_1524, %mul3A_1687 : vector<16xf32>
      %mul3A_1691 = vector.broadcast %squeeze3A_1634 : f32 to vector<16xf32>
      %mul3A_1692 = arith.mulf %mul3A_1691, %get3A_1685 : vector<16xf32>
      %add3A_1693 = arith.addf %add3A_1527, %mul3A_1692 : vector<16xf32>
      %mul3A_1694 = vector.broadcast %squeeze3A_1636 : f32 to vector<16xf32>
      %mul3A_1695 = arith.mulf %mul3A_1694, %get3A_1685 : vector<16xf32>
      %add3A_1696 = arith.addf %add3A_1530, %mul3A_1695 : vector<16xf32>
      %add3A_1697 = arith.constant 7 : i32
      %add3A_1698 = arith.addi %mul3A_460, %add3A_1697 : i32
      %get3A_1699 = arith.constant 0 : i32
      %get3A_1700 = arith.constant 0 : i32
      %get3A_1701 = tpu.memref_slice %arg7[%scan3A, %get3A_1699, %get3A_1700] : memref<2x128x128xf32, #tpu.memory_space<vmem>> -> memref<1x128x128xf32, #tpu.memory_space<vmem>>
      %get3A_1702 = tpu.memref_squeeze %get3A_1701 : memref<1x128x128xf32, #tpu.memory_space<vmem>> -> memref<128x128xf32, #tpu.memory_space<vmem>>
      %get3A_1703 = arith.index_cast %add3A_1698 : i32 to index
      %get3A_1704 = arith.constant 48 : index
      %get3A_1705 = tpu.vector_load %get3A_1702[%get3A_1703, %get3A_1704] {strides = array<i32>} : memref<128x128xf32, #tpu.memory_space<vmem>>, vector<16xf32>,
      %mul3A_1706 = vector.broadcast %squeeze3A_1632 : f32 to vector<16xf32>
      %mul3A_1707 = arith.mulf %mul3A_1706, %get3A_1705 : vector<16xf32>
      %mul3A_1708 = arith.mulf %mul3A_1707, %get3A_1705 : vector<16xf32>
      %add3A_1709 = arith.addf %add3A_1543, %mul3A_1708 : vector<16xf32>
      %add3A_1710 = arith.addf %add3A_1544, %mul3A_1707 : vector<16xf32>
      %mul3A_1711 = vector.broadcast %squeeze3A_1634 : f32 to vector<16xf32>
      %mul3A_1712 = arith.mulf %mul3A_1711, %get3A_1705 : vector<16xf32>
      %add3A_1713 = arith.addf %add3A_1547, %mul3A_1712 : vector<16xf32>
      %mul3A_1714 = vector.broadcast %squeeze3A_1636 : f32 to vector<16xf32>
      %mul3A_1715 = arith.mulf %mul3A_1714, %get3A_1705 : vector<16xf32>
      %add3A_1716 = arith.addf %add3A_1550, %mul3A_1715 : vector<16xf32>
      %add3A_1717 = arith.constant 7 : i32
      %add3A_1718 = arith.addi %mul3A_460, %add3A_1717 : i32
      %get3A_1719 = arith.constant 0 : i32
      %get3A_1720 = arith.constant 0 : i32
      %get3A_1721 = tpu.memref_slice %arg7[%scan3A, %get3A_1719, %get3A_1720] : memref<2x128x128xf32, #tpu.memory_space<vmem>> -> memref<1x128x128xf32, #tpu.memory_space<vmem>>
      %get3A_1722 = tpu.memref_squeeze %get3A_1721 : memref<1x128x128xf32, #tpu.memory_space<vmem>> -> memref<128x128xf32, #tpu.memory_space<vmem>>
      %get3A_1723 = arith.index_cast %add3A_1718 : i32 to index
      %get3A_1724 = arith.constant 64 : index
      %get3A_1725 = tpu.vector_load %get3A_1722[%get3A_1723, %get3A_1724] {strides = array<i32>} : memref<128x128xf32, #tpu.memory_space<vmem>>, vector<16xf32>,
      %mul3A_1726 = vector.broadcast %squeeze3A_1632 : f32 to vector<16xf32>
      %mul3A_1727 = arith.mulf %mul3A_1726, %get3A_1725 : vector<16xf32>
      %mul3A_1728 = arith.mulf %mul3A_1727, %get3A_1725 : vector<16xf32>
      %add3A_1729 = arith.addf %add3A_1563, %mul3A_1728 : vector<16xf32>
      %add3A_1730 = arith.addf %add3A_1564, %mul3A_1727 : vector<16xf32>
      %mul3A_1731 = vector.broadcast %squeeze3A_1634 : f32 to vector<16xf32>
      %mul3A_1732 = arith.mulf %mul3A_1731, %get3A_1725 : vector<16xf32>
      %add3A_1733 = arith.addf %add3A_1567, %mul3A_1732 : vector<16xf32>
      %mul3A_1734 = vector.broadcast %squeeze3A_1636 : f32 to vector<16xf32>
      %mul3A_1735 = arith.mulf %mul3A_1734, %get3A_1725 : vector<16xf32>
      %add3A_1736 = arith.addf %add3A_1570, %mul3A_1735 : vector<16xf32>
      %add3A_1737 = arith.constant 7 : i32
      %add3A_1738 = arith.addi %mul3A_460, %add3A_1737 : i32
      %get3A_1739 = arith.constant 0 : i32
      %get3A_1740 = arith.constant 0 : i32
      %get3A_1741 = tpu.memref_slice %arg7[%scan3A, %get3A_1739, %get3A_1740] : memref<2x128x128xf32, #tpu.memory_space<vmem>> -> memref<1x128x128xf32, #tpu.memory_space<vmem>>
      %get3A_1742 = tpu.memref_squeeze %get3A_1741 : memref<1x128x128xf32, #tpu.memory_space<vmem>> -> memref<128x128xf32, #tpu.memory_space<vmem>>
      %get3A_1743 = arith.index_cast %add3A_1738 : i32 to index
      %get3A_1744 = arith.constant 80 : index
      %get3A_1745 = tpu.vector_load %get3A_1742[%get3A_1743, %get3A_1744] {strides = array<i32>} : memref<128x128xf32, #tpu.memory_space<vmem>>, vector<16xf32>,
      %mul3A_1746 = vector.broadcast %squeeze3A_1632 : f32 to vector<16xf32>
      %mul3A_1747 = arith.mulf %mul3A_1746, %get3A_1745 : vector<16xf32>
      %mul3A_1748 = arith.mulf %mul3A_1747, %get3A_1745 : vector<16xf32>
      %add3A_1749 = arith.addf %add3A_1583, %mul3A_1748 : vector<16xf32>
      %add3A_1750 = arith.addf %add3A_1584, %mul3A_1747 : vector<16xf32>
      %mul3A_1751 = vector.broadcast %squeeze3A_1634 : f32 to vector<16xf32>
      %mul3A_1752 = arith.mulf %mul3A_1751, %get3A_1745 : vector<16xf32>
      %add3A_1753 = arith.addf %add3A_1587, %mul3A_1752 : vector<16xf32>
      %mul3A_1754 = vector.broadcast %squeeze3A_1636 : f32 to vector<16xf32>
      %mul3A_1755 = arith.mulf %mul3A_1754, %get3A_1745 : vector<16xf32>
      %add3A_1756 = arith.addf %add3A_1590, %mul3A_1755 : vector<16xf32>
      %add3A_1757 = arith.constant 7 : i32
      %add3A_1758 = arith.addi %mul3A_460, %add3A_1757 : i32
      %get3A_1759 = arith.constant 0 : i32
      %get3A_1760 = arith.constant 0 : i32
      %get3A_1761 = tpu.memref_slice %arg7[%scan3A, %get3A_1759, %get3A_1760] : memref<2x128x128xf32, #tpu.memory_space<vmem>> -> memref<1x128x128xf32, #tpu.memory_space<vmem>>
      %get3A_1762 = tpu.memref_squeeze %get3A_1761 : memref<1x128x128xf32, #tpu.memory_space<vmem>> -> memref<128x128xf32, #tpu.memory_space<vmem>>
      %get3A_1763 = arith.index_cast %add3A_1758 : i32 to index
      %get3A_1764 = arith.constant 96 : index
      %get3A_1765 = tpu.vector_load %get3A_1762[%get3A_1763, %get3A_1764] {strides = array<i32>} : memref<128x128xf32, #tpu.memory_space<vmem>>, vector<16xf32>,
      %mul3A_1766 = vector.broadcast %squeeze3A_1632 : f32 to vector<16xf32>
      %mul3A_1767 = arith.mulf %mul3A_1766, %get3A_1765 : vector<16xf32>
      %mul3A_1768 = arith.mulf %mul3A_1767, %get3A_1765 : vector<16xf32>
      %add3A_1769 = arith.addf %add3A_1603, %mul3A_1768 : vector<16xf32>
      %add3A_1770 = arith.addf %add3A_1604, %mul3A_1767 : vector<16xf32>
      %mul3A_1771 = vector.broadcast %squeeze3A_1634 : f32 to vector<16xf32>
      %mul3A_1772 = arith.mulf %mul3A_1771, %get3A_1765 : vector<16xf32>
      %add3A_1773 = arith.addf %add3A_1607, %mul3A_1772 : vector<16xf32>
      %mul3A_1774 = vector.broadcast %squeeze3A_1636 : f32 to vector<16xf32>
      %mul3A_1775 = arith.mulf %mul3A_1774, %get3A_1765 : vector<16xf32>
      %add3A_1776 = arith.addf %add3A_1610, %mul3A_1775 : vector<16xf32>
      %add3A_1777 = arith.constant 7 : i32
      %add3A_1778 = arith.addi %mul3A_460, %add3A_1777 : i32
      %get3A_1779 = arith.constant 0 : i32
      %get3A_1780 = arith.constant 0 : i32
      %get3A_1781 = tpu.memref_slice %arg7[%scan3A, %get3A_1779, %get3A_1780] : memref<2x128x128xf32, #tpu.memory_space<vmem>> -> memref<1x128x128xf32, #tpu.memory_space<vmem>>
      %get3A_1782 = tpu.memref_squeeze %get3A_1781 : memref<1x128x128xf32, #tpu.memory_space<vmem>> -> memref<128x128xf32, #tpu.memory_space<vmem>>
      %get3A_1783 = arith.index_cast %add3A_1778 : i32 to index
      %get3A_1784 = arith.constant 112 : index
      %get3A_1785 = tpu.vector_load %get3A_1782[%get3A_1783, %get3A_1784] {strides = array<i32>} : memref<128x128xf32, #tpu.memory_space<vmem>>, vector<16xf32>,
      %mul3A_1786 = vector.broadcast %squeeze3A_1632 : f32 to vector<16xf32>
      %mul3A_1787 = arith.mulf %mul3A_1786, %get3A_1785 : vector<16xf32>
      %mul3A_1788 = arith.mulf %mul3A_1787, %get3A_1785 : vector<16xf32>
      %add3A_1789 = arith.addf %add3A_1623, %mul3A_1788 : vector<16xf32>
      %add3A_1790 = arith.addf %add3A_1624, %mul3A_1787 : vector<16xf32>
      %mul3A_1791 = vector.broadcast %squeeze3A_1634 : f32 to vector<16xf32>
      %mul3A_1792 = arith.mulf %mul3A_1791, %get3A_1785 : vector<16xf32>
      %add3A_1793 = arith.addf %add3A_1627, %mul3A_1792 : vector<16xf32>
      %mul3A_1794 = vector.broadcast %squeeze3A_1636 : f32 to vector<16xf32>
      %mul3A_1795 = arith.mulf %mul3A_1794, %get3A_1785 : vector<16xf32>
      %add3A_1796 = arith.addf %add3A_1630, %mul3A_1795 : vector<16xf32>
      %slice3A_1797 = vector.extract_strided_slice %get3A_464 {offsets = [8], sizes = [1], strides = [1]} : vector<16xf32> to vector<1xf32>
      %squeeze3A_1798 = vector.extract %slice3A_1797[0] : f32 from vector<1xf32>
      %slice3A_1799 = vector.extract_strided_slice %mul3A_469 {offsets = [8], sizes = [1], strides = [1]} : vector<16xf32> to vector<1xf32>
      %squeeze3A_1800 = vector.extract %slice3A_1799[0] : f32 from vector<1xf32>
      %slice3A_1801 = vector.extract_strided_slice %mul3A_470 {offsets = [8], sizes = [1], strides = [1]} : vector<16xf32> to vector<1xf32>
      %squeeze3A_1802 = vector.extract %slice3A_1801[0] : f32 from vector<1xf32>
      %add3A_1803 = arith.constant 8 : i32
      %add3A_1804 = arith.addi %mul3A_460, %add3A_1803 : i32
      %get3A_1805 = arith.constant 0 : i32
      %get3A_1806 = arith.constant 0 : i32
      %get3A_1807 = tpu.memref_slice %arg7[%scan3A, %get3A_1805, %get3A_1806] : memref<2x128x128xf32, #tpu.memory_space<vmem>> -> memref<1x128x128xf32, #tpu.memory_space<vmem>>
      %get3A_1808 = tpu.memref_squeeze %get3A_1807 : memref<1x128x128xf32, #tpu.memory_space<vmem>> -> memref<128x128xf32, #tpu.memory_space<vmem>>
      %get3A_1809 = arith.index_cast %add3A_1804 : i32 to index
      %get3A_1810 = arith.constant 0 : index
      %get3A_1811 = tpu.vector_load %get3A_1808[%get3A_1809, %get3A_1810] {strides = array<i32>} : memref<128x128xf32, #tpu.memory_space<vmem>>, vector<16xf32>,
      %mul3A_1812 = vector.broadcast %squeeze3A_1798 : f32 to vector<16xf32>
      %mul3A_1813 = arith.mulf %mul3A_1812, %get3A_1811 : vector<16xf32>
      %mul3A_1814 = arith.mulf %mul3A_1813, %get3A_1811 : vector<16xf32>
      %add3A_1815 = arith.addf %add3A_1649, %mul3A_1814 : vector<16xf32>
      %add3A_1816 = arith.addf %add3A_1650, %mul3A_1813 : vector<16xf32>
      %mul3A_1817 = vector.broadcast %squeeze3A_1800 : f32 to vector<16xf32>
      %mul3A_1818 = arith.mulf %mul3A_1817, %get3A_1811 : vector<16xf32>
      %add3A_1819 = arith.addf %add3A_1653, %mul3A_1818 : vector<16xf32>
      %mul3A_1820 = vector.broadcast %squeeze3A_1802 : f32 to vector<16xf32>
      %mul3A_1821 = arith.mulf %mul3A_1820, %get3A_1811 : vector<16xf32>
      %add3A_1822 = arith.addf %add3A_1656, %mul3A_1821 : vector<16xf32>
      %add3A_1823 = arith.constant 8 : i32
      %add3A_1824 = arith.addi %mul3A_460, %add3A_1823 : i32
      %get3A_1825 = arith.constant 0 : i32
      %get3A_1826 = arith.constant 0 : i32
      %get3A_1827 = tpu.memref_slice %arg7[%scan3A, %get3A_1825, %get3A_1826] : memref<2x128x128xf32, #tpu.memory_space<vmem>> -> memref<1x128x128xf32, #tpu.memory_space<vmem>>
      %get3A_1828 = tpu.memref_squeeze %get3A_1827 : memref<1x128x128xf32, #tpu.memory_space<vmem>> -> memref<128x128xf32, #tpu.memory_space<vmem>>
      %get3A_1829 = arith.index_cast %add3A_1824 : i32 to index
      %get3A_1830 = arith.constant 16 : index
      %get3A_1831 = tpu.vector_load %get3A_1828[%get3A_1829, %get3A_1830] {strides = array<i32>} : memref<128x128xf32, #tpu.memory_space<vmem>>, vector<16xf32>,
      %mul3A_1832 = vector.broadcast %squeeze3A_1798 : f32 to vector<16xf32>
      %mul3A_1833 = arith.mulf %mul3A_1832, %get3A_1831 : vector<16xf32>
      %mul3A_1834 = arith.mulf %mul3A_1833, %get3A_1831 : vector<16xf32>
      %add3A_1835 = arith.addf %add3A_1669, %mul3A_1834 : vector<16xf32>
      %add3A_1836 = arith.addf %add3A_1670, %mul3A_1833 : vector<16xf32>
      %mul3A_1837 = vector.broadcast %squeeze3A_1800 : f32 to vector<16xf32>
      %mul3A_1838 = arith.mulf %mul3A_1837, %get3A_1831 : vector<16xf32>
      %add3A_1839 = arith.addf %add3A_1673, %mul3A_1838 : vector<16xf32>
      %mul3A_1840 = vector.broadcast %squeeze3A_1802 : f32 to vector<16xf32>
      %mul3A_1841 = arith.mulf %mul3A_1840, %get3A_1831 : vector<16xf32>
      %add3A_1842 = arith.addf %add3A_1676, %mul3A_1841 : vector<16xf32>
      %add3A_1843 = arith.constant 8 : i32
      %add3A_1844 = arith.addi %mul3A_460, %add3A_1843 : i32
      %get3A_1845 = arith.constant 0 : i32
      %get3A_1846 = arith.constant 0 : i32
      %get3A_1847 = tpu.memref_slice %arg7[%scan3A, %get3A_1845, %get3A_1846] : memref<2x128x128xf32, #tpu.memory_space<vmem>> -> memref<1x128x128xf32, #tpu.memory_space<vmem>>
      %get3A_1848 = tpu.memref_squeeze %get3A_1847 : memref<1x128x128xf32, #tpu.memory_space<vmem>> -> memref<128x128xf32, #tpu.memory_space<vmem>>
      %get3A_1849 = arith.index_cast %add3A_1844 : i32 to index
      %get3A_1850 = arith.constant 32 : index
      %get3A_1851 = tpu.vector_load %get3A_1848[%get3A_1849, %get3A_1850] {strides = array<i32>} : memref<128x128xf32, #tpu.memory_space<vmem>>, vector<16xf32>,
      %mul3A_1852 = vector.broadcast %squeeze3A_1798 : f32 to vector<16xf32>
      %mul3A_1853 = arith.mulf %mul3A_1852, %get3A_1851 : vector<16xf32>
      %mul3A_1854 = arith.mulf %mul3A_1853, %get3A_1851 : vector<16xf32>
      %add3A_1855 = arith.addf %add3A_1689, %mul3A_1854 : vector<16xf32>
      %add3A_1856 = arith.addf %add3A_1690, %mul3A_1853 : vector<16xf32>
      %mul3A_1857 = vector.broadcast %squeeze3A_1800 : f32 to vector<16xf32>
      %mul3A_1858 = arith.mulf %mul3A_1857, %get3A_1851 : vector<16xf32>
      %add3A_1859 = arith.addf %add3A_1693, %mul3A_1858 : vector<16xf32>
      %mul3A_1860 = vector.broadcast %squeeze3A_1802 : f32 to vector<16xf32>
      %mul3A_1861 = arith.mulf %mul3A_1860, %get3A_1851 : vector<16xf32>
      %add3A_1862 = arith.addf %add3A_1696, %mul3A_1861 : vector<16xf32>
      %add3A_1863 = arith.constant 8 : i32
      %add3A_1864 = arith.addi %mul3A_460, %add3A_1863 : i32
      %get3A_1865 = arith.constant 0 : i32
      %get3A_1866 = arith.constant 0 : i32
      %get3A_1867 = tpu.memref_slice %arg7[%scan3A, %get3A_1865, %get3A_1866] : memref<2x128x128xf32, #tpu.memory_space<vmem>> -> memref<1x128x128xf32, #tpu.memory_space<vmem>>
      %get3A_1868 = tpu.memref_squeeze %get3A_1867 : memref<1x128x128xf32, #tpu.memory_space<vmem>> -> memref<128x128xf32, #tpu.memory_space<vmem>>
      %get3A_1869 = arith.index_cast %add3A_1864 : i32 to index
      %get3A_1870 = arith.constant 48 : index
      %get3A_1871 = tpu.vector_load %get3A_1868[%get3A_1869, %get3A_1870] {strides = array<i32>} : memref<128x128xf32, #tpu.memory_space<vmem>>, vector<16xf32>,
      %mul3A_1872 = vector.broadcast %squeeze3A_1798 : f32 to vector<16xf32>
      %mul3A_1873 = arith.mulf %mul3A_1872, %get3A_1871 : vector<16xf32>
      %mul3A_1874 = arith.mulf %mul3A_1873, %get3A_1871 : vector<16xf32>
      %add3A_1875 = arith.addf %add3A_1709, %mul3A_1874 : vector<16xf32>
      %add3A_1876 = arith.addf %add3A_1710, %mul3A_1873 : vector<16xf32>
      %mul3A_1877 = vector.broadcast %squeeze3A_1800 : f32 to vector<16xf32>
      %mul3A_1878 = arith.mulf %mul3A_1877, %get3A_1871 : vector<16xf32>
      %add3A_1879 = arith.addf %add3A_1713, %mul3A_1878 : vector<16xf32>
      %mul3A_1880 = vector.broadcast %squeeze3A_1802 : f32 to vector<16xf32>
      %mul3A_1881 = arith.mulf %mul3A_1880, %get3A_1871 : vector<16xf32>
      %add3A_1882 = arith.addf %add3A_1716, %mul3A_1881 : vector<16xf32>
      %add3A_1883 = arith.constant 8 : i32
      %add3A_1884 = arith.addi %mul3A_460, %add3A_1883 : i32
      %get3A_1885 = arith.constant 0 : i32
      %get3A_1886 = arith.constant 0 : i32
      %get3A_1887 = tpu.memref_slice %arg7[%scan3A, %get3A_1885, %get3A_1886] : memref<2x128x128xf32, #tpu.memory_space<vmem>> -> memref<1x128x128xf32, #tpu.memory_space<vmem>>
      %get3A_1888 = tpu.memref_squeeze %get3A_1887 : memref<1x128x128xf32, #tpu.memory_space<vmem>> -> memref<128x128xf32, #tpu.memory_space<vmem>>
      %get3A_1889 = arith.index_cast %add3A_1884 : i32 to index
      %get3A_1890 = arith.constant 64 : index
      %get3A_1891 = tpu.vector_load %get3A_1888[%get3A_1889, %get3A_1890] {strides = array<i32>} : memref<128x128xf32, #tpu.memory_space<vmem>>, vector<16xf32>,
      %mul3A_1892 = vector.broadcast %squeeze3A_1798 : f32 to vector<16xf32>
      %mul3A_1893 = arith.mulf %mul3A_1892, %get3A_1891 : vector<16xf32>
      %mul3A_1894 = arith.mulf %mul3A_1893, %get3A_1891 : vector<16xf32>
      %add3A_1895 = arith.addf %add3A_1729, %mul3A_1894 : vector<16xf32>
      %add3A_1896 = arith.addf %add3A_1730, %mul3A_1893 : vector<16xf32>
      %mul3A_1897 = vector.broadcast %squeeze3A_1800 : f32 to vector<16xf32>
      %mul3A_1898 = arith.mulf %mul3A_1897, %get3A_1891 : vector<16xf32>
      %add3A_1899 = arith.addf %add3A_1733, %mul3A_1898 : vector<16xf32>
      %mul3A_1900 = vector.broadcast %squeeze3A_1802 : f32 to vector<16xf32>
      %mul3A_1901 = arith.mulf %mul3A_1900, %get3A_1891 : vector<16xf32>
      %add3A_1902 = arith.addf %add3A_1736, %mul3A_1901 : vector<16xf32>
      %add3A_1903 = arith.constant 8 : i32
      %add3A_1904 = arith.addi %mul3A_460, %add3A_1903 : i32
      %get3A_1905 = arith.constant 0 : i32
      %get3A_1906 = arith.constant 0 : i32
      %get3A_1907 = tpu.memref_slice %arg7[%scan3A, %get3A_1905, %get3A_1906] : memref<2x128x128xf32, #tpu.memory_space<vmem>> -> memref<1x128x128xf32, #tpu.memory_space<vmem>>
      %get3A_1908 = tpu.memref_squeeze %get3A_1907 : memref<1x128x128xf32, #tpu.memory_space<vmem>> -> memref<128x128xf32, #tpu.memory_space<vmem>>
      %get3A_1909 = arith.index_cast %add3A_1904 : i32 to index
      %get3A_1910 = arith.constant 80 : index
      %get3A_1911 = tpu.vector_load %get3A_1908[%get3A_1909, %get3A_1910] {strides = array<i32>} : memref<128x128xf32, #tpu.memory_space<vmem>>, vector<16xf32>,
      %mul3A_1912 = vector.broadcast %squeeze3A_1798 : f32 to vector<16xf32>
      %mul3A_1913 = arith.mulf %mul3A_1912, %get3A_1911 : vector<16xf32>
      %mul3A_1914 = arith.mulf %mul3A_1913, %get3A_1911 : vector<16xf32>
      %add3A_1915 = arith.addf %add3A_1749, %mul3A_1914 : vector<16xf32>
      %add3A_1916 = arith.addf %add3A_1750, %mul3A_1913 : vector<16xf32>
      %mul3A_1917 = vector.broadcast %squeeze3A_1800 : f32 to vector<16xf32>
      %mul3A_1918 = arith.mulf %mul3A_1917, %get3A_1911 : vector<16xf32>
      %add3A_1919 = arith.addf %add3A_1753, %mul3A_1918 : vector<16xf32>
      %mul3A_1920 = vector.broadcast %squeeze3A_1802 : f32 to vector<16xf32>
      %mul3A_1921 = arith.mulf %mul3A_1920, %get3A_1911 : vector<16xf32>
      %add3A_1922 = arith.addf %add3A_1756, %mul3A_1921 : vector<16xf32>
      %add3A_1923 = arith.constant 8 : i32
      %add3A_1924 = arith.addi %mul3A_460, %add3A_1923 : i32
      %get3A_1925 = arith.constant 0 : i32
      %get3A_1926 = arith.constant 0 : i32
      %get3A_1927 = tpu.memref_slice %arg7[%scan3A, %get3A_1925, %get3A_1926] : memref<2x128x128xf32, #tpu.memory_space<vmem>> -> memref<1x128x128xf32, #tpu.memory_space<vmem>>
      %get3A_1928 = tpu.memref_squeeze %get3A_1927 : memref<1x128x128xf32, #tpu.memory_space<vmem>> -> memref<128x128xf32, #tpu.memory_space<vmem>>
      %get3A_1929 = arith.index_cast %add3A_1924 : i32 to index
      %get3A_1930 = arith.constant 96 : index
      %get3A_1931 = tpu.vector_load %get3A_1928[%get3A_1929, %get3A_1930] {strides = array<i32>} : memref<128x128xf32, #tpu.memory_space<vmem>>, vector<16xf32>,
      %mul3A_1932 = vector.broadcast %squeeze3A_1798 : f32 to vector<16xf32>
      %mul3A_1933 = arith.mulf %mul3A_1932, %get3A_1931 : vector<16xf32>
      %mul3A_1934 = arith.mulf %mul3A_1933, %get3A_1931 : vector<16xf32>
      %add3A_1935 = arith.addf %add3A_1769, %mul3A_1934 : vector<16xf32>
      %add3A_1936 = arith.addf %add3A_1770, %mul3A_1933 : vector<16xf32>
      %mul3A_1937 = vector.broadcast %squeeze3A_1800 : f32 to vector<16xf32>
      %mul3A_1938 = arith.mulf %mul3A_1937, %get3A_1931 : vector<16xf32>
      %add3A_1939 = arith.addf %add3A_1773, %mul3A_1938 : vector<16xf32>
      %mul3A_1940 = vector.broadcast %squeeze3A_1802 : f32 to vector<16xf32>
      %mul3A_1941 = arith.mulf %mul3A_1940, %get3A_1931 : vector<16xf32>
      %add3A_1942 = arith.addf %add3A_1776, %mul3A_1941 : vector<16xf32>
      %add3A_1943 = arith.constant 8 : i32
      %add3A_1944 = arith.addi %mul3A_460, %add3A_1943 : i32
      %get3A_1945 = arith.constant 0 : i32
      %get3A_1946 = arith.constant 0 : i32
      %get3A_1947 = tpu.memref_slice %arg7[%scan3A, %get3A_1945, %get3A_1946] : memref<2x128x128xf32, #tpu.memory_space<vmem>> -> memref<1x128x128xf32, #tpu.memory_space<vmem>>
      %get3A_1948 = tpu.memref_squeeze %get3A_1947 : memref<1x128x128xf32, #tpu.memory_space<vmem>> -> memref<128x128xf32, #tpu.memory_space<vmem>>
      %get3A_1949 = arith.index_cast %add3A_1944 : i32 to index
      %get3A_1950 = arith.constant 112 : index
      %get3A_1951 = tpu.vector_load %get3A_1948[%get3A_1949, %get3A_1950] {strides = array<i32>} : memref<128x128xf32, #tpu.memory_space<vmem>>, vector<16xf32>,
      %mul3A_1952 = vector.broadcast %squeeze3A_1798 : f32 to vector<16xf32>
      %mul3A_1953 = arith.mulf %mul3A_1952, %get3A_1951 : vector<16xf32>
      %mul3A_1954 = arith.mulf %mul3A_1953, %get3A_1951 : vector<16xf32>
      %add3A_1955 = arith.addf %add3A_1789, %mul3A_1954 : vector<16xf32>
      %add3A_1956 = arith.addf %add3A_1790, %mul3A_1953 : vector<16xf32>
      %mul3A_1957 = vector.broadcast %squeeze3A_1800 : f32 to vector<16xf32>
      %mul3A_1958 = arith.mulf %mul3A_1957, %get3A_1951 : vector<16xf32>
      %add3A_1959 = arith.addf %add3A_1793, %mul3A_1958 : vector<16xf32>
      %mul3A_1960 = vector.broadcast %squeeze3A_1802 : f32 to vector<16xf32>
      %mul3A_1961 = arith.mulf %mul3A_1960, %get3A_1951 : vector<16xf32>
      %add3A_1962 = arith.addf %add3A_1796, %mul3A_1961 : vector<16xf32>
      %slice3A_1963 = vector.extract_strided_slice %get3A_464 {offsets = [9], sizes = [1], strides = [1]} : vector<16xf32> to vector<1xf32>
      %squeeze3A_1964 = vector.extract %slice3A_1963[0] : f32 from vector<1xf32>
      %slice3A_1965 = vector.extract_strided_slice %mul3A_469 {offsets = [9], sizes = [1], strides = [1]} : vector<16xf32> to vector<1xf32>
      %squeeze3A_1966 = vector.extract %slice3A_1965[0] : f32 from vector<1xf32>
      %slice3A_1967 = vector.extract_strided_slice %mul3A_470 {offsets = [9], sizes = [1], strides = [1]} : vector<16xf32> to vector<1xf32>
      %squeeze3A_1968 = vector.extract %slice3A_1967[0] : f32 from vector<1xf32>
      %add3A_1969 = arith.constant 9 : i32
      %add3A_1970 = arith.addi %mul3A_460, %add3A_1969 : i32
      %get3A_1971 = arith.constant 0 : i32
      %get3A_1972 = arith.constant 0 : i32
      %get3A_1973 = tpu.memref_slice %arg7[%scan3A, %get3A_1971, %get3A_1972] : memref<2x128x128xf32, #tpu.memory_space<vmem>> -> memref<1x128x128xf32, #tpu.memory_space<vmem>>
      %get3A_1974 = tpu.memref_squeeze %get3A_1973 : memref<1x128x128xf32, #tpu.memory_space<vmem>> -> memref<128x128xf32, #tpu.memory_space<vmem>>
      %get3A_1975 = arith.index_cast %add3A_1970 : i32 to index
      %get3A_1976 = arith.constant 0 : index
      %get3A_1977 = tpu.vector_load %get3A_1974[%get3A_1975, %get3A_1976] {strides = array<i32>} : memref<128x128xf32, #tpu.memory_space<vmem>>, vector<16xf32>,
      %mul3A_1978 = vector.broadcast %squeeze3A_1964 : f32 to vector<16xf32>
      %mul3A_1979 = arith.mulf %mul3A_1978, %get3A_1977 : vector<16xf32>
      %mul3A_1980 = arith.mulf %mul3A_1979, %get3A_1977 : vector<16xf32>
      %add3A_1981 = arith.addf %add3A_1815, %mul3A_1980 : vector<16xf32>
      %add3A_1982 = arith.addf %add3A_1816, %mul3A_1979 : vector<16xf32>
      %mul3A_1983 = vector.broadcast %squeeze3A_1966 : f32 to vector<16xf32>
      %mul3A_1984 = arith.mulf %mul3A_1983, %get3A_1977 : vector<16xf32>
      %add3A_1985 = arith.addf %add3A_1819, %mul3A_1984 : vector<16xf32>
      %mul3A_1986 = vector.broadcast %squeeze3A_1968 : f32 to vector<16xf32>
      %mul3A_1987 = arith.mulf %mul3A_1986, %get3A_1977 : vector<16xf32>
      %add3A_1988 = arith.addf %add3A_1822, %mul3A_1987 : vector<16xf32>
      %add3A_1989 = arith.constant 9 : i32
      %add3A_1990 = arith.addi %mul3A_460, %add3A_1989 : i32
      %get3A_1991 = arith.constant 0 : i32
      %get3A_1992 = arith.constant 0 : i32
      %get3A_1993 = tpu.memref_slice %arg7[%scan3A, %get3A_1991, %get3A_1992] : memref<2x128x128xf32, #tpu.memory_space<vmem>> -> memref<1x128x128xf32, #tpu.memory_space<vmem>>
      %get3A_1994 = tpu.memref_squeeze %get3A_1993 : memref<1x128x128xf32, #tpu.memory_space<vmem>> -> memref<128x128xf32, #tpu.memory_space<vmem>>
      %get3A_1995 = arith.index_cast %add3A_1990 : i32 to index
      %get3A_1996 = arith.constant 16 : index
      %get3A_1997 = tpu.vector_load %get3A_1994[%get3A_1995, %get3A_1996] {strides = array<i32>} : memref<128x128xf32, #tpu.memory_space<vmem>>, vector<16xf32>,
      %mul3A_1998 = vector.broadcast %squeeze3A_1964 : f32 to vector<16xf32>
      %mul3A_1999 = arith.mulf %mul3A_1998, %get3A_1997 : vector<16xf32>
      %mul3A_2000 = arith.mulf %mul3A_1999, %get3A_1997 : vector<16xf32>
      %add3A_2001 = arith.addf %add3A_1835, %mul3A_2000 : vector<16xf32>
      %add3A_2002 = arith.addf %add3A_1836, %mul3A_1999 : vector<16xf32>
      %mul3A_2003 = vector.broadcast %squeeze3A_1966 : f32 to vector<16xf32>
      %mul3A_2004 = arith.mulf %mul3A_2003, %get3A_1997 : vector<16xf32>
      %add3A_2005 = arith.addf %add3A_1839, %mul3A_2004 : vector<16xf32>
      %mul3A_2006 = vector.broadcast %squeeze3A_1968 : f32 to vector<16xf32>
      %mul3A_2007 = arith.mulf %mul3A_2006, %get3A_1997 : vector<16xf32>
      %add3A_2008 = arith.addf %add3A_1842, %mul3A_2007 : vector<16xf32>
      %add3A_2009 = arith.constant 9 : i32
      %add3A_2010 = arith.addi %mul3A_460, %add3A_2009 : i32
      %get3A_2011 = arith.constant 0 : i32
      %get3A_2012 = arith.constant 0 : i32
      %get3A_2013 = tpu.memref_slice %arg7[%scan3A, %get3A_2011, %get3A_2012] : memref<2x128x128xf32, #tpu.memory_space<vmem>> -> memref<1x128x128xf32, #tpu.memory_space<vmem>>
      %get3A_2014 = tpu.memref_squeeze %get3A_2013 : memref<1x128x128xf32, #tpu.memory_space<vmem>> -> memref<128x128xf32, #tpu.memory_space<vmem>>
      %get3A_2015 = arith.index_cast %add3A_2010 : i32 to index
      %get3A_2016 = arith.constant 32 : index
      %get3A_2017 = tpu.vector_load %get3A_2014[%get3A_2015, %get3A_2016] {strides = array<i32>} : memref<128x128xf32, #tpu.memory_space<vmem>>, vector<16xf32>,
      %mul3A_2018 = vector.broadcast %squeeze3A_1964 : f32 to vector<16xf32>
      %mul3A_2019 = arith.mulf %mul3A_2018, %get3A_2017 : vector<16xf32>
      %mul3A_2020 = arith.mulf %mul3A_2019, %get3A_2017 : vector<16xf32>
      %add3A_2021 = arith.addf %add3A_1855, %mul3A_2020 : vector<16xf32>
      %add3A_2022 = arith.addf %add3A_1856, %mul3A_2019 : vector<16xf32>
      %mul3A_2023 = vector.broadcast %squeeze3A_1966 : f32 to vector<16xf32>
      %mul3A_2024 = arith.mulf %mul3A_2023, %get3A_2017 : vector<16xf32>
      %add3A_2025 = arith.addf %add3A_1859, %mul3A_2024 : vector<16xf32>
      %mul3A_2026 = vector.broadcast %squeeze3A_1968 : f32 to vector<16xf32>
      %mul3A_2027 = arith.mulf %mul3A_2026, %get3A_2017 : vector<16xf32>
      %add3A_2028 = arith.addf %add3A_1862, %mul3A_2027 : vector<16xf32>
      %add3A_2029 = arith.constant 9 : i32
      %add3A_2030 = arith.addi %mul3A_460, %add3A_2029 : i32
      %get3A_2031 = arith.constant 0 : i32
      %get3A_2032 = arith.constant 0 : i32
      %get3A_2033 = tpu.memref_slice %arg7[%scan3A, %get3A_2031, %get3A_2032] : memref<2x128x128xf32, #tpu.memory_space<vmem>> -> memref<1x128x128xf32, #tpu.memory_space<vmem>>
      %get3A_2034 = tpu.memref_squeeze %get3A_2033 : memref<1x128x128xf32, #tpu.memory_space<vmem>> -> memref<128x128xf32, #tpu.memory_space<vmem>>
      %get3A_2035 = arith.index_cast %add3A_2030 : i32 to index
      %get3A_2036 = arith.constant 48 : index
      %get3A_2037 = tpu.vector_load %get3A_2034[%get3A_2035, %get3A_2036] {strides = array<i32>} : memref<128x128xf32, #tpu.memory_space<vmem>>, vector<16xf32>,
      %mul3A_2038 = vector.broadcast %squeeze3A_1964 : f32 to vector<16xf32>
      %mul3A_2039 = arith.mulf %mul3A_2038, %get3A_2037 : vector<16xf32>
      %mul3A_2040 = arith.mulf %mul3A_2039, %get3A_2037 : vector<16xf32>
      %add3A_2041 = arith.addf %add3A_1875, %mul3A_2040 : vector<16xf32>
      %add3A_2042 = arith.addf %add3A_1876, %mul3A_2039 : vector<16xf32>
      %mul3A_2043 = vector.broadcast %squeeze3A_1966 : f32 to vector<16xf32>
      %mul3A_2044 = arith.mulf %mul3A_2043, %get3A_2037 : vector<16xf32>
      %add3A_2045 = arith.addf %add3A_1879, %mul3A_2044 : vector<16xf32>
      %mul3A_2046 = vector.broadcast %squeeze3A_1968 : f32 to vector<16xf32>
      %mul3A_2047 = arith.mulf %mul3A_2046, %get3A_2037 : vector<16xf32>
      %add3A_2048 = arith.addf %add3A_1882, %mul3A_2047 : vector<16xf32>
      %add3A_2049 = arith.constant 9 : i32
      %add3A_2050 = arith.addi %mul3A_460, %add3A_2049 : i32
      %get3A_2051 = arith.constant 0 : i32
      %get3A_2052 = arith.constant 0 : i32
      %get3A_2053 = tpu.memref_slice %arg7[%scan3A, %get3A_2051, %get3A_2052] : memref<2x128x128xf32, #tpu.memory_space<vmem>> -> memref<1x128x128xf32, #tpu.memory_space<vmem>>
      %get3A_2054 = tpu.memref_squeeze %get3A_2053 : memref<1x128x128xf32, #tpu.memory_space<vmem>> -> memref<128x128xf32, #tpu.memory_space<vmem>>
      %get3A_2055 = arith.index_cast %add3A_2050 : i32 to index
      %get3A_2056 = arith.constant 64 : index
      %get3A_2057 = tpu.vector_load %get3A_2054[%get3A_2055, %get3A_2056] {strides = array<i32>} : memref<128x128xf32, #tpu.memory_space<vmem>>, vector<16xf32>,
      %mul3A_2058 = vector.broadcast %squeeze3A_1964 : f32 to vector<16xf32>
      %mul3A_2059 = arith.mulf %mul3A_2058, %get3A_2057 : vector<16xf32>
      %mul3A_2060 = arith.mulf %mul3A_2059, %get3A_2057 : vector<16xf32>
      %add3A_2061 = arith.addf %add3A_1895, %mul3A_2060 : vector<16xf32>
      %add3A_2062 = arith.addf %add3A_1896, %mul3A_2059 : vector<16xf32>
      %mul3A_2063 = vector.broadcast %squeeze3A_1966 : f32 to vector<16xf32>
      %mul3A_2064 = arith.mulf %mul3A_2063, %get3A_2057 : vector<16xf32>
      %add3A_2065 = arith.addf %add3A_1899, %mul3A_2064 : vector<16xf32>
      %mul3A_2066 = vector.broadcast %squeeze3A_1968 : f32 to vector<16xf32>
      %mul3A_2067 = arith.mulf %mul3A_2066, %get3A_2057 : vector<16xf32>
      %add3A_2068 = arith.addf %add3A_1902, %mul3A_2067 : vector<16xf32>
      %add3A_2069 = arith.constant 9 : i32
      %add3A_2070 = arith.addi %mul3A_460, %add3A_2069 : i32
      %get3A_2071 = arith.constant 0 : i32
      %get3A_2072 = arith.constant 0 : i32
      %get3A_2073 = tpu.memref_slice %arg7[%scan3A, %get3A_2071, %get3A_2072] : memref<2x128x128xf32, #tpu.memory_space<vmem>> -> memref<1x128x128xf32, #tpu.memory_space<vmem>>
      %get3A_2074 = tpu.memref_squeeze %get3A_2073 : memref<1x128x128xf32, #tpu.memory_space<vmem>> -> memref<128x128xf32, #tpu.memory_space<vmem>>
      %get3A_2075 = arith.index_cast %add3A_2070 : i32 to index
      %get3A_2076 = arith.constant 80 : index
      %get3A_2077 = tpu.vector_load %get3A_2074[%get3A_2075, %get3A_2076] {strides = array<i32>} : memref<128x128xf32, #tpu.memory_space<vmem>>, vector<16xf32>,
      %mul3A_2078 = vector.broadcast %squeeze3A_1964 : f32 to vector<16xf32>
      %mul3A_2079 = arith.mulf %mul3A_2078, %get3A_2077 : vector<16xf32>
      %mul3A_2080 = arith.mulf %mul3A_2079, %get3A_2077 : vector<16xf32>
      %add3A_2081 = arith.addf %add3A_1915, %mul3A_2080 : vector<16xf32>
      %add3A_2082 = arith.addf %add3A_1916, %mul3A_2079 : vector<16xf32>
      %mul3A_2083 = vector.broadcast %squeeze3A_1966 : f32 to vector<16xf32>
      %mul3A_2084 = arith.mulf %mul3A_2083, %get3A_2077 : vector<16xf32>
      %add3A_2085 = arith.addf %add3A_1919, %mul3A_2084 : vector<16xf32>
      %mul3A_2086 = vector.broadcast %squeeze3A_1968 : f32 to vector<16xf32>
      %mul3A_2087 = arith.mulf %mul3A_2086, %get3A_2077 : vector<16xf32>
      %add3A_2088 = arith.addf %add3A_1922, %mul3A_2087 : vector<16xf32>
      %add3A_2089 = arith.constant 9 : i32
      %add3A_2090 = arith.addi %mul3A_460, %add3A_2089 : i32
      %get3A_2091 = arith.constant 0 : i32
      %get3A_2092 = arith.constant 0 : i32
      %get3A_2093 = tpu.memref_slice %arg7[%scan3A, %get3A_2091, %get3A_2092] : memref<2x128x128xf32, #tpu.memory_space<vmem>> -> memref<1x128x128xf32, #tpu.memory_space<vmem>>
      %get3A_2094 = tpu.memref_squeeze %get3A_2093 : memref<1x128x128xf32, #tpu.memory_space<vmem>> -> memref<128x128xf32, #tpu.memory_space<vmem>>
      %get3A_2095 = arith.index_cast %add3A_2090 : i32 to index
      %get3A_2096 = arith.constant 96 : index
      %get3A_2097 = tpu.vector_load %get3A_2094[%get3A_2095, %get3A_2096] {strides = array<i32>} : memref<128x128xf32, #tpu.memory_space<vmem>>, vector<16xf32>,
      %mul3A_2098 = vector.broadcast %squeeze3A_1964 : f32 to vector<16xf32>
      %mul3A_2099 = arith.mulf %mul3A_2098, %get3A_2097 : vector<16xf32>
      %mul3A_2100 = arith.mulf %mul3A_2099, %get3A_2097 : vector<16xf32>
      %add3A_2101 = arith.addf %add3A_1935, %mul3A_2100 : vector<16xf32>
      %add3A_2102 = arith.addf %add3A_1936, %mul3A_2099 : vector<16xf32>
      %mul3A_2103 = vector.broadcast %squeeze3A_1966 : f32 to vector<16xf32>
      %mul3A_2104 = arith.mulf %mul3A_2103, %get3A_2097 : vector<16xf32>
      %add3A_2105 = arith.addf %add3A_1939, %mul3A_2104 : vector<16xf32>
      %mul3A_2106 = vector.broadcast %squeeze3A_1968 : f32 to vector<16xf32>
      %mul3A_2107 = arith.mulf %mul3A_2106, %get3A_2097 : vector<16xf32>
      %add3A_2108 = arith.addf %add3A_1942, %mul3A_2107 : vector<16xf32>
      %add3A_2109 = arith.constant 9 : i32
      %add3A_2110 = arith.addi %mul3A_460, %add3A_2109 : i32
      %get3A_2111 = arith.constant 0 : i32
      %get3A_2112 = arith.constant 0 : i32
      %get3A_2113 = tpu.memref_slice %arg7[%scan3A, %get3A_2111, %get3A_2112] : memref<2x128x128xf32, #tpu.memory_space<vmem>> -> memref<1x128x128xf32, #tpu.memory_space<vmem>>
      %get3A_2114 = tpu.memref_squeeze %get3A_2113 : memref<1x128x128xf32, #tpu.memory_space<vmem>> -> memref<128x128xf32, #tpu.memory_space<vmem>>
      %get3A_2115 = arith.index_cast %add3A_2110 : i32 to index
      %get3A_2116 = arith.constant 112 : index
      %get3A_2117 = tpu.vector_load %get3A_2114[%get3A_2115, %get3A_2116] {strides = array<i32>} : memref<128x128xf32, #tpu.memory_space<vmem>>, vector<16xf32>,
      %mul3A_2118 = vector.broadcast %squeeze3A_1964 : f32 to vector<16xf32>
      %mul3A_2119 = arith.mulf %mul3A_2118, %get3A_2117 : vector<16xf32>
      %mul3A_2120 = arith.mulf %mul3A_2119, %get3A_2117 : vector<16xf32>
      %add3A_2121 = arith.addf %add3A_1955, %mul3A_2120 : vector<16xf32>
      %add3A_2122 = arith.addf %add3A_1956, %mul3A_2119 : vector<16xf32>
      %mul3A_2123 = vector.broadcast %squeeze3A_1966 : f32 to vector<16xf32>
      %mul3A_2124 = arith.mulf %mul3A_2123, %get3A_2117 : vector<16xf32>
      %add3A_2125 = arith.addf %add3A_1959, %mul3A_2124 : vector<16xf32>
      %mul3A_2126 = vector.broadcast %squeeze3A_1968 : f32 to vector<16xf32>
      %mul3A_2127 = arith.mulf %mul3A_2126, %get3A_2117 : vector<16xf32>
      %add3A_2128 = arith.addf %add3A_1962, %mul3A_2127 : vector<16xf32>
      %slice3A_2129 = vector.extract_strided_slice %get3A_464 {offsets = [10], sizes = [1], strides = [1]} : vector<16xf32> to vector<1xf32>
      %squeeze3A_2130 = vector.extract %slice3A_2129[0] : f32 from vector<1xf32>
      %slice3A_2131 = vector.extract_strided_slice %mul3A_469 {offsets = [10], sizes = [1], strides = [1]} : vector<16xf32> to vector<1xf32>
      %squeeze3A_2132 = vector.extract %slice3A_2131[0] : f32 from vector<1xf32>
      %slice3A_2133 = vector.extract_strided_slice %mul3A_470 {offsets = [10], sizes = [1], strides = [1]} : vector<16xf32> to vector<1xf32>
      %squeeze3A_2134 = vector.extract %slice3A_2133[0] : f32 from vector<1xf32>
      %add3A_2135 = arith.constant 10 : i32
      %add3A_2136 = arith.addi %mul3A_460, %add3A_2135 : i32
      %get3A_2137 = arith.constant 0 : i32
      %get3A_2138 = arith.constant 0 : i32
      %get3A_2139 = tpu.memref_slice %arg7[%scan3A, %get3A_2137, %get3A_2138] : memref<2x128x128xf32, #tpu.memory_space<vmem>> -> memref<1x128x128xf32, #tpu.memory_space<vmem>>
      %get3A_2140 = tpu.memref_squeeze %get3A_2139 : memref<1x128x128xf32, #tpu.memory_space<vmem>> -> memref<128x128xf32, #tpu.memory_space<vmem>>
      %get3A_2141 = arith.index_cast %add3A_2136 : i32 to index
      %get3A_2142 = arith.constant 0 : index
      %get3A_2143 = tpu.vector_load %get3A_2140[%get3A_2141, %get3A_2142] {strides = array<i32>} : memref<128x128xf32, #tpu.memory_space<vmem>>, vector<16xf32>,
      %mul3A_2144 = vector.broadcast %squeeze3A_2130 : f32 to vector<16xf32>
      %mul3A_2145 = arith.mulf %mul3A_2144, %get3A_2143 : vector<16xf32>
      %mul3A_2146 = arith.mulf %mul3A_2145, %get3A_2143 : vector<16xf32>
      %add3A_2147 = arith.addf %add3A_1981, %mul3A_2146 : vector<16xf32>
      %add3A_2148 = arith.addf %add3A_1982, %mul3A_2145 : vector<16xf32>
      %mul3A_2149 = vector.broadcast %squeeze3A_2132 : f32 to vector<16xf32>
      %mul3A_2150 = arith.mulf %mul3A_2149, %get3A_2143 : vector<16xf32>
      %add3A_2151 = arith.addf %add3A_1985, %mul3A_2150 : vector<16xf32>
      %mul3A_2152 = vector.broadcast %squeeze3A_2134 : f32 to vector<16xf32>
      %mul3A_2153 = arith.mulf %mul3A_2152, %get3A_2143 : vector<16xf32>
      %add3A_2154 = arith.addf %add3A_1988, %mul3A_2153 : vector<16xf32>
      %add3A_2155 = arith.constant 10 : i32
      %add3A_2156 = arith.addi %mul3A_460, %add3A_2155 : i32
      %get3A_2157 = arith.constant 0 : i32
      %get3A_2158 = arith.constant 0 : i32
      %get3A_2159 = tpu.memref_slice %arg7[%scan3A, %get3A_2157, %get3A_2158] : memref<2x128x128xf32, #tpu.memory_space<vmem>> -> memref<1x128x128xf32, #tpu.memory_space<vmem>>
      %get3A_2160 = tpu.memref_squeeze %get3A_2159 : memref<1x128x128xf32, #tpu.memory_space<vmem>> -> memref<128x128xf32, #tpu.memory_space<vmem>>
      %get3A_2161 = arith.index_cast %add3A_2156 : i32 to index
      %get3A_2162 = arith.constant 16 : index
      %get3A_2163 = tpu.vector_load %get3A_2160[%get3A_2161, %get3A_2162] {strides = array<i32>} : memref<128x128xf32, #tpu.memory_space<vmem>>, vector<16xf32>,
      %mul3A_2164 = vector.broadcast %squeeze3A_2130 : f32 to vector<16xf32>
      %mul3A_2165 = arith.mulf %mul3A_2164, %get3A_2163 : vector<16xf32>
      %mul3A_2166 = arith.mulf %mul3A_2165, %get3A_2163 : vector<16xf32>
      %add3A_2167 = arith.addf %add3A_2001, %mul3A_2166 : vector<16xf32>
      %add3A_2168 = arith.addf %add3A_2002, %mul3A_2165 : vector<16xf32>
      %mul3A_2169 = vector.broadcast %squeeze3A_2132 : f32 to vector<16xf32>
      %mul3A_2170 = arith.mulf %mul3A_2169, %get3A_2163 : vector<16xf32>
      %add3A_2171 = arith.addf %add3A_2005, %mul3A_2170 : vector<16xf32>
      %mul3A_2172 = vector.broadcast %squeeze3A_2134 : f32 to vector<16xf32>
      %mul3A_2173 = arith.mulf %mul3A_2172, %get3A_2163 : vector<16xf32>
      %add3A_2174 = arith.addf %add3A_2008, %mul3A_2173 : vector<16xf32>
      %add3A_2175 = arith.constant 10 : i32
      %add3A_2176 = arith.addi %mul3A_460, %add3A_2175 : i32
      %get3A_2177 = arith.constant 0 : i32
      %get3A_2178 = arith.constant 0 : i32
      %get3A_2179 = tpu.memref_slice %arg7[%scan3A, %get3A_2177, %get3A_2178] : memref<2x128x128xf32, #tpu.memory_space<vmem>> -> memref<1x128x128xf32, #tpu.memory_space<vmem>>
      %get3A_2180 = tpu.memref_squeeze %get3A_2179 : memref<1x128x128xf32, #tpu.memory_space<vmem>> -> memref<128x128xf32, #tpu.memory_space<vmem>>
      %get3A_2181 = arith.index_cast %add3A_2176 : i32 to index
      %get3A_2182 = arith.constant 32 : index
      %get3A_2183 = tpu.vector_load %get3A_2180[%get3A_2181, %get3A_2182] {strides = array<i32>} : memref<128x128xf32, #tpu.memory_space<vmem>>, vector<16xf32>,
      %mul3A_2184 = vector.broadcast %squeeze3A_2130 : f32 to vector<16xf32>
      %mul3A_2185 = arith.mulf %mul3A_2184, %get3A_2183 : vector<16xf32>
      %mul3A_2186 = arith.mulf %mul3A_2185, %get3A_2183 : vector<16xf32>
      %add3A_2187 = arith.addf %add3A_2021, %mul3A_2186 : vector<16xf32>
      %add3A_2188 = arith.addf %add3A_2022, %mul3A_2185 : vector<16xf32>
      %mul3A_2189 = vector.broadcast %squeeze3A_2132 : f32 to vector<16xf32>
      %mul3A_2190 = arith.mulf %mul3A_2189, %get3A_2183 : vector<16xf32>
      %add3A_2191 = arith.addf %add3A_2025, %mul3A_2190 : vector<16xf32>
      %mul3A_2192 = vector.broadcast %squeeze3A_2134 : f32 to vector<16xf32>
      %mul3A_2193 = arith.mulf %mul3A_2192, %get3A_2183 : vector<16xf32>
      %add3A_2194 = arith.addf %add3A_2028, %mul3A_2193 : vector<16xf32>
      %add3A_2195 = arith.constant 10 : i32
      %add3A_2196 = arith.addi %mul3A_460, %add3A_2195 : i32
      %get3A_2197 = arith.constant 0 : i32
      %get3A_2198 = arith.constant 0 : i32
      %get3A_2199 = tpu.memref_slice %arg7[%scan3A, %get3A_2197, %get3A_2198] : memref<2x128x128xf32, #tpu.memory_space<vmem>> -> memref<1x128x128xf32, #tpu.memory_space<vmem>>
      %get3A_2200 = tpu.memref_squeeze %get3A_2199 : memref<1x128x128xf32, #tpu.memory_space<vmem>> -> memref<128x128xf32, #tpu.memory_space<vmem>>
      %get3A_2201 = arith.index_cast %add3A_2196 : i32 to index
      %get3A_2202 = arith.constant 48 : index
      %get3A_2203 = tpu.vector_load %get3A_2200[%get3A_2201, %get3A_2202] {strides = array<i32>} : memref<128x128xf32, #tpu.memory_space<vmem>>, vector<16xf32>,
      %mul3A_2204 = vector.broadcast %squeeze3A_2130 : f32 to vector<16xf32>
      %mul3A_2205 = arith.mulf %mul3A_2204, %get3A_2203 : vector<16xf32>
      %mul3A_2206 = arith.mulf %mul3A_2205, %get3A_2203 : vector<16xf32>
      %add3A_2207 = arith.addf %add3A_2041, %mul3A_2206 : vector<16xf32>
      %add3A_2208 = arith.addf %add3A_2042, %mul3A_2205 : vector<16xf32>
      %mul3A_2209 = vector.broadcast %squeeze3A_2132 : f32 to vector<16xf32>
      %mul3A_2210 = arith.mulf %mul3A_2209, %get3A_2203 : vector<16xf32>
      %add3A_2211 = arith.addf %add3A_2045, %mul3A_2210 : vector<16xf32>
      %mul3A_2212 = vector.broadcast %squeeze3A_2134 : f32 to vector<16xf32>
      %mul3A_2213 = arith.mulf %mul3A_2212, %get3A_2203 : vector<16xf32>
      %add3A_2214 = arith.addf %add3A_2048, %mul3A_2213 : vector<16xf32>
      %add3A_2215 = arith.constant 10 : i32
      %add3A_2216 = arith.addi %mul3A_460, %add3A_2215 : i32
      %get3A_2217 = arith.constant 0 : i32
      %get3A_2218 = arith.constant 0 : i32
      %get3A_2219 = tpu.memref_slice %arg7[%scan3A, %get3A_2217, %get3A_2218] : memref<2x128x128xf32, #tpu.memory_space<vmem>> -> memref<1x128x128xf32, #tpu.memory_space<vmem>>
      %get3A_2220 = tpu.memref_squeeze %get3A_2219 : memref<1x128x128xf32, #tpu.memory_space<vmem>> -> memref<128x128xf32, #tpu.memory_space<vmem>>
      %get3A_2221 = arith.index_cast %add3A_2216 : i32 to index
      %get3A_2222 = arith.constant 64 : index
      %get3A_2223 = tpu.vector_load %get3A_2220[%get3A_2221, %get3A_2222] {strides = array<i32>} : memref<128x128xf32, #tpu.memory_space<vmem>>, vector<16xf32>,
      %mul3A_2224 = vector.broadcast %squeeze3A_2130 : f32 to vector<16xf32>
      %mul3A_2225 = arith.mulf %mul3A_2224, %get3A_2223 : vector<16xf32>
      %mul3A_2226 = arith.mulf %mul3A_2225, %get3A_2223 : vector<16xf32>
      %add3A_2227 = arith.addf %add3A_2061, %mul3A_2226 : vector<16xf32>
      %add3A_2228 = arith.addf %add3A_2062, %mul3A_2225 : vector<16xf32>
      %mul3A_2229 = vector.broadcast %squeeze3A_2132 : f32 to vector<16xf32>
      %mul3A_2230 = arith.mulf %mul3A_2229, %get3A_2223 : vector<16xf32>
      %add3A_2231 = arith.addf %add3A_2065, %mul3A_2230 : vector<16xf32>
      %mul3A_2232 = vector.broadcast %squeeze3A_2134 : f32 to vector<16xf32>
      %mul3A_2233 = arith.mulf %mul3A_2232, %get3A_2223 : vector<16xf32>
      %add3A_2234 = arith.addf %add3A_2068, %mul3A_2233 : vector<16xf32>
      %add3A_2235 = arith.constant 10 : i32
      %add3A_2236 = arith.addi %mul3A_460, %add3A_2235 : i32
      %get3A_2237 = arith.constant 0 : i32
      %get3A_2238 = arith.constant 0 : i32
      %get3A_2239 = tpu.memref_slice %arg7[%scan3A, %get3A_2237, %get3A_2238] : memref<2x128x128xf32, #tpu.memory_space<vmem>> -> memref<1x128x128xf32, #tpu.memory_space<vmem>>
      %get3A_2240 = tpu.memref_squeeze %get3A_2239 : memref<1x128x128xf32, #tpu.memory_space<vmem>> -> memref<128x128xf32, #tpu.memory_space<vmem>>
      %get3A_2241 = arith.index_cast %add3A_2236 : i32 to index
      %get3A_2242 = arith.constant 80 : index
      %get3A_2243 = tpu.vector_load %get3A_2240[%get3A_2241, %get3A_2242] {strides = array<i32>} : memref<128x128xf32, #tpu.memory_space<vmem>>, vector<16xf32>,
      %mul3A_2244 = vector.broadcast %squeeze3A_2130 : f32 to vector<16xf32>
      %mul3A_2245 = arith.mulf %mul3A_2244, %get3A_2243 : vector<16xf32>
      %mul3A_2246 = arith.mulf %mul3A_2245, %get3A_2243 : vector<16xf32>
      %add3A_2247 = arith.addf %add3A_2081, %mul3A_2246 : vector<16xf32>
      %add3A_2248 = arith.addf %add3A_2082, %mul3A_2245 : vector<16xf32>
      %mul3A_2249 = vector.broadcast %squeeze3A_2132 : f32 to vector<16xf32>
      %mul3A_2250 = arith.mulf %mul3A_2249, %get3A_2243 : vector<16xf32>
      %add3A_2251 = arith.addf %add3A_2085, %mul3A_2250 : vector<16xf32>
      %mul3A_2252 = vector.broadcast %squeeze3A_2134 : f32 to vector<16xf32>
      %mul3A_2253 = arith.mulf %mul3A_2252, %get3A_2243 : vector<16xf32>
      %add3A_2254 = arith.addf %add3A_2088, %mul3A_2253 : vector<16xf32>
      %add3A_2255 = arith.constant 10 : i32
      %add3A_2256 = arith.addi %mul3A_460, %add3A_2255 : i32
      %get3A_2257 = arith.constant 0 : i32
      %get3A_2258 = arith.constant 0 : i32
      %get3A_2259 = tpu.memref_slice %arg7[%scan3A, %get3A_2257, %get3A_2258] : memref<2x128x128xf32, #tpu.memory_space<vmem>> -> memref<1x128x128xf32, #tpu.memory_space<vmem>>
      %get3A_2260 = tpu.memref_squeeze %get3A_2259 : memref<1x128x128xf32, #tpu.memory_space<vmem>> -> memref<128x128xf32, #tpu.memory_space<vmem>>
      %get3A_2261 = arith.index_cast %add3A_2256 : i32 to index
      %get3A_2262 = arith.constant 96 : index
      %get3A_2263 = tpu.vector_load %get3A_2260[%get3A_2261, %get3A_2262] {strides = array<i32>} : memref<128x128xf32, #tpu.memory_space<vmem>>, vector<16xf32>,
      %mul3A_2264 = vector.broadcast %squeeze3A_2130 : f32 to vector<16xf32>
      %mul3A_2265 = arith.mulf %mul3A_2264, %get3A_2263 : vector<16xf32>
      %mul3A_2266 = arith.mulf %mul3A_2265, %get3A_2263 : vector<16xf32>
      %add3A_2267 = arith.addf %add3A_2101, %mul3A_2266 : vector<16xf32>
      %add3A_2268 = arith.addf %add3A_2102, %mul3A_2265 : vector<16xf32>
      %mul3A_2269 = vector.broadcast %squeeze3A_2132 : f32 to vector<16xf32>
      %mul3A_2270 = arith.mulf %mul3A_2269, %get3A_2263 : vector<16xf32>
      %add3A_2271 = arith.addf %add3A_2105, %mul3A_2270 : vector<16xf32>
      %mul3A_2272 = vector.broadcast %squeeze3A_2134 : f32 to vector<16xf32>
      %mul3A_2273 = arith.mulf %mul3A_2272, %get3A_2263 : vector<16xf32>
      %add3A_2274 = arith.addf %add3A_2108, %mul3A_2273 : vector<16xf32>
      %add3A_2275 = arith.constant 10 : i32
      %add3A_2276 = arith.addi %mul3A_460, %add3A_2275 : i32
      %get3A_2277 = arith.constant 0 : i32
      %get3A_2278 = arith.constant 0 : i32
      %get3A_2279 = tpu.memref_slice %arg7[%scan3A, %get3A_2277, %get3A_2278] : memref<2x128x128xf32, #tpu.memory_space<vmem>> -> memref<1x128x128xf32, #tpu.memory_space<vmem>>
      %get3A_2280 = tpu.memref_squeeze %get3A_2279 : memref<1x128x128xf32, #tpu.memory_space<vmem>> -> memref<128x128xf32, #tpu.memory_space<vmem>>
      %get3A_2281 = arith.index_cast %add3A_2276 : i32 to index
      %get3A_2282 = arith.constant 112 : index
      %get3A_2283 = tpu.vector_load %get3A_2280[%get3A_2281, %get3A_2282] {strides = array<i32>} : memref<128x128xf32, #tpu.memory_space<vmem>>, vector<16xf32>,
      %mul3A_2284 = vector.broadcast %squeeze3A_2130 : f32 to vector<16xf32>
      %mul3A_2285 = arith.mulf %mul3A_2284, %get3A_2283 : vector<16xf32>
      %mul3A_2286 = arith.mulf %mul3A_2285, %get3A_2283 : vector<16xf32>
      %add3A_2287 = arith.addf %add3A_2121, %mul3A_2286 : vector<16xf32>
      %add3A_2288 = arith.addf %add3A_2122, %mul3A_2285 : vector<16xf32>
      %mul3A_2289 = vector.broadcast %squeeze3A_2132 : f32 to vector<16xf32>
      %mul3A_2290 = arith.mulf %mul3A_2289, %get3A_2283 : vector<16xf32>
      %add3A_2291 = arith.addf %add3A_2125, %mul3A_2290 : vector<16xf32>
      %mul3A_2292 = vector.broadcast %squeeze3A_2134 : f32 to vector<16xf32>
      %mul3A_2293 = arith.mulf %mul3A_2292, %get3A_2283 : vector<16xf32>
      %add3A_2294 = arith.addf %add3A_2128, %mul3A_2293 : vector<16xf32>
      %slice3A_2295 = vector.extract_strided_slice %get3A_464 {offsets = [11], sizes = [1], strides = [1]} : vector<16xf32> to vector<1xf32>
      %squeeze3A_2296 = vector.extract %slice3A_2295[0] : f32 from vector<1xf32>
      %slice3A_2297 = vector.extract_strided_slice %mul3A_469 {offsets = [11], sizes = [1], strides = [1]} : vector<16xf32> to vector<1xf32>
      %squeeze3A_2298 = vector.extract %slice3A_2297[0] : f32 from vector<1xf32>
      %slice3A_2299 = vector.extract_strided_slice %mul3A_470 {offsets = [11], sizes = [1], strides = [1]} : vector<16xf32> to vector<1xf32>
      %squeeze3A_2300 = vector.extract %slice3A_2299[0] : f32 from vector<1xf32>
      %add3A_2301 = arith.constant 11 : i32
      %add3A_2302 = arith.addi %mul3A_460, %add3A_2301 : i32
      %get3A_2303 = arith.constant 0 : i32
      %get3A_2304 = arith.constant 0 : i32
      %get3A_2305 = tpu.memref_slice %arg7[%scan3A, %get3A_2303, %get3A_2304] : memref<2x128x128xf32, #tpu.memory_space<vmem>> -> memref<1x128x128xf32, #tpu.memory_space<vmem>>
      %get3A_2306 = tpu.memref_squeeze %get3A_2305 : memref<1x128x128xf32, #tpu.memory_space<vmem>> -> memref<128x128xf32, #tpu.memory_space<vmem>>
      %get3A_2307 = arith.index_cast %add3A_2302 : i32 to index
      %get3A_2308 = arith.constant 0 : index
      %get3A_2309 = tpu.vector_load %get3A_2306[%get3A_2307, %get3A_2308] {strides = array<i32>} : memref<128x128xf32, #tpu.memory_space<vmem>>, vector<16xf32>,
      %mul3A_2310 = vector.broadcast %squeeze3A_2296 : f32 to vector<16xf32>
      %mul3A_2311 = arith.mulf %mul3A_2310, %get3A_2309 : vector<16xf32>
      %mul3A_2312 = arith.mulf %mul3A_2311, %get3A_2309 : vector<16xf32>
      %add3A_2313 = arith.addf %add3A_2147, %mul3A_2312 : vector<16xf32>
      %add3A_2314 = arith.addf %add3A_2148, %mul3A_2311 : vector<16xf32>
      %mul3A_2315 = vector.broadcast %squeeze3A_2298 : f32 to vector<16xf32>
      %mul3A_2316 = arith.mulf %mul3A_2315, %get3A_2309 : vector<16xf32>
      %add3A_2317 = arith.addf %add3A_2151, %mul3A_2316 : vector<16xf32>
      %mul3A_2318 = vector.broadcast %squeeze3A_2300 : f32 to vector<16xf32>
      %mul3A_2319 = arith.mulf %mul3A_2318, %get3A_2309 : vector<16xf32>
      %add3A_2320 = arith.addf %add3A_2154, %mul3A_2319 : vector<16xf32>
      %add3A_2321 = arith.constant 11 : i32
      %add3A_2322 = arith.addi %mul3A_460, %add3A_2321 : i32
      %get3A_2323 = arith.constant 0 : i32
      %get3A_2324 = arith.constant 0 : i32
      %get3A_2325 = tpu.memref_slice %arg7[%scan3A, %get3A_2323, %get3A_2324] : memref<2x128x128xf32, #tpu.memory_space<vmem>> -> memref<1x128x128xf32, #tpu.memory_space<vmem>>
      %get3A_2326 = tpu.memref_squeeze %get3A_2325 : memref<1x128x128xf32, #tpu.memory_space<vmem>> -> memref<128x128xf32, #tpu.memory_space<vmem>>
      %get3A_2327 = arith.index_cast %add3A_2322 : i32 to index
      %get3A_2328 = arith.constant 16 : index
      %get3A_2329 = tpu.vector_load %get3A_2326[%get3A_2327, %get3A_2328] {strides = array<i32>} : memref<128x128xf32, #tpu.memory_space<vmem>>, vector<16xf32>,
      %mul3A_2330 = vector.broadcast %squeeze3A_2296 : f32 to vector<16xf32>
      %mul3A_2331 = arith.mulf %mul3A_2330, %get3A_2329 : vector<16xf32>
      %mul3A_2332 = arith.mulf %mul3A_2331, %get3A_2329 : vector<16xf32>
      %add3A_2333 = arith.addf %add3A_2167, %mul3A_2332 : vector<16xf32>
      %add3A_2334 = arith.addf %add3A_2168, %mul3A_2331 : vector<16xf32>
      %mul3A_2335 = vector.broadcast %squeeze3A_2298 : f32 to vector<16xf32>
      %mul3A_2336 = arith.mulf %mul3A_2335, %get3A_2329 : vector<16xf32>
      %add3A_2337 = arith.addf %add3A_2171, %mul3A_2336 : vector<16xf32>
      %mul3A_2338 = vector.broadcast %squeeze3A_2300 : f32 to vector<16xf32>
      %mul3A_2339 = arith.mulf %mul3A_2338, %get3A_2329 : vector<16xf32>
      %add3A_2340 = arith.addf %add3A_2174, %mul3A_2339 : vector<16xf32>
      %add3A_2341 = arith.constant 11 : i32
      %add3A_2342 = arith.addi %mul3A_460, %add3A_2341 : i32
      %get3A_2343 = arith.constant 0 : i32
      %get3A_2344 = arith.constant 0 : i32
      %get3A_2345 = tpu.memref_slice %arg7[%scan3A, %get3A_2343, %get3A_2344] : memref<2x128x128xf32, #tpu.memory_space<vmem>> -> memref<1x128x128xf32, #tpu.memory_space<vmem>>
      %get3A_2346 = tpu.memref_squeeze %get3A_2345 : memref<1x128x128xf32, #tpu.memory_space<vmem>> -> memref<128x128xf32, #tpu.memory_space<vmem>>
      %get3A_2347 = arith.index_cast %add3A_2342 : i32 to index
      %get3A_2348 = arith.constant 32 : index
      %get3A_2349 = tpu.vector_load %get3A_2346[%get3A_2347, %get3A_2348] {strides = array<i32>} : memref<128x128xf32, #tpu.memory_space<vmem>>, vector<16xf32>,
      %mul3A_2350 = vector.broadcast %squeeze3A_2296 : f32 to vector<16xf32>
      %mul3A_2351 = arith.mulf %mul3A_2350, %get3A_2349 : vector<16xf32>
      %mul3A_2352 = arith.mulf %mul3A_2351, %get3A_2349 : vector<16xf32>
      %add3A_2353 = arith.addf %add3A_2187, %mul3A_2352 : vector<16xf32>
      %add3A_2354 = arith.addf %add3A_2188, %mul3A_2351 : vector<16xf32>
      %mul3A_2355 = vector.broadcast %squeeze3A_2298 : f32 to vector<16xf32>
      %mul3A_2356 = arith.mulf %mul3A_2355, %get3A_2349 : vector<16xf32>
      %add3A_2357 = arith.addf %add3A_2191, %mul3A_2356 : vector<16xf32>
      %mul3A_2358 = vector.broadcast %squeeze3A_2300 : f32 to vector<16xf32>
      %mul3A_2359 = arith.mulf %mul3A_2358, %get3A_2349 : vector<16xf32>
      %add3A_2360 = arith.addf %add3A_2194, %mul3A_2359 : vector<16xf32>
      %add3A_2361 = arith.constant 11 : i32
      %add3A_2362 = arith.addi %mul3A_460, %add3A_2361 : i32
      %get3A_2363 = arith.constant 0 : i32
      %get3A_2364 = arith.constant 0 : i32
      %get3A_2365 = tpu.memref_slice %arg7[%scan3A, %get3A_2363, %get3A_2364] : memref<2x128x128xf32, #tpu.memory_space<vmem>> -> memref<1x128x128xf32, #tpu.memory_space<vmem>>
      %get3A_2366 = tpu.memref_squeeze %get3A_2365 : memref<1x128x128xf32, #tpu.memory_space<vmem>> -> memref<128x128xf32, #tpu.memory_space<vmem>>
      %get3A_2367 = arith.index_cast %add3A_2362 : i32 to index
      %get3A_2368 = arith.constant 48 : index
      %get3A_2369 = tpu.vector_load %get3A_2366[%get3A_2367, %get3A_2368] {strides = array<i32>} : memref<128x128xf32, #tpu.memory_space<vmem>>, vector<16xf32>,
      %mul3A_2370 = vector.broadcast %squeeze3A_2296 : f32 to vector<16xf32>
      %mul3A_2371 = arith.mulf %mul3A_2370, %get3A_2369 : vector<16xf32>
      %mul3A_2372 = arith.mulf %mul3A_2371, %get3A_2369 : vector<16xf32>
      %add3A_2373 = arith.addf %add3A_2207, %mul3A_2372 : vector<16xf32>
      %add3A_2374 = arith.addf %add3A_2208, %mul3A_2371 : vector<16xf32>
      %mul3A_2375 = vector.broadcast %squeeze3A_2298 : f32 to vector<16xf32>
      %mul3A_2376 = arith.mulf %mul3A_2375, %get3A_2369 : vector<16xf32>
      %add3A_2377 = arith.addf %add3A_2211, %mul3A_2376 : vector<16xf32>
      %mul3A_2378 = vector.broadcast %squeeze3A_2300 : f32 to vector<16xf32>
      %mul3A_2379 = arith.mulf %mul3A_2378, %get3A_2369 : vector<16xf32>
      %add3A_2380 = arith.addf %add3A_2214, %mul3A_2379 : vector<16xf32>
      %add3A_2381 = arith.constant 11 : i32
      %add3A_2382 = arith.addi %mul3A_460, %add3A_2381 : i32
      %get3A_2383 = arith.constant 0 : i32
      %get3A_2384 = arith.constant 0 : i32
      %get3A_2385 = tpu.memref_slice %arg7[%scan3A, %get3A_2383, %get3A_2384] : memref<2x128x128xf32, #tpu.memory_space<vmem>> -> memref<1x128x128xf32, #tpu.memory_space<vmem>>
      %get3A_2386 = tpu.memref_squeeze %get3A_2385 : memref<1x128x128xf32, #tpu.memory_space<vmem>> -> memref<128x128xf32, #tpu.memory_space<vmem>>
      %get3A_2387 = arith.index_cast %add3A_2382 : i32 to index
      %get3A_2388 = arith.constant 64 : index
      %get3A_2389 = tpu.vector_load %get3A_2386[%get3A_2387, %get3A_2388] {strides = array<i32>} : memref<128x128xf32, #tpu.memory_space<vmem>>, vector<16xf32>,
      %mul3A_2390 = vector.broadcast %squeeze3A_2296 : f32 to vector<16xf32>
      %mul3A_2391 = arith.mulf %mul3A_2390, %get3A_2389 : vector<16xf32>
      %mul3A_2392 = arith.mulf %mul3A_2391, %get3A_2389 : vector<16xf32>
      %add3A_2393 = arith.addf %add3A_2227, %mul3A_2392 : vector<16xf32>
      %add3A_2394 = arith.addf %add3A_2228, %mul3A_2391 : vector<16xf32>
      %mul3A_2395 = vector.broadcast %squeeze3A_2298 : f32 to vector<16xf32>
      %mul3A_2396 = arith.mulf %mul3A_2395, %get3A_2389 : vector<16xf32>
      %add3A_2397 = arith.addf %add3A_2231, %mul3A_2396 : vector<16xf32>
      %mul3A_2398 = vector.broadcast %squeeze3A_2300 : f32 to vector<16xf32>
      %mul3A_2399 = arith.mulf %mul3A_2398, %get3A_2389 : vector<16xf32>
      %add3A_2400 = arith.addf %add3A_2234, %mul3A_2399 : vector<16xf32>
      %add3A_2401 = arith.constant 11 : i32
      %add3A_2402 = arith.addi %mul3A_460, %add3A_2401 : i32
      %get3A_2403 = arith.constant 0 : i32
      %get3A_2404 = arith.constant 0 : i32
      %get3A_2405 = tpu.memref_slice %arg7[%scan3A, %get3A_2403, %get3A_2404] : memref<2x128x128xf32, #tpu.memory_space<vmem>> -> memref<1x128x128xf32, #tpu.memory_space<vmem>>
      %get3A_2406 = tpu.memref_squeeze %get3A_2405 : memref<1x128x128xf32, #tpu.memory_space<vmem>> -> memref<128x128xf32, #tpu.memory_space<vmem>>
      %get3A_2407 = arith.index_cast %add3A_2402 : i32 to index
      %get3A_2408 = arith.constant 80 : index
      %get3A_2409 = tpu.vector_load %get3A_2406[%get3A_2407, %get3A_2408] {strides = array<i32>} : memref<128x128xf32, #tpu.memory_space<vmem>>, vector<16xf32>,
      %mul3A_2410 = vector.broadcast %squeeze3A_2296 : f32 to vector<16xf32>
      %mul3A_2411 = arith.mulf %mul3A_2410, %get3A_2409 : vector<16xf32>
      %mul3A_2412 = arith.mulf %mul3A_2411, %get3A_2409 : vector<16xf32>
      %add3A_2413 = arith.addf %add3A_2247, %mul3A_2412 : vector<16xf32>
      %add3A_2414 = arith.addf %add3A_2248, %mul3A_2411 : vector<16xf32>
      %mul3A_2415 = vector.broadcast %squeeze3A_2298 : f32 to vector<16xf32>
      %mul3A_2416 = arith.mulf %mul3A_2415, %get3A_2409 : vector<16xf32>
      %add3A_2417 = arith.addf %add3A_2251, %mul3A_2416 : vector<16xf32>
      %mul3A_2418 = vector.broadcast %squeeze3A_2300 : f32 to vector<16xf32>
      %mul3A_2419 = arith.mulf %mul3A_2418, %get3A_2409 : vector<16xf32>
      %add3A_2420 = arith.addf %add3A_2254, %mul3A_2419 : vector<16xf32>
      %add3A_2421 = arith.constant 11 : i32
      %add3A_2422 = arith.addi %mul3A_460, %add3A_2421 : i32
      %get3A_2423 = arith.constant 0 : i32
      %get3A_2424 = arith.constant 0 : i32
      %get3A_2425 = tpu.memref_slice %arg7[%scan3A, %get3A_2423, %get3A_2424] : memref<2x128x128xf32, #tpu.memory_space<vmem>> -> memref<1x128x128xf32, #tpu.memory_space<vmem>>
      %get3A_2426 = tpu.memref_squeeze %get3A_2425 : memref<1x128x128xf32, #tpu.memory_space<vmem>> -> memref<128x128xf32, #tpu.memory_space<vmem>>
      %get3A_2427 = arith.index_cast %add3A_2422 : i32 to index
      %get3A_2428 = arith.constant 96 : index
      %get3A_2429 = tpu.vector_load %get3A_2426[%get3A_2427, %get3A_2428] {strides = array<i32>} : memref<128x128xf32, #tpu.memory_space<vmem>>, vector<16xf32>,
      %mul3A_2430 = vector.broadcast %squeeze3A_2296 : f32 to vector<16xf32>
      %mul3A_2431 = arith.mulf %mul3A_2430, %get3A_2429 : vector<16xf32>
      %mul3A_2432 = arith.mulf %mul3A_2431, %get3A_2429 : vector<16xf32>
      %add3A_2433 = arith.addf %add3A_2267, %mul3A_2432 : vector<16xf32>
      %add3A_2434 = arith.addf %add3A_2268, %mul3A_2431 : vector<16xf32>
      %mul3A_2435 = vector.broadcast %squeeze3A_2298 : f32 to vector<16xf32>
      %mul3A_2436 = arith.mulf %mul3A_2435, %get3A_2429 : vector<16xf32>
      %add3A_2437 = arith.addf %add3A_2271, %mul3A_2436 : vector<16xf32>
      %mul3A_2438 = vector.broadcast %squeeze3A_2300 : f32 to vector<16xf32>
      %mul3A_2439 = arith.mulf %mul3A_2438, %get3A_2429 : vector<16xf32>
      %add3A_2440 = arith.addf %add3A_2274, %mul3A_2439 : vector<16xf32>
      %add3A_2441 = arith.constant 11 : i32
      %add3A_2442 = arith.addi %mul3A_460, %add3A_2441 : i32
      %get3A_2443 = arith.constant 0 : i32
      %get3A_2444 = arith.constant 0 : i32
      %get3A_2445 = tpu.memref_slice %arg7[%scan3A, %get3A_2443, %get3A_2444] : memref<2x128x128xf32, #tpu.memory_space<vmem>> -> memref<1x128x128xf32, #tpu.memory_space<vmem>>
      %get3A_2446 = tpu.memref_squeeze %get3A_2445 : memref<1x128x128xf32, #tpu.memory_space<vmem>> -> memref<128x128xf32, #tpu.memory_space<vmem>>
      %get3A_2447 = arith.index_cast %add3A_2442 : i32 to index
      %get3A_2448 = arith.constant 112 : index
      %get3A_2449 = tpu.vector_load %get3A_2446[%get3A_2447, %get3A_2448] {strides = array<i32>} : memref<128x128xf32, #tpu.memory_space<vmem>>, vector<16xf32>,
      %mul3A_2450 = vector.broadcast %squeeze3A_2296 : f32 to vector<16xf32>
      %mul3A_2451 = arith.mulf %mul3A_2450, %get3A_2449 : vector<16xf32>
      %mul3A_2452 = arith.mulf %mul3A_2451, %get3A_2449 : vector<16xf32>
      %add3A_2453 = arith.addf %add3A_2287, %mul3A_2452 : vector<16xf32>
      %add3A_2454 = arith.addf %add3A_2288, %mul3A_2451 : vector<16xf32>
      %mul3A_2455 = vector.broadcast %squeeze3A_2298 : f32 to vector<16xf32>
      %mul3A_2456 = arith.mulf %mul3A_2455, %get3A_2449 : vector<16xf32>
      %add3A_2457 = arith.addf %add3A_2291, %mul3A_2456 : vector<16xf32>
      %mul3A_2458 = vector.broadcast %squeeze3A_2300 : f32 to vector<16xf32>
      %mul3A_2459 = arith.mulf %mul3A_2458, %get3A_2449 : vector<16xf32>
      %add3A_2460 = arith.addf %add3A_2294, %mul3A_2459 : vector<16xf32>
      %slice3A_2461 = vector.extract_strided_slice %get3A_464 {offsets = [12], sizes = [1], strides = [1]} : vector<16xf32> to vector<1xf32>
      %squeeze3A_2462 = vector.extract %slice3A_2461[0] : f32 from vector<1xf32>
      %slice3A_2463 = vector.extract_strided_slice %mul3A_469 {offsets = [12], sizes = [1], strides = [1]} : vector<16xf32> to vector<1xf32>
      %squeeze3A_2464 = vector.extract %slice3A_2463[0] : f32 from vector<1xf32>
      %slice3A_2465 = vector.extract_strided_slice %mul3A_470 {offsets = [12], sizes = [1], strides = [1]} : vector<16xf32> to vector<1xf32>
      %squeeze3A_2466 = vector.extract %slice3A_2465[0] : f32 from vector<1xf32>
      %add3A_2467 = arith.constant 12 : i32
      %add3A_2468 = arith.addi %mul3A_460, %add3A_2467 : i32
      %get3A_2469 = arith.constant 0 : i32
      %get3A_2470 = arith.constant 0 : i32
      %get3A_2471 = tpu.memref_slice %arg7[%scan3A, %get3A_2469, %get3A_2470] : memref<2x128x128xf32, #tpu.memory_space<vmem>> -> memref<1x128x128xf32, #tpu.memory_space<vmem>>
      %get3A_2472 = tpu.memref_squeeze %get3A_2471 : memref<1x128x128xf32, #tpu.memory_space<vmem>> -> memref<128x128xf32, #tpu.memory_space<vmem>>
      %get3A_2473 = arith.index_cast %add3A_2468 : i32 to index
      %get3A_2474 = arith.constant 0 : index
      %get3A_2475 = tpu.vector_load %get3A_2472[%get3A_2473, %get3A_2474] {strides = array<i32>} : memref<128x128xf32, #tpu.memory_space<vmem>>, vector<16xf32>,
      %mul3A_2476 = vector.broadcast %squeeze3A_2462 : f32 to vector<16xf32>
      %mul3A_2477 = arith.mulf %mul3A_2476, %get3A_2475 : vector<16xf32>
      %mul3A_2478 = arith.mulf %mul3A_2477, %get3A_2475 : vector<16xf32>
      %add3A_2479 = arith.addf %add3A_2313, %mul3A_2478 : vector<16xf32>
      %add3A_2480 = arith.addf %add3A_2314, %mul3A_2477 : vector<16xf32>
      %mul3A_2481 = vector.broadcast %squeeze3A_2464 : f32 to vector<16xf32>
      %mul3A_2482 = arith.mulf %mul3A_2481, %get3A_2475 : vector<16xf32>
      %add3A_2483 = arith.addf %add3A_2317, %mul3A_2482 : vector<16xf32>
      %mul3A_2484 = vector.broadcast %squeeze3A_2466 : f32 to vector<16xf32>
      %mul3A_2485 = arith.mulf %mul3A_2484, %get3A_2475 : vector<16xf32>
      %add3A_2486 = arith.addf %add3A_2320, %mul3A_2485 : vector<16xf32>
      %add3A_2487 = arith.constant 12 : i32
      %add3A_2488 = arith.addi %mul3A_460, %add3A_2487 : i32
      %get3A_2489 = arith.constant 0 : i32
      %get3A_2490 = arith.constant 0 : i32
      %get3A_2491 = tpu.memref_slice %arg7[%scan3A, %get3A_2489, %get3A_2490] : memref<2x128x128xf32, #tpu.memory_space<vmem>> -> memref<1x128x128xf32, #tpu.memory_space<vmem>>
      %get3A_2492 = tpu.memref_squeeze %get3A_2491 : memref<1x128x128xf32, #tpu.memory_space<vmem>> -> memref<128x128xf32, #tpu.memory_space<vmem>>
      %get3A_2493 = arith.index_cast %add3A_2488 : i32 to index
      %get3A_2494 = arith.constant 16 : index
      %get3A_2495 = tpu.vector_load %get3A_2492[%get3A_2493, %get3A_2494] {strides = array<i32>} : memref<128x128xf32, #tpu.memory_space<vmem>>, vector<16xf32>,
      %mul3A_2496 = vector.broadcast %squeeze3A_2462 : f32 to vector<16xf32>
      %mul3A_2497 = arith.mulf %mul3A_2496, %get3A_2495 : vector<16xf32>
      %mul3A_2498 = arith.mulf %mul3A_2497, %get3A_2495 : vector<16xf32>
      %add3A_2499 = arith.addf %add3A_2333, %mul3A_2498 : vector<16xf32>
      %add3A_2500 = arith.addf %add3A_2334, %mul3A_2497 : vector<16xf32>
      %mul3A_2501 = vector.broadcast %squeeze3A_2464 : f32 to vector<16xf32>
      %mul3A_2502 = arith.mulf %mul3A_2501, %get3A_2495 : vector<16xf32>
      %add3A_2503 = arith.addf %add3A_2337, %mul3A_2502 : vector<16xf32>
      %mul3A_2504 = vector.broadcast %squeeze3A_2466 : f32 to vector<16xf32>
      %mul3A_2505 = arith.mulf %mul3A_2504, %get3A_2495 : vector<16xf32>
      %add3A_2506 = arith.addf %add3A_2340, %mul3A_2505 : vector<16xf32>
      %add3A_2507 = arith.constant 12 : i32
      %add3A_2508 = arith.addi %mul3A_460, %add3A_2507 : i32
      %get3A_2509 = arith.constant 0 : i32
      %get3A_2510 = arith.constant 0 : i32
      %get3A_2511 = tpu.memref_slice %arg7[%scan3A, %get3A_2509, %get3A_2510] : memref<2x128x128xf32, #tpu.memory_space<vmem>> -> memref<1x128x128xf32, #tpu.memory_space<vmem>>
      %get3A_2512 = tpu.memref_squeeze %get3A_2511 : memref<1x128x128xf32, #tpu.memory_space<vmem>> -> memref<128x128xf32, #tpu.memory_space<vmem>>
      %get3A_2513 = arith.index_cast %add3A_2508 : i32 to index
      %get3A_2514 = arith.constant 32 : index
      %get3A_2515 = tpu.vector_load %get3A_2512[%get3A_2513, %get3A_2514] {strides = array<i32>} : memref<128x128xf32, #tpu.memory_space<vmem>>, vector<16xf32>,
      %mul3A_2516 = vector.broadcast %squeeze3A_2462 : f32 to vector<16xf32>
      %mul3A_2517 = arith.mulf %mul3A_2516, %get3A_2515 : vector<16xf32>
      %mul3A_2518 = arith.mulf %mul3A_2517, %get3A_2515 : vector<16xf32>
      %add3A_2519 = arith.addf %add3A_2353, %mul3A_2518 : vector<16xf32>
      %add3A_2520 = arith.addf %add3A_2354, %mul3A_2517 : vector<16xf32>
      %mul3A_2521 = vector.broadcast %squeeze3A_2464 : f32 to vector<16xf32>
      %mul3A_2522 = arith.mulf %mul3A_2521, %get3A_2515 : vector<16xf32>
      %add3A_2523 = arith.addf %add3A_2357, %mul3A_2522 : vector<16xf32>
      %mul3A_2524 = vector.broadcast %squeeze3A_2466 : f32 to vector<16xf32>
      %mul3A_2525 = arith.mulf %mul3A_2524, %get3A_2515 : vector<16xf32>
      %add3A_2526 = arith.addf %add3A_2360, %mul3A_2525 : vector<16xf32>
      %add3A_2527 = arith.constant 12 : i32
      %add3A_2528 = arith.addi %mul3A_460, %add3A_2527 : i32
      %get3A_2529 = arith.constant 0 : i32
      %get3A_2530 = arith.constant 0 : i32
      %get3A_2531 = tpu.memref_slice %arg7[%scan3A, %get3A_2529, %get3A_2530] : memref<2x128x128xf32, #tpu.memory_space<vmem>> -> memref<1x128x128xf32, #tpu.memory_space<vmem>>
      %get3A_2532 = tpu.memref_squeeze %get3A_2531 : memref<1x128x128xf32, #tpu.memory_space<vmem>> -> memref<128x128xf32, #tpu.memory_space<vmem>>
      %get3A_2533 = arith.index_cast %add3A_2528 : i32 to index
      %get3A_2534 = arith.constant 48 : index
      %get3A_2535 = tpu.vector_load %get3A_2532[%get3A_2533, %get3A_2534] {strides = array<i32>} : memref<128x128xf32, #tpu.memory_space<vmem>>, vector<16xf32>,
      %mul3A_2536 = vector.broadcast %squeeze3A_2462 : f32 to vector<16xf32>
      %mul3A_2537 = arith.mulf %mul3A_2536, %get3A_2535 : vector<16xf32>
      %mul3A_2538 = arith.mulf %mul3A_2537, %get3A_2535 : vector<16xf32>
      %add3A_2539 = arith.addf %add3A_2373, %mul3A_2538 : vector<16xf32>
      %add3A_2540 = arith.addf %add3A_2374, %mul3A_2537 : vector<16xf32>
      %mul3A_2541 = vector.broadcast %squeeze3A_2464 : f32 to vector<16xf32>
      %mul3A_2542 = arith.mulf %mul3A_2541, %get3A_2535 : vector<16xf32>
      %add3A_2543 = arith.addf %add3A_2377, %mul3A_2542 : vector<16xf32>
      %mul3A_2544 = vector.broadcast %squeeze3A_2466 : f32 to vector<16xf32>
      %mul3A_2545 = arith.mulf %mul3A_2544, %get3A_2535 : vector<16xf32>
      %add3A_2546 = arith.addf %add3A_2380, %mul3A_2545 : vector<16xf32>
      %add3A_2547 = arith.constant 12 : i32
      %add3A_2548 = arith.addi %mul3A_460, %add3A_2547 : i32
      %get3A_2549 = arith.constant 0 : i32
      %get3A_2550 = arith.constant 0 : i32
      %get3A_2551 = tpu.memref_slice %arg7[%scan3A, %get3A_2549, %get3A_2550] : memref<2x128x128xf32, #tpu.memory_space<vmem>> -> memref<1x128x128xf32, #tpu.memory_space<vmem>>
      %get3A_2552 = tpu.memref_squeeze %get3A_2551 : memref<1x128x128xf32, #tpu.memory_space<vmem>> -> memref<128x128xf32, #tpu.memory_space<vmem>>
      %get3A_2553 = arith.index_cast %add3A_2548 : i32 to index
      %get3A_2554 = arith.constant 64 : index
      %get3A_2555 = tpu.vector_load %get3A_2552[%get3A_2553, %get3A_2554] {strides = array<i32>} : memref<128x128xf32, #tpu.memory_space<vmem>>, vector<16xf32>,
      %mul3A_2556 = vector.broadcast %squeeze3A_2462 : f32 to vector<16xf32>
      %mul3A_2557 = arith.mulf %mul3A_2556, %get3A_2555 : vector<16xf32>
      %mul3A_2558 = arith.mulf %mul3A_2557, %get3A_2555 : vector<16xf32>
      %add3A_2559 = arith.addf %add3A_2393, %mul3A_2558 : vector<16xf32>
      %add3A_2560 = arith.addf %add3A_2394, %mul3A_2557 : vector<16xf32>
      %mul3A_2561 = vector.broadcast %squeeze3A_2464 : f32 to vector<16xf32>
      %mul3A_2562 = arith.mulf %mul3A_2561, %get3A_2555 : vector<16xf32>
      %add3A_2563 = arith.addf %add3A_2397, %mul3A_2562 : vector<16xf32>
      %mul3A_2564 = vector.broadcast %squeeze3A_2466 : f32 to vector<16xf32>
      %mul3A_2565 = arith.mulf %mul3A_2564, %get3A_2555 : vector<16xf32>
      %add3A_2566 = arith.addf %add3A_2400, %mul3A_2565 : vector<16xf32>
      %add3A_2567 = arith.constant 12 : i32
      %add3A_2568 = arith.addi %mul3A_460, %add3A_2567 : i32
      %get3A_2569 = arith.constant 0 : i32
      %get3A_2570 = arith.constant 0 : i32
      %get3A_2571 = tpu.memref_slice %arg7[%scan3A, %get3A_2569, %get3A_2570] : memref<2x128x128xf32, #tpu.memory_space<vmem>> -> memref<1x128x128xf32, #tpu.memory_space<vmem>>
      %get3A_2572 = tpu.memref_squeeze %get3A_2571 : memref<1x128x128xf32, #tpu.memory_space<vmem>> -> memref<128x128xf32, #tpu.memory_space<vmem>>
      %get3A_2573 = arith.index_cast %add3A_2568 : i32 to index
      %get3A_2574 = arith.constant 80 : index
      %get3A_2575 = tpu.vector_load %get3A_2572[%get3A_2573, %get3A_2574] {strides = array<i32>} : memref<128x128xf32, #tpu.memory_space<vmem>>, vector<16xf32>,
      %mul3A_2576 = vector.broadcast %squeeze3A_2462 : f32 to vector<16xf32>
      %mul3A_2577 = arith.mulf %mul3A_2576, %get3A_2575 : vector<16xf32>
      %mul3A_2578 = arith.mulf %mul3A_2577, %get3A_2575 : vector<16xf32>
      %add3A_2579 = arith.addf %add3A_2413, %mul3A_2578 : vector<16xf32>
      %add3A_2580 = arith.addf %add3A_2414, %mul3A_2577 : vector<16xf32>
      %mul3A_2581 = vector.broadcast %squeeze3A_2464 : f32 to vector<16xf32>
      %mul3A_2582 = arith.mulf %mul3A_2581, %get3A_2575 : vector<16xf32>
      %add3A_2583 = arith.addf %add3A_2417, %mul3A_2582 : vector<16xf32>
      %mul3A_2584 = vector.broadcast %squeeze3A_2466 : f32 to vector<16xf32>
      %mul3A_2585 = arith.mulf %mul3A_2584, %get3A_2575 : vector<16xf32>
      %add3A_2586 = arith.addf %add3A_2420, %mul3A_2585 : vector<16xf32>
      %add3A_2587 = arith.constant 12 : i32
      %add3A_2588 = arith.addi %mul3A_460, %add3A_2587 : i32
      %get3A_2589 = arith.constant 0 : i32
      %get3A_2590 = arith.constant 0 : i32
      %get3A_2591 = tpu.memref_slice %arg7[%scan3A, %get3A_2589, %get3A_2590] : memref<2x128x128xf32, #tpu.memory_space<vmem>> -> memref<1x128x128xf32, #tpu.memory_space<vmem>>
      %get3A_2592 = tpu.memref_squeeze %get3A_2591 : memref<1x128x128xf32, #tpu.memory_space<vmem>> -> memref<128x128xf32, #tpu.memory_space<vmem>>
      %get3A_2593 = arith.index_cast %add3A_2588 : i32 to index
      %get3A_2594 = arith.constant 96 : index
      %get3A_2595 = tpu.vector_load %get3A_2592[%get3A_2593, %get3A_2594] {strides = array<i32>} : memref<128x128xf32, #tpu.memory_space<vmem>>, vector<16xf32>,
      %mul3A_2596 = vector.broadcast %squeeze3A_2462 : f32 to vector<16xf32>
      %mul3A_2597 = arith.mulf %mul3A_2596, %get3A_2595 : vector<16xf32>
      %mul3A_2598 = arith.mulf %mul3A_2597, %get3A_2595 : vector<16xf32>
      %add3A_2599 = arith.addf %add3A_2433, %mul3A_2598 : vector<16xf32>
      %add3A_2600 = arith.addf %add3A_2434, %mul3A_2597 : vector<16xf32>
      %mul3A_2601 = vector.broadcast %squeeze3A_2464 : f32 to vector<16xf32>
      %mul3A_2602 = arith.mulf %mul3A_2601, %get3A_2595 : vector<16xf32>
      %add3A_2603 = arith.addf %add3A_2437, %mul3A_2602 : vector<16xf32>
      %mul3A_2604 = vector.broadcast %squeeze3A_2466 : f32 to vector<16xf32>
      %mul3A_2605 = arith.mulf %mul3A_2604, %get3A_2595 : vector<16xf32>
      %add3A_2606 = arith.addf %add3A_2440, %mul3A_2605 : vector<16xf32>
      %add3A_2607 = arith.constant 12 : i32
      %add3A_2608 = arith.addi %mul3A_460, %add3A_2607 : i32
      %get3A_2609 = arith.constant 0 : i32
      %get3A_2610 = arith.constant 0 : i32
      %get3A_2611 = tpu.memref_slice %arg7[%scan3A, %get3A_2609, %get3A_2610] : memref<2x128x128xf32, #tpu.memory_space<vmem>> -> memref<1x128x128xf32, #tpu.memory_space<vmem>>
      %get3A_2612 = tpu.memref_squeeze %get3A_2611 : memref<1x128x128xf32, #tpu.memory_space<vmem>> -> memref<128x128xf32, #tpu.memory_space<vmem>>
      %get3A_2613 = arith.index_cast %add3A_2608 : i32 to index
      %get3A_2614 = arith.constant 112 : index
      %get3A_2615 = tpu.vector_load %get3A_2612[%get3A_2613, %get3A_2614] {strides = array<i32>} : memref<128x128xf32, #tpu.memory_space<vmem>>, vector<16xf32>,
      %mul3A_2616 = vector.broadcast %squeeze3A_2462 : f32 to vector<16xf32>
      %mul3A_2617 = arith.mulf %mul3A_2616, %get3A_2615 : vector<16xf32>
      %mul3A_2618 = arith.mulf %mul3A_2617, %get3A_2615 : vector<16xf32>
      %add3A_2619 = arith.addf %add3A_2453, %mul3A_2618 : vector<16xf32>
      %add3A_2620 = arith.addf %add3A_2454, %mul3A_2617 : vector<16xf32>
      %mul3A_2621 = vector.broadcast %squeeze3A_2464 : f32 to vector<16xf32>
      %mul3A_2622 = arith.mulf %mul3A_2621, %get3A_2615 : vector<16xf32>
      %add3A_2623 = arith.addf %add3A_2457, %mul3A_2622 : vector<16xf32>
      %mul3A_2624 = vector.broadcast %squeeze3A_2466 : f32 to vector<16xf32>
      %mul3A_2625 = arith.mulf %mul3A_2624, %get3A_2615 : vector<16xf32>
      %add3A_2626 = arith.addf %add3A_2460, %mul3A_2625 : vector<16xf32>
      %slice3A_2627 = vector.extract_strided_slice %get3A_464 {offsets = [13], sizes = [1], strides = [1]} : vector<16xf32> to vector<1xf32>
      %squeeze3A_2628 = vector.extract %slice3A_2627[0] : f32 from vector<1xf32>
      %slice3A_2629 = vector.extract_strided_slice %mul3A_469 {offsets = [13], sizes = [1], strides = [1]} : vector<16xf32> to vector<1xf32>
      %squeeze3A_2630 = vector.extract %slice3A_2629[0] : f32 from vector<1xf32>
      %slice3A_2631 = vector.extract_strided_slice %mul3A_470 {offsets = [13], sizes = [1], strides = [1]} : vector<16xf32> to vector<1xf32>
      %squeeze3A_2632 = vector.extract %slice3A_2631[0] : f32 from vector<1xf32>
      %add3A_2633 = arith.constant 13 : i32
      %add3A_2634 = arith.addi %mul3A_460, %add3A_2633 : i32
      %get3A_2635 = arith.constant 0 : i32
      %get3A_2636 = arith.constant 0 : i32
      %get3A_2637 = tpu.memref_slice %arg7[%scan3A, %get3A_2635, %get3A_2636] : memref<2x128x128xf32, #tpu.memory_space<vmem>> -> memref<1x128x128xf32, #tpu.memory_space<vmem>>
      %get3A_2638 = tpu.memref_squeeze %get3A_2637 : memref<1x128x128xf32, #tpu.memory_space<vmem>> -> memref<128x128xf32, #tpu.memory_space<vmem>>
      %get3A_2639 = arith.index_cast %add3A_2634 : i32 to index
      %get3A_2640 = arith.constant 0 : index
      %get3A_2641 = tpu.vector_load %get3A_2638[%get3A_2639, %get3A_2640] {strides = array<i32>} : memref<128x128xf32, #tpu.memory_space<vmem>>, vector<16xf32>,
      %mul3A_2642 = vector.broadcast %squeeze3A_2628 : f32 to vector<16xf32>
      %mul3A_2643 = arith.mulf %mul3A_2642, %get3A_2641 : vector<16xf32>
      %mul3A_2644 = arith.mulf %mul3A_2643, %get3A_2641 : vector<16xf32>
      %add3A_2645 = arith.addf %add3A_2479, %mul3A_2644 : vector<16xf32>
      %add3A_2646 = arith.addf %add3A_2480, %mul3A_2643 : vector<16xf32>
      %mul3A_2647 = vector.broadcast %squeeze3A_2630 : f32 to vector<16xf32>
      %mul3A_2648 = arith.mulf %mul3A_2647, %get3A_2641 : vector<16xf32>
      %add3A_2649 = arith.addf %add3A_2483, %mul3A_2648 : vector<16xf32>
      %mul3A_2650 = vector.broadcast %squeeze3A_2632 : f32 to vector<16xf32>
      %mul3A_2651 = arith.mulf %mul3A_2650, %get3A_2641 : vector<16xf32>
      %add3A_2652 = arith.addf %add3A_2486, %mul3A_2651 : vector<16xf32>
      %add3A_2653 = arith.constant 13 : i32
      %add3A_2654 = arith.addi %mul3A_460, %add3A_2653 : i32
      %get3A_2655 = arith.constant 0 : i32
      %get3A_2656 = arith.constant 0 : i32
      %get3A_2657 = tpu.memref_slice %arg7[%scan3A, %get3A_2655, %get3A_2656] : memref<2x128x128xf32, #tpu.memory_space<vmem>> -> memref<1x128x128xf32, #tpu.memory_space<vmem>>
      %get3A_2658 = tpu.memref_squeeze %get3A_2657 : memref<1x128x128xf32, #tpu.memory_space<vmem>> -> memref<128x128xf32, #tpu.memory_space<vmem>>
      %get3A_2659 = arith.index_cast %add3A_2654 : i32 to index
      %get3A_2660 = arith.constant 16 : index
      %get3A_2661 = tpu.vector_load %get3A_2658[%get3A_2659, %get3A_2660] {strides = array<i32>} : memref<128x128xf32, #tpu.memory_space<vmem>>, vector<16xf32>,
      %mul3A_2662 = vector.broadcast %squeeze3A_2628 : f32 to vector<16xf32>
      %mul3A_2663 = arith.mulf %mul3A_2662, %get3A_2661 : vector<16xf32>
      %mul3A_2664 = arith.mulf %mul3A_2663, %get3A_2661 : vector<16xf32>
      %add3A_2665 = arith.addf %add3A_2499, %mul3A_2664 : vector<16xf32>
      %add3A_2666 = arith.addf %add3A_2500, %mul3A_2663 : vector<16xf32>
      %mul3A_2667 = vector.broadcast %squeeze3A_2630 : f32 to vector<16xf32>
      %mul3A_2668 = arith.mulf %mul3A_2667, %get3A_2661 : vector<16xf32>
      %add3A_2669 = arith.addf %add3A_2503, %mul3A_2668 : vector<16xf32>
      %mul3A_2670 = vector.broadcast %squeeze3A_2632 : f32 to vector<16xf32>
      %mul3A_2671 = arith.mulf %mul3A_2670, %get3A_2661 : vector<16xf32>
      %add3A_2672 = arith.addf %add3A_2506, %mul3A_2671 : vector<16xf32>
      %add3A_2673 = arith.constant 13 : i32
      %add3A_2674 = arith.addi %mul3A_460, %add3A_2673 : i32
      %get3A_2675 = arith.constant 0 : i32
      %get3A_2676 = arith.constant 0 : i32
      %get3A_2677 = tpu.memref_slice %arg7[%scan3A, %get3A_2675, %get3A_2676] : memref<2x128x128xf32, #tpu.memory_space<vmem>> -> memref<1x128x128xf32, #tpu.memory_space<vmem>>
      %get3A_2678 = tpu.memref_squeeze %get3A_2677 : memref<1x128x128xf32, #tpu.memory_space<vmem>> -> memref<128x128xf32, #tpu.memory_space<vmem>>
      %get3A_2679 = arith.index_cast %add3A_2674 : i32 to index
      %get3A_2680 = arith.constant 32 : index
      %get3A_2681 = tpu.vector_load %get3A_2678[%get3A_2679, %get3A_2680] {strides = array<i32>} : memref<128x128xf32, #tpu.memory_space<vmem>>, vector<16xf32>,
      %mul3A_2682 = vector.broadcast %squeeze3A_2628 : f32 to vector<16xf32>
      %mul3A_2683 = arith.mulf %mul3A_2682, %get3A_2681 : vector<16xf32>
      %mul3A_2684 = arith.mulf %mul3A_2683, %get3A_2681 : vector<16xf32>
      %add3A_2685 = arith.addf %add3A_2519, %mul3A_2684 : vector<16xf32>
      %add3A_2686 = arith.addf %add3A_2520, %mul3A_2683 : vector<16xf32>
      %mul3A_2687 = vector.broadcast %squeeze3A_2630 : f32 to vector<16xf32>
      %mul3A_2688 = arith.mulf %mul3A_2687, %get3A_2681 : vector<16xf32>
      %add3A_2689 = arith.addf %add3A_2523, %mul3A_2688 : vector<16xf32>
      %mul3A_2690 = vector.broadcast %squeeze3A_2632 : f32 to vector<16xf32>
      %mul3A_2691 = arith.mulf %mul3A_2690, %get3A_2681 : vector<16xf32>
      %add3A_2692 = arith.addf %add3A_2526, %mul3A_2691 : vector<16xf32>
      %add3A_2693 = arith.constant 13 : i32
      %add3A_2694 = arith.addi %mul3A_460, %add3A_2693 : i32
      %get3A_2695 = arith.constant 0 : i32
      %get3A_2696 = arith.constant 0 : i32
      %get3A_2697 = tpu.memref_slice %arg7[%scan3A, %get3A_2695, %get3A_2696] : memref<2x128x128xf32, #tpu.memory_space<vmem>> -> memref<1x128x128xf32, #tpu.memory_space<vmem>>
      %get3A_2698 = tpu.memref_squeeze %get3A_2697 : memref<1x128x128xf32, #tpu.memory_space<vmem>> -> memref<128x128xf32, #tpu.memory_space<vmem>>
      %get3A_2699 = arith.index_cast %add3A_2694 : i32 to index
      %get3A_2700 = arith.constant 48 : index
      %get3A_2701 = tpu.vector_load %get3A_2698[%get3A_2699, %get3A_2700] {strides = array<i32>} : memref<128x128xf32, #tpu.memory_space<vmem>>, vector<16xf32>,
      %mul3A_2702 = vector.broadcast %squeeze3A_2628 : f32 to vector<16xf32>
      %mul3A_2703 = arith.mulf %mul3A_2702, %get3A_2701 : vector<16xf32>
      %mul3A_2704 = arith.mulf %mul3A_2703, %get3A_2701 : vector<16xf32>
      %add3A_2705 = arith.addf %add3A_2539, %mul3A_2704 : vector<16xf32>
      %add3A_2706 = arith.addf %add3A_2540, %mul3A_2703 : vector<16xf32>
      %mul3A_2707 = vector.broadcast %squeeze3A_2630 : f32 to vector<16xf32>
      %mul3A_2708 = arith.mulf %mul3A_2707, %get3A_2701 : vector<16xf32>
      %add3A_2709 = arith.addf %add3A_2543, %mul3A_2708 : vector<16xf32>
      %mul3A_2710 = vector.broadcast %squeeze3A_2632 : f32 to vector<16xf32>
      %mul3A_2711 = arith.mulf %mul3A_2710, %get3A_2701 : vector<16xf32>
      %add3A_2712 = arith.addf %add3A_2546, %mul3A_2711 : vector<16xf32>
      %add3A_2713 = arith.constant 13 : i32
      %add3A_2714 = arith.addi %mul3A_460, %add3A_2713 : i32
      %get3A_2715 = arith.constant 0 : i32
      %get3A_2716 = arith.constant 0 : i32
      %get3A_2717 = tpu.memref_slice %arg7[%scan3A, %get3A_2715, %get3A_2716] : memref<2x128x128xf32, #tpu.memory_space<vmem>> -> memref<1x128x128xf32, #tpu.memory_space<vmem>>
      %get3A_2718 = tpu.memref_squeeze %get3A_2717 : memref<1x128x128xf32, #tpu.memory_space<vmem>> -> memref<128x128xf32, #tpu.memory_space<vmem>>
      %get3A_2719 = arith.index_cast %add3A_2714 : i32 to index
      %get3A_2720 = arith.constant 64 : index
      %get3A_2721 = tpu.vector_load %get3A_2718[%get3A_2719, %get3A_2720] {strides = array<i32>} : memref<128x128xf32, #tpu.memory_space<vmem>>, vector<16xf32>,
      %mul3A_2722 = vector.broadcast %squeeze3A_2628 : f32 to vector<16xf32>
      %mul3A_2723 = arith.mulf %mul3A_2722, %get3A_2721 : vector<16xf32>
      %mul3A_2724 = arith.mulf %mul3A_2723, %get3A_2721 : vector<16xf32>
      %add3A_2725 = arith.addf %add3A_2559, %mul3A_2724 : vector<16xf32>
      %add3A_2726 = arith.addf %add3A_2560, %mul3A_2723 : vector<16xf32>
      %mul3A_2727 = vector.broadcast %squeeze3A_2630 : f32 to vector<16xf32>
      %mul3A_2728 = arith.mulf %mul3A_2727, %get3A_2721 : vector<16xf32>
      %add3A_2729 = arith.addf %add3A_2563, %mul3A_2728 : vector<16xf32>
      %mul3A_2730 = vector.broadcast %squeeze3A_2632 : f32 to vector<16xf32>
      %mul3A_2731 = arith.mulf %mul3A_2730, %get3A_2721 : vector<16xf32>
      %add3A_2732 = arith.addf %add3A_2566, %mul3A_2731 : vector<16xf32>
      %add3A_2733 = arith.constant 13 : i32
      %add3A_2734 = arith.addi %mul3A_460, %add3A_2733 : i32
      %get3A_2735 = arith.constant 0 : i32
      %get3A_2736 = arith.constant 0 : i32
      %get3A_2737 = tpu.memref_slice %arg7[%scan3A, %get3A_2735, %get3A_2736] : memref<2x128x128xf32, #tpu.memory_space<vmem>> -> memref<1x128x128xf32, #tpu.memory_space<vmem>>
      %get3A_2738 = tpu.memref_squeeze %get3A_2737 : memref<1x128x128xf32, #tpu.memory_space<vmem>> -> memref<128x128xf32, #tpu.memory_space<vmem>>
      %get3A_2739 = arith.index_cast %add3A_2734 : i32 to index
      %get3A_2740 = arith.constant 80 : index
      %get3A_2741 = tpu.vector_load %get3A_2738[%get3A_2739, %get3A_2740] {strides = array<i32>} : memref<128x128xf32, #tpu.memory_space<vmem>>, vector<16xf32>,
      %mul3A_2742 = vector.broadcast %squeeze3A_2628 : f32 to vector<16xf32>
      %mul3A_2743 = arith.mulf %mul3A_2742, %get3A_2741 : vector<16xf32>
      %mul3A_2744 = arith.mulf %mul3A_2743, %get3A_2741 : vector<16xf32>
      %add3A_2745 = arith.addf %add3A_2579, %mul3A_2744 : vector<16xf32>
      %add3A_2746 = arith.addf %add3A_2580, %mul3A_2743 : vector<16xf32>
      %mul3A_2747 = vector.broadcast %squeeze3A_2630 : f32 to vector<16xf32>
      %mul3A_2748 = arith.mulf %mul3A_2747, %get3A_2741 : vector<16xf32>
      %add3A_2749 = arith.addf %add3A_2583, %mul3A_2748 : vector<16xf32>
      %mul3A_2750 = vector.broadcast %squeeze3A_2632 : f32 to vector<16xf32>
      %mul3A_2751 = arith.mulf %mul3A_2750, %get3A_2741 : vector<16xf32>
      %add3A_2752 = arith.addf %add3A_2586, %mul3A_2751 : vector<16xf32>
      %add3A_2753 = arith.constant 13 : i32
      %add3A_2754 = arith.addi %mul3A_460, %add3A_2753 : i32
      %get3A_2755 = arith.constant 0 : i32
      %get3A_2756 = arith.constant 0 : i32
      %get3A_2757 = tpu.memref_slice %arg7[%scan3A, %get3A_2755, %get3A_2756] : memref<2x128x128xf32, #tpu.memory_space<vmem>> -> memref<1x128x128xf32, #tpu.memory_space<vmem>>
      %get3A_2758 = tpu.memref_squeeze %get3A_2757 : memref<1x128x128xf32, #tpu.memory_space<vmem>> -> memref<128x128xf32, #tpu.memory_space<vmem>>
      %get3A_2759 = arith.index_cast %add3A_2754 : i32 to index
      %get3A_2760 = arith.constant 96 : index
      %get3A_2761 = tpu.vector_load %get3A_2758[%get3A_2759, %get3A_2760] {strides = array<i32>} : memref<128x128xf32, #tpu.memory_space<vmem>>, vector<16xf32>,
      %mul3A_2762 = vector.broadcast %squeeze3A_2628 : f32 to vector<16xf32>
      %mul3A_2763 = arith.mulf %mul3A_2762, %get3A_2761 : vector<16xf32>
      %mul3A_2764 = arith.mulf %mul3A_2763, %get3A_2761 : vector<16xf32>
      %add3A_2765 = arith.addf %add3A_2599, %mul3A_2764 : vector<16xf32>
      %add3A_2766 = arith.addf %add3A_2600, %mul3A_2763 : vector<16xf32>
      %mul3A_2767 = vector.broadcast %squeeze3A_2630 : f32 to vector<16xf32>
      %mul3A_2768 = arith.mulf %mul3A_2767, %get3A_2761 : vector<16xf32>
      %add3A_2769 = arith.addf %add3A_2603, %mul3A_2768 : vector<16xf32>
      %mul3A_2770 = vector.broadcast %squeeze3A_2632 : f32 to vector<16xf32>
      %mul3A_2771 = arith.mulf %mul3A_2770, %get3A_2761 : vector<16xf32>
      %add3A_2772 = arith.addf %add3A_2606, %mul3A_2771 : vector<16xf32>
      %add3A_2773 = arith.constant 13 : i32
      %add3A_2774 = arith.addi %mul3A_460, %add3A_2773 : i32
      %get3A_2775 = arith.constant 0 : i32
      %get3A_2776 = arith.constant 0 : i32
      %get3A_2777 = tpu.memref_slice %arg7[%scan3A, %get3A_2775, %get3A_2776] : memref<2x128x128xf32, #tpu.memory_space<vmem>> -> memref<1x128x128xf32, #tpu.memory_space<vmem>>
      %get3A_2778 = tpu.memref_squeeze %get3A_2777 : memref<1x128x128xf32, #tpu.memory_space<vmem>> -> memref<128x128xf32, #tpu.memory_space<vmem>>
      %get3A_2779 = arith.index_cast %add3A_2774 : i32 to index
      %get3A_2780 = arith.constant 112 : index
      %get3A_2781 = tpu.vector_load %get3A_2778[%get3A_2779, %get3A_2780] {strides = array<i32>} : memref<128x128xf32, #tpu.memory_space<vmem>>, vector<16xf32>,
      %mul3A_2782 = vector.broadcast %squeeze3A_2628 : f32 to vector<16xf32>
      %mul3A_2783 = arith.mulf %mul3A_2782, %get3A_2781 : vector<16xf32>
      %mul3A_2784 = arith.mulf %mul3A_2783, %get3A_2781 : vector<16xf32>
      %add3A_2785 = arith.addf %add3A_2619, %mul3A_2784 : vector<16xf32>
      %add3A_2786 = arith.addf %add3A_2620, %mul3A_2783 : vector<16xf32>
      %mul3A_2787 = vector.broadcast %squeeze3A_2630 : f32 to vector<16xf32>
      %mul3A_2788 = arith.mulf %mul3A_2787, %get3A_2781 : vector<16xf32>
      %add3A_2789 = arith.addf %add3A_2623, %mul3A_2788 : vector<16xf32>
      %mul3A_2790 = vector.broadcast %squeeze3A_2632 : f32 to vector<16xf32>
      %mul3A_2791 = arith.mulf %mul3A_2790, %get3A_2781 : vector<16xf32>
      %add3A_2792 = arith.addf %add3A_2626, %mul3A_2791 : vector<16xf32>
      %slice3A_2793 = vector.extract_strided_slice %get3A_464 {offsets = [14], sizes = [1], strides = [1]} : vector<16xf32> to vector<1xf32>
      %squeeze3A_2794 = vector.extract %slice3A_2793[0] : f32 from vector<1xf32>
      %slice3A_2795 = vector.extract_strided_slice %mul3A_469 {offsets = [14], sizes = [1], strides = [1]} : vector<16xf32> to vector<1xf32>
      %squeeze3A_2796 = vector.extract %slice3A_2795[0] : f32 from vector<1xf32>
      %slice3A_2797 = vector.extract_strided_slice %mul3A_470 {offsets = [14], sizes = [1], strides = [1]} : vector<16xf32> to vector<1xf32>
      %squeeze3A_2798 = vector.extract %slice3A_2797[0] : f32 from vector<1xf32>
      %add3A_2799 = arith.constant 14 : i32
      %add3A_2800 = arith.addi %mul3A_460, %add3A_2799 : i32
      %get3A_2801 = arith.constant 0 : i32
      %get3A_2802 = arith.constant 0 : i32
      %get3A_2803 = tpu.memref_slice %arg7[%scan3A, %get3A_2801, %get3A_2802] : memref<2x128x128xf32, #tpu.memory_space<vmem>> -> memref<1x128x128xf32, #tpu.memory_space<vmem>>
      %get3A_2804 = tpu.memref_squeeze %get3A_2803 : memref<1x128x128xf32, #tpu.memory_space<vmem>> -> memref<128x128xf32, #tpu.memory_space<vmem>>
      %get3A_2805 = arith.index_cast %add3A_2800 : i32 to index
      %get3A_2806 = arith.constant 0 : index
      %get3A_2807 = tpu.vector_load %get3A_2804[%get3A_2805, %get3A_2806] {strides = array<i32>} : memref<128x128xf32, #tpu.memory_space<vmem>>, vector<16xf32>,
      %mul3A_2808 = vector.broadcast %squeeze3A_2794 : f32 to vector<16xf32>
      %mul3A_2809 = arith.mulf %mul3A_2808, %get3A_2807 : vector<16xf32>
      %mul3A_2810 = arith.mulf %mul3A_2809, %get3A_2807 : vector<16xf32>
      %add3A_2811 = arith.addf %add3A_2645, %mul3A_2810 : vector<16xf32>
      %add3A_2812 = arith.addf %add3A_2646, %mul3A_2809 : vector<16xf32>
      %mul3A_2813 = vector.broadcast %squeeze3A_2796 : f32 to vector<16xf32>
      %mul3A_2814 = arith.mulf %mul3A_2813, %get3A_2807 : vector<16xf32>
      %add3A_2815 = arith.addf %add3A_2649, %mul3A_2814 : vector<16xf32>
      %mul3A_2816 = vector.broadcast %squeeze3A_2798 : f32 to vector<16xf32>
      %mul3A_2817 = arith.mulf %mul3A_2816, %get3A_2807 : vector<16xf32>
      %add3A_2818 = arith.addf %add3A_2652, %mul3A_2817 : vector<16xf32>
      %add3A_2819 = arith.constant 14 : i32
      %add3A_2820 = arith.addi %mul3A_460, %add3A_2819 : i32
      %get3A_2821 = arith.constant 0 : i32
      %get3A_2822 = arith.constant 0 : i32
      %get3A_2823 = tpu.memref_slice %arg7[%scan3A, %get3A_2821, %get3A_2822] : memref<2x128x128xf32, #tpu.memory_space<vmem>> -> memref<1x128x128xf32, #tpu.memory_space<vmem>>
      %get3A_2824 = tpu.memref_squeeze %get3A_2823 : memref<1x128x128xf32, #tpu.memory_space<vmem>> -> memref<128x128xf32, #tpu.memory_space<vmem>>
      %get3A_2825 = arith.index_cast %add3A_2820 : i32 to index
      %get3A_2826 = arith.constant 16 : index
      %get3A_2827 = tpu.vector_load %get3A_2824[%get3A_2825, %get3A_2826] {strides = array<i32>} : memref<128x128xf32, #tpu.memory_space<vmem>>, vector<16xf32>,
      %mul3A_2828 = vector.broadcast %squeeze3A_2794 : f32 to vector<16xf32>
      %mul3A_2829 = arith.mulf %mul3A_2828, %get3A_2827 : vector<16xf32>
      %mul3A_2830 = arith.mulf %mul3A_2829, %get3A_2827 : vector<16xf32>
      %add3A_2831 = arith.addf %add3A_2665, %mul3A_2830 : vector<16xf32>
      %add3A_2832 = arith.addf %add3A_2666, %mul3A_2829 : vector<16xf32>
      %mul3A_2833 = vector.broadcast %squeeze3A_2796 : f32 to vector<16xf32>
      %mul3A_2834 = arith.mulf %mul3A_2833, %get3A_2827 : vector<16xf32>
      %add3A_2835 = arith.addf %add3A_2669, %mul3A_2834 : vector<16xf32>
      %mul3A_2836 = vector.broadcast %squeeze3A_2798 : f32 to vector<16xf32>
      %mul3A_2837 = arith.mulf %mul3A_2836, %get3A_2827 : vector<16xf32>
      %add3A_2838 = arith.addf %add3A_2672, %mul3A_2837 : vector<16xf32>
      %add3A_2839 = arith.constant 14 : i32
      %add3A_2840 = arith.addi %mul3A_460, %add3A_2839 : i32
      %get3A_2841 = arith.constant 0 : i32
      %get3A_2842 = arith.constant 0 : i32
      %get3A_2843 = tpu.memref_slice %arg7[%scan3A, %get3A_2841, %get3A_2842] : memref<2x128x128xf32, #tpu.memory_space<vmem>> -> memref<1x128x128xf32, #tpu.memory_space<vmem>>
      %get3A_2844 = tpu.memref_squeeze %get3A_2843 : memref<1x128x128xf32, #tpu.memory_space<vmem>> -> memref<128x128xf32, #tpu.memory_space<vmem>>
      %get3A_2845 = arith.index_cast %add3A_2840 : i32 to index
      %get3A_2846 = arith.constant 32 : index
      %get3A_2847 = tpu.vector_load %get3A_2844[%get3A_2845, %get3A_2846] {strides = array<i32>} : memref<128x128xf32, #tpu.memory_space<vmem>>, vector<16xf32>,
      %mul3A_2848 = vector.broadcast %squeeze3A_2794 : f32 to vector<16xf32>
      %mul3A_2849 = arith.mulf %mul3A_2848, %get3A_2847 : vector<16xf32>
      %mul3A_2850 = arith.mulf %mul3A_2849, %get3A_2847 : vector<16xf32>
      %add3A_2851 = arith.addf %add3A_2685, %mul3A_2850 : vector<16xf32>
      %add3A_2852 = arith.addf %add3A_2686, %mul3A_2849 : vector<16xf32>
      %mul3A_2853 = vector.broadcast %squeeze3A_2796 : f32 to vector<16xf32>
      %mul3A_2854 = arith.mulf %mul3A_2853, %get3A_2847 : vector<16xf32>
      %add3A_2855 = arith.addf %add3A_2689, %mul3A_2854 : vector<16xf32>
      %mul3A_2856 = vector.broadcast %squeeze3A_2798 : f32 to vector<16xf32>
      %mul3A_2857 = arith.mulf %mul3A_2856, %get3A_2847 : vector<16xf32>
      %add3A_2858 = arith.addf %add3A_2692, %mul3A_2857 : vector<16xf32>
      %add3A_2859 = arith.constant 14 : i32
      %add3A_2860 = arith.addi %mul3A_460, %add3A_2859 : i32
      %get3A_2861 = arith.constant 0 : i32
      %get3A_2862 = arith.constant 0 : i32
      %get3A_2863 = tpu.memref_slice %arg7[%scan3A, %get3A_2861, %get3A_2862] : memref<2x128x128xf32, #tpu.memory_space<vmem>> -> memref<1x128x128xf32, #tpu.memory_space<vmem>>
      %get3A_2864 = tpu.memref_squeeze %get3A_2863 : memref<1x128x128xf32, #tpu.memory_space<vmem>> -> memref<128x128xf32, #tpu.memory_space<vmem>>
      %get3A_2865 = arith.index_cast %add3A_2860 : i32 to index
      %get3A_2866 = arith.constant 48 : index
      %get3A_2867 = tpu.vector_load %get3A_2864[%get3A_2865, %get3A_2866] {strides = array<i32>} : memref<128x128xf32, #tpu.memory_space<vmem>>, vector<16xf32>,
      %mul3A_2868 = vector.broadcast %squeeze3A_2794 : f32 to vector<16xf32>
      %mul3A_2869 = arith.mulf %mul3A_2868, %get3A_2867 : vector<16xf32>
      %mul3A_2870 = arith.mulf %mul3A_2869, %get3A_2867 : vector<16xf32>
      %add3A_2871 = arith.addf %add3A_2705, %mul3A_2870 : vector<16xf32>
      %add3A_2872 = arith.addf %add3A_2706, %mul3A_2869 : vector<16xf32>
      %mul3A_2873 = vector.broadcast %squeeze3A_2796 : f32 to vector<16xf32>
      %mul3A_2874 = arith.mulf %mul3A_2873, %get3A_2867 : vector<16xf32>
      %add3A_2875 = arith.addf %add3A_2709, %mul3A_2874 : vector<16xf32>
      %mul3A_2876 = vector.broadcast %squeeze3A_2798 : f32 to vector<16xf32>
      %mul3A_2877 = arith.mulf %mul3A_2876, %get3A_2867 : vector<16xf32>
      %add3A_2878 = arith.addf %add3A_2712, %mul3A_2877 : vector<16xf32>
      %add3A_2879 = arith.constant 14 : i32
      %add3A_2880 = arith.addi %mul3A_460, %add3A_2879 : i32
      %get3A_2881 = arith.constant 0 : i32
      %get3A_2882 = arith.constant 0 : i32
      %get3A_2883 = tpu.memref_slice %arg7[%scan3A, %get3A_2881, %get3A_2882] : memref<2x128x128xf32, #tpu.memory_space<vmem>> -> memref<1x128x128xf32, #tpu.memory_space<vmem>>
      %get3A_2884 = tpu.memref_squeeze %get3A_2883 : memref<1x128x128xf32, #tpu.memory_space<vmem>> -> memref<128x128xf32, #tpu.memory_space<vmem>>
      %get3A_2885 = arith.index_cast %add3A_2880 : i32 to index
      %get3A_2886 = arith.constant 64 : index
      %get3A_2887 = tpu.vector_load %get3A_2884[%get3A_2885, %get3A_2886] {strides = array<i32>} : memref<128x128xf32, #tpu.memory_space<vmem>>, vector<16xf32>,
      %mul3A_2888 = vector.broadcast %squeeze3A_2794 : f32 to vector<16xf32>
      %mul3A_2889 = arith.mulf %mul3A_2888, %get3A_2887 : vector<16xf32>
      %mul3A_2890 = arith.mulf %mul3A_2889, %get3A_2887 : vector<16xf32>
      %add3A_2891 = arith.addf %add3A_2725, %mul3A_2890 : vector<16xf32>
      %add3A_2892 = arith.addf %add3A_2726, %mul3A_2889 : vector<16xf32>
      %mul3A_2893 = vector.broadcast %squeeze3A_2796 : f32 to vector<16xf32>
      %mul3A_2894 = arith.mulf %mul3A_2893, %get3A_2887 : vector<16xf32>
      %add3A_2895 = arith.addf %add3A_2729, %mul3A_2894 : vector<16xf32>
      %mul3A_2896 = vector.broadcast %squeeze3A_2798 : f32 to vector<16xf32>
      %mul3A_2897 = arith.mulf %mul3A_2896, %get3A_2887 : vector<16xf32>
      %add3A_2898 = arith.addf %add3A_2732, %mul3A_2897 : vector<16xf32>
      %add3A_2899 = arith.constant 14 : i32
      %add3A_2900 = arith.addi %mul3A_460, %add3A_2899 : i32
      %get3A_2901 = arith.constant 0 : i32
      %get3A_2902 = arith.constant 0 : i32
      %get3A_2903 = tpu.memref_slice %arg7[%scan3A, %get3A_2901, %get3A_2902] : memref<2x128x128xf32, #tpu.memory_space<vmem>> -> memref<1x128x128xf32, #tpu.memory_space<vmem>>
      %get3A_2904 = tpu.memref_squeeze %get3A_2903 : memref<1x128x128xf32, #tpu.memory_space<vmem>> -> memref<128x128xf32, #tpu.memory_space<vmem>>
      %get3A_2905 = arith.index_cast %add3A_2900 : i32 to index
      %get3A_2906 = arith.constant 80 : index
      %get3A_2907 = tpu.vector_load %get3A_2904[%get3A_2905, %get3A_2906] {strides = array<i32>} : memref<128x128xf32, #tpu.memory_space<vmem>>, vector<16xf32>,
      %mul3A_2908 = vector.broadcast %squeeze3A_2794 : f32 to vector<16xf32>
      %mul3A_2909 = arith.mulf %mul3A_2908, %get3A_2907 : vector<16xf32>
      %mul3A_2910 = arith.mulf %mul3A_2909, %get3A_2907 : vector<16xf32>
      %add3A_2911 = arith.addf %add3A_2745, %mul3A_2910 : vector<16xf32>
      %add3A_2912 = arith.addf %add3A_2746, %mul3A_2909 : vector<16xf32>
      %mul3A_2913 = vector.broadcast %squeeze3A_2796 : f32 to vector<16xf32>
      %mul3A_2914 = arith.mulf %mul3A_2913, %get3A_2907 : vector<16xf32>
      %add3A_2915 = arith.addf %add3A_2749, %mul3A_2914 : vector<16xf32>
      %mul3A_2916 = vector.broadcast %squeeze3A_2798 : f32 to vector<16xf32>
      %mul3A_2917 = arith.mulf %mul3A_2916, %get3A_2907 : vector<16xf32>
      %add3A_2918 = arith.addf %add3A_2752, %mul3A_2917 : vector<16xf32>
      %add3A_2919 = arith.constant 14 : i32
      %add3A_2920 = arith.addi %mul3A_460, %add3A_2919 : i32
      %get3A_2921 = arith.constant 0 : i32
      %get3A_2922 = arith.constant 0 : i32
      %get3A_2923 = tpu.memref_slice %arg7[%scan3A, %get3A_2921, %get3A_2922] : memref<2x128x128xf32, #tpu.memory_space<vmem>> -> memref<1x128x128xf32, #tpu.memory_space<vmem>>
      %get3A_2924 = tpu.memref_squeeze %get3A_2923 : memref<1x128x128xf32, #tpu.memory_space<vmem>> -> memref<128x128xf32, #tpu.memory_space<vmem>>
      %get3A_2925 = arith.index_cast %add3A_2920 : i32 to index
      %get3A_2926 = arith.constant 96 : index
      %get3A_2927 = tpu.vector_load %get3A_2924[%get3A_2925, %get3A_2926] {strides = array<i32>} : memref<128x128xf32, #tpu.memory_space<vmem>>, vector<16xf32>,
      %mul3A_2928 = vector.broadcast %squeeze3A_2794 : f32 to vector<16xf32>
      %mul3A_2929 = arith.mulf %mul3A_2928, %get3A_2927 : vector<16xf32>
      %mul3A_2930 = arith.mulf %mul3A_2929, %get3A_2927 : vector<16xf32>
      %add3A_2931 = arith.addf %add3A_2765, %mul3A_2930 : vector<16xf32>
      %add3A_2932 = arith.addf %add3A_2766, %mul3A_2929 : vector<16xf32>
      %mul3A_2933 = vector.broadcast %squeeze3A_2796 : f32 to vector<16xf32>
      %mul3A_2934 = arith.mulf %mul3A_2933, %get3A_2927 : vector<16xf32>
      %add3A_2935 = arith.addf %add3A_2769, %mul3A_2934 : vector<16xf32>
      %mul3A_2936 = vector.broadcast %squeeze3A_2798 : f32 to vector<16xf32>
      %mul3A_2937 = arith.mulf %mul3A_2936, %get3A_2927 : vector<16xf32>
      %add3A_2938 = arith.addf %add3A_2772, %mul3A_2937 : vector<16xf32>
      %add3A_2939 = arith.constant 14 : i32
      %add3A_2940 = arith.addi %mul3A_460, %add3A_2939 : i32
      %get3A_2941 = arith.constant 0 : i32
      %get3A_2942 = arith.constant 0 : i32
      %get3A_2943 = tpu.memref_slice %arg7[%scan3A, %get3A_2941, %get3A_2942] : memref<2x128x128xf32, #tpu.memory_space<vmem>> -> memref<1x128x128xf32, #tpu.memory_space<vmem>>
      %get3A_2944 = tpu.memref_squeeze %get3A_2943 : memref<1x128x128xf32, #tpu.memory_space<vmem>> -> memref<128x128xf32, #tpu.memory_space<vmem>>
      %get3A_2945 = arith.index_cast %add3A_2940 : i32 to index
      %get3A_2946 = arith.constant 112 : index
      %get3A_2947 = tpu.vector_load %get3A_2944[%get3A_2945, %get3A_2946] {strides = array<i32>} : memref<128x128xf32, #tpu.memory_space<vmem>>, vector<16xf32>,
      %mul3A_2948 = vector.broadcast %squeeze3A_2794 : f32 to vector<16xf32>
      %mul3A_2949 = arith.mulf %mul3A_2948, %get3A_2947 : vector<16xf32>
      %mul3A_2950 = arith.mulf %mul3A_2949, %get3A_2947 : vector<16xf32>
      %add3A_2951 = arith.addf %add3A_2785, %mul3A_2950 : vector<16xf32>
      %add3A_2952 = arith.addf %add3A_2786, %mul3A_2949 : vector<16xf32>
      %mul3A_2953 = vector.broadcast %squeeze3A_2796 : f32 to vector<16xf32>
      %mul3A_2954 = arith.mulf %mul3A_2953, %get3A_2947 : vector<16xf32>
      %add3A_2955 = arith.addf %add3A_2789, %mul3A_2954 : vector<16xf32>
      %mul3A_2956 = vector.broadcast %squeeze3A_2798 : f32 to vector<16xf32>
      %mul3A_2957 = arith.mulf %mul3A_2956, %get3A_2947 : vector<16xf32>
      %add3A_2958 = arith.addf %add3A_2792, %mul3A_2957 : vector<16xf32>
      %slice3A_2959 = vector.extract_strided_slice %get3A_464 {offsets = [15], sizes = [1], strides = [1]} : vector<16xf32> to vector<1xf32>
      %squeeze3A_2960 = vector.extract %slice3A_2959[0] : f32 from vector<1xf32>
      %slice3A_2961 = vector.extract_strided_slice %mul3A_469 {offsets = [15], sizes = [1], strides = [1]} : vector<16xf32> to vector<1xf32>
      %squeeze3A_2962 = vector.extract %slice3A_2961[0] : f32 from vector<1xf32>
      %slice3A_2963 = vector.extract_strided_slice %mul3A_470 {offsets = [15], sizes = [1], strides = [1]} : vector<16xf32> to vector<1xf32>
      %squeeze3A_2964 = vector.extract %slice3A_2963[0] : f32 from vector<1xf32>
      %add3A_2965 = arith.constant 15 : i32
      %add3A_2966 = arith.addi %mul3A_460, %add3A_2965 : i32
      %get3A_2967 = arith.constant 0 : i32
      %get3A_2968 = arith.constant 0 : i32
      %get3A_2969 = tpu.memref_slice %arg7[%scan3A, %get3A_2967, %get3A_2968] : memref<2x128x128xf32, #tpu.memory_space<vmem>> -> memref<1x128x128xf32, #tpu.memory_space<vmem>>
      %get3A_2970 = tpu.memref_squeeze %get3A_2969 : memref<1x128x128xf32, #tpu.memory_space<vmem>> -> memref<128x128xf32, #tpu.memory_space<vmem>>
      %get3A_2971 = arith.index_cast %add3A_2966 : i32 to index
      %get3A_2972 = arith.constant 0 : index
      %get3A_2973 = tpu.vector_load %get3A_2970[%get3A_2971, %get3A_2972] {strides = array<i32>} : memref<128x128xf32, #tpu.memory_space<vmem>>, vector<16xf32>,
      %mul3A_2974 = vector.broadcast %squeeze3A_2960 : f32 to vector<16xf32>
      %mul3A_2975 = arith.mulf %mul3A_2974, %get3A_2973 : vector<16xf32>
      %mul3A_2976 = arith.mulf %mul3A_2975, %get3A_2973 : vector<16xf32>
      %add3A_2977 = arith.addf %add3A_2811, %mul3A_2976 : vector<16xf32>
      %add3A_2978 = arith.addf %add3A_2812, %mul3A_2975 : vector<16xf32>
      %mul3A_2979 = vector.broadcast %squeeze3A_2962 : f32 to vector<16xf32>
      %mul3A_2980 = arith.mulf %mul3A_2979, %get3A_2973 : vector<16xf32>
      %add3A_2981 = arith.addf %add3A_2815, %mul3A_2980 : vector<16xf32>
      %mul3A_2982 = vector.broadcast %squeeze3A_2964 : f32 to vector<16xf32>
      %mul3A_2983 = arith.mulf %mul3A_2982, %get3A_2973 : vector<16xf32>
      %add3A_2984 = arith.addf %add3A_2818, %mul3A_2983 : vector<16xf32>
      %add3A_2985 = arith.constant 15 : i32
      %add3A_2986 = arith.addi %mul3A_460, %add3A_2985 : i32
      %get3A_2987 = arith.constant 0 : i32
      %get3A_2988 = arith.constant 0 : i32
      %get3A_2989 = tpu.memref_slice %arg7[%scan3A, %get3A_2987, %get3A_2988] : memref<2x128x128xf32, #tpu.memory_space<vmem>> -> memref<1x128x128xf32, #tpu.memory_space<vmem>>
      %get3A_2990 = tpu.memref_squeeze %get3A_2989 : memref<1x128x128xf32, #tpu.memory_space<vmem>> -> memref<128x128xf32, #tpu.memory_space<vmem>>
      %get3A_2991 = arith.index_cast %add3A_2986 : i32 to index
      %get3A_2992 = arith.constant 16 : index
      %get3A_2993 = tpu.vector_load %get3A_2990[%get3A_2991, %get3A_2992] {strides = array<i32>} : memref<128x128xf32, #tpu.memory_space<vmem>>, vector<16xf32>,
      %mul3A_2994 = vector.broadcast %squeeze3A_2960 : f32 to vector<16xf32>
      %mul3A_2995 = arith.mulf %mul3A_2994, %get3A_2993 : vector<16xf32>
      %mul3A_2996 = arith.mulf %mul3A_2995, %get3A_2993 : vector<16xf32>
      %add3A_2997 = arith.addf %add3A_2831, %mul3A_2996 : vector<16xf32>
      %add3A_2998 = arith.addf %add3A_2832, %mul3A_2995 : vector<16xf32>
      %mul3A_2999 = vector.broadcast %squeeze3A_2962 : f32 to vector<16xf32>
      %mul3A_3000 = arith.mulf %mul3A_2999, %get3A_2993 : vector<16xf32>
      %add3A_3001 = arith.addf %add3A_2835, %mul3A_3000 : vector<16xf32>
      %mul3A_3002 = vector.broadcast %squeeze3A_2964 : f32 to vector<16xf32>
      %mul3A_3003 = arith.mulf %mul3A_3002, %get3A_2993 : vector<16xf32>
      %add3A_3004 = arith.addf %add3A_2838, %mul3A_3003 : vector<16xf32>
      %add3A_3005 = arith.constant 15 : i32
      %add3A_3006 = arith.addi %mul3A_460, %add3A_3005 : i32
      %get3A_3007 = arith.constant 0 : i32
      %get3A_3008 = arith.constant 0 : i32
      %get3A_3009 = tpu.memref_slice %arg7[%scan3A, %get3A_3007, %get3A_3008] : memref<2x128x128xf32, #tpu.memory_space<vmem>> -> memref<1x128x128xf32, #tpu.memory_space<vmem>>
      %get3A_3010 = tpu.memref_squeeze %get3A_3009 : memref<1x128x128xf32, #tpu.memory_space<vmem>> -> memref<128x128xf32, #tpu.memory_space<vmem>>
      %get3A_3011 = arith.index_cast %add3A_3006 : i32 to index
      %get3A_3012 = arith.constant 32 : index
      %get3A_3013 = tpu.vector_load %get3A_3010[%get3A_3011, %get3A_3012] {strides = array<i32>} : memref<128x128xf32, #tpu.memory_space<vmem>>, vector<16xf32>,
      %mul3A_3014 = vector.broadcast %squeeze3A_2960 : f32 to vector<16xf32>
      %mul3A_3015 = arith.mulf %mul3A_3014, %get3A_3013 : vector<16xf32>
      %mul3A_3016 = arith.mulf %mul3A_3015, %get3A_3013 : vector<16xf32>
      %add3A_3017 = arith.addf %add3A_2851, %mul3A_3016 : vector<16xf32>
      %add3A_3018 = arith.addf %add3A_2852, %mul3A_3015 : vector<16xf32>
      %mul3A_3019 = vector.broadcast %squeeze3A_2962 : f32 to vector<16xf32>
      %mul3A_3020 = arith.mulf %mul3A_3019, %get3A_3013 : vector<16xf32>
      %add3A_3021 = arith.addf %add3A_2855, %mul3A_3020 : vector<16xf32>
      %mul3A_3022 = vector.broadcast %squeeze3A_2964 : f32 to vector<16xf32>
      %mul3A_3023 = arith.mulf %mul3A_3022, %get3A_3013 : vector<16xf32>
      %add3A_3024 = arith.addf %add3A_2858, %mul3A_3023 : vector<16xf32>
      %add3A_3025 = arith.constant 15 : i32
      %add3A_3026 = arith.addi %mul3A_460, %add3A_3025 : i32
      %get3A_3027 = arith.constant 0 : i32
      %get3A_3028 = arith.constant 0 : i32
      %get3A_3029 = tpu.memref_slice %arg7[%scan3A, %get3A_3027, %get3A_3028] : memref<2x128x128xf32, #tpu.memory_space<vmem>> -> memref<1x128x128xf32, #tpu.memory_space<vmem>>
      %get3A_3030 = tpu.memref_squeeze %get3A_3029 : memref<1x128x128xf32, #tpu.memory_space<vmem>> -> memref<128x128xf32, #tpu.memory_space<vmem>>
      %get3A_3031 = arith.index_cast %add3A_3026 : i32 to index
      %get3A_3032 = arith.constant 48 : index
      %get3A_3033 = tpu.vector_load %get3A_3030[%get3A_3031, %get3A_3032] {strides = array<i32>} : memref<128x128xf32, #tpu.memory_space<vmem>>, vector<16xf32>,
      %mul3A_3034 = vector.broadcast %squeeze3A_2960 : f32 to vector<16xf32>
      %mul3A_3035 = arith.mulf %mul3A_3034, %get3A_3033 : vector<16xf32>
      %mul3A_3036 = arith.mulf %mul3A_3035, %get3A_3033 : vector<16xf32>
      %add3A_3037 = arith.addf %add3A_2871, %mul3A_3036 : vector<16xf32>
      %add3A_3038 = arith.addf %add3A_2872, %mul3A_3035 : vector<16xf32>
      %mul3A_3039 = vector.broadcast %squeeze3A_2962 : f32 to vector<16xf32>
      %mul3A_3040 = arith.mulf %mul3A_3039, %get3A_3033 : vector<16xf32>
      %add3A_3041 = arith.addf %add3A_2875, %mul3A_3040 : vector<16xf32>
      %mul3A_3042 = vector.broadcast %squeeze3A_2964 : f32 to vector<16xf32>
      %mul3A_3043 = arith.mulf %mul3A_3042, %get3A_3033 : vector<16xf32>
      %add3A_3044 = arith.addf %add3A_2878, %mul3A_3043 : vector<16xf32>
      %add3A_3045 = arith.constant 15 : i32
      %add3A_3046 = arith.addi %mul3A_460, %add3A_3045 : i32
      %get3A_3047 = arith.constant 0 : i32
      %get3A_3048 = arith.constant 0 : i32
      %get3A_3049 = tpu.memref_slice %arg7[%scan3A, %get3A_3047, %get3A_3048] : memref<2x128x128xf32, #tpu.memory_space<vmem>> -> memref<1x128x128xf32, #tpu.memory_space<vmem>>
      %get3A_3050 = tpu.memref_squeeze %get3A_3049 : memref<1x128x128xf32, #tpu.memory_space<vmem>> -> memref<128x128xf32, #tpu.memory_space<vmem>>
      %get3A_3051 = arith.index_cast %add3A_3046 : i32 to index
      %get3A_3052 = arith.constant 64 : index
      %get3A_3053 = tpu.vector_load %get3A_3050[%get3A_3051, %get3A_3052] {strides = array<i32>} : memref<128x128xf32, #tpu.memory_space<vmem>>, vector<16xf32>,
      %mul3A_3054 = vector.broadcast %squeeze3A_2960 : f32 to vector<16xf32>
      %mul3A_3055 = arith.mulf %mul3A_3054, %get3A_3053 : vector<16xf32>
      %mul3A_3056 = arith.mulf %mul3A_3055, %get3A_3053 : vector<16xf32>
      %add3A_3057 = arith.addf %add3A_2891, %mul3A_3056 : vector<16xf32>
      %add3A_3058 = arith.addf %add3A_2892, %mul3A_3055 : vector<16xf32>
      %mul3A_3059 = vector.broadcast %squeeze3A_2962 : f32 to vector<16xf32>
      %mul3A_3060 = arith.mulf %mul3A_3059, %get3A_3053 : vector<16xf32>
      %add3A_3061 = arith.addf %add3A_2895, %mul3A_3060 : vector<16xf32>
      %mul3A_3062 = vector.broadcast %squeeze3A_2964 : f32 to vector<16xf32>
      %mul3A_3063 = arith.mulf %mul3A_3062, %get3A_3053 : vector<16xf32>
      %add3A_3064 = arith.addf %add3A_2898, %mul3A_3063 : vector<16xf32>
      %add3A_3065 = arith.constant 15 : i32
      %add3A_3066 = arith.addi %mul3A_460, %add3A_3065 : i32
      %get3A_3067 = arith.constant 0 : i32
      %get3A_3068 = arith.constant 0 : i32
      %get3A_3069 = tpu.memref_slice %arg7[%scan3A, %get3A_3067, %get3A_3068] : memref<2x128x128xf32, #tpu.memory_space<vmem>> -> memref<1x128x128xf32, #tpu.memory_space<vmem>>
      %get3A_3070 = tpu.memref_squeeze %get3A_3069 : memref<1x128x128xf32, #tpu.memory_space<vmem>> -> memref<128x128xf32, #tpu.memory_space<vmem>>
      %get3A_3071 = arith.index_cast %add3A_3066 : i32 to index
      %get3A_3072 = arith.constant 80 : index
      %get3A_3073 = tpu.vector_load %get3A_3070[%get3A_3071, %get3A_3072] {strides = array<i32>} : memref<128x128xf32, #tpu.memory_space<vmem>>, vector<16xf32>,
      %mul3A_3074 = vector.broadcast %squeeze3A_2960 : f32 to vector<16xf32>
      %mul3A_3075 = arith.mulf %mul3A_3074, %get3A_3073 : vector<16xf32>
      %mul3A_3076 = arith.mulf %mul3A_3075, %get3A_3073 : vector<16xf32>
      %add3A_3077 = arith.addf %add3A_2911, %mul3A_3076 : vector<16xf32>
      %add3A_3078 = arith.addf %add3A_2912, %mul3A_3075 : vector<16xf32>
      %mul3A_3079 = vector.broadcast %squeeze3A_2962 : f32 to vector<16xf32>
      %mul3A_3080 = arith.mulf %mul3A_3079, %get3A_3073 : vector<16xf32>
      %add3A_3081 = arith.addf %add3A_2915, %mul3A_3080 : vector<16xf32>
      %mul3A_3082 = vector.broadcast %squeeze3A_2964 : f32 to vector<16xf32>
      %mul3A_3083 = arith.mulf %mul3A_3082, %get3A_3073 : vector<16xf32>
      %add3A_3084 = arith.addf %add3A_2918, %mul3A_3083 : vector<16xf32>
      %add3A_3085 = arith.constant 15 : i32
      %add3A_3086 = arith.addi %mul3A_460, %add3A_3085 : i32
      %get3A_3087 = arith.constant 0 : i32
      %get3A_3088 = arith.constant 0 : i32
      %get3A_3089 = tpu.memref_slice %arg7[%scan3A, %get3A_3087, %get3A_3088] : memref<2x128x128xf32, #tpu.memory_space<vmem>> -> memref<1x128x128xf32, #tpu.memory_space<vmem>>
      %get3A_3090 = tpu.memref_squeeze %get3A_3089 : memref<1x128x128xf32, #tpu.memory_space<vmem>> -> memref<128x128xf32, #tpu.memory_space<vmem>>
      %get3A_3091 = arith.index_cast %add3A_3086 : i32 to index
      %get3A_3092 = arith.constant 96 : index
      %get3A_3093 = tpu.vector_load %get3A_3090[%get3A_3091, %get3A_3092] {strides = array<i32>} : memref<128x128xf32, #tpu.memory_space<vmem>>, vector<16xf32>,
      %mul3A_3094 = vector.broadcast %squeeze3A_2960 : f32 to vector<16xf32>
      %mul3A_3095 = arith.mulf %mul3A_3094, %get3A_3093 : vector<16xf32>
      %mul3A_3096 = arith.mulf %mul3A_3095, %get3A_3093 : vector<16xf32>
      %add3A_3097 = arith.addf %add3A_2931, %mul3A_3096 : vector<16xf32>
      %add3A_3098 = arith.addf %add3A_2932, %mul3A_3095 : vector<16xf32>
      %mul3A_3099 = vector.broadcast %squeeze3A_2962 : f32 to vector<16xf32>
      %mul3A_3100 = arith.mulf %mul3A_3099, %get3A_3093 : vector<16xf32>
      %add3A_3101 = arith.addf %add3A_2935, %mul3A_3100 : vector<16xf32>
      %mul3A_3102 = vector.broadcast %squeeze3A_2964 : f32 to vector<16xf32>
      %mul3A_3103 = arith.mulf %mul3A_3102, %get3A_3093 : vector<16xf32>
      %add3A_3104 = arith.addf %add3A_2938, %mul3A_3103 : vector<16xf32>
      %add3A_3105 = arith.constant 15 : i32
      %add3A_3106 = arith.addi %mul3A_460, %add3A_3105 : i32
      %get3A_3107 = arith.constant 0 : i32
      %get3A_3108 = arith.constant 0 : i32
      %get3A_3109 = tpu.memref_slice %arg7[%scan3A, %get3A_3107, %get3A_3108] : memref<2x128x128xf32, #tpu.memory_space<vmem>> -> memref<1x128x128xf32, #tpu.memory_space<vmem>>
      %get3A_3110 = tpu.memref_squeeze %get3A_3109 : memref<1x128x128xf32, #tpu.memory_space<vmem>> -> memref<128x128xf32, #tpu.memory_space<vmem>>
      %get3A_3111 = arith.index_cast %add3A_3106 : i32 to index
      %get3A_3112 = arith.constant 112 : index
      %get3A_3113 = tpu.vector_load %get3A_3110[%get3A_3111, %get3A_3112] {strides = array<i32>} : memref<128x128xf32, #tpu.memory_space<vmem>>, vector<16xf32>,
      %mul3A_3114 = vector.broadcast %squeeze3A_2960 : f32 to vector<16xf32>
      %mul3A_3115 = arith.mulf %mul3A_3114, %get3A_3113 : vector<16xf32>
      %mul3A_3116 = arith.mulf %mul3A_3115, %get3A_3113 : vector<16xf32>
      %add3A_3117 = arith.addf %add3A_2951, %mul3A_3116 : vector<16xf32>
      %add3A_3118 = arith.addf %add3A_2952, %mul3A_3115 : vector<16xf32>
      %mul3A_3119 = vector.broadcast %squeeze3A_2962 : f32 to vector<16xf32>
      %mul3A_3120 = arith.mulf %mul3A_3119, %get3A_3113 : vector<16xf32>
      %add3A_3121 = arith.addf %add3A_2955, %mul3A_3120 : vector<16xf32>
      %mul3A_3122 = vector.broadcast %squeeze3A_2964 : f32 to vector<16xf32>
      %mul3A_3123 = arith.mulf %mul3A_3122, %get3A_3113 : vector<16xf32>
      %add3A_3124 = arith.addf %add3A_2958, %mul3A_3123 : vector<16xf32>
      %add3A_3125 = arith.addf %scan3A_456, %get3A_464 : vector<16xf32>
      %add3A_3126 = arith.addf %scan3A_457, %mul3A_469 : vector<16xf32>
      %add3A_3127 = arith.addf %scan3A_458, %mul3A_470 : vector<16xf32>
      scf.yield %add3A_2977, %add3A_2997, %add3A_3017, %add3A_3037, %add3A_3057, %add3A_3077, %add3A_3097, %add3A_3117, %add3A_2978, %add3A_2998, %add3A_3018, %add3A_3038, %add3A_3058, %add3A_3078, %add3A_3098, %add3A_3118, %add3A_2981, %add3A_3001, %add3A_3021, %add3A_3041, %add3A_3061, %add3A_3081, %add3A_3101, %add3A_3121, %add3A_2984, %add3A_3004, %add3A_3024, %add3A_3044, %add3A_3064, %add3A_3084, %add3A_3104, %add3A_3124, %add3A_3125, %add3A_3126, %add3A_3127 : vector<16xf32>, vector<16xf32>, vector<16xf32>, vector<16xf32>, vector<16xf32>, vector<16xf32>, vector<16xf32>, vector<16xf32>, vector<16xf32>, vector<16xf32>, vector<16xf32>, vector<16xf32>, vector<16xf32>, vector<16xf32>, vector<16xf32>, vector<16xf32>, vector<16xf32>, vector<16xf32>, vector<16xf32>, vector<16xf32>, vector<16xf32>, vector<16xf32>, vector<16xf32>, vector<16xf32>, vector<16xf32>, vector<16xf32>, vector<16xf32>, vector<16xf32>, vector<16xf32>, vector<16xf32>, vector<16xf32>, vector<16xf32>, vector<16xf32>, vector<16xf32>, vector<16xf32>
    }
    %scan3A_35 = arith.constant 8 : i32
    %reduce_sum3A = arith.constant true
    %reduce_sum3A_36 = vector.broadcast %reduce_sum3A : i1 to vector<16xi1>
    %reduce_sum3A_37 = tpu.scan <sum>, %scan3A_34#32 masked %reduce_sum3A_36 : vector<16xf32>, vector<16xi1> -> vector<16xf32>
    %reduce_sum3A_38 = vector.extract %reduce_sum3A_37[15] : f32 from vector<16xf32>
    %reduce_sum3A_39 = arith.constant true
    %reduce_sum3A_40 = vector.broadcast %reduce_sum3A_39 : i1 to vector<16xi1>
    %reduce_sum3A_41 = tpu.scan <sum>, %scan3A_34#33 masked %reduce_sum3A_40 : vector<16xf32>, vector<16xi1> -> vector<16xf32>
    %reduce_sum3A_42 = vector.extract %reduce_sum3A_41[15] : f32 from vector<16xf32>
    %reduce_sum3A_43 = arith.constant true
    %reduce_sum3A_44 = vector.broadcast %reduce_sum3A_43 : i1 to vector<16xi1>
    %reduce_sum3A_45 = tpu.scan <sum>, %scan3A_34#34 masked %reduce_sum3A_44 : vector<16xf32>, vector<16xi1> -> vector<16xf32>
    %reduce_sum3A_46 = vector.extract %reduce_sum3A_45[15] : f32 from vector<16xf32>
    %get3A = arith.constant 0 : i32
    %get3A_47 = arith.index_cast %get3A : i32 to index
    %get3A_48 = arith.constant 0 : index
    %get3A_49 = tpu.vector_load %arg10[%get3A_47, %get3A_48] {strides = array<i32>} : memref<3x128xf32, #tpu.memory_space<vmem>>, vector<16xf32>,
    %get3A_50 = arith.constant 1 : i32
    %get3A_51 = arith.index_cast %get3A_50 : i32 to index
    %get3A_52 = arith.constant 0 : index
    %get3A_53 = tpu.vector_load %arg10[%get3A_51, %get3A_52] {strides = array<i32>} : memref<3x128xf32, #tpu.memory_space<vmem>>, vector<16xf32>,
    %get3A_54 = arith.constant 2 : i32
    %get3A_55 = arith.index_cast %get3A_54 : i32 to index
    %get3A_56 = arith.constant 0 : index
    %get3A_57 = tpu.vector_load %arg10[%get3A_55, %get3A_56] {strides = array<i32>} : memref<3x128xf32, #tpu.memory_space<vmem>>, vector<16xf32>,
    %mul3A_58 = arith.constant -3.000000e+00 : f32
    %mul3A_59 = vector.broadcast %mul3A_58 : f32 to vector<16xf32>
    %mul3A_60 = arith.mulf %mul3A_59, %get3A_49 : vector<16xf32>
    %mul3A_61 = arith.constant 4.000000e+00 : f32
    %mul3A_62 = vector.broadcast %mul3A_61 : f32 to vector<16xf32>
    %mul3A_63 = arith.mulf %mul3A_62, %get3A_53 : vector<16xf32>
    %add3A_64 = arith.addf %mul3A_60, %mul3A_63 : vector<16xf32>
    %sub3A = arith.subf %add3A_64, %get3A_57 : vector<16xf32>
    %mul3A_65 = arith.constant 5.000000e-01 : f32
    %mul3A_66 = vector.broadcast %mul3A_65 : f32 to vector<16xf32>
    %mul3A_67 = arith.mulf %mul3A_66, %sub3A : vector<16xf32>
    %mul3A_68 = arith.constant 2.000000e+00 : f32
    %mul3A_69 = vector.broadcast %mul3A_68 : f32 to vector<16xf32>
    %mul3A_70 = arith.mulf %mul3A_69, %get3A_53 : vector<16xf32>
    %sub3A_71 = arith.subf %get3A_49, %mul3A_70 : vector<16xf32>
    %add3A_72 = arith.addf %sub3A_71, %get3A_57 : vector<16xf32>
    %mul3A_73 = arith.constant 5.000000e-01 : f32
    %mul3A_74 = vector.broadcast %mul3A_73 : f32 to vector<16xf32>
    %mul3A_75 = arith.mulf %mul3A_74, %add3A_72 : vector<16xf32>
    %add3A_76 = arith.addf %broadcast_in_dim3A_17, %scan3A_34#0 : vector<16xf32>
    %mul3A_77 = arith.mulf %scan3A_34#8, %get3A_49 : vector<16xf32>
    %add3A_78 = arith.addf %broadcast_in_dim3A_17, %mul3A_77 : vector<16xf32>
    %mul3A_79 = arith.mulf %scan3A_34#16, %mul3A_67 : vector<16xf32>
    %add3A_80 = arith.addf %add3A_78, %mul3A_79 : vector<16xf32>
    %mul3A_81 = arith.mulf %scan3A_34#24, %mul3A_75 : vector<16xf32>
    %add3A_82 = arith.addf %add3A_80, %mul3A_81 : vector<16xf32>
    %add3A_83 = arith.addf %get3A_49, %get3A_53 : vector<16xf32>
    %add3A_84 = arith.addf %add3A_83, %get3A_57 : vector<16xf32>
    %mul3A_85 = arith.mulf %scan3A_34#8, %add3A_84 : vector<16xf32>
    %add3A_86 = arith.addf %broadcast_in_dim3A_17, %mul3A_85 : vector<16xf32>
    %get3A_87 = arith.constant 0 : i32
    %get3A_88 = arith.index_cast %get3A_87 : i32 to index
    %get3A_89 = arith.constant 16 : index
    %get3A_90 = tpu.vector_load %arg10[%get3A_88, %get3A_89] {strides = array<i32>} : memref<3x128xf32, #tpu.memory_space<vmem>>, vector<16xf32>,
    %get3A_91 = arith.constant 1 : i32
    %get3A_92 = arith.index_cast %get3A_91 : i32 to index
    %get3A_93 = arith.constant 16 : index
    %get3A_94 = tpu.vector_load %arg10[%get3A_92, %get3A_93] {strides = array<i32>} : memref<3x128xf32, #tpu.memory_space<vmem>>, vector<16xf32>,
    %get3A_95 = arith.constant 2 : i32
    %get3A_96 = arith.index_cast %get3A_95 : i32 to index
    %get3A_97 = arith.constant 16 : index
    %get3A_98 = tpu.vector_load %arg10[%get3A_96, %get3A_97] {strides = array<i32>} : memref<3x128xf32, #tpu.memory_space<vmem>>, vector<16xf32>,
    %mul3A_99 = arith.constant -3.000000e+00 : f32
    %mul3A_100 = vector.broadcast %mul3A_99 : f32 to vector<16xf32>
    %mul3A_101 = arith.mulf %mul3A_100, %get3A_90 : vector<16xf32>
    %mul3A_102 = arith.constant 4.000000e+00 : f32
    %mul3A_103 = vector.broadcast %mul3A_102 : f32 to vector<16xf32>
    %mul3A_104 = arith.mulf %mul3A_103, %get3A_94 : vector<16xf32>
    %add3A_105 = arith.addf %mul3A_101, %mul3A_104 : vector<16xf32>
    %sub3A_106 = arith.subf %add3A_105, %get3A_98 : vector<16xf32>
    %mul3A_107 = arith.constant 5.000000e-01 : f32
    %mul3A_108 = vector.broadcast %mul3A_107 : f32 to vector<16xf32>
    %mul3A_109 = arith.mulf %mul3A_108, %sub3A_106 : vector<16xf32>
    %mul3A_110 = arith.constant 2.000000e+00 : f32
    %mul3A_111 = vector.broadcast %mul3A_110 : f32 to vector<16xf32>
    %mul3A_112 = arith.mulf %mul3A_111, %get3A_94 : vector<16xf32>
    %sub3A_113 = arith.subf %get3A_90, %mul3A_112 : vector<16xf32>
    %add3A_114 = arith.addf %sub3A_113, %get3A_98 : vector<16xf32>
    %mul3A_115 = arith.constant 5.000000e-01 : f32
    %mul3A_116 = vector.broadcast %mul3A_115 : f32 to vector<16xf32>
    %mul3A_117 = arith.mulf %mul3A_116, %add3A_114 : vector<16xf32>
    %add3A_118 = arith.addf %add3A_76, %scan3A_34#1 : vector<16xf32>
    %mul3A_119 = arith.mulf %scan3A_34#9, %get3A_90 : vector<16xf32>
    %add3A_120 = arith.addf %add3A_82, %mul3A_119 : vector<16xf32>
    %mul3A_121 = arith.mulf %scan3A_34#17, %mul3A_109 : vector<16xf32>
    %add3A_122 = arith.addf %add3A_120, %mul3A_121 : vector<16xf32>
    %mul3A_123 = arith.mulf %scan3A_34#25, %mul3A_117 : vector<16xf32>
    %add3A_124 = arith.addf %add3A_122, %mul3A_123 : vector<16xf32>
    %add3A_125 = arith.addf %get3A_90, %get3A_94 : vector<16xf32>
    %add3A_126 = arith.addf %add3A_125, %get3A_98 : vector<16xf32>
    %mul3A_127 = arith.mulf %scan3A_34#9, %add3A_126 : vector<16xf32>
    %add3A_128 = arith.addf %add3A_86, %mul3A_127 : vector<16xf32>
    %get3A_129 = arith.constant 0 : i32
    %get3A_130 = arith.index_cast %get3A_129 : i32 to index
    %get3A_131 = arith.constant 32 : index
    %get3A_132 = tpu.vector_load %arg10[%get3A_130, %get3A_131] {strides = array<i32>} : memref<3x128xf32, #tpu.memory_space<vmem>>, vector<16xf32>,
    %get3A_133 = arith.constant 1 : i32
    %get3A_134 = arith.index_cast %get3A_133 : i32 to index
    %get3A_135 = arith.constant 32 : index
    %get3A_136 = tpu.vector_load %arg10[%get3A_134, %get3A_135] {strides = array<i32>} : memref<3x128xf32, #tpu.memory_space<vmem>>, vector<16xf32>,
    %get3A_137 = arith.constant 2 : i32
    %get3A_138 = arith.index_cast %get3A_137 : i32 to index
    %get3A_139 = arith.constant 32 : index
    %get3A_140 = tpu.vector_load %arg10[%get3A_138, %get3A_139] {strides = array<i32>} : memref<3x128xf32, #tpu.memory_space<vmem>>, vector<16xf32>,
    %mul3A_141 = arith.constant -3.000000e+00 : f32
    %mul3A_142 = vector.broadcast %mul3A_141 : f32 to vector<16xf32>
    %mul3A_143 = arith.mulf %mul3A_142, %get3A_132 : vector<16xf32>
    %mul3A_144 = arith.constant 4.000000e+00 : f32
    %mul3A_145 = vector.broadcast %mul3A_144 : f32 to vector<16xf32>
    %mul3A_146 = arith.mulf %mul3A_145, %get3A_136 : vector<16xf32>
    %add3A_147 = arith.addf %mul3A_143, %mul3A_146 : vector<16xf32>
    %sub3A_148 = arith.subf %add3A_147, %get3A_140 : vector<16xf32>
    %mul3A_149 = arith.constant 5.000000e-01 : f32
    %mul3A_150 = vector.broadcast %mul3A_149 : f32 to vector<16xf32>
    %mul3A_151 = arith.mulf %mul3A_150, %sub3A_148 : vector<16xf32>
    %mul3A_152 = arith.constant 2.000000e+00 : f32
    %mul3A_153 = vector.broadcast %mul3A_152 : f32 to vector<16xf32>
    %mul3A_154 = arith.mulf %mul3A_153, %get3A_136 : vector<16xf32>
    %sub3A_155 = arith.subf %get3A_132, %mul3A_154 : vector<16xf32>
    %add3A_156 = arith.addf %sub3A_155, %get3A_140 : vector<16xf32>
    %mul3A_157 = arith.constant 5.000000e-01 : f32
    %mul3A_158 = vector.broadcast %mul3A_157 : f32 to vector<16xf32>
    %mul3A_159 = arith.mulf %mul3A_158, %add3A_156 : vector<16xf32>
    %add3A_160 = arith.addf %add3A_118, %scan3A_34#2 : vector<16xf32>
    %mul3A_161 = arith.mulf %scan3A_34#10, %get3A_132 : vector<16xf32>
    %add3A_162 = arith.addf %add3A_124, %mul3A_161 : vector<16xf32>
    %mul3A_163 = arith.mulf %scan3A_34#18, %mul3A_151 : vector<16xf32>
    %add3A_164 = arith.addf %add3A_162, %mul3A_163 : vector<16xf32>
    %mul3A_165 = arith.mulf %scan3A_34#26, %mul3A_159 : vector<16xf32>
    %add3A_166 = arith.addf %add3A_164, %mul3A_165 : vector<16xf32>
    %add3A_167 = arith.addf %get3A_132, %get3A_136 : vector<16xf32>
    %add3A_168 = arith.addf %add3A_167, %get3A_140 : vector<16xf32>
    %mul3A_169 = arith.mulf %scan3A_34#10, %add3A_168 : vector<16xf32>
    %add3A_170 = arith.addf %add3A_128, %mul3A_169 : vector<16xf32>
    %get3A_171 = arith.constant 0 : i32
    %get3A_172 = arith.index_cast %get3A_171 : i32 to index
    %get3A_173 = arith.constant 48 : index
    %get3A_174 = tpu.vector_load %arg10[%get3A_172, %get3A_173] {strides = array<i32>} : memref<3x128xf32, #tpu.memory_space<vmem>>, vector<16xf32>,
    %get3A_175 = arith.constant 1 : i32
    %get3A_176 = arith.index_cast %get3A_175 : i32 to index
    %get3A_177 = arith.constant 48 : index
    %get3A_178 = tpu.vector_load %arg10[%get3A_176, %get3A_177] {strides = array<i32>} : memref<3x128xf32, #tpu.memory_space<vmem>>, vector<16xf32>,
    %get3A_179 = arith.constant 2 : i32
    %get3A_180 = arith.index_cast %get3A_179 : i32 to index
    %get3A_181 = arith.constant 48 : index
    %get3A_182 = tpu.vector_load %arg10[%get3A_180, %get3A_181] {strides = array<i32>} : memref<3x128xf32, #tpu.memory_space<vmem>>, vector<16xf32>,
    %mul3A_183 = arith.constant -3.000000e+00 : f32
    %mul3A_184 = vector.broadcast %mul3A_183 : f32 to vector<16xf32>
    %mul3A_185 = arith.mulf %mul3A_184, %get3A_174 : vector<16xf32>
    %mul3A_186 = arith.constant 4.000000e+00 : f32
    %mul3A_187 = vector.broadcast %mul3A_186 : f32 to vector<16xf32>
    %mul3A_188 = arith.mulf %mul3A_187, %get3A_178 : vector<16xf32>
    %add3A_189 = arith.addf %mul3A_185, %mul3A_188 : vector<16xf32>
    %sub3A_190 = arith.subf %add3A_189, %get3A_182 : vector<16xf32>
    %mul3A_191 = arith.constant 5.000000e-01 : f32
    %mul3A_192 = vector.broadcast %mul3A_191 : f32 to vector<16xf32>
    %mul3A_193 = arith.mulf %mul3A_192, %sub3A_190 : vector<16xf32>
    %mul3A_194 = arith.constant 2.000000e+00 : f32
    %mul3A_195 = vector.broadcast %mul3A_194 : f32 to vector<16xf32>
    %mul3A_196 = arith.mulf %mul3A_195, %get3A_178 : vector<16xf32>
    %sub3A_197 = arith.subf %get3A_174, %mul3A_196 : vector<16xf32>
    %add3A_198 = arith.addf %sub3A_197, %get3A_182 : vector<16xf32>
    %mul3A_199 = arith.constant 5.000000e-01 : f32
    %mul3A_200 = vector.broadcast %mul3A_199 : f32 to vector<16xf32>
    %mul3A_201 = arith.mulf %mul3A_200, %add3A_198 : vector<16xf32>
    %add3A_202 = arith.addf %add3A_160, %scan3A_34#3 : vector<16xf32>
    %mul3A_203 = arith.mulf %scan3A_34#11, %get3A_174 : vector<16xf32>
    %add3A_204 = arith.addf %add3A_166, %mul3A_203 : vector<16xf32>
    %mul3A_205 = arith.mulf %scan3A_34#19, %mul3A_193 : vector<16xf32>
    %add3A_206 = arith.addf %add3A_204, %mul3A_205 : vector<16xf32>
    %mul3A_207 = arith.mulf %scan3A_34#27, %mul3A_201 : vector<16xf32>
    %add3A_208 = arith.addf %add3A_206, %mul3A_207 : vector<16xf32>
    %add3A_209 = arith.addf %get3A_174, %get3A_178 : vector<16xf32>
    %add3A_210 = arith.addf %add3A_209, %get3A_182 : vector<16xf32>
    %mul3A_211 = arith.mulf %scan3A_34#11, %add3A_210 : vector<16xf32>
    %add3A_212 = arith.addf %add3A_170, %mul3A_211 : vector<16xf32>
    %get3A_213 = arith.constant 0 : i32
    %get3A_214 = arith.index_cast %get3A_213 : i32 to index
    %get3A_215 = arith.constant 64 : index
    %get3A_216 = tpu.vector_load %arg10[%get3A_214, %get3A_215] {strides = array<i32>} : memref<3x128xf32, #tpu.memory_space<vmem>>, vector<16xf32>,
    %get3A_217 = arith.constant 1 : i32
    %get3A_218 = arith.index_cast %get3A_217 : i32 to index
    %get3A_219 = arith.constant 64 : index
    %get3A_220 = tpu.vector_load %arg10[%get3A_218, %get3A_219] {strides = array<i32>} : memref<3x128xf32, #tpu.memory_space<vmem>>, vector<16xf32>,
    %get3A_221 = arith.constant 2 : i32
    %get3A_222 = arith.index_cast %get3A_221 : i32 to index
    %get3A_223 = arith.constant 64 : index
    %get3A_224 = tpu.vector_load %arg10[%get3A_222, %get3A_223] {strides = array<i32>} : memref<3x128xf32, #tpu.memory_space<vmem>>, vector<16xf32>,
    %mul3A_225 = arith.constant -3.000000e+00 : f32
    %mul3A_226 = vector.broadcast %mul3A_225 : f32 to vector<16xf32>
    %mul3A_227 = arith.mulf %mul3A_226, %get3A_216 : vector<16xf32>
    %mul3A_228 = arith.constant 4.000000e+00 : f32
    %mul3A_229 = vector.broadcast %mul3A_228 : f32 to vector<16xf32>
    %mul3A_230 = arith.mulf %mul3A_229, %get3A_220 : vector<16xf32>
    %add3A_231 = arith.addf %mul3A_227, %mul3A_230 : vector<16xf32>
    %sub3A_232 = arith.subf %add3A_231, %get3A_224 : vector<16xf32>
    %mul3A_233 = arith.constant 5.000000e-01 : f32
    %mul3A_234 = vector.broadcast %mul3A_233 : f32 to vector<16xf32>
    %mul3A_235 = arith.mulf %mul3A_234, %sub3A_232 : vector<16xf32>
    %mul3A_236 = arith.constant 2.000000e+00 : f32
    %mul3A_237 = vector.broadcast %mul3A_236 : f32 to vector<16xf32>
    %mul3A_238 = arith.mulf %mul3A_237, %get3A_220 : vector<16xf32>
    %sub3A_239 = arith.subf %get3A_216, %mul3A_238 : vector<16xf32>
    %add3A_240 = arith.addf %sub3A_239, %get3A_224 : vector<16xf32>
    %mul3A_241 = arith.constant 5.000000e-01 : f32
    %mul3A_242 = vector.broadcast %mul3A_241 : f32 to vector<16xf32>
    %mul3A_243 = arith.mulf %mul3A_242, %add3A_240 : vector<16xf32>
    %add3A_244 = arith.addf %add3A_202, %scan3A_34#4 : vector<16xf32>
    %mul3A_245 = arith.mulf %scan3A_34#12, %get3A_216 : vector<16xf32>
    %add3A_246 = arith.addf %add3A_208, %mul3A_245 : vector<16xf32>
    %mul3A_247 = arith.mulf %scan3A_34#20, %mul3A_235 : vector<16xf32>
    %add3A_248 = arith.addf %add3A_246, %mul3A_247 : vector<16xf32>
    %mul3A_249 = arith.mulf %scan3A_34#28, %mul3A_243 : vector<16xf32>
    %add3A_250 = arith.addf %add3A_248, %mul3A_249 : vector<16xf32>
    %add3A_251 = arith.addf %get3A_216, %get3A_220 : vector<16xf32>
    %add3A_252 = arith.addf %add3A_251, %get3A_224 : vector<16xf32>
    %mul3A_253 = arith.mulf %scan3A_34#12, %add3A_252 : vector<16xf32>
    %add3A_254 = arith.addf %add3A_212, %mul3A_253 : vector<16xf32>
    %get3A_255 = arith.constant 0 : i32
    %get3A_256 = arith.index_cast %get3A_255 : i32 to index
    %get3A_257 = arith.constant 80 : index
    %get3A_258 = tpu.vector_load %arg10[%get3A_256, %get3A_257] {strides = array<i32>} : memref<3x128xf32, #tpu.memory_space<vmem>>, vector<16xf32>,
    %get3A_259 = arith.constant 1 : i32
    %get3A_260 = arith.index_cast %get3A_259 : i32 to index
    %get3A_261 = arith.constant 80 : index
    %get3A_262 = tpu.vector_load %arg10[%get3A_260, %get3A_261] {strides = array<i32>} : memref<3x128xf32, #tpu.memory_space<vmem>>, vector<16xf32>,
    %get3A_263 = arith.constant 2 : i32
    %get3A_264 = arith.index_cast %get3A_263 : i32 to index
    %get3A_265 = arith.constant 80 : index
    %get3A_266 = tpu.vector_load %arg10[%get3A_264, %get3A_265] {strides = array<i32>} : memref<3x128xf32, #tpu.memory_space<vmem>>, vector<16xf32>,
    %mul3A_267 = arith.constant -3.000000e+00 : f32
    %mul3A_268 = vector.broadcast %mul3A_267 : f32 to vector<16xf32>
    %mul3A_269 = arith.mulf %mul3A_268, %get3A_258 : vector<16xf32>
    %mul3A_270 = arith.constant 4.000000e+00 : f32
    %mul3A_271 = vector.broadcast %mul3A_270 : f32 to vector<16xf32>
    %mul3A_272 = arith.mulf %mul3A_271, %get3A_262 : vector<16xf32>
    %add3A_273 = arith.addf %mul3A_269, %mul3A_272 : vector<16xf32>
    %sub3A_274 = arith.subf %add3A_273, %get3A_266 : vector<16xf32>
    %mul3A_275 = arith.constant 5.000000e-01 : f32
    %mul3A_276 = vector.broadcast %mul3A_275 : f32 to vector<16xf32>
    %mul3A_277 = arith.mulf %mul3A_276, %sub3A_274 : vector<16xf32>
    %mul3A_278 = arith.constant 2.000000e+00 : f32
    %mul3A_279 = vector.broadcast %mul3A_278 : f32 to vector<16xf32>
    %mul3A_280 = arith.mulf %mul3A_279, %get3A_262 : vector<16xf32>
    %sub3A_281 = arith.subf %get3A_258, %mul3A_280 : vector<16xf32>
    %add3A_282 = arith.addf %sub3A_281, %get3A_266 : vector<16xf32>
    %mul3A_283 = arith.constant 5.000000e-01 : f32
    %mul3A_284 = vector.broadcast %mul3A_283 : f32 to vector<16xf32>
    %mul3A_285 = arith.mulf %mul3A_284, %add3A_282 : vector<16xf32>
    %add3A_286 = arith.addf %add3A_244, %scan3A_34#5 : vector<16xf32>
    %mul3A_287 = arith.mulf %scan3A_34#13, %get3A_258 : vector<16xf32>
    %add3A_288 = arith.addf %add3A_250, %mul3A_287 : vector<16xf32>
    %mul3A_289 = arith.mulf %scan3A_34#21, %mul3A_277 : vector<16xf32>
    %add3A_290 = arith.addf %add3A_288, %mul3A_289 : vector<16xf32>
    %mul3A_291 = arith.mulf %scan3A_34#29, %mul3A_285 : vector<16xf32>
    %add3A_292 = arith.addf %add3A_290, %mul3A_291 : vector<16xf32>
    %add3A_293 = arith.addf %get3A_258, %get3A_262 : vector<16xf32>
    %add3A_294 = arith.addf %add3A_293, %get3A_266 : vector<16xf32>
    %mul3A_295 = arith.mulf %scan3A_34#13, %add3A_294 : vector<16xf32>
    %add3A_296 = arith.addf %add3A_254, %mul3A_295 : vector<16xf32>
    %get3A_297 = arith.constant 0 : i32
    %get3A_298 = arith.index_cast %get3A_297 : i32 to index
    %get3A_299 = arith.constant 96 : index
    %get3A_300 = tpu.vector_load %arg10[%get3A_298, %get3A_299] {strides = array<i32>} : memref<3x128xf32, #tpu.memory_space<vmem>>, vector<16xf32>,
    %get3A_301 = arith.constant 1 : i32
    %get3A_302 = arith.index_cast %get3A_301 : i32 to index
    %get3A_303 = arith.constant 96 : index
    %get3A_304 = tpu.vector_load %arg10[%get3A_302, %get3A_303] {strides = array<i32>} : memref<3x128xf32, #tpu.memory_space<vmem>>, vector<16xf32>,
    %get3A_305 = arith.constant 2 : i32
    %get3A_306 = arith.index_cast %get3A_305 : i32 to index
    %get3A_307 = arith.constant 96 : index
    %get3A_308 = tpu.vector_load %arg10[%get3A_306, %get3A_307] {strides = array<i32>} : memref<3x128xf32, #tpu.memory_space<vmem>>, vector<16xf32>,
    %mul3A_309 = arith.constant -3.000000e+00 : f32
    %mul3A_310 = vector.broadcast %mul3A_309 : f32 to vector<16xf32>
    %mul3A_311 = arith.mulf %mul3A_310, %get3A_300 : vector<16xf32>
    %mul3A_312 = arith.constant 4.000000e+00 : f32
    %mul3A_313 = vector.broadcast %mul3A_312 : f32 to vector<16xf32>
    %mul3A_314 = arith.mulf %mul3A_313, %get3A_304 : vector<16xf32>
    %add3A_315 = arith.addf %mul3A_311, %mul3A_314 : vector<16xf32>
    %sub3A_316 = arith.subf %add3A_315, %get3A_308 : vector<16xf32>
    %mul3A_317 = arith.constant 5.000000e-01 : f32
    %mul3A_318 = vector.broadcast %mul3A_317 : f32 to vector<16xf32>
    %mul3A_319 = arith.mulf %mul3A_318, %sub3A_316 : vector<16xf32>
    %mul3A_320 = arith.constant 2.000000e+00 : f32
    %mul3A_321 = vector.broadcast %mul3A_320 : f32 to vector<16xf32>
    %mul3A_322 = arith.mulf %mul3A_321, %get3A_304 : vector<16xf32>
    %sub3A_323 = arith.subf %get3A_300, %mul3A_322 : vector<16xf32>
    %add3A_324 = arith.addf %sub3A_323, %get3A_308 : vector<16xf32>
    %mul3A_325 = arith.constant 5.000000e-01 : f32
    %mul3A_326 = vector.broadcast %mul3A_325 : f32 to vector<16xf32>
    %mul3A_327 = arith.mulf %mul3A_326, %add3A_324 : vector<16xf32>
    %add3A_328 = arith.addf %add3A_286, %scan3A_34#6 : vector<16xf32>
    %mul3A_329 = arith.mulf %scan3A_34#14, %get3A_300 : vector<16xf32>
    %add3A_330 = arith.addf %add3A_292, %mul3A_329 : vector<16xf32>
    %mul3A_331 = arith.mulf %scan3A_34#22, %mul3A_319 : vector<16xf32>
    %add3A_332 = arith.addf %add3A_330, %mul3A_331 : vector<16xf32>
    %mul3A_333 = arith.mulf %scan3A_34#30, %mul3A_327 : vector<16xf32>
    %add3A_334 = arith.addf %add3A_332, %mul3A_333 : vector<16xf32>
    %add3A_335 = arith.addf %get3A_300, %get3A_304 : vector<16xf32>
    %add3A_336 = arith.addf %add3A_335, %get3A_308 : vector<16xf32>
    %mul3A_337 = arith.mulf %scan3A_34#14, %add3A_336 : vector<16xf32>
    %add3A_338 = arith.addf %add3A_296, %mul3A_337 : vector<16xf32>
    %get3A_339 = arith.constant 0 : i32
    %get3A_340 = arith.index_cast %get3A_339 : i32 to index
    %get3A_341 = arith.constant 112 : index
    %get3A_342 = tpu.vector_load %arg10[%get3A_340, %get3A_341] {strides = array<i32>} : memref<3x128xf32, #tpu.memory_space<vmem>>, vector<16xf32>,
    %get3A_343 = arith.constant 1 : i32
    %get3A_344 = arith.index_cast %get3A_343 : i32 to index
    %get3A_345 = arith.constant 112 : index
    %get3A_346 = tpu.vector_load %arg10[%get3A_344, %get3A_345] {strides = array<i32>} : memref<3x128xf32, #tpu.memory_space<vmem>>, vector<16xf32>,
    %get3A_347 = arith.constant 2 : i32
    %get3A_348 = arith.index_cast %get3A_347 : i32 to index
    %get3A_349 = arith.constant 112 : index
    %get3A_350 = tpu.vector_load %arg10[%get3A_348, %get3A_349] {strides = array<i32>} : memref<3x128xf32, #tpu.memory_space<vmem>>, vector<16xf32>,
    %mul3A_351 = arith.constant -3.000000e+00 : f32
    %mul3A_352 = vector.broadcast %mul3A_351 : f32 to vector<16xf32>
    %mul3A_353 = arith.mulf %mul3A_352, %get3A_342 : vector<16xf32>
    %mul3A_354 = arith.constant 4.000000e+00 : f32
    %mul3A_355 = vector.broadcast %mul3A_354 : f32 to vector<16xf32>
    %mul3A_356 = arith.mulf %mul3A_355, %get3A_346 : vector<16xf32>
    %add3A_357 = arith.addf %mul3A_353, %mul3A_356 : vector<16xf32>
    %sub3A_358 = arith.subf %add3A_357, %get3A_350 : vector<16xf32>
    %mul3A_359 = arith.constant 5.000000e-01 : f32
    %mul3A_360 = vector.broadcast %mul3A_359 : f32 to vector<16xf32>
    %mul3A_361 = arith.mulf %mul3A_360, %sub3A_358 : vector<16xf32>
    %mul3A_362 = arith.constant 2.000000e+00 : f32
    %mul3A_363 = vector.broadcast %mul3A_362 : f32 to vector<16xf32>
    %mul3A_364 = arith.mulf %mul3A_363, %get3A_346 : vector<16xf32>
    %sub3A_365 = arith.subf %get3A_342, %mul3A_364 : vector<16xf32>
    %add3A_366 = arith.addf %sub3A_365, %get3A_350 : vector<16xf32>
    %mul3A_367 = arith.constant 5.000000e-01 : f32
    %mul3A_368 = vector.broadcast %mul3A_367 : f32 to vector<16xf32>
    %mul3A_369 = arith.mulf %mul3A_368, %add3A_366 : vector<16xf32>
    %add3A_370 = arith.addf %add3A_328, %scan3A_34#7 : vector<16xf32>
    %mul3A_371 = arith.mulf %scan3A_34#15, %get3A_342 : vector<16xf32>
    %add3A_372 = arith.addf %add3A_334, %mul3A_371 : vector<16xf32>
    %mul3A_373 = arith.mulf %scan3A_34#23, %mul3A_361 : vector<16xf32>
    %add3A_374 = arith.addf %add3A_372, %mul3A_373 : vector<16xf32>
    %mul3A_375 = arith.mulf %scan3A_34#31, %mul3A_369 : vector<16xf32>
    %add3A_376 = arith.addf %add3A_374, %mul3A_375 : vector<16xf32>
    %add3A_377 = arith.addf %get3A_342, %get3A_346 : vector<16xf32>
    %add3A_378 = arith.addf %add3A_377, %get3A_350 : vector<16xf32>
    %mul3A_379 = arith.mulf %scan3A_34#15, %add3A_378 : vector<16xf32>
    %add3A_380 = arith.addf %add3A_338, %mul3A_379 : vector<16xf32>
    %reduce_sum3A_381 = arith.constant true
    %reduce_sum3A_382 = vector.broadcast %reduce_sum3A_381 : i1 to vector<16xi1>
    %reduce_sum3A_383 = tpu.scan <sum>, %add3A_370 masked %reduce_sum3A_382 : vector<16xf32>, vector<16xi1> -> vector<16xf32>
    %reduce_sum3A_384 = vector.extract %reduce_sum3A_383[15] : f32 from vector<16xf32>
    %reduce_sum3A_385 = arith.constant true
    %reduce_sum3A_386 = vector.broadcast %reduce_sum3A_385 : i1 to vector<16xi1>
    %reduce_sum3A_387 = tpu.scan <sum>, %add3A_376 masked %reduce_sum3A_386 : vector<16xf32>, vector<16xi1> -> vector<16xf32>
    %reduce_sum3A_388 = vector.extract %reduce_sum3A_387[15] : f32 from vector<16xf32>
    %reduce_sum3A_389 = arith.constant true
    %reduce_sum3A_390 = vector.broadcast %reduce_sum3A_389 : i1 to vector<16xi1>
    %reduce_sum3A_391 = tpu.scan <sum>, %add3A_380 masked %reduce_sum3A_390 : vector<16xf32>, vector<16xi1> -> vector<16xf32>
    %reduce_sum3A_392 = vector.extract %reduce_sum3A_391[15] : f32 from vector<16xf32>
    %iota3A = tpu.iota {dimensions = array<i32: 0>} : vector<16xi32>
    %eq3A = arith.constant 0 : i32
    %eq3A_393 = vector.broadcast %eq3A : i32 to vector<16xi32>
    %eq3A_394 = arith.cmpi eq, %iota3A, %eq3A_393 : vector<16xi32>
    %jit3A = arith.constant 0.000000e+00 : f32
    %broadcast_in_dim3A_395 = vector.broadcast %reduce_sum3A_384 : f32 to vector<16xf32>
    %broadcast_in_dim3A_396 = vector.broadcast %jit3A : f32 to vector<16xf32>
    %select_n3A = arith.select %eq3A_394, %broadcast_in_dim3A_395, %broadcast_in_dim3A_396 : vector<16xi1>, vector<16xf32>
    %eq3A_397 = arith.constant 1 : i32
    %eq3A_398 = vector.broadcast %eq3A_397 : i32 to vector<16xi32>
    %eq3A_399 = arith.cmpi eq, %iota3A, %eq3A_398 : vector<16xi32>
    %broadcast_in_dim3A_400 = vector.broadcast %reduce_sum3A_388 : f32 to vector<16xf32>
    %select_n3A_401 = arith.select %eq3A_399, %broadcast_in_dim3A_400, %select_n3A : vector<16xi1>, vector<16xf32>
    %eq3A_402 = arith.constant 2 : i32
    %eq3A_403 = vector.broadcast %eq3A_402 : i32 to vector<16xi32>
    %eq3A_404 = arith.cmpi eq, %iota3A, %eq3A_403 : vector<16xi32>
    %broadcast_in_dim3A_405 = vector.broadcast %reduce_sum3A_392 : f32 to vector<16xf32>
    %select_n3A_406 = arith.select %eq3A_404, %broadcast_in_dim3A_405, %select_n3A_401 : vector<16xi1>, vector<16xf32>
    %eq3A_407 = arith.constant 3 : i32
    %eq3A_408 = vector.broadcast %eq3A_407 : i32 to vector<16xi32>
    %eq3A_409 = arith.cmpi eq, %iota3A, %eq3A_408 : vector<16xi32>
    %broadcast_in_dim3A_410 = vector.broadcast %reduce_sum3A_38 : f32 to vector<16xf32>
    %select_n3A_411 = arith.select %eq3A_409, %broadcast_in_dim3A_410, %select_n3A_406 : vector<16xi1>, vector<16xf32>
    %eq3A_412 = arith.constant 4 : i32
    %eq3A_413 = vector.broadcast %eq3A_412 : i32 to vector<16xi32>
    %eq3A_414 = arith.cmpi eq, %iota3A, %eq3A_413 : vector<16xi32>
    %broadcast_in_dim3A_415 = vector.broadcast %reduce_sum3A_42 : f32 to vector<16xf32>
    %select_n3A_416 = arith.select %eq3A_414, %broadcast_in_dim3A_415, %select_n3A_411 : vector<16xi1>, vector<16xf32>
    %eq3A_417 = arith.constant 5 : i32
    %eq3A_418 = vector.broadcast %eq3A_417 : i32 to vector<16xi32>
    %eq3A_419 = arith.cmpi eq, %iota3A, %eq3A_418 : vector<16xi32>
    %broadcast_in_dim3A_420 = vector.broadcast %reduce_sum3A_46 : f32 to vector<16xf32>
    %select_n3A_421 = arith.select %eq3A_419, %broadcast_in_dim3A_420, %select_n3A_416 : vector<16xi1>, vector<16xf32>
    %swap3A = arith.constant 0 : index
    %swap3A_422 = tpu.vector_load %arg11[%swap3A] {strides = array<i32>} : memref<16xf32, #tpu.memory_space<vmem>>, vector<16xf32>,
    tpu.vector_store %arg11[%swap3A], %select_n3A_421 {strides = array<i32>} : memref<16xf32, #tpu.memory_space<vmem>>, vector<16xf32>,
    "tpu.region"() ({
      %run_scoped3A = tpu.sem_alloc : memref<!tpu.dma_semaphore, #tpu.memory_space<semaphore_mem>>
      %dma_start3A_423 = arith.constant 0 : i32
      %dma_start3A_424 = tpu.memref_slice %arg6[%add3A, %dma_start3A_423] : memref<32x16xf32, #tpu.memory_space<hbm>> -> memref<1x16xf32, #tpu.memory_space<hbm>>
      %dma_start3A_425 = tpu.memref_squeeze %dma_start3A_424 : memref<1x16xf32, #tpu.memory_space<hbm>> -> memref<16xf32, #tpu.memory_space<hbm>>
      %dma_start3A_426 = arith.constant 0 : i32
      %dma_start3A_427 = tpu.memref_slice %arg6[%add3A, %dma_start3A_426] : memref<32x16xf32, #tpu.memory_space<hbm>> -> memref<1x16xf32, #tpu.memory_space<hbm>>
      %dma_start3A_428 = tpu.memref_squeeze %dma_start3A_427 : memref<1x16xf32, #tpu.memory_space<hbm>> -> memref<16xf32, #tpu.memory_space<hbm>>
      tpu.enqueue_dma source(%arg11 : memref<16xf32, #tpu.memory_space<vmem>>) target(%dma_start3A_428 : memref<16xf32, #tpu.memory_space<hbm>>) target_semaphore(%run_scoped3A : memref<!tpu.dma_semaphore, #tpu.memory_space<semaphore_mem>>)
      %dma_wait3A_429 = arith.constant 0 : i32
      %dma_wait3A_430 = tpu.memref_slice %arg6[%add3A, %dma_wait3A_429] : memref<32x16xf32, #tpu.memory_space<hbm>> -> memref<1x16xf32, #tpu.memory_space<hbm>>
      %dma_wait3A_431 = tpu.memref_squeeze %dma_wait3A_430 : memref<1x16xf32, #tpu.memory_space<hbm>> -> memref<16xf32, #tpu.memory_space<hbm>>
      %dma_wait3A_432 = arith.constant 0 : i32
      %dma_wait3A_433 = tpu.memref_slice %arg6[%add3A, %dma_wait3A_432] : memref<32x16xf32, #tpu.memory_space<hbm>> -> memref<1x16xf32, #tpu.memory_space<hbm>>
      %dma_wait3A_434 = tpu.memref_squeeze %dma_wait3A_433 : memref<1x16xf32, #tpu.memory_space<hbm>> -> memref<16xf32, #tpu.memory_space<hbm>>
      tpu.wait_dma2 semaphore(%run_scoped3A : memref<!tpu.dma_semaphore, #tpu.memory_space<semaphore_mem>>) src(%arg11 : memref<16xf32, #tpu.memory_space<vmem>>) dst(%dma_wait3A_434 : memref<16xf32, #tpu.memory_space<hbm>>)
      tpu.yield
    }) : () -> ()
    return
  }
}

module attributes {stable_mosaic.version = 14 : i64} {
  func.func @_tc_body(%arg0: i32, %arg1: memref<4096x128xf32, #tpu.memory_space<vmem>>, %arg2: memref<1x1x4096xi32, #tpu.memory_space<vmem>>, %arg3: memref<1x1x4096xf32, #tpu.memory_space<vmem>>, %arg4: memref<3x128xf32, #tpu.memory_space<vmem>>, %arg5: memref<32x16xf32, #tpu.memory_space<vmem>>, %arg6: memref<1xf32, #tpu.memory_space<smem>>, %arg7: memref<8x128xf32, #tpu.memory_space<vmem>>) attributes {dimension_semantics = [#tpu.dimension_semantics<arbitrary>], iteration_bounds = array<i64: 3>, scalar_prefetch = 0 : i64, scratch_operands = 1 : i64, tpu.core_type = #tpu.core_type<tc>, window_params = [{transform_indices = @transform_0, window_bounds = array<i64: 4096, 128>}, {transform_indices = @transform_1, window_bounds = array<i64: 1, 1, 4096>}, {transform_indices = @transform_2, window_bounds = array<i64: 1, 1, 4096>}, {pipeline_mode = #tpu.pipeline_mode<synchronous>, transform_indices = @transform_3, window_bounds = array<i64: 3, 128>}, {pipeline_mode = #tpu.pipeline_mode<synchronous>, transform_indices = @transform_4, window_bounds = array<i64: 32, 16>}, {transform_indices = @transform_5, window_bounds = array<i64: 1>}]} {
    %eq3A = arith.constant 0 : i32
    %eq3A_0 = arith.cmpi eq, %arg0, %eq3A : i32
    %convert_element_type3A = arith.extui %eq3A_0 : i1 to i32
    %cond3A = arith.constant 0 : i32
    %cond3A_1 = arith.cmpi ne, %convert_element_type3A, %cond3A : i32
    scf.if %cond3A_1 {
      %broadcast_in_dim3A_65 = arith.constant 0.000000e+00 : f32
      %broadcast_in_dim3A_66 = vector.broadcast %broadcast_in_dim3A_65 : f32 to vector<8x128xf32>
      %swap3A_67 = arith.constant 0 : index
      %swap3A_68 = arith.constant 0 : index
      %swap3A_69 = vector.load %arg7[%swap3A_67, %swap3A_68] : memref<8x128xf32, #tpu.memory_space<vmem>>, vector<8x128xf32>
      tpu.vector_store %arg7[%swap3A_67, %swap3A_68], %broadcast_in_dim3A_66 {strides = array<i32>} : memref<8x128xf32, #tpu.memory_space<vmem>>, vector<8x128xf32>,
    } else {
    }
    %get3A = arith.constant 0 : index
    %get3A_2 = arith.constant 0 : index
    %get3A_3 = arith.constant 0 : index
    %get3A_4 = vector.load %arg2[%get3A, %get3A_2, %get3A_3] : memref<1x1x4096xi32, #tpu.memory_space<vmem>>, vector<1x1x4096xi32>
    %get3A_5 = vector.shape_cast %get3A_4 : vector<1x1x4096xi32> to vector<4096xi32>
    %convert_element_type3A_6 = arith.sitofp %get3A_5 : vector<4096xi32> to vector<4096xf32>
    %get3A_7 = arith.constant 0 : index
    %get3A_8 = arith.constant 0 : index
    %get3A_9 = arith.constant 0 : index
    %get3A_10 = vector.load %arg3[%get3A_7, %get3A_8, %get3A_9] : memref<1x1x4096xf32, #tpu.memory_space<vmem>>, vector<1x1x4096xf32>
    %get3A_11 = vector.shape_cast %get3A_10 : vector<1x1x4096xf32> to vector<4096xf32>
    %mul3A = arith.mulf %get3A_11, %convert_element_type3A_6 : vector<4096xf32>
    %mul3A_12 = arith.mulf %mul3A, %convert_element_type3A_6 : vector<4096xf32>
    %broadcast_in_dim3A = vector.shape_cast %get3A_11 : vector<4096xf32> to vector<1x4096xf32>
    %broadcast_in_dim3A_13 = vector.shape_cast %mul3A : vector<4096xf32> to vector<1x4096xf32>
    %broadcast_in_dim3A_14 = vector.shape_cast %mul3A_12 : vector<4096xf32> to vector<1x4096xf32>
    %concatenate3A = tpu.concatenate %broadcast_in_dim3A, %broadcast_in_dim3A_13, %broadcast_in_dim3A_14 in 0 : vector<1x4096xf32>, vector<1x4096xf32>, vector<1x4096xf32> -> vector<3x4096xf32>
    %get3A_15 = arith.constant 0 : index
    %get3A_16 = arith.constant 0 : index
    %get3A_17 = vector.load %arg1[%get3A_15, %get3A_16] : memref<4096x128xf32, #tpu.memory_space<vmem>>, vector<4096x128xf32>
    %dot_general3A = arith.constant dense<0.000000e+00> : vector<3x128xf32>
    %dot_general3A_18 = tpu.matmul %concatenate3A, %get3A_17, %dot_general3A {dimension_numbers = #tpu.dot_dimension_numbers<[1], [0], [0], [1], [0, 0, 1, 1], [], []>, transpose_lhs_hint = false} : vector<3x4096xf32>, vector<4096x128xf32>, vector<3x128xf32> -> vector<3x128xf32>
    %broadcast_in_dim3A_19 = vector.shape_cast %get3A_11 : vector<4096xf32> to vector<1x4096xf32>
    %mul3A_20 = arith.mulf %get3A_17, %get3A_17 : vector<4096x128xf32>
    %dot_general3A_21 = arith.constant dense<0.000000e+00> : vector<1x128xf32>
    %dot_general3A_22 = tpu.matmul %broadcast_in_dim3A_19, %mul3A_20, %dot_general3A_21 {dimension_numbers = #tpu.dot_dimension_numbers<[1], [0], [0], [1], [0, 0, 1, 1], [], []>, transpose_lhs_hint = false} : vector<1x4096xf32>, vector<4096x128xf32>, vector<1x128xf32> -> vector<1x128xf32>
    %iota3A = tpu.iota {dimensions = array<i32: 1>} : vector<1x128xi32>
    %eq3A_23 = arith.constant 0 : i32
    %eq3A_24 = vector.broadcast %eq3A_23 : i32 to vector<1x128xi32>
    %eq3A_25 = arith.cmpi eq, %iota3A, %eq3A_24 : vector<1x128xi32>
    %reduce_sum3A = vector.shape_cast %get3A_11 : vector<4096xf32> to vector<1x4096xf32>
    %reduce_sum3A_26 = arith.constant dense<0.000000e+00> : vector<1xf32>
    %reduce_sum3A_27 = vector.multi_reduction <add>, %reduce_sum3A, %reduce_sum3A_26 [1] : vector<1x4096xf32> to vector<1xf32>
    %reduce_sum3A_28 = vector.shape_cast %reduce_sum3A_27 : vector<1xf32> to vector<1x1xf32>
    %reduce_sum3A_29 = vector.extract %reduce_sum3A_28[0, 0] : f32 from vector<1x1xf32>
    %jit3A = arith.constant 0.000000e+00 : f32
    %broadcast_in_dim3A_30 = vector.broadcast %reduce_sum3A_29 : f32 to vector<1x128xf32>
    %broadcast_in_dim3A_31 = vector.broadcast %jit3A : f32 to vector<1x128xf32>
    %select_n3A = arith.select %eq3A_25, %broadcast_in_dim3A_30, %broadcast_in_dim3A_31 : vector<1x128xi1>, vector<1x128xf32>
    %eq3A_32 = arith.constant 1 : i32
    %eq3A_33 = vector.broadcast %eq3A_32 : i32 to vector<1x128xi32>
    %eq3A_34 = arith.cmpi eq, %iota3A, %eq3A_33 : vector<1x128xi32>
    %reduce_sum3A_35 = vector.shape_cast %mul3A : vector<4096xf32> to vector<1x4096xf32>
    %reduce_sum3A_36 = arith.constant dense<0.000000e+00> : vector<1xf32>
    %reduce_sum3A_37 = vector.multi_reduction <add>, %reduce_sum3A_35, %reduce_sum3A_36 [1] : vector<1x4096xf32> to vector<1xf32>
    %reduce_sum3A_38 = vector.shape_cast %reduce_sum3A_37 : vector<1xf32> to vector<1x1xf32>
    %reduce_sum3A_39 = vector.extract %reduce_sum3A_38[0, 0] : f32 from vector<1x1xf32>
    %broadcast_in_dim3A_40 = vector.broadcast %reduce_sum3A_39 : f32 to vector<1x128xf32>
    %select_n3A_41 = arith.select %eq3A_34, %broadcast_in_dim3A_40, %select_n3A : vector<1x128xi1>, vector<1x128xf32>
    %eq3A_42 = arith.constant 2 : i32
    %eq3A_43 = vector.broadcast %eq3A_42 : i32 to vector<1x128xi32>
    %eq3A_44 = arith.cmpi eq, %iota3A, %eq3A_43 : vector<1x128xi32>
    %reduce_sum3A_45 = vector.shape_cast %mul3A_12 : vector<4096xf32> to vector<1x4096xf32>
    %reduce_sum3A_46 = arith.constant dense<0.000000e+00> : vector<1xf32>
    %reduce_sum3A_47 = vector.multi_reduction <add>, %reduce_sum3A_45, %reduce_sum3A_46 [1] : vector<1x4096xf32> to vector<1xf32>
    %reduce_sum3A_48 = vector.shape_cast %reduce_sum3A_47 : vector<1xf32> to vector<1x1xf32>
    %reduce_sum3A_49 = vector.extract %reduce_sum3A_48[0, 0] : f32 from vector<1x1xf32>
    %broadcast_in_dim3A_50 = vector.broadcast %reduce_sum3A_49 : f32 to vector<1x128xf32>
    %select_n3A_51 = arith.select %eq3A_44, %broadcast_in_dim3A_50, %select_n3A_41 : vector<1x128xi1>, vector<1x128xf32>
    %broadcast_in_dim3A_52 = arith.constant 0.000000e+00 : f32
    %broadcast_in_dim3A_53 = vector.broadcast %broadcast_in_dim3A_52 : f32 to vector<3x128xf32>
    %concatenate3A_54 = tpu.concatenate %dot_general3A_18, %dot_general3A_22, %select_n3A_51, %broadcast_in_dim3A_53 in 0 : vector<3x128xf32>, vector<1x128xf32>, vector<1x128xf32>, vector<3x128xf32> -> vector<8x128xf32>
    %get3A_55 = arith.constant 0 : index
    %get3A_56 = arith.constant 0 : index
    %get3A_57 = vector.load %arg7[%get3A_55, %get3A_56] : memref<8x128xf32, #tpu.memory_space<vmem>>, vector<8x128xf32>
    %add3A = arith.addf %get3A_57, %concatenate3A_54 : vector<8x128xf32>
    %swap3A = arith.constant 0 : index
    %swap3A_58 = arith.constant 0 : index
    %swap3A_59 = vector.load %arg7[%swap3A, %swap3A_58] : memref<8x128xf32, #tpu.memory_space<vmem>>, vector<8x128xf32>
    tpu.vector_store %arg7[%swap3A, %swap3A_58], %add3A {strides = array<i32>} : memref<8x128xf32, #tpu.memory_space<vmem>>, vector<8x128xf32>,
    %eq3A_60 = arith.constant 2 : i32
    %eq3A_61 = arith.cmpi eq, %arg0, %eq3A_60 : i32
    %convert_element_type3A_62 = arith.extui %eq3A_61 : i1 to i32
    %cond3A_63 = arith.constant 0 : i32
    %cond3A_64 = arith.cmpi ne, %convert_element_type3A_62, %cond3A_63 : i32
    scf.if %cond3A_64 {
      %get3A_65 = arith.constant 0 : index
      %get3A_66 = arith.constant 0 : index
      %get3A_67 = vector.load %arg7[%get3A_65, %get3A_66] : memref<8x128xf32, #tpu.memory_space<vmem>>, vector<8x128xf32>
      %get3A_68 = arith.constant 0 : index
      %get3A_69 = arith.constant 0 : index
      %get3A_70 = vector.load %arg4[%get3A_68, %get3A_69] : memref<3x128xf32, #tpu.memory_space<vmem>>, vector<1x128xf32>
      %get3A_71 = vector.shape_cast %get3A_70 : vector<1x128xf32> to vector<128xf32>
      %get3A_72 = arith.constant 1 : index
      %get3A_73 = arith.constant 0 : index
      %get3A_74 = vector.load %arg4[%get3A_72, %get3A_73] : memref<3x128xf32, #tpu.memory_space<vmem>>, vector<1x128xf32>
      %get3A_75 = vector.shape_cast %get3A_74 : vector<1x128xf32> to vector<128xf32>
      %get3A_76 = arith.constant 2 : index
      %get3A_77 = arith.constant 0 : index
      %get3A_78 = vector.load %arg4[%get3A_76, %get3A_77] : memref<3x128xf32, #tpu.memory_space<vmem>>, vector<1x128xf32>
      %get3A_79 = vector.shape_cast %get3A_78 : vector<1x128xf32> to vector<128xf32>
      %mul3A_80 = arith.constant -3.000000e+00 : f32
      %mul3A_81 = vector.broadcast %mul3A_80 : f32 to vector<128xf32>
      %mul3A_82 = arith.mulf %mul3A_81, %get3A_71 : vector<128xf32>
      %mul3A_83 = arith.constant 4.000000e+00 : f32
      %mul3A_84 = vector.broadcast %mul3A_83 : f32 to vector<128xf32>
      %mul3A_85 = arith.mulf %mul3A_84, %get3A_75 : vector<128xf32>
      %add3A_86 = arith.addf %mul3A_82, %mul3A_85 : vector<128xf32>
      %sub3A = arith.subf %add3A_86, %get3A_79 : vector<128xf32>
      %mul3A_87 = arith.constant 5.000000e-01 : f32
      %mul3A_88 = vector.broadcast %mul3A_87 : f32 to vector<128xf32>
      %mul3A_89 = arith.mulf %mul3A_88, %sub3A : vector<128xf32>
      %mul3A_90 = arith.constant 2.000000e+00 : f32
      %mul3A_91 = vector.broadcast %mul3A_90 : f32 to vector<128xf32>
      %mul3A_92 = arith.mulf %mul3A_91, %get3A_75 : vector<128xf32>
      %sub3A_93 = arith.subf %get3A_71, %mul3A_92 : vector<128xf32>
      %add3A_94 = arith.addf %sub3A_93, %get3A_79 : vector<128xf32>
      %mul3A_95 = arith.constant 5.000000e-01 : f32
      %mul3A_96 = vector.broadcast %mul3A_95 : f32 to vector<128xf32>
      %mul3A_97 = arith.mulf %mul3A_96, %add3A_94 : vector<128xf32>
      %get3A_98 = arith.constant 0 : index
      %get3A_99 = arith.constant 0 : index
      %get3A_100 = vector.load %arg5[%get3A_98, %get3A_99] : memref<32x16xf32, #tpu.memory_space<vmem>>, vector<32x16xf32>
      %reduce_sum3A_101 = arith.constant dense<0.000000e+00> : vector<16xf32>
      %reduce_sum3A_102 = vector.multi_reduction <add>, %get3A_100, %reduce_sum3A_101 [0] : vector<32x16xf32> to vector<16xf32>
      %broadcast_in_dim3A_103 = vector.shape_cast %reduce_sum3A_102 : vector<16xf32> to vector<1x16xf32>
      %iota3A_104 = tpu.iota {dimensions = array<i32: 1>} : vector<1x16xi32>
      %slice3A = vector.extract_strided_slice %get3A_67 {offsets = [4, 0], sizes = [1, 128], strides = [1, 1]} : vector<8x128xf32> to vector<1x128xf32>
      %eq3A_105 = arith.constant 0 : i32
      %eq3A_106 = vector.broadcast %eq3A_105 : i32 to vector<1x16xi32>
      %eq3A_107 = arith.cmpi eq, %iota3A_104, %eq3A_106 : vector<1x16xi32>
      %jit3A_108 = arith.constant 0.000000e+00 : f32
      %broadcast_in_dim3A_109 = vector.broadcast %jit3A_108 : f32 to vector<1x16xf32>
      %select_n3A_110 = arith.select %eq3A_107, %broadcast_in_dim3A_103, %broadcast_in_dim3A_109 : vector<1x16xi1>, vector<1x16xf32>
      %reduce_sum3A_111 = vector.shape_cast %select_n3A_110 : vector<1x16xf32> to vector<1x1x16xf32>
      %reduce_sum3A_112 = arith.constant dense<0.000000e+00> : vector<1xf32>
      %reduce_sum3A_113 = vector.multi_reduction <add>, %reduce_sum3A_111, %reduce_sum3A_112 [1, 2] : vector<1x1x16xf32> to vector<1xf32>
      %reduce_sum3A_114 = vector.shape_cast %reduce_sum3A_113 : vector<1xf32> to vector<1x1x1xf32>
      %reduce_sum3A_115 = vector.extract %reduce_sum3A_114[0, 0, 0] : f32 from vector<1x1x1xf32>
      %slice3A_116 = vector.extract_strided_slice %get3A_67 {offsets = [3, 0], sizes = [1, 128], strides = [1, 1]} : vector<8x128xf32> to vector<1x128xf32>
      %squeeze3A = vector.shape_cast %slice3A_116 : vector<1x128xf32> to vector<128xf32>
      %reduce_sum3A_117 = vector.shape_cast %squeeze3A : vector<128xf32> to vector<1x128xf32>
      %reduce_sum3A_118 = arith.constant dense<0.000000e+00> : vector<1xf32>
      %reduce_sum3A_119 = vector.multi_reduction <add>, %reduce_sum3A_117, %reduce_sum3A_118 [1] : vector<1x128xf32> to vector<1xf32>
      %reduce_sum3A_120 = vector.shape_cast %reduce_sum3A_119 : vector<1xf32> to vector<1x1xf32>
      %reduce_sum3A_121 = vector.extract %reduce_sum3A_120[0, 0] : f32 from vector<1x1xf32>
      %add3A_122 = arith.addf %reduce_sum3A_115, %reduce_sum3A_121 : f32
      %eq3A_123 = arith.constant 1 : i32
      %eq3A_124 = vector.broadcast %eq3A_123 : i32 to vector<1x16xi32>
      %eq3A_125 = arith.cmpi eq, %iota3A_104, %eq3A_124 : vector<1x16xi32>
      %jit3A_126 = arith.constant 0.000000e+00 : f32
      %broadcast_in_dim3A_127 = vector.broadcast %jit3A_126 : f32 to vector<1x16xf32>
      %select_n3A_128 = arith.select %eq3A_125, %broadcast_in_dim3A_103, %broadcast_in_dim3A_127 : vector<1x16xi1>, vector<1x16xf32>
      %reduce_sum3A_129 = vector.shape_cast %select_n3A_128 : vector<1x16xf32> to vector<1x1x16xf32>
      %reduce_sum3A_130 = arith.constant dense<0.000000e+00> : vector<1xf32>
      %reduce_sum3A_131 = vector.multi_reduction <add>, %reduce_sum3A_129, %reduce_sum3A_130 [1, 2] : vector<1x1x16xf32> to vector<1xf32>
      %reduce_sum3A_132 = vector.shape_cast %reduce_sum3A_131 : vector<1xf32> to vector<1x1x1xf32>
      %reduce_sum3A_133 = vector.extract %reduce_sum3A_132[0, 0, 0] : f32 from vector<1x1x1xf32>
      %slice3A_134 = vector.extract_strided_slice %get3A_67 {offsets = [0, 0], sizes = [1, 128], strides = [1, 1]} : vector<8x128xf32> to vector<1x128xf32>
      %squeeze3A_135 = vector.shape_cast %slice3A_134 : vector<1x128xf32> to vector<128xf32>
      %mul3A_136 = arith.mulf %squeeze3A_135, %get3A_71 : vector<128xf32>
      %slice3A_137 = vector.extract_strided_slice %get3A_67 {offsets = [1, 0], sizes = [1, 128], strides = [1, 1]} : vector<8x128xf32> to vector<1x128xf32>
      %squeeze3A_138 = vector.shape_cast %slice3A_137 : vector<1x128xf32> to vector<128xf32>
      %mul3A_139 = arith.mulf %squeeze3A_138, %mul3A_89 : vector<128xf32>
      %add3A_140 = arith.addf %mul3A_136, %mul3A_139 : vector<128xf32>
      %slice3A_141 = vector.extract_strided_slice %get3A_67 {offsets = [2, 0], sizes = [1, 128], strides = [1, 1]} : vector<8x128xf32> to vector<1x128xf32>
      %squeeze3A_142 = vector.shape_cast %slice3A_141 : vector<1x128xf32> to vector<128xf32>
      %mul3A_143 = arith.mulf %squeeze3A_142, %mul3A_97 : vector<128xf32>
      %add3A_144 = arith.addf %add3A_140, %mul3A_143 : vector<128xf32>
      %reduce_sum3A_145 = vector.shape_cast %add3A_144 : vector<128xf32> to vector<1x128xf32>
      %reduce_sum3A_146 = arith.constant dense<0.000000e+00> : vector<1xf32>
      %reduce_sum3A_147 = vector.multi_reduction <add>, %reduce_sum3A_145, %reduce_sum3A_146 [1] : vector<1x128xf32> to vector<1xf32>
      %reduce_sum3A_148 = vector.shape_cast %reduce_sum3A_147 : vector<1xf32> to vector<1x1xf32>
      %reduce_sum3A_149 = vector.extract %reduce_sum3A_148[0, 0] : f32 from vector<1x1xf32>
      %add3A_150 = arith.addf %reduce_sum3A_133, %reduce_sum3A_149 : f32
      %eq3A_151 = arith.constant 2 : i32
      %eq3A_152 = vector.broadcast %eq3A_151 : i32 to vector<1x16xi32>
      %eq3A_153 = arith.cmpi eq, %iota3A_104, %eq3A_152 : vector<1x16xi32>
      %jit3A_154 = arith.constant 0.000000e+00 : f32
      %broadcast_in_dim3A_155 = vector.broadcast %jit3A_154 : f32 to vector<1x16xf32>
      %select_n3A_156 = arith.select %eq3A_153, %broadcast_in_dim3A_103, %broadcast_in_dim3A_155 : vector<1x16xi1>, vector<1x16xf32>
      %reduce_sum3A_157 = vector.shape_cast %select_n3A_156 : vector<1x16xf32> to vector<1x1x16xf32>
      %reduce_sum3A_158 = arith.constant dense<0.000000e+00> : vector<1xf32>
      %reduce_sum3A_159 = vector.multi_reduction <add>, %reduce_sum3A_157, %reduce_sum3A_158 [1, 2] : vector<1x1x16xf32> to vector<1xf32>
      %reduce_sum3A_160 = vector.shape_cast %reduce_sum3A_159 : vector<1xf32> to vector<1x1x1xf32>
      %reduce_sum3A_161 = vector.extract %reduce_sum3A_160[0, 0, 0] : f32 from vector<1x1x1xf32>
      %slice3A_162 = vector.extract_strided_slice %get3A_67 {offsets = [0, 0], sizes = [1, 128], strides = [1, 1]} : vector<8x128xf32> to vector<1x128xf32>
      %squeeze3A_163 = vector.shape_cast %slice3A_162 : vector<1x128xf32> to vector<128xf32>
      %add3A_164 = arith.addf %get3A_71, %get3A_75 : vector<128xf32>
      %add3A_165 = arith.addf %add3A_164, %get3A_79 : vector<128xf32>
      %mul3A_166 = arith.mulf %squeeze3A_163, %add3A_165 : vector<128xf32>
      %reduce_sum3A_167 = vector.shape_cast %mul3A_166 : vector<128xf32> to vector<1x128xf32>
      %reduce_sum3A_168 = arith.constant dense<0.000000e+00> : vector<1xf32>
      %reduce_sum3A_169 = vector.multi_reduction <add>, %reduce_sum3A_167, %reduce_sum3A_168 [1] : vector<1x128xf32> to vector<1xf32>
      %reduce_sum3A_170 = vector.shape_cast %reduce_sum3A_169 : vector<1xf32> to vector<1x1xf32>
      %reduce_sum3A_171 = vector.extract %reduce_sum3A_170[0, 0] : f32 from vector<1x1xf32>
      %add3A_172 = arith.addf %reduce_sum3A_161, %reduce_sum3A_171 : f32
      %eq3A_173 = arith.constant 3 : i32
      %eq3A_174 = vector.broadcast %eq3A_173 : i32 to vector<1x16xi32>
      %eq3A_175 = arith.cmpi eq, %iota3A_104, %eq3A_174 : vector<1x16xi32>
      %jit3A_176 = arith.constant 0.000000e+00 : f32
      %broadcast_in_dim3A_177 = vector.broadcast %jit3A_176 : f32 to vector<1x16xf32>
      %select_n3A_178 = arith.select %eq3A_175, %broadcast_in_dim3A_103, %broadcast_in_dim3A_177 : vector<1x16xi1>, vector<1x16xf32>
      %reduce_sum3A_179 = vector.shape_cast %select_n3A_178 : vector<1x16xf32> to vector<1x1x16xf32>
      %reduce_sum3A_180 = arith.constant dense<0.000000e+00> : vector<1xf32>
      %reduce_sum3A_181 = vector.multi_reduction <add>, %reduce_sum3A_179, %reduce_sum3A_180 [1, 2] : vector<1x1x16xf32> to vector<1xf32>
      %reduce_sum3A_182 = vector.shape_cast %reduce_sum3A_181 : vector<1xf32> to vector<1x1x1xf32>
      %reduce_sum3A_183 = vector.extract %reduce_sum3A_182[0, 0, 0] : f32 from vector<1x1x1xf32>
      %eq3A_184 = arith.constant 0 : i32
      %eq3A_185 = vector.broadcast %eq3A_184 : i32 to vector<1x128xi32>
      %eq3A_186 = arith.cmpi eq, %iota3A, %eq3A_185 : vector<1x128xi32>
      %jit3A_187 = arith.constant 0.000000e+00 : f32
      %broadcast_in_dim3A_188 = vector.broadcast %jit3A_187 : f32 to vector<1x128xf32>
      %select_n3A_189 = arith.select %eq3A_186, %slice3A, %broadcast_in_dim3A_188 : vector<1x128xi1>, vector<1x128xf32>
      %reduce_sum3A_190 = vector.shape_cast %select_n3A_189 : vector<1x128xf32> to vector<1x1x128xf32>
      %reduce_sum3A_191 = arith.constant dense<0.000000e+00> : vector<1xf32>
      %reduce_sum3A_192 = vector.multi_reduction <add>, %reduce_sum3A_190, %reduce_sum3A_191 [1, 2] : vector<1x1x128xf32> to vector<1xf32>
      %reduce_sum3A_193 = vector.shape_cast %reduce_sum3A_192 : vector<1xf32> to vector<1x1x1xf32>
      %reduce_sum3A_194 = vector.extract %reduce_sum3A_193[0, 0, 0] : f32 from vector<1x1x1xf32>
      %add3A_195 = arith.addf %reduce_sum3A_183, %reduce_sum3A_194 : f32
      %eq3A_196 = arith.constant 4 : i32
      %eq3A_197 = vector.broadcast %eq3A_196 : i32 to vector<1x16xi32>
      %eq3A_198 = arith.cmpi eq, %iota3A_104, %eq3A_197 : vector<1x16xi32>
      %jit3A_199 = arith.constant 0.000000e+00 : f32
      %broadcast_in_dim3A_200 = vector.broadcast %jit3A_199 : f32 to vector<1x16xf32>
      %select_n3A_201 = arith.select %eq3A_198, %broadcast_in_dim3A_103, %broadcast_in_dim3A_200 : vector<1x16xi1>, vector<1x16xf32>
      %reduce_sum3A_202 = vector.shape_cast %select_n3A_201 : vector<1x16xf32> to vector<1x1x16xf32>
      %reduce_sum3A_203 = arith.constant dense<0.000000e+00> : vector<1xf32>
      %reduce_sum3A_204 = vector.multi_reduction <add>, %reduce_sum3A_202, %reduce_sum3A_203 [1, 2] : vector<1x1x16xf32> to vector<1xf32>
      %reduce_sum3A_205 = vector.shape_cast %reduce_sum3A_204 : vector<1xf32> to vector<1x1x1xf32>
      %reduce_sum3A_206 = vector.extract %reduce_sum3A_205[0, 0, 0] : f32 from vector<1x1x1xf32>
      %eq3A_207 = arith.constant 1 : i32
      %eq3A_208 = vector.broadcast %eq3A_207 : i32 to vector<1x128xi32>
      %eq3A_209 = arith.cmpi eq, %iota3A, %eq3A_208 : vector<1x128xi32>
      %jit3A_210 = arith.constant 0.000000e+00 : f32
      %broadcast_in_dim3A_211 = vector.broadcast %jit3A_210 : f32 to vector<1x128xf32>
      %select_n3A_212 = arith.select %eq3A_209, %slice3A, %broadcast_in_dim3A_211 : vector<1x128xi1>, vector<1x128xf32>
      %reduce_sum3A_213 = vector.shape_cast %select_n3A_212 : vector<1x128xf32> to vector<1x1x128xf32>
      %reduce_sum3A_214 = arith.constant dense<0.000000e+00> : vector<1xf32>
      %reduce_sum3A_215 = vector.multi_reduction <add>, %reduce_sum3A_213, %reduce_sum3A_214 [1, 2] : vector<1x1x128xf32> to vector<1xf32>
      %reduce_sum3A_216 = vector.shape_cast %reduce_sum3A_215 : vector<1xf32> to vector<1x1x1xf32>
      %reduce_sum3A_217 = vector.extract %reduce_sum3A_216[0, 0, 0] : f32 from vector<1x1x1xf32>
      %add3A_218 = arith.addf %reduce_sum3A_206, %reduce_sum3A_217 : f32
      %eq3A_219 = arith.constant 5 : i32
      %eq3A_220 = vector.broadcast %eq3A_219 : i32 to vector<1x16xi32>
      %eq3A_221 = arith.cmpi eq, %iota3A_104, %eq3A_220 : vector<1x16xi32>
      %jit3A_222 = arith.constant 0.000000e+00 : f32
      %broadcast_in_dim3A_223 = vector.broadcast %jit3A_222 : f32 to vector<1x16xf32>
      %select_n3A_224 = arith.select %eq3A_221, %broadcast_in_dim3A_103, %broadcast_in_dim3A_223 : vector<1x16xi1>, vector<1x16xf32>
      %reduce_sum3A_225 = vector.shape_cast %select_n3A_224 : vector<1x16xf32> to vector<1x1x16xf32>
      %reduce_sum3A_226 = arith.constant dense<0.000000e+00> : vector<1xf32>
      %reduce_sum3A_227 = vector.multi_reduction <add>, %reduce_sum3A_225, %reduce_sum3A_226 [1, 2] : vector<1x1x16xf32> to vector<1xf32>
      %reduce_sum3A_228 = vector.shape_cast %reduce_sum3A_227 : vector<1xf32> to vector<1x1x1xf32>
      %reduce_sum3A_229 = vector.extract %reduce_sum3A_228[0, 0, 0] : f32 from vector<1x1x1xf32>
      %eq3A_230 = arith.constant 2 : i32
      %eq3A_231 = vector.broadcast %eq3A_230 : i32 to vector<1x128xi32>
      %eq3A_232 = arith.cmpi eq, %iota3A, %eq3A_231 : vector<1x128xi32>
      %jit3A_233 = arith.constant 0.000000e+00 : f32
      %broadcast_in_dim3A_234 = vector.broadcast %jit3A_233 : f32 to vector<1x128xf32>
      %select_n3A_235 = arith.select %eq3A_232, %slice3A, %broadcast_in_dim3A_234 : vector<1x128xi1>, vector<1x128xf32>
      %reduce_sum3A_236 = vector.shape_cast %select_n3A_235 : vector<1x128xf32> to vector<1x1x128xf32>
      %reduce_sum3A_237 = arith.constant dense<0.000000e+00> : vector<1xf32>
      %reduce_sum3A_238 = vector.multi_reduction <add>, %reduce_sum3A_236, %reduce_sum3A_237 [1, 2] : vector<1x1x128xf32> to vector<1xf32>
      %reduce_sum3A_239 = vector.shape_cast %reduce_sum3A_238 : vector<1xf32> to vector<1x1x1xf32>
      %reduce_sum3A_240 = vector.extract %reduce_sum3A_239[0, 0, 0] : f32 from vector<1x1x1xf32>
      %add3A_241 = arith.addf %reduce_sum3A_229, %reduce_sum3A_240 : f32
      %mul3A_242 = arith.mulf %get3A_71, %get3A_71 : vector<128xf32>
      %reduce_sum3A_243 = vector.shape_cast %mul3A_242 : vector<128xf32> to vector<1x128xf32>
      %reduce_sum3A_244 = arith.constant dense<0.000000e+00> : vector<1xf32>
      %reduce_sum3A_245 = vector.multi_reduction <add>, %reduce_sum3A_243, %reduce_sum3A_244 [1] : vector<1x128xf32> to vector<1xf32>
      %reduce_sum3A_246 = vector.shape_cast %reduce_sum3A_245 : vector<1xf32> to vector<1x1xf32>
      %reduce_sum3A_247 = vector.extract %reduce_sum3A_246[0, 0] : f32 from vector<1x1xf32>
      %mul3A_248 = arith.mulf %get3A_75, %get3A_75 : vector<128xf32>
      %reduce_sum3A_249 = vector.shape_cast %mul3A_248 : vector<128xf32> to vector<1x128xf32>
      %reduce_sum3A_250 = arith.constant dense<0.000000e+00> : vector<1xf32>
      %reduce_sum3A_251 = vector.multi_reduction <add>, %reduce_sum3A_249, %reduce_sum3A_250 [1] : vector<1x128xf32> to vector<1xf32>
      %reduce_sum3A_252 = vector.shape_cast %reduce_sum3A_251 : vector<1xf32> to vector<1x1xf32>
      %reduce_sum3A_253 = vector.extract %reduce_sum3A_252[0, 0] : f32 from vector<1x1xf32>
      %mul3A_254 = arith.mulf %get3A_79, %get3A_79 : vector<128xf32>
      %reduce_sum3A_255 = vector.shape_cast %mul3A_254 : vector<128xf32> to vector<1x128xf32>
      %reduce_sum3A_256 = arith.constant dense<0.000000e+00> : vector<1xf32>
      %reduce_sum3A_257 = vector.multi_reduction <add>, %reduce_sum3A_255, %reduce_sum3A_256 [1] : vector<1x128xf32> to vector<1xf32>
      %reduce_sum3A_258 = vector.shape_cast %reduce_sum3A_257 : vector<1xf32> to vector<1x1xf32>
      %reduce_sum3A_259 = vector.extract %reduce_sum3A_258[0, 0] : f32 from vector<1x1xf32>
      %mul3A_260 = arith.mulf %add3A_195, %reduce_sum3A_247 : f32
      %mul3A_261 = arith.constant 5.000000e-01 : f32
      %mul3A_262 = arith.mulf %add3A_218, %mul3A_261 : f32
      %mul3A_263 = arith.constant -3.000000e+00 : f32
      %mul3A_264 = arith.mulf %mul3A_263, %reduce_sum3A_247 : f32
      %mul3A_265 = arith.constant 4.000000e+00 : f32
      %mul3A_266 = arith.mulf %mul3A_265, %reduce_sum3A_253 : f32
      %add3A_267 = arith.addf %mul3A_264, %mul3A_266 : f32
      %sub3A_268 = arith.subf %add3A_267, %reduce_sum3A_259 : f32
      %mul3A_269 = arith.mulf %mul3A_262, %sub3A_268 : f32
      %add3A_270 = arith.addf %mul3A_260, %mul3A_269 : f32
      %mul3A_271 = arith.constant 5.000000e-01 : f32
      %mul3A_272 = arith.mulf %add3A_241, %mul3A_271 : f32
      %mul3A_273 = arith.constant 2.000000e+00 : f32
      %mul3A_274 = arith.mulf %mul3A_273, %reduce_sum3A_253 : f32
      %sub3A_275 = arith.subf %reduce_sum3A_247, %mul3A_274 : f32
      %add3A_276 = arith.addf %sub3A_275, %reduce_sum3A_259 : f32
      %mul3A_277 = arith.mulf %mul3A_272, %add3A_276 : f32
      %add3A_278 = arith.addf %add3A_270, %mul3A_277 : f32
      %mul3A_279 = arith.constant 2.000000e+00 : f32
      %mul3A_280 = arith.mulf %mul3A_279, %add3A_150 : f32
      %sub3A_281 = arith.subf %add3A_122, %mul3A_280 : f32
      %add3A_282 = arith.addf %sub3A_281, %add3A_278 : f32
      %mul3A_283 = arith.constant 3.000000e+00 : f32
      %mul3A_284 = arith.mulf %mul3A_283, %add3A_122 : f32
      %mul3A_285 = arith.constant 2.000000e+00 : f32
      %mul3A_286 = arith.mulf %mul3A_285, %add3A_172 : f32
      %sub3A_287 = arith.subf %mul3A_284, %mul3A_286 : f32
      %add3A_288 = arith.addf %reduce_sum3A_247, %reduce_sum3A_253 : f32
      %add3A_289 = arith.addf %add3A_288, %reduce_sum3A_259 : f32
      %mul3A_290 = arith.mulf %add3A_195, %add3A_289 : f32
      %add3A_291 = arith.addf %sub3A_287, %mul3A_290 : f32
      %sub3A_292 = arith.subf %add3A_291, %add3A_282 : f32
      %div3A = arith.constant 1.000000e+00 : f32
      %div3A_293 = arith.divf %div3A, %sub3A_292 : f32
      %add3A_294 = arith.constant 1.000000e+00 : f32
      %add3A_295 = arith.addf %add3A_294, %div3A_293 : f32
      %mul3A_296 = arith.mulf %add3A_282, %add3A_295 : f32
      %div3A_297 = arith.constant 2.000000e+00 : f32
      %div3A_298 = arith.divf %mul3A_296, %div3A_297 : f32
      %div3A_299 = arith.constant 1.638400e+04 : f32
      %div3A_300 = arith.divf %div3A_298, %div3A_299 : f32
      %swap3A_301 = arith.constant 0 : index
      %swap3A_302 = memref.load %arg6[%swap3A_301] : memref<1xf32, #tpu.memory_space<smem>>
      memref.store %div3A_300, %arg6[%swap3A_301] : memref<1xf32, #tpu.memory_space<smem>>
    } else {
    }
    return
  }
  func.func @transform_0(%arg0: i32) -> (i32, i32) {
    %add3A = arith.constant 1 : i32
    %add3A_0 = arith.addi %arg0, %add3A : i32
    %c0_i32 = arith.constant 0 : i32
    %c0_i32_1 = arith.constant 0 : i32
    return %add3A_0, %c0_i32 : i32, i32
  }
  func.func @transform_1(%arg0: i32) -> (i32, i32, i32) {
    %add3A = arith.constant 1 : i32
    %add3A_0 = arith.addi %arg0, %add3A : i32
    %c0_i32 = arith.constant 0 : i32
    %c0_i32_1 = arith.constant 0 : i32
    %c0_i32_2 = arith.constant 0 : i32
    return %add3A_0, %c0_i32, %c0_i32_1 : i32, i32, i32
  }
  func.func @transform_2(%arg0: i32) -> (i32, i32, i32) {
    %add3A = arith.constant 1 : i32
    %add3A_0 = arith.addi %arg0, %add3A : i32
    %c0_i32 = arith.constant 0 : i32
    %c0_i32_1 = arith.constant 0 : i32
    %c0_i32_2 = arith.constant 0 : i32
    return %add3A_0, %c0_i32, %c0_i32_1 : i32, i32, i32
  }
  func.func @transform_3(%arg0: i32) -> (i32, i32) {
    %c0_i32 = arith.constant 0 : i32
    %c0_i32_0 = arith.constant 0 : i32
    %c0_i32_1 = arith.constant 0 : i32
    return %c0_i32, %c0_i32_0 : i32, i32
  }
  func.func @transform_4(%arg0: i32) -> (i32, i32) {
    %c0_i32 = arith.constant 0 : i32
    %c0_i32_0 = arith.constant 0 : i32
    %c0_i32_1 = arith.constant 0 : i32
    return %c0_i32, %c0_i32_0 : i32, i32
  }
  func.func @transform_5(%arg0: i32) -> i32 {
    %c0_i32 = arith.constant 0 : i32
    %c0_i32_0 = arith.constant 0 : i32
    return %c0_i32 : i32
  }
}

</mosaic_0001>

<sc_bundles>
// kernel: _loss.4.cloned.1.call-start
scs
__scs_entry_jumppad:
0x0: {  	(pc) =	sbr.rel $0x88, $3  }
0x1: {  	(tag) =	ssettag $0x0;
	lr =	simm.s32 $0x1  }
0x2: {  	[smem:$0x3F9D] =	sst lr;
	_ =	strace $0xD0000000  }
0x3: {  	_ = 	snop  }
0x4: {  	_ = 	snop  }
0x5: {  	_ = 	snop  }
0x6: {  	_ = 	snop  }
0x7: {  	_ = 	snop  }
__scs_overlays_trampoline_lowered:
0x8: {  	[smem:$0x3FAC] =	sst s0  }
0x9: {  	[smem:$0x3FAD] =	sst s1  }
0xa: {  	[smem:$0x3FAE] =	sst s2  }
0xb: {  	[smem:$0x3FAF] =	sst s3  }
0xc: {  	[smem:$0x3FB0] =	sst s4  }
0xd: {  	[smem:$0x3FB1] =	sst s5  }
0xe: {  	[smem:$0x3FB2] =	sst s6  }
0xf: {  	[smem:$0x3FB3] =	sst s7  }
0x10: {  	[smem:$0x3FB4] =	sst s8  }
0x11: {  	[smem:$0x3FB5] =	sst s9;
	s0 =	simm.s32 @!p0 $0x0  }
0x12: {  	s1 =	sld [smem:$0x3F9B];
	s0 =	simm.s32 @p0 $0x1  }
0x13: {  	[smem:$0x3FB6] =	sst s0;
	s0 =	simm.s32 @!p1 $0x0  }
0x14: {  	s2 =	sld [smem:$0x3F9A];
	s0 =	simm.s32 @p1 $0x1  }
0x15: {  	[smem:$0x3FB7] =	sst s0;
	s0 =	simm.s32 @!p2 $0x0  }
0x16: {  	s3 =	sld [smem:$0x3FDB];
	s0 =	simm.s32 @p2 $0x1  }
0x17: {  	s4 =	simm.s32 $0x1BF5;
	[smem:$0x3FB9] =	sst s0  }
0x18: {  	s0 =	sld [smem:$0x3F9C];
	_ =	swait.ge [sflag:s4], $0x0  }
0x19: {  	s7 =	sld [smem:$0x3F9D]  }
0x1a: {  	s8 =	sadd.s32 $0xFFFFE003, lr  }
0x1b: {  	s9 =	sadd.s32 $0xFFFFFEF7, lr;
	s5 =	simm.s32 $0xFFFFFFFF;
	p2 =	slt.u32 s8, $0xFFFFF086  }
0x1c: {  	p1 =	slt.u32 s9, $0xF7A;
	s5 =	simm.s32 @!p2 $0x0  }
0x1d: {  	s5 =	simm.s32 @p1 $0x1;
	p0 =	seq.s32 s7, s2  }
0x1e: {  	s7 =	smul.u32 @!p0 $0xF7A, s2;
	p2 =	seq.s32 @!p0 s5, $0x0  }
0x1f: {  	s9 =	smul.u32 $0xF7A, s1;
	s8 =	simm.s32 @!p0 $0x1BF5;
	p2 =	por !p2, p0  }
0x20: {  	[sflag:s8] =	ssyncset.s32 @!p0 $0xFFFFF086;
	s6 =	sadd.s32 @!p0 s3, s7;
	s7 =	simm.s32 @!p0 $0x108  }
0x21: {  	s3 =	sadd.s32 s3, s9;
	s6 =	sadd.s32 @!p0 $0x88, s6;
	s7 =	simm.s32 @p2 $0x1082  }
0x22: {  	[simem:s7], [sflag:s8] =	dma.local @!p0 [hbm:s6], $0xF7A  }
0x23: {  	s9 =	sor.u32 $0xD0000000, s2;
	s6 =	simm.s32 $0x108;
	_ =	swait.ge @!p0 [sflag:s8], $0x0  }
0x24: {  	s3 =	sadd.s32 $0x88, s3;
	s6 =	simm.s32 @!p1 $0x1082;
	[sflag:s4] =	ssyncset.s32 $0xFFFFF086  }
0x25: {  	[simem:s6], [sflag:s4] =	dma.local [hbm:s3], $0xF7A  }
0x26: {  	[smem:$0x3F9D] =	sst s1;
	(tag) =	ssettag s2;
	_ =	strace s9  }
0x27: {  	s1 =	sld [smem:$0x3FAD]  }
0x28: {  	s2 =	sld [smem:$0x3FAE]  }
0x29: {  	s4 =	sld [smem:$0x3FB0]  }
0x2a: {  	p0 =	seq.s32 s5, $0x0;
	s5 =	sld [smem:$0x3FB1]  }
0x2b: {  	s6 =	sld [smem:$0x3FB2]  }
0x2c: {  	s7 =	sld [smem:$0x3FB3]  }
0x2d: {  	s3 =	simm.s32 $0x108;
	s8 =	sld [smem:$0x3FB4]  }
0x2e: {  	s3 =	simm.s32 @!p0 $0x1082;
	s9 =	sld [smem:$0x3FB5]  }
0x2f: {  	lr =	sadd.s32 s0, s3;
	s0 =	sld [smem:$0x3FAC]  }
0x30: {  	s3 =	sld [smem:$0x3FAF]  }
0x31: {  	[smem:$0x3FB8] =	sst s10  }
0x32: {  	s10 =	sld [smem:$0x3FB6];
	_ =	sdelay $0x3  }
0x33: {  	p0 =	seq.s32 s10, $0x1;
	s10 =	sld [smem:$0x3FB8];
	_ =	sdelay $0x3  }
0x34: {  	[smem:$0x3FB8] =	sst s10  }
0x35: {  	s10 =	sld [smem:$0x3FB7];
	_ =	sdelay $0x3  }
0x36: {  	p1 =	seq.s32 s10, $0x1;
	s10 =	sld [smem:$0x3FB8];
	_ =	sdelay $0x3  }
0x37: {  	[smem:$0x3FB8] =	sst s10  }
0x38: {  	s10 =	sld [smem:$0x3FB9]  }
0x39: {  	_ = 	snop;
	(pc) =	sbr.ind lr, $3  }
0x3a: {  	_ = 	snop  }
0x3b: {  	_ = 	snop  }
0x3c: {  	p2 =	seq.s32 s10, $0x1;
	s10 =	sld [smem:$0x3FB8]  }
0x3d: {  	_ =	shalt  }
0x3e: {  	_ =	shalt  }
0x3f: {  	_ =	shalt  }
0x40: {  	_ =	shalt  }
0x41: {  	_ =	shalt  }
0x42: {  	_ =	shalt  }
0x43: {  	_ =	shalt  }
0x44: {  	_ =	shalt  }
0x45: {  	_ =	shalt  }
0x46: {  	_ =	shalt  }
0x47: {  	_ =	shalt  }
0x48: {  	_ =	shalt  }
0x49: {  	_ =	shalt  }
0x4a: {  	_ =	shalt  }
0x4b: {  	_ =	shalt  }
0x4c: {  	_ =	shalt  }
0x4d: {  	_ =	shalt  }
0x4e: {  	_ =	shalt  }
0x4f: {  	_ =	shalt  }
0x50: {  	_ =	shalt  }
0x51: {  	_ =	shalt  }
0x52: {  	_ =	shalt  }
0x53: {  	_ =	shalt  }
0x54: {  	_ =	shalt  }
0x55: {  	_ =	shalt  }
0x56: {  	_ =	shalt  }
0x57: {  	_ =	shalt  }
0x58: {  	_ =	shalt  }
0x59: {  	_ =	shalt  }
0x5a: {  	_ =	shalt  }
0x5b: {  	_ =	shalt  }
0x5c: {  	_ =	shalt  }
0x5d: {  	_ =	shalt  }
0x5e: {  	_ =	shalt  }
0x5f: {  	_ =	shalt  }
0x60: {  	_ =	shalt  }
0x61: {  	_ =	shalt  }
0x62: {  	_ =	shalt  }
0x63: {  	_ =	shalt  }
0x64: {  	_ =	shalt  }
0x65: {  	_ =	shalt  }
0x66: {  	_ =	shalt  }
0x67: {  	_ =	shalt  }
0x68: {  	_ =	shalt  }
0x69: {  	_ =	shalt  }
0x6a: {  	_ =	shalt  }
0x6b: {  	_ =	shalt  }
0x6c: {  	_ =	shalt  }
0x6d: {  	_ =	shalt  }
0x6e: {  	_ =	shalt  }
0x6f: {  	_ =	shalt  }
0x70: {  	_ =	shalt  }
0x71: {  	_ =	shalt  }
0x72: {  	_ =	shalt  }
0x73: {  	_ =	shalt  }
0x74: {  	_ =	shalt  }
0x75: {  	_ =	shalt  }
0x76: {  	_ =	shalt  }
0x77: {  	_ =	shalt  }
0x78: {  	_ =	shalt  }
0x79: {  	_ =	shalt  }
0x7a: {  	_ =	shalt  }
0x7b: {  	_ =	shalt  }
0x7c: {  	_ =	shalt  }
0x7d: {  	_ =	shalt  }
0x7e: {  	_ =	shalt  }
0x7f: {  	_ =	shalt  }
0x80: {  	_ =	shalt  }
0x81: {  	_ =	shalt  }
0x82: {  	_ =	shalt  }
0x83: {  	_ =	shalt  }
0x84: {  	_ =	shalt  }
0x85: {  	_ =	shalt  }
0x86: {  	_ =	shalt  }
0x87: {  	_ =	shalt  }
.Lfunc_end0:
.L_simem_size_0:
called_computation_lowered:
.L_overlay_start_0:
0x88: {  	s2 =	sld [smem:$0x3FD9]  }
0x89: {  	s3 =	sld [smem:$0x3FFE];
	_ =	sdelay $0x1  }
0x8a: {  	s1 =	srdreg.scid  }
0x8b: {  	s0 =	sand.u32 $0x1, s1  }
0x8c: {  	s17 =	sshll.u32 s0, $0xA;
	s2 =	sadd.s32 s3, s2  }
0x8d: {  	s2 =	sadd.s32 s2, s17  }
0x8e: {  	[smem:$0x3FC4] =	sst s2  }
0x8f: {  	_ = 	snop  }
0x90: {  	s2 =	sld [smem:$0x3FC9]  }
0x91: {  	s18 =	sld [smem:$0x3FC8]  }
0x92: {  	s4 =	sld [smem:$0x3FC7]  }
0x93: {  	s5 =	sld [smem:$0x3FC6];
	(tm) =	ssettm $0x1  }
0x94: {  	s6 =	sld [smem:$0x3FFB];
	_ =	sdelay $0x3  }
0x95: {  	_ =	strace s6  }
0x96: {  	s6 =	sld [smem:$0x3FFC];
	_ =	sdelay $0x3  }
0x97: {  	_ =	strace s6  }
0x98: {  	s6 =	sld [smem:$0x3FFD];
	_ =	sdelay $0x3  }
0x99: {  	_ =	strace s6  }
0x9a: {  	_ =	strace $0x8FFFFFFF  }
0x9b: {  	s19 =	sld [smem:$0x3FDB];
	_ =	sdelay $0x1  }
0x9c: {  	s7 =	simm.s32 $_scs_section_size  }
0x9d: {  	s8 =	simm.s32 $_size__tile_overlayer_lowered;
	s9 =	simm.s32 $_tile_overlayer_lowered  }
0x9e: {  	s22 =	simm.s32 $0x1BFF;
	s21 =	sshll.u32 s9, $0x1;
	s6 =	sadd.s32 s7, s19  }
0x9f: {  	s10 =	simm.s32 $0x0;
	s20 =	sshll.u32 s8, $0x1;
	s8 =	sadd.s32 s21, s6  }
0xa0: {  	[timem:s10], [sflag:s22] =	dma.local [hbm:s8], s20  }
0xa1: {  	_ =	swait.ge [sflag:s22], s20  }
0xa2: {  	s7 =	ssub.s32 $0x0, s20;
	[sflag:s22] =	ssyncset.done $0x0  }
0xa3: {  	[sflag:s22] =	ssyncadd.s32 s7;
	_ =	sdelay $0x1  }
0xa4: {  	s23 =	simm.s32 $0x1B8B  }
0xa5: {  	_ =	swait.ge [sflag:s23], $0x1  }
0xa6: {  	[sflag:s23] =	ssyncset.done $0x0  }
0xa7: {  	s25 =	simm.s32 $0x1B8E;
	s24 =	sld [smem:$0x3FFE];
	[sflag:s23] =	ssyncadd.s32 $0xFFFFFFFF  }
0xa8: {  	s26 =	simm.s32 $execute0_lowered;
	[smem:$0x3FD2] =	sst s25  }
0xa9: {  	s8 =	sshll.u32 s26, $0x1;
	_ =	strace $0x80000046;
	[dreg:$0x1] =	wrdreg $0xFFFFFFFF  }
0xaa: {  	s28 =	simm.s32 $_size_execute0_lowered;
	s6 =	sadd.s32 s6, s8;
	[dreg:$0x0] =	wrdreg $0x0  }
0xab: {  	s8 =	sshll.u32 s28, $0x1;
	[dreg:$0x2] =	wrdreg s6  }
0xac: {  	[dreg:$0x3] =	wrdreg s8  }
0xad: {  	[dreg:$0x4] =	wrdreg $0xC0  }
0xae: {  	_ =	task [dreg:s10], $0x5FFFF  }
0xaf: {  	[dreg:$0x1] =	wrdreg $0xFFFFFFFF  }
0xb0: {  	[dreg:$0x0] =	wrdreg $0x60  }
0xb1: {  	[dreg:$0x2] =	wrdreg s2  }
0xb2: {  	[dreg:$0x3] =	wrdreg s18  }
0xb3: {  	[dreg:$0x4] =	wrdreg s4  }
0xb4: {  	[dreg:$0x5] =	wrdreg s5  }
0xb5: {  	[dreg:$0x6] =	wrdreg s24  }
0xb6: {  	[dreg:$0x7] =	wrdreg $0x9  }
0xb7: {  	_ =	task.clear_ibuf [dreg:s10], $0x8FFFF;
	_ =	strace $0x90000046  }
0xb8: {  	s29 =	simm.s32 $0x9;
	_ =	strace $0x80000048  }
0xb9: {  	_ =	swait.ge [sflag:s29], $0x1  }
0xba: {  	[sflag:s29] =	ssyncadd.s32 $0xFFFFFFFF  }
0xbb: {  	_ =	strace $0x90000048  }
0xbc: {  	_ =	sfence  }
0xbd: {  	s30 =	sld [smem:$0x0];
	_ =	sdelay $0x2  }
0xbe: {  	s31 =	sshll.u32 s1, $0xD;
	s1 =	sshrl.u32 s1, $0x2  }
0xbf: {  	s3 =	sand.u32 $0x4000, s31;
	s1 =	sadd.s32 s1, s30  }
0xc0: {  	s0 =	sor.u32 s3, s0;
	s1 =	sshll.u32 s1, $0x11  }
0xc1: {  	s0 =	sor.u32 s1, s0  }
0xc2: {  	s0 =	sadd.s32 $0x8F2B, s0  }
0xc3: {  	[sflag:s0] =	ssyncadd.remote.s32 $0x1  }
0xc4: {  	_ =	sfence.sel $0xFFFF  }
0xc5: {  	[dreg:$0x0] =	wrdreg $0xFFFFFFFF;
	(pc) =	sbr.abs _section_cstart, $3  }
0xc6: {  	[dreg:$0x1] =	wrdreg $0xFFFFFFFF  }
0xc7: {  	_ =	task.clear_ibuf [dreg:s10], $0x2FFFF;
	_ =	strace $0x9FFFFFFF  }
0xc8: {  	(tm) =	ssettm $0x7FFFFFFF  }
0xc9: {  	_ =	shalt  }
tec
execute0_lowered:
.L_overlay_start_1:
0x0: {  	(tag) =	ssettag $0x1  }
0x1: {  	s4 =	rddreg [dreg:$0x0]  }
0x2: {  	s5 =	rddreg [dreg:$0x1]  }
0x3: {  	s6 =	rddreg [dreg:$0x2]  }
0x4: {  	s2 =	rddreg [dreg:$0x3]  }
0x5: {  	s7 =	rddreg [dreg:$0x4]  }
0x6: {  	s0 =	rddreg [dreg:$0x5]  }
0x7: {  	s8 =	srdreg.scid;
	s1 =	stileid.u32  }
0x8: {  	s3 =	simm.s32 $0x0;
	s12 =	simm.s32 $0x8100;
	s13 =	simm.s32 $0x1  }
0x9: {  	s14 =	simm.s32 $0x8300;
	s8 =	sand.u32 $0x1, s8;
	s9 =	sshll.u32 s1, $0x1  }
0xa: {  	s15 =	simm.s32 $0x0;
	[smem:$0x7FF] =	sst s3;
	s9 =	sor.u32 s8, s9  }
0xb: {  	s8 =	ssub.s32 $0x2, s8;
	_ =	strace $0x80000047;
	s10 =	sshll.u32 s9, $0x4  }
0xc: {  	s11 =	sshrl.u32 s8, $0x1;
	s9 =	sshll.u32 s9, $0xB;
	s7 =	sadd.s32 s10, s7  }
0xd: {  	s8 =	ssub.s32 s8, s11;
	s4 =	sadd.s32 s4, s9;
	s5 =	sadd.s32 s5, s10  }
0xe: {  	vm0 =	vcmask $0x318;
	vm1 =	vcmask $0x718;
	vm2 =	vcmask $0xB18;
	s6 =	sadd.s32 s6, s10;
	s9 =	simm.s32 $0x8000;
	s10 =	simm.s32 $0x2  }
0xf: {  	vm3 =	vcmask $0xF18;
	vm4 =	vcmask $0x1318;
	vm5 =	vmmov $0x1;
	s11 =	simm.s32 $0x8080;
	s7 =	sadd.s32 $0xE00, s7;
	s8 =	smax.u32 s8, $0x1  }
.LBB2_1:
0x10: {  	[tilespmem:s3], [sflag:$0x1] =	stream.linear.gather [hbm4b:s4+s3], $0x4000, $0x38;
	[tilespmem:$0x8380] =	vst v63  }
0x11: {  	_ = 	snop  }
0x12: {  	[tilespmem:s9], [sflag:$0x2] =	stream.linear.gather [hbm4b:s5+s3], $0x80, $0x38;
	[tilespmem:$0x8380] =	vst v63  }
0x13: {  	_ =	swait.ge [sflag:s10], $0x80  }
0x14: {  	[sflag:s10] =	ssyncset.done $0x0  }
0x15: {  	v0 =	vimm.f32 $0.0e+00;
	v1 =	vimm.f32 $0.0e+00;
	[sflag:s10] =	ssyncadd.s32 $0xFFFFFF80  }
0x16: {  	v2 =	vimm.f32 $0.0e+00;
	v6 =	vimm.f32 $0.0e+00;
	v9 =	vimm.f32 $0.0e+00;
	[tilespmem:s11], [sflag:$0x2] =	stream.linear.gather [hbm4b:s6+s3], $0x80, $0x38;
	[tilespmem:$0x8380] =	vst v63  }
0x17: {  	v14 =	vimm.f32 $0.0e+00;
	v16 =	vimm.f32 $0.0e+00;
	v21 =	vimm.f32 $0.0e+00;
	_ =	swait.ge [sflag:s10], $0x80  }
0x18: {  	v25 =	vimm.f32 $0.0e+00;
	v31 =	vimm.f32 $0.0e+00;
	v33 =	vimm.f32 $0.0e+00;
	[sflag:s10] =	ssyncset.done $0x0  }
0x19: {  	v7 =	vimm.f32 $0.0e+00;
	v12 =	vimm.f32 $0.0e+00;
	v17 =	vimm.f32 $0.0e+00;
	[sflag:s10] =	ssyncadd.s32 $0xFFFFFF80  }
0x1a: {  	v20 =	vimm.f32 $0.0e+00;
	v24 =	vimm.f32 $0.0e+00;
	v28 =	vimm.f32 $0.0e+00;
	[tilespmem:s12], [sflag:$0x2] =	stream.linear.gather [hbm4b:s2+s3], $0x180, $0x38;
	[tilespmem:$0x8380] =	vst v63  }
0x1b: {  	v32 =	vimm.f32 $0.0e+00;
	v37 =	vimm.f32 $0.0e+00;
	v8 =	vimm.f32 $0.0e+00;
	_ =	swait.ge [sflag:s10], $0x180  }
0x1c: {  	v11 =	vimm.f32 $0.0e+00;
	v15 =	vimm.f32 $0.0e+00;
	v19 =	vimm.f32 $0.0e+00;
	[sflag:s10] =	ssyncset.done $0x0  }
0x1d: {  	v22 =	vimm.f32 $0.0e+00;
	v27 =	vimm.f32 $0.0e+00;
	v30 =	vimm.f32 $0.0e+00;
	[sflag:s10] =	ssyncadd.s32 $0xFFFFFE80  }
0x1e: {  	v35 =	vimm.f32 $0.0e+00;
	v10 =	vimm.f32 $0.0e+00;
	v13 =	vimm.f32 $0.0e+00;
	_ =	swait.ge [sflag:s13], $0x4000  }
0x1f: {  	v18 =	vimm.f32 $0.0e+00;
	v23 =	vimm.f32 $0.0e+00;
	v26 =	vimm.f32 $0.0e+00;
	[sflag:s13] =	ssyncset.done $0x0  }
0x20: {  	s16 =	simm.s32 $0x400;
	s17 =	simm.s32 $0x0;
	v29 =	vimm.f32 $0.0e+00;
	v34 =	vimm.f32 $0.0e+00;
	v36 =	vimm.f32 $0.0e+00;
	[sflag:s13] =	ssyncadd.s32 $0xFFFFC000  }
.LBB2_2:
0x21: {  	s18 =	sshra.s32 s17, $0x2  }
0x22: {  	v4 =	vld [tilespmem:s18+$0x8000]  }
0x23: {  	v3 =	vld [tilespmem:s18+$0x8080]  }
0x24: {  	v38 =	vld [tilespmem:s16+$0xFFFFFC00]  }
0x25: {  	v40 =	vld [tilespmem:s16+$0xFFFFFC10]  }
0x26: {  	v42 =	vld [tilespmem:s16+$0xFFFFFC20]  }
0x27: {  	v48 =	vld [tilespmem:s16+$0xFFFFFC30]  }
0x28: {  	v5 =	vcvt.s32.f32 v4;
	v39 =	vbroadcast v3, $0x0;
	_ =	sdelay $0x1  }
0x29: {  	v4 =	vmul.f32 v5, v3;
	v41 =	vmul.f32 v38, v39  }
0x2a: {  	v55 =	vld [tilespmem:s16+$0xFFFFFC60];
	v47 =	vmul.f32 v40, v39;
	v60 =	vmul.f32 v42, v39  }
0x2b: {  	v2 =	vadd.f32 v3, v2;
	v63 =	vmul.f32 v48, v39;
	v5 =	vmul.f32 v5, v4  }
0x2c: {  	v43 =	vbroadcast v4, $0x0;
	v44 =	vmul.f32 v41, v38;
	v35 =	vadd.f32 v41, v35  }
0x2d: {  	v59 =	vmul.f32 v47, v40;
	v30 =	vadd.f32 v47, v30;
	v62 =	vmul.f32 v60, v42  }
0x2e: {  	v27 =	vadd.f32 v60, v27;
	v52 =	vmul.f32 v63, v48;
	v22 =	vadd.f32 v63, v22  }
0x2f: {  	v63 =	vmul.f32 v55, v39;
	v1 =	vadd.f32 v4, v1;
	v45 =	vbroadcast v5, $0x0  }
0x30: {  	v46 =	vmul.f32 v43, v38;
	v36 =	vadd.f32 v44, v36;
	v61 =	vmul.f32 v43, v40  }
0x31: {  	v34 =	vadd.f32 v59, v34;
	v29 =	vadd.f32 v62, v29;
	v51 =	vmul.f32 v42, v43  }
0x32: {  	v60 =	vld [tilespmem:s16+$0xFFFFFC70];
	v54 =	vmul.f32 v48, v43;
	v26 =	vadd.f32 v52, v26;
	v52 =	vmul.f32 v55, v43  }
0x33: {  	v11 =	vadd.f32 v63, v11;
	v37 =	vadd.f32 v46, v37;
	v46 =	vld [tilespmem:s16+$0xFFFFFC40];
	v40 =	vmul.f32 v45, v40  }
0x34: {  	v0 =	vadd.f32 v5, v0;
	v38 =	vmul.f32 v45, v38;
	v32 =	vadd.f32 v61, v32  }
0x35: {  	v42 =	vmul.f32 v45, v42;
	v28 =	vadd.f32 v51, v28;
	v31 =	vadd.f32 v40, v31;
	v40 =	vld [tilespmem:s16+$0xFFFFFC50]  }
0x36: {  	v56 =	vmul.f32 v48, v45;
	v24 =	vadd.f32 v54, v24;
	v12 =	vadd.f32 v52, v12  }
0x37: {  	v51 =	vmul.f32 v63, v55;
	v33 =	vadd.f32 v38, v33;
	v25 =	vadd.f32 v42, v25  }
0x38: {  	v21 =	vadd.f32 v56, v21;
	v56 =	vmul.f32 v60, v43;
	v53 =	vmul.f32 v46, v39  }
0x39: {  	v13 =	vadd.f32 v51, v13;
	v38 =	vbroadcast v4, $0xE;
	v59 =	vmul.f32 v46, v43  }
0x3a: {  	v7 =	vadd.f32 v56, v7;
	v57 =	vmul.f32 v53, v46;
	v58 =	vmul.f32 v40, v39  }
0x3b: {  	v19 =	vadd.f32 v53, v19;
	v46 =	vmul.f32 v46, v45;
	v62 =	vmul.f32 v40, v43  }
0x3c: {  	v49 =	vld [tilespmem:s16+$0xFFFFFC80];
	v20 =	vadd.f32 v59, v20;
	v39 =	vmul.f32 v60, v39;
	v53 =	vmul.f32 v55, v45  }
0x3d: {  	v41 =	vld [tilespmem:s16+$0xFFFFFCA0];
	v23 =	vadd.f32 v57, v23;
	v61 =	vmul.f32 v58, v40;
	v16 =	vadd.f32 v46, v16  }
0x3e: {  	v42 =	vld [tilespmem:s16+$0xFFFFFC90];
	v40 =	vmul.f32 v40, v45;
	v15 =	vadd.f32 v58, v15;
	v17 =	vadd.f32 v62, v17  }
0x3f: {  	v54 =	vmul.f32 v39, v60;
	v9 =	vadd.f32 v53, v9;
	v57 =	vmul.f32 v60, v45  }
0x40: {  	v8 =	vadd.f32 v39, v8;
	v39 =	vbroadcast v4, $0x1;
	v45 =	vbroadcast v5, $0x1  }
0x41: {  	v53 =	vld [tilespmem:s16+$0xFFFFFCC0];
	v46 =	vbroadcast v3, $0x2;
	v14 =	vadd.f32 v40, v14;
	v40 =	vbroadcast v3, $0x1  }
0x42: {  	v18 =	vadd.f32 v61, v18;
	v60 =	vmul.f32 v49, v39;
	v61 =	vmul.f32 v49, v45  }
0x43: {  	v10 =	vadd.f32 v54, v10;
	v52 =	vmul.f32 v42, v39;
	v56 =	vmul.f32 v41, v39  }
0x44: {  	v43 =	vld [tilespmem:s16+$0xFFFFFCB0];
	v6 =	vadd.f32 v57, v6;
	v55 =	vmul.f32 v49, v40;
	v59 =	vmul.f32 v42, v40  }
0x45: {  	v63 =	vmul.f32 v41, v40;
	v37 =	vadd.f32 v60, v37;
	v33 =	vadd.f32 v61, v33  }
0x46: {  	v57 =	vld [tilespmem:s16+$0xFFFFFCD0];
	v32 =	vadd.f32 v52, v32;
	v60 =	vmul.f32 v53, v40;
	v47 =	vmul.f32 v53, v39  }
0x47: {  	v28 =	vadd.f32 v56, v28;
	v52 =	vmul.f32 v53, v45;
	v58 =	vmul.f32 v55, v49  }
0x48: {  	v51 =	vld [tilespmem:s16+$0xFFFFFCF0];
	v35 =	vadd.f32 v55, v35;
	v62 =	vmul.f32 v59, v42;
	v42 =	vmul.f32 v42, v45  }
0x49: {  	v54 =	vmul.f32 v63, v41;
	v30 =	vadd.f32 v59, v30;
	v55 =	vmul.f32 v43, v40  }
0x4a: {  	v27 =	vadd.f32 v63, v27;
	v41 =	vmul.f32 v41, v45;
	v59 =	vmul.f32 v43, v39  }
0x4b: {  	v63 =	vmul.f32 v60, v53;
	v50 =	vmul.f32 v57, v40;
	v19 =	vadd.f32 v60, v19  }
0x4c: {  	v61 =	vld [tilespmem:s16+$0xFFFFFCE0];
	v20 =	vadd.f32 v47, v20;
	v16 =	vadd.f32 v52, v16;
	v44 =	vmul.f32 v57, v45  }
0x4d: {  	v52 =	vmul.f32 v51, v45;
	v36 =	vadd.f32 v58, v36;
	v34 =	vadd.f32 v62, v34  }
0x4e: {  	v31 =	vadd.f32 v42, v31;
	v29 =	vadd.f32 v54, v29;
	v58 =	vmul.f32 v55, v43  }
0x4f: {  	v25 =	vadd.f32 v41, v25;
	v62 =	vmul.f32 v43, v45;
	v22 =	vadd.f32 v55, v22  }
0x50: {  	v24 =	vadd.f32 v59, v24;
	v55 =	vmul.f32 v57, v39;
	v43 =	vbroadcast v4, $0x2  }
0x51: {  	v23 =	vadd.f32 v63, v23;
	v53 =	vmul.f32 v50, v57;
	v54 =	vmul.f32 v61, v40  }
0x52: {  	v15 =	vadd.f32 v50, v15;
	v14 =	vadd.f32 v44, v14;
	v59 =	vmul.f32 v61, v39  }
0x53: {  	v41 =	vld [tilespmem:s16+$0xFFFFFD20];
	v60 =	vmul.f32 v61, v45;
	v39 =	vmul.f32 v51, v39;
	v6 =	vadd.f32 v52, v6  }
0x54: {  	v57 =	vld [tilespmem:s16+$0xFFFFFD00];
	v44 =	vbroadcast v5, $0x2;
	v26 =	vadd.f32 v58, v26;
	v21 =	vadd.f32 v62, v21  }
0x55: {  	v17 =	vadd.f32 v55, v17;
	v58 =	vmul.f32 v51, v40;
	v62 =	vld [tilespmem:s16+$0xFFFFFD10];
	v18 =	vadd.f32 v53, v18  }
0x56: {  	v56 =	vmul.f32 v54, v61;
	v11 =	vadd.f32 v54, v11;
	v12 =	vadd.f32 v59, v12  }
0x57: {  	v9 =	vadd.f32 v60, v9;
	v7 =	vadd.f32 v39, v7;
	v39 =	vbroadcast v4, $0x3  }
0x58: {  	v60 =	vld [tilespmem:s16+$0xFFFFFD40];
	v61 =	vmul.f32 v58, v51;
	v8 =	vadd.f32 v58, v8;
	v59 =	vmul.f32 v41, v46  }
0x59: {  	v13 =	vadd.f32 v56, v13;
	v51 =	vmul.f32 v41, v43;
	v63 =	vmul.f32 v57, v46  }
0x5a: {  	v45 =	vld [tilespmem:s16+$0xFFFFFD50];
	v10 =	vadd.f32 v61, v10;
	v54 =	vmul.f32 v57, v43;
	v55 =	vmul.f32 v62, v46  }
0x5b: {  	v56 =	vld [tilespmem:s16+$0xFFFFFD30];
	v61 =	vmul.f32 v62, v43;
	v47 =	vmul.f32 v62, v44;
	v27 =	vadd.f32 v59, v27  }
0x5c: {  	v28 =	vadd.f32 v51, v28;
	v53 =	vmul.f32 v63, v57;
	v35 =	vadd.f32 v63, v35  }
0x5d: {  	v57 =	vmul.f32 v57, v44;
	v37 =	vadd.f32 v54, v37;
	v42 =	vmul.f32 v60, v44  }
0x5e: {  	v58 =	vmul.f32 v55, v62;
	v30 =	vadd.f32 v55, v30;
	v62 =	vmul.f32 v59, v41  }
0x5f: {  	v32 =	vadd.f32 v61, v32;
	v31 =	vadd.f32 v47, v31;
	v41 =	vmul.f32 v41, v44  }
0x60: {  	v61 =	vmul.f32 v45, v43;
	v36 =	vadd.f32 v53, v36;
	v63 =	vmul.f32 v56, v46  }
0x61: {  	v33 =	vadd.f32 v57, v33;
	v53 =	vmul.f32 v60, v46;
	v54 =	vmul.f32 v56, v43  }
0x62: {  	v55 =	vmul.f32 v56, v44;
	v57 =	vmul.f32 v45, v46;
	v16 =	vadd.f32 v42, v16  }
0x63: {  	v42 =	vbroadcast v3, $0x3;
	v34 =	vadd.f32 v58, v34;
	v29 =	vadd.f32 v62, v29  }
0x64: {  	v59 =	vld [tilespmem:s16+$0xFFFFFD70];
	v25 =	vadd.f32 v41, v25;
	v58 =	vmul.f32 v60, v43;
	v17 =	vadd.f32 v61, v17  }
0x65: {  	v41 =	vld [tilespmem:s16+$0xFFFFFD60];
	v52 =	vmul.f32 v63, v56;
	v22 =	vadd.f32 v63, v22;
	v24 =	vadd.f32 v54, v24  }
0x66: {  	v56 =	vmul.f32 v53, v60;
	v21 =	vadd.f32 v55, v21;
	v19 =	vadd.f32 v53, v19  }
0x67: {  	v60 =	vmul.f32 v57, v45;
	v63 =	vld [tilespmem:s16+$0xFFFFFD80];
	v15 =	vadd.f32 v57, v15;
	v20 =	vadd.f32 v58, v20  }
0x68: {  	v26 =	vadd.f32 v52, v26;
	v23 =	vadd.f32 v56, v23;
	v52 =	vmul.f32 v45, v44  }
0x69: {  	v18 =	vadd.f32 v60, v18;
	v54 =	vmul.f32 v59, v46;
	v58 =	vmul.f32 v59, v43  }
0x6a: {  	v40 =	vmul.f32 v59, v44;
	v62 =	vmul.f32 v41, v46;
	v14 =	vadd.f32 v52, v14  }
0x6b: {  	v56 =	vld [tilespmem:s16+$0xFFFFFD90];
	v55 =	vmul.f32 v41, v43;
	v46 =	vmul.f32 v54, v59;
	v8 =	vadd.f32 v54, v8  }
0x6c: {  	v7 =	vadd.f32 v58, v7;
	v43 =	vbroadcast v4, $0x4;
	v57 =	vmul.f32 v63, v42  }
0x6d: {  	v6 =	vadd.f32 v40, v6;
	v61 =	vmul.f32 v63, v39;
	v53 =	vmul.f32 v62, v41  }
0x6e: {  	v40 =	vld [tilespmem:s16+$0xFFFFFDB0];
	v41 =	vmul.f32 v41, v44;
	v11 =	vadd.f32 v62, v11;
	v12 =	vadd.f32 v55, v12  }
0x6f: {  	v54 =	vld [tilespmem:s16+$0xFFFFFDC0];
	v10 =	vadd.f32 v46, v10;
	v44 =	vbroadcast v5, $0x3;
	v46 =	vbroadcast v3, $0x4  }
0x70: {  	v58 =	vld [tilespmem:s16+$0xFFFFFDD0];
	v59 =	vmul.f32 v57, v63;
	v60 =	vmul.f32 v56, v42;
	v35 =	vadd.f32 v57, v35  }
0x71: {  	v37 =	vadd.f32 v61, v37;
	v13 =	vadd.f32 v53, v13;
	v62 =	vmul.f32 v63, v44  }
0x72: {  	v9 =	vadd.f32 v41, v9;
	v53 =	vmul.f32 v56, v39;
	v45 =	vmul.f32 v56, v44  }
0x73: {  	v36 =	vadd.f32 v59, v36;
	v63 =	vmul.f32 v60, v56;
	v56 =	vmul.f32 v40, v42  }
0x74: {  	v30 =	vadd.f32 v60, v30;
	v60 =	vmul.f32 v40, v39;
	v61 =	vmul.f32 v54, v42  }
0x75: {  	v41 =	vld [tilespmem:s16+$0xFFFFFDA0];
	v47 =	vmul.f32 v54, v39;
	v50 =	vmul.f32 v58, v42;
	v33 =	vadd.f32 v62, v33  }
0x76: {  	v32 =	vadd.f32 v53, v32;
	v31 =	vadd.f32 v45, v31;
	v45 =	vmul.f32 v58, v44  }
0x77: {  	v34 =	vadd.f32 v63, v34;
	v59 =	vmul.f32 v56, v40;
	v40 =	vmul.f32 v40, v44  }
0x78: {  	v22 =	vadd.f32 v56, v22;
	v24 =	vadd.f32 v60, v24;
	v63 =	vmul.f32 v61, v54  }
0x79: {  	v62 =	vld [tilespmem:s16+$0xFFFFFDE0];
	v19 =	vadd.f32 v61, v19;
	v20 =	vadd.f32 v47, v20;
	v53 =	vmul.f32 v50, v58  }
0x7a: {  	v15 =	vadd.f32 v50, v15;
	v14 =	vadd.f32 v45, v14;
	v52 =	vmul.f32 v41, v42  }
0x7b: {  	v57 =	vmul.f32 v41, v39;
	v26 =	vadd.f32 v59, v26;
	v21 =	vadd.f32 v40, v21  }
0x7c: {  	v51 =	vld [tilespmem:s16+$0xFFFFFDF0];
	v23 =	vadd.f32 v63, v23;
	v18 =	vadd.f32 v53, v18;
	v55 =	vmul.f32 v52, v41  }
0x7d: {  	v27 =	vadd.f32 v52, v27;
	v41 =	vmul.f32 v41, v44;
	v52 =	vmul.f32 v54, v44  }
0x7e: {  	v28 =	vadd.f32 v57, v28;
	v54 =	vmul.f32 v62, v42;
	v59 =	vmul.f32 v62, v39  }
0x7f: {  	v57 =	vld [tilespmem:s16+$0xFFFFFE00];
	v60 =	vmul.f32 v62, v44;
	v29 =	vadd.f32 v55, v29;
	v25 =	vadd.f32 v41, v25  }
0x80: {  	v16 =	vadd.f32 v52, v16;
	v55 =	vmul.f32 v58, v39;
	v56 =	vmul.f32 v54, v62  }
0x81: {  	v58 =	vmul.f32 v51, v42;
	v11 =	vadd.f32 v54, v11;
	v62 =	vld [tilespmem:s16+$0xFFFFFE10];
	v12 =	vadd.f32 v59, v12  }
0x82: {  	v9 =	vadd.f32 v60, v9;
	v39 =	vmul.f32 v51, v39;
	v42 =	vld [tilespmem:s16+$0xFFFFFE20];
	v52 =	vmul.f32 v51, v44  }
0x83: {  	v44 =	vbroadcast v5, $0x4;
	v17 =	vadd.f32 v55, v17;
	v13 =	vadd.f32 v56, v13  }
0x84: {  	v60 =	vld [tilespmem:s16+$0xFFFFFE40];
	v61 =	vmul.f32 v58, v51;
	v8 =	vadd.f32 v58, v8;
	v63 =	vmul.f32 v57, v46  }
0x85: {  	v7 =	vadd.f32 v39, v7;
	v39 =	vbroadcast v4, $0x5;
	v54 =	vmul.f32 v57, v43  }
0x86: {  	v6 =	vadd.f32 v52, v6;
	v53 =	vmul.f32 v63, v57;
	v55 =	vmul.f32 v62, v46  }
0x87: {  	v56 =	vld [tilespmem:s16+$0xFFFFFE30];
	v10 =	vadd.f32 v61, v10;
	v57 =	vmul.f32 v57, v44;
	v59 =	vmul.f32 v42, v46  }
0x88: {  	v35 =	vadd.f32 v63, v35;
	v61 =	vmul.f32 v62, v43;
	v47 =	vmul.f32 v62, v44  }
0x89: {  	v45 =	vld [tilespmem:s16+$0xFFFFFE50];
	v37 =	vadd.f32 v54, v37;
	v51 =	vmul.f32 v42, v43;
	v41 =	vmul.f32 v60, v44  }
0x8a: {  	v36 =	vadd.f32 v53, v36;
	v58 =	vmul.f32 v55, v62;
	v33 =	vadd.f32 v57, v33  }
0x8b: {  	v30 =	vadd.f32 v55, v30;
	v62 =	vmul.f32 v59, v42;
	v32 =	vadd.f32 v61, v32  }
0x8c: {  	v31 =	vadd.f32 v47, v31;
	v63 =	vmul.f32 v56, v46;
	v42 =	vmul.f32 v42, v44  }
0x8d: {  	v27 =	vadd.f32 v59, v27;
	v53 =	vmul.f32 v60, v46;
	v54 =	vmul.f32 v56, v43  }
0x8e: {  	v28 =	vadd.f32 v51, v28;
	v55 =	vmul.f32 v56, v44;
	v57 =	vmul.f32 v45, v46  }
0x8f: {  	v61 =	vmul.f32 v45, v43;
	v16 =	vadd.f32 v41, v16;
	v34 =	vadd.f32 v58, v34  }
0x90: {  	v59 =	vld [tilespmem:s16+$0xFFFFFE70];
	v41 =	vbroadcast v3, $0x5;
	v29 =	vadd.f32 v62, v29;
	v25 =	vadd.f32 v42, v25  }
0x91: {  	v52 =	vmul.f32 v63, v56;
	v22 =	vadd.f32 v63, v22;
	v24 =	vadd.f32 v54, v24  }
0x92: {  	v42 =	vld [tilespmem:s16+$0xFFFFFE60];
	v56 =	vmul.f32 v53, v60;
	v21 =	vadd.f32 v55, v21;
	v19 =	vadd.f32 v53, v19  }
0x93: {  	v58 =	vmul.f32 v60, v43;
	v63 =	vld [tilespmem:s16+$0xFFFFFE80];
	v15 =	vadd.f32 v57, v15;
	v17 =	vadd.f32 v61, v17  }
0x94: {  	v60 =	vmul.f32 v57, v45;
	v26 =	vadd.f32 v52, v26;
	v23 =	vadd.f32 v56, v23  }
0x95: {  	v20 =	vadd.f32 v58, v20;
	v52 =	vmul.f32 v45, v44;
	v54 =	vmul.f32 v59, v46  }
0x96: {  	v18 =	vadd.f32 v60, v18;
	v58 =	vmul.f32 v59, v43;
	v40 =	vmul.f32 v59, v44  }
0x97: {  	v56 =	vld [tilespmem:s16+$0xFFFFFE90];
	v14 =	vadd.f32 v52, v14;
	v62 =	vmul.f32 v42, v46;
	v55 =	vmul.f32 v42, v43  }
0x98: {  	v46 =	vmul.f32 v54, v59;
	v57 =	vmul.f32 v63, v41;
	v8 =	vadd.f32 v54, v8  }
0x99: {  	v7 =	vadd.f32 v58, v7;
	v61 =	vmul.f32 v63, v39;
	v43 =	vbroadcast v4, $0x6  }
0x9a: {  	v6 =	vadd.f32 v40, v6;
	v53 =	vmul.f32 v62, v42;
	v42 =	vmul.f32 v42, v44  }
0x9b: {  	v40 =	vld [tilespmem:s16+$0xFFFFFEB0];
	v11 =	vadd.f32 v62, v11;
	v12 =	vadd.f32 v55, v12;
	v59 =	vmul.f32 v57, v63  }
0x9c: {  	v54 =	vld [tilespmem:s16+$0xFFFFFEC0];
	v10 =	vadd.f32 v46, v10;
	v44 =	vbroadcast v5, $0x5;
	v60 =	vmul.f32 v56, v41  }
0x9d: {  	v58 =	vld [tilespmem:s16+$0xFFFFFED0];
	v35 =	vadd.f32 v57, v35;
	v37 =	vadd.f32 v61, v37;
	v46 =	vbroadcast v3, $0x6  }
0x9e: {  	v13 =	vadd.f32 v53, v13;
	v62 =	vmul.f32 v63, v44;
	v63 =	vmul.f32 v60, v56  }
0x9f: {  	v9 =	vadd.f32 v42, v9;
	v53 =	vmul.f32 v56, v39;
	v45 =	vmul.f32 v56, v44  }
0xa0: {  	v30 =	vadd.f32 v60, v30;
	v56 =	vmul.f32 v40, v41;
	v60 =	vmul.f32 v40, v39  }
0xa1: {  	v36 =	vadd.f32 v59, v36;
	v61 =	vmul.f32 v54, v41;
	v47 =	vmul.f32 v54, v39  }
0xa2: {  	v42 =	vld [tilespmem:s16+$0xFFFFFEA0];
	v50 =	vmul.f32 v58, v41;
	v33 =	vadd.f32 v62, v33;
	v34 =	vadd.f32 v63, v34  }
0xa3: {  	v32 =	vadd.f32 v53, v32;
	v31 =	vadd.f32 v45, v31;
	v45 =	vmul.f32 v58, v44  }
0xa4: {  	v59 =	vmul.f32 v56, v40;
	v40 =	vmul.f32 v40, v44;
	v22 =	vadd.f32 v56, v22  }
0xa5: {  	v62 =	vld [tilespmem:s16+$0xFFFFFEE0];
	v24 =	vadd.f32 v60, v24;
	v63 =	vmul.f32 v61, v54;
	v19 =	vadd.f32 v61, v19  }
0xa6: {  	v20 =	vadd.f32 v47, v20;
	v53 =	vmul.f32 v50, v58;
	v15 =	vadd.f32 v50, v15  }
0xa7: {  	v14 =	vadd.f32 v45, v14;
	v52 =	vmul.f32 v42, v41;
	v26 =	vadd.f32 v59, v26  }
0xa8: {  	v51 =	vld [tilespmem:s16+$0xFFFFFEF0];
	v57 =	vmul.f32 v42, v39;
	v21 =	vadd.f32 v40, v21;
	v23 =	vadd.f32 v63, v23  }
0xa9: {  	v18 =	vadd.f32 v53, v18;
	v55 =	vmul.f32 v52, v42;
	v42 =	vmul.f32 v42, v44  }
0xaa: {  	v27 =	vadd.f32 v52, v27;
	v52 =	vmul.f32 v54, v44;
	v54 =	vmul.f32 v62, v41  }
0xab: {  	v28 =	vadd.f32 v57, v28;
	v59 =	vmul.f32 v62, v39;
	v60 =	vmul.f32 v62, v44  }
0xac: {  	v57 =	vld [tilespmem:s16+$0xFFFFFF00];
	v29 =	vadd.f32 v55, v29;
	v25 =	vadd.f32 v42, v25;
	v55 =	vmul.f32 v58, v39  }
0xad: {  	v16 =	vadd.f32 v52, v16;
	v56 =	vmul.f32 v54, v62;
	v58 =	vmul.f32 v51, v41  }
0xae: {  	v11 =	vadd.f32 v54, v11;
	v62 =	vld [tilespmem:s16+$0xFFFFFF10];
	v12 =	vadd.f32 v59, v12;
	v39 =	vmul.f32 v51, v39  }
0xaf: {  	v9 =	vadd.f32 v60, v9;
	v41 =	vld [tilespmem:s16+$0xFFFFFF20];
	v52 =	vmul.f32 v51, v44;
	v44 =	vbroadcast v5, $0x6  }
0xb0: {  	v17 =	vadd.f32 v55, v17;
	v13 =	vadd.f32 v56, v13;
	v61 =	vmul.f32 v58, v51  }
0xb1: {  	v60 =	vld [tilespmem:s16+$0xFFFFFF40];
	v8 =	vadd.f32 v58, v8;
	v7 =	vadd.f32 v39, v7;
	v63 =	vmul.f32 v57, v46  }
0xb2: {  	v6 =	vadd.f32 v52, v6;
	v39 =	vbroadcast v4, $0x7;
	v54 =	vmul.f32 v57, v43  }
0xb3: {  	v56 =	vld [tilespmem:s16+$0xFFFFFF30];
	v10 =	vadd.f32 v61, v10;
	v53 =	vmul.f32 v63, v57;
	v55 =	vmul.f32 v62, v46  }
0xb4: {  	v35 =	vadd.f32 v63, v35;
	v57 =	vmul.f32 v57, v44;
	v59 =	vmul.f32 v41, v46  }
0xb5: {  	v37 =	vadd.f32 v54, v37;
	v61 =	vmul.f32 v62, v43;
	v47 =	vmul.f32 v62, v44  }
0xb6: {  	v45 =	vld [tilespmem:s16+$0xFFFFFF50];
	v51 =	vmul.f32 v41, v43;
	v42 =	vmul.f32 v60, v44;
	v36 =	vadd.f32 v53, v36  }
0xb7: {  	v58 =	vmul.f32 v55, v62;
	v33 =	vadd.f32 v57, v33;
	v30 =	vadd.f32 v55, v30  }
0xb8: {  	v62 =	vmul.f32 v59, v41;
	v32 =	vadd.f32 v61, v32;
	v63 =	vmul.f32 v56, v46  }
0xb9: {  	v31 =	vadd.f32 v47, v31;
	v41 =	vmul.f32 v41, v44;
	v53 =	vmul.f32 v60, v46  }
0xba: {  	v27 =	vadd.f32 v59, v27;
	v54 =	vmul.f32 v56, v43;
	v55 =	vmul.f32 v56, v44  }
0xbb: {  	v28 =	vadd.f32 v51, v28;
	v57 =	vmul.f32 v45, v46;
	v61 =	vmul.f32 v45, v43  }
0xbc: {  	v16 =	vadd.f32 v42, v16;
	v42 =	vbroadcast v3, $0x7;
	v34 =	vadd.f32 v58, v34  }
0xbd: {  	v59 =	vld [tilespmem:s16+$0xFFFFFF70];
	v29 =	vadd.f32 v62, v29;
	v52 =	vmul.f32 v63, v56;
	v25 =	vadd.f32 v41, v25  }
0xbe: {  	v41 =	vld [tilespmem:s16+$0xFFFFFF60];
	v56 =	vmul.f32 v53, v60;
	v22 =	vadd.f32 v63, v22;
	v24 =	vadd.f32 v54, v24  }
0xbf: {  	v21 =	vadd.f32 v55, v21;
	v58 =	vmul.f32 v60, v43;
	v19 =	vadd.f32 v53, v19  }
0xc0: {  	v60 =	vmul.f32 v57, v45;
	v63 =	vld [tilespmem:s16+$0xFFFFFF80];
	v15 =	vadd.f32 v57, v15;
	v17 =	vadd.f32 v61, v17  }
0xc1: {  	v26 =	vadd.f32 v52, v26;
	v23 =	vadd.f32 v56, v23;
	v52 =	vmul.f32 v45, v44  }
0xc2: {  	v20 =	vadd.f32 v58, v20;
	v54 =	vmul.f32 v59, v46;
	v58 =	vmul.f32 v59, v43  }
0xc3: {  	v18 =	vadd.f32 v60, v18;
	v40 =	vmul.f32 v59, v44;
	v62 =	vmul.f32 v41, v46  }
0xc4: {  	v56 =	vld [tilespmem:s16+$0xFFFFFF90];
	v14 =	vadd.f32 v52, v14;
	v55 =	vmul.f32 v41, v43;
	v46 =	vmul.f32 v54, v59  }
0xc5: {  	v57 =	vmul.f32 v63, v42;
	v8 =	vadd.f32 v54, v8;
	v7 =	vadd.f32 v58, v7  }
0xc6: {  	v6 =	vadd.f32 v40, v6;
	v61 =	vmul.f32 v63, v39;
	v43 =	vbroadcast v4, $0x8  }
0xc7: {  	v53 =	vmul.f32 v62, v41;
	v41 =	vmul.f32 v41, v44;
	v11 =	vadd.f32 v62, v11  }
0xc8: {  	v40 =	vld [tilespmem:s16+$0xFFFFFFB0];
	v12 =	vadd.f32 v55, v12;
	v10 =	vadd.f32 v46, v10;
	v59 =	vmul.f32 v57, v63  }
0xc9: {  	v54 =	vld [tilespmem:s16+$0xFFFFFFC0];
	v44 =	vbroadcast v5, $0x7;
	v60 =	vmul.f32 v56, v42;
	v35 =	vadd.f32 v57, v35  }
0xca: {  	v58 =	vld [tilespmem:s16+$0xFFFFFFD0];
	v37 =	vadd.f32 v61, v37;
	v46 =	vbroadcast v3, $0x8;
	v13 =	vadd.f32 v53, v13  }
0xcb: {  	v9 =	vadd.f32 v41, v9;
	v62 =	vmul.f32 v63, v44;
	v63 =	vmul.f32 v60, v56  }
0xcc: {  	v36 =	vadd.f32 v59, v36;
	v53 =	vmul.f32 v56, v39;
	v45 =	vmul.f32 v56, v44  }
0xcd: {  	v30 =	vadd.f32 v60, v30;
	v56 =	vmul.f32 v40, v42;
	v60 =	vmul.f32 v40, v39  }
0xce: {  	v61 =	vmul.f32 v54, v42;
	v47 =	vmul.f32 v54, v39;
	v33 =	vadd.f32 v62, v33  }
0xcf: {  	v41 =	vld [tilespmem:s16+$0xFFFFFFA0];
	v50 =	vmul.f32 v58, v42;
	v34 =	vadd.f32 v63, v34;
	v32 =	vadd.f32 v53, v32  }
0xd0: {  	v31 =	vadd.f32 v45, v31;
	v45 =	vmul.f32 v58, v44;
	v59 =	vmul.f32 v56, v40  }
0xd1: {  	v40 =	vmul.f32 v40, v44;
	v22 =	vadd.f32 v56, v22;
	v24 =	vadd.f32 v60, v24  }
0xd2: {  	v62 =	vld [tilespmem:s16+$0xFFFFFFE0];
	v63 =	vmul.f32 v61, v54;
	v19 =	vadd.f32 v61, v19;
	v20 =	vadd.f32 v47, v20  }
0xd3: {  	v53 =	vmul.f32 v50, v58;
	v15 =	vadd.f32 v50, v15;
	v14 =	vadd.f32 v45, v14  }
0xd4: {  	v52 =	vmul.f32 v41, v42;
	v26 =	vadd.f32 v59, v26;
	v21 =	vadd.f32 v40, v21  }
0xd5: {  	v51 =	vld [tilespmem:s16+$0xFFFFFFF0];
	v57 =	vmul.f32 v41, v39;
	v23 =	vadd.f32 v63, v23;
	v18 =	vadd.f32 v53, v18  }
0xd6: {  	v55 =	vmul.f32 v52, v41;
	v27 =	vadd.f32 v52, v27;
	v41 =	vmul.f32 v41, v44  }
0xd7: {  	v28 =	vadd.f32 v57, v28;
	v52 =	vmul.f32 v54, v44;
	v54 =	vmul.f32 v62, v42  }
0xd8: {  	v57 =	vld [tilespmem:s16+$0x0];
	v59 =	vmul.f32 v62, v39;
	v60 =	vmul.f32 v62, v44;
	v29 =	vadd.f32 v55, v29  }
0xd9: {  	v25 =	vadd.f32 v41, v25;
	v16 =	vadd.f32 v52, v16;
	v55 =	vmul.f32 v58, v39  }
0xda: {  	v56 =	vmul.f32 v54, v62;
	v58 =	vmul.f32 v51, v42;
	v11 =	vadd.f32 v54, v11  }
0xdb: {  	v62 =	vld [tilespmem:s16+$0x10];
	v12 =	vadd.f32 v59, v12;
	v9 =	vadd.f32 v60, v9;
	v39 =	vmul.f32 v51, v39  }
0xdc: {  	v42 =	vld [tilespmem:s16+$0x20];
	v52 =	vmul.f32 v51, v44;
	v44 =	vbroadcast v5, $0x8;
	v17 =	vadd.f32 v55, v17  }
0xdd: {  	v13 =	vadd.f32 v56, v13;
	v61 =	vmul.f32 v58, v51;
	v63 =	vmul.f32 v57, v46  }
0xde: {  	v60 =	vld [tilespmem:s16+$0x40];
	v8 =	vadd.f32 v58, v8;
	v7 =	vadd.f32 v39, v7;
	v39 =	vbroadcast v4, $0x9  }
0xdf: {  	v6 =	vadd.f32 v52, v6;
	v54 =	vmul.f32 v57, v43;
	v53 =	vmul.f32 v63, v57  }
0xe0: {  	v56 =	vld [tilespmem:s16+$0x30];
	v10 =	vadd.f32 v61, v10;
	v55 =	vmul.f32 v62, v46;
	v57 =	vmul.f32 v57, v44  }
0xe1: {  	v35 =	vadd.f32 v63, v35;
	v59 =	vmul.f32 v42, v46;
	v61 =	vmul.f32 v62, v43  }
0xe2: {  	v37 =	vadd.f32 v54, v37;
	v47 =	vmul.f32 v62, v44;
	v51 =	vmul.f32 v42, v43  }
0xe3: {  	v45 =	vld [tilespmem:s16+$0x50];
	v41 =	vmul.f32 v60, v44;
	v36 =	vadd.f32 v53, v36;
	v58 =	vmul.f32 v55, v62  }
0xe4: {  	v33 =	vadd.f32 v57, v33;
	v30 =	vadd.f32 v55, v30;
	v62 =	vmul.f32 v59, v42  }
0xe5: {  	v32 =	vadd.f32 v61, v32;
	v31 =	vadd.f32 v47, v31;
	v63 =	vmul.f32 v56, v46  }
0xe6: {  	v42 =	vmul.f32 v42, v44;
	v27 =	vadd.f32 v59, v27;
	v53 =	vmul.f32 v60, v46  }
0xe7: {  	v28 =	vadd.f32 v51, v28;
	v54 =	vmul.f32 v56, v43;
	v55 =	vmul.f32 v56, v44  }
0xe8: {  	v57 =	vmul.f32 v45, v46;
	v61 =	vmul.f32 v45, v43;
	v16 =	vadd.f32 v41, v16  }
0xe9: {  	v59 =	vld [tilespmem:s16+$0x70];
	v41 =	vbroadcast v3, $0x9;
	v34 =	vadd.f32 v58, v34;
	v29 =	vadd.f32 v62, v29  }
0xea: {  	v52 =	vmul.f32 v63, v56;
	v25 =	vadd.f32 v42, v25;
	v22 =	vadd.f32 v63, v22  }
0xeb: {  	v42 =	vld [tilespmem:s16+$0x60];
	v56 =	vmul.f32 v53, v60;
	v24 =	vadd.f32 v54, v24;
	v21 =	vadd.f32 v55, v21  }
0xec: {  	v58 =	vmul.f32 v60, v43;
	v19 =	vadd.f32 v53, v19;
	v63 =	vld [tilespmem:s16+$0x80];
	v15 =	vadd.f32 v57, v15  }
0xed: {  	v60 =	vmul.f32 v57, v45;
	v17 =	vadd.f32 v61, v17;
	v26 =	vadd.f32 v52, v26  }
0xee: {  	v23 =	vadd.f32 v56, v23;
	v52 =	vmul.f32 v45, v44;
	v54 =	vmul.f32 v59, v46  }
0xef: {  	v20 =	vadd.f32 v58, v20;
	v58 =	vmul.f32 v59, v43;
	v40 =	vmul.f32 v59, v44  }
0xf0: {  	v18 =	vadd.f32 v60, v18;
	v62 =	vmul.f32 v42, v46;
	v55 =	vmul.f32 v42, v43  }
0xf1: {  	v56 =	vld [tilespmem:s16+$0x90];
	v14 =	vadd.f32 v52, v14;
	v46 =	vmul.f32 v54, v59;
	v57 =	vmul.f32 v63, v41  }
0xf2: {  	v8 =	vadd.f32 v54, v8;
	v7 =	vadd.f32 v58, v7;
	v61 =	vmul.f32 v63, v39  }
0xf3: {  	v6 =	vadd.f32 v40, v6;
	v43 =	vbroadcast v4, $0xA;
	v53 =	vmul.f32 v62, v42  }
0xf4: {  	v40 =	vld [tilespmem:s16+$0xB0];
	v42 =	vmul.f32 v42, v44;
	v11 =	vadd.f32 v62, v11;
	v12 =	vadd.f32 v55, v12  }
0xf5: {  	v54 =	vld [tilespmem:s16+$0xC0];
	v10 =	vadd.f32 v46, v10;
	v59 =	vmul.f32 v57, v63;
	v44 =	vbroadcast v5, $0x9  }
0xf6: {  	v58 =	vld [tilespmem:s16+$0xD0];
	v60 =	vmul.f32 v56, v41;
	v35 =	vadd.f32 v57, v35;
	v37 =	vadd.f32 v61, v37  }
0xf7: {  	v46 =	vbroadcast v3, $0xA;
	v13 =	vadd.f32 v53, v13;
	v62 =	vmul.f32 v63, v44  }
0xf8: {  	v9 =	vadd.f32 v42, v9;
	v63 =	vmul.f32 v60, v56;
	v53 =	vmul.f32 v56, v39  }
0xf9: {  	v36 =	vadd.f32 v59, v36;
	v45 =	vmul.f32 v56, v44;
	v56 =	vmul.f32 v40, v41  }
0xfa: {  	v30 =	vadd.f32 v60, v30;
	v60 =	vmul.f32 v40, v39;
	v61 =	vmul.f32 v54, v41  }
0xfb: {  	v42 =	vld [tilespmem:s16+$0xA0];
	v47 =	vmul.f32 v54, v39;
	v50 =	vmul.f32 v58, v41;
	v33 =	vadd.f32 v62, v33  }
0xfc: {  	v34 =	vadd.f32 v63, v34;
	v31 =	vadd.f32 v45, v31;
	v45 =	vmul.f32 v58, v44  }
0xfd: {  	v32 =	vadd.f32 v53, v32;
	v59 =	vmul.f32 v56, v40;
	v40 =	vmul.f32 v40, v44  }
0xfe: {  	v22 =	vadd.f32 v56, v22;
	v24 =	vadd.f32 v60, v24;
	v63 =	vmul.f32 v61, v54  }
0xff: {  	v62 =	vld [tilespmem:s16+$0xE0];
	v19 =	vadd.f32 v61, v19;
	v20 =	vadd.f32 v47, v20;
	v53 =	vmul.f32 v50, v58  }
0x100: {  	v15 =	vadd.f32 v50, v15;
	v14 =	vadd.f32 v45, v14;
	v52 =	vmul.f32 v42, v41  }
0x101: {  	v57 =	vmul.f32 v42, v39;
	v26 =	vadd.f32 v59, v26;
	v21 =	vadd.f32 v40, v21  }
0x102: {  	v51 =	vld [tilespmem:s16+$0xF0];
	v23 =	vadd.f32 v63, v23;
	v18 =	vadd.f32 v53, v18;
	v55 =	vmul.f32 v52, v42  }
0x103: {  	v27 =	vadd.f32 v52, v27;
	v42 =	vmul.f32 v42, v44;
	v52 =	vmul.f32 v54, v44  }
0x104: {  	v28 =	vadd.f32 v57, v28;
	v54 =	vmul.f32 v62, v41;
	v59 =	vmul.f32 v62, v39  }
0x105: {  	v57 =	vld [tilespmem:s16+$0x100];
	v60 =	vmul.f32 v62, v44;
	v29 =	vadd.f32 v55, v29;
	v25 =	vadd.f32 v42, v25  }
0x106: {  	v16 =	vadd.f32 v52, v16;
	v55 =	vmul.f32 v58, v39;
	v56 =	vmul.f32 v54, v62  }
0x107: {  	v58 =	vmul.f32 v51, v41;
	v11 =	vadd.f32 v54, v11;
	v62 =	vld [tilespmem:s16+$0x110];
	v12 =	vadd.f32 v59, v12  }
0x108: {  	v9 =	vadd.f32 v60, v9;
	v39 =	vmul.f32 v51, v39;
	v41 =	vld [tilespmem:s16+$0x120];
	v52 =	vmul.f32 v51, v44  }
0x109: {  	v44 =	vbroadcast v5, $0xA;
	v17 =	vadd.f32 v55, v17;
	v13 =	vadd.f32 v56, v13  }
0x10a: {  	v60 =	vld [tilespmem:s16+$0x140];
	v61 =	vmul.f32 v58, v51;
	v8 =	vadd.f32 v58, v8;
	v63 =	vmul.f32 v57, v46  }
0x10b: {  	v7 =	vadd.f32 v39, v7;
	v39 =	vbroadcast v4, $0xB;
	v54 =	vmul.f32 v57, v43  }
0x10c: {  	v6 =	vadd.f32 v52, v6;
	v53 =	vmul.f32 v63, v57;
	v55 =	vmul.f32 v62, v46  }
0x10d: {  	v56 =	vld [tilespmem:s16+$0x130];
	v10 =	vadd.f32 v61, v10;
	v57 =	vmul.f32 v57, v44;
	v59 =	vmul.f32 v41, v46  }
0x10e: {  	v35 =	vadd.f32 v63, v35;
	v61 =	vmul.f32 v62, v43;
	v47 =	vmul.f32 v62, v44  }
0x10f: {  	v45 =	vld [tilespmem:s16+$0x150];
	v37 =	vadd.f32 v54, v37;
	v51 =	vmul.f32 v41, v43;
	v42 =	vmul.f32 v60, v44  }
0x110: {  	v36 =	vadd.f32 v53, v36;
	v58 =	vmul.f32 v55, v62;
	v33 =	vadd.f32 v57, v33  }
0x111: {  	v30 =	vadd.f32 v55, v30;
	v62 =	vmul.f32 v59, v41;
	v32 =	vadd.f32 v61, v32  }
0x112: {  	v31 =	vadd.f32 v47, v31;
	v63 =	vmul.f32 v56, v46;
	v41 =	vmul.f32 v41, v44  }
0x113: {  	v27 =	vadd.f32 v59, v27;
	v53 =	vmul.f32 v60, v46;
	v54 =	vmul.f32 v56, v43  }
0x114: {  	v28 =	vadd.f32 v51, v28;
	v55 =	vmul.f32 v56, v44;
	v57 =	vmul.f32 v45, v46  }
0x115: {  	v61 =	vmul.f32 v45, v43;
	v16 =	vadd.f32 v42, v16;
	v34 =	vadd.f32 v58, v34  }
0x116: {  	v59 =	vld [tilespmem:s16+$0x170];
	v42 =	vbroadcast v3, $0xB;
	v29 =	vadd.f32 v62, v29;
	v25 =	vadd.f32 v41, v25  }
0x117: {  	v52 =	vmul.f32 v63, v56;
	v22 =	vadd.f32 v63, v22;
	v24 =	vadd.f32 v54, v24  }
0x118: {  	v41 =	vld [tilespmem:s16+$0x160];
	v56 =	vmul.f32 v53, v60;
	v21 =	vadd.f32 v55, v21;
	v19 =	vadd.f32 v53, v19  }
0x119: {  	v58 =	vmul.f32 v60, v43;
	v63 =	vld [tilespmem:s16+$0x180];
	v15 =	vadd.f32 v57, v15;
	v17 =	vadd.f32 v61, v17  }
0x11a: {  	v60 =	vmul.f32 v57, v45;
	v26 =	vadd.f32 v52, v26;
	v23 =	vadd.f32 v56, v23  }
0x11b: {  	v20 =	vadd.f32 v58, v20;
	v52 =	vmul.f32 v45, v44;
	v54 =	vmul.f32 v59, v46  }
0x11c: {  	v18 =	vadd.f32 v60, v18;
	v58 =	vmul.f32 v59, v43;
	v40 =	vmul.f32 v59, v44  }
0x11d: {  	v56 =	vld [tilespmem:s16+$0x190];
	v14 =	vadd.f32 v52, v14;
	v62 =	vmul.f32 v41, v46;
	v55 =	vmul.f32 v41, v43  }
0x11e: {  	v46 =	vmul.f32 v54, v59;
	v57 =	vmul.f32 v63, v42;
	v8 =	vadd.f32 v54, v8  }
0x11f: {  	v7 =	vadd.f32 v58, v7;
	v61 =	vmul.f32 v63, v39;
	v43 =	vbroadcast v4, $0xC  }
0x120: {  	v6 =	vadd.f32 v40, v6;
	v53 =	vmul.f32 v62, v41;
	v41 =	vmul.f32 v41, v44  }
0x121: {  	v40 =	vld [tilespmem:s16+$0x1B0];
	v11 =	vadd.f32 v62, v11;
	v12 =	vadd.f32 v55, v12;
	v59 =	vmul.f32 v57, v63  }
0x122: {  	v54 =	vld [tilespmem:s16+$0x1C0];
	v10 =	vadd.f32 v46, v10;
	v44 =	vbroadcast v5, $0xB;
	v60 =	vmul.f32 v56, v42  }
0x123: {  	v58 =	vld [tilespmem:s16+$0x1D0];
	v35 =	vadd.f32 v57, v35;
	v37 =	vadd.f32 v61, v37;
	v46 =	vbroadcast v3, $0xC  }
0x124: {  	v13 =	vadd.f32 v53, v13;
	v62 =	vmul.f32 v63, v44;
	v63 =	vmul.f32 v60, v56  }
0x125: {  	v9 =	vadd.f32 v41, v9;
	v53 =	vmul.f32 v56, v39;
	v45 =	vmul.f32 v56, v44  }
0x126: {  	v30 =	vadd.f32 v60, v30;
	v56 =	vmul.f32 v40, v42;
	v60 =	vmul.f32 v40, v39  }
0x127: {  	v36 =	vadd.f32 v59, v36;
	v61 =	vmul.f32 v54, v42;
	v47 =	vmul.f32 v54, v39  }
0x128: {  	v50 =	vmul.f32 v58, v42;
	v33 =	vadd.f32 v62, v33;
	v32 =	vadd.f32 v53, v32  }
0x129: {  	v51 =	vld [tilespmem:s16+$0x1F0];
	v31 =	vadd.f32 v45, v31;
	v53 =	vmul.f32 v54, v44;
	v45 =	vmul.f32 v58, v44  }
0x12a: {  	v41 =	vld [tilespmem:s16+$0x1A0];
	v34 =	vadd.f32 v63, v34;
	v59 =	vmul.f32 v56, v40;
	v40 =	vmul.f32 v40, v44  }
0x12b: {  	v22 =	vadd.f32 v56, v22;
	v24 =	vadd.f32 v60, v24;
	v63 =	vmul.f32 v61, v54  }
0x12c: {  	v19 =	vadd.f32 v61, v19;
	v20 =	vadd.f32 v47, v20;
	v54 =	vmul.f32 v50, v58  }
0x12d: {  	v62 =	vld [tilespmem:s16+$0x1E0];
	v56 =	vmul.f32 v58, v39;
	v15 =	vadd.f32 v50, v15;
	v16 =	vadd.f32 v53, v16  }
0x12e: {  	v14 =	vadd.f32 v45, v14;
	v53 =	vmul.f32 v51, v44;
	v26 =	vadd.f32 v59, v26  }
0x12f: {  	v58 =	vld [tilespmem:s16+$0x200];
	v52 =	vmul.f32 v41, v42;
	v21 =	vadd.f32 v40, v21;
	v23 =	vadd.f32 v63, v23  }
0x130: {  	v57 =	vmul.f32 v41, v39;
	v18 =	vadd.f32 v54, v18;
	v17 =	vadd.f32 v56, v17  }
0x131: {  	v59 =	vmul.f32 v51, v42;
	v6 =	vadd.f32 v53, v6;
	v55 =	vmul.f32 v52, v41  }
0x132: {  	v63 =	vld [tilespmem:s16+$0x210];
	v27 =	vadd.f32 v52, v27;
	v41 =	vmul.f32 v41, v44;
	v60 =	vmul.f32 v62, v39  }
0x133: {  	v28 =	vadd.f32 v57, v28;
	v61 =	vmul.f32 v62, v44;
	v39 =	vmul.f32 v51, v39  }
0x134: {  	v8 =	vadd.f32 v59, v8;
	v44 =	vbroadcast v5, $0xC;
	v52 =	vmul.f32 v58, v46  }
0x135: {  	v29 =	vadd.f32 v55, v29;
	v25 =	vadd.f32 v41, v25;
	v55 =	vmul.f32 v62, v42  }
0x136: {  	v12 =	vadd.f32 v60, v12;
	v7 =	vadd.f32 v39, v7;
	v39 =	vbroadcast v4, $0xD  }
0x137: {  	v9 =	vadd.f32 v61, v9;
	v54 =	vmul.f32 v52, v58;
	v56 =	vmul.f32 v63, v46  }
0x138: {  	v45 =	vld [tilespmem:s16+$0x250];
	v35 =	vadd.f32 v52, v35;
	v61 =	vmul.f32 v63, v43;
	v47 =	vmul.f32 v63, v44  }
0x139: {  	v42 =	vld [tilespmem:s16+$0x220];
	v57 =	vmul.f32 v55, v62;
	v11 =	vadd.f32 v55, v11;
	v62 =	vmul.f32 v59, v51  }
0x13a: {  	v41 =	vld [tilespmem:s16+$0x240];
	v55 =	vmul.f32 v58, v43;
	v58 =	vmul.f32 v58, v44;
	v36 =	vadd.f32 v54, v36  }
0x13b: {  	v59 =	vmul.f32 v56, v63;
	v30 =	vadd.f32 v56, v30;
	v32 =	vadd.f32 v61, v32  }
0x13c: {  	v31 =	vadd.f32 v47, v31;
	v47 =	vbroadcast v3, $0xE;
	v13 =	vadd.f32 v57, v13  }
0x13d: {  	v10 =	vadd.f32 v62, v10;
	v33 =	vadd.f32 v58, v33;
	v58 =	vmul.f32 v45, v46  }
0x13e: {  	v57 =	vld [tilespmem:s16+$0x230];
	v37 =	vadd.f32 v55, v37;
	v60 =	vmul.f32 v42, v46;
	v52 =	vmul.f32 v42, v43  }
0x13f: {  	v34 =	vadd.f32 v59, v34;
	v54 =	vmul.f32 v41, v46;
	v59 =	vmul.f32 v41, v43  }
0x140: {  	v61 =	vmul.f32 v58, v45;
	v15 =	vadd.f32 v58, v15;
	v27 =	vadd.f32 v60, v27  }
0x141: {  	v62 =	vmul.f32 v60, v42;
	v28 =	vadd.f32 v52, v28;
	v19 =	vadd.f32 v54, v19  }
0x142: {  	v42 =	vmul.f32 v42, v44;
	v60 =	vld [tilespmem:s16+$0x270];
	v20 =	vadd.f32 v59, v20;
	v18 =	vadd.f32 v61, v18  }
0x143: {  	v52 =	vld [tilespmem:s16+$0x280];
	v63 =	vmul.f32 v57, v46;
	v29 =	vadd.f32 v62, v29;
	v55 =	vmul.f32 v57, v43  }
0x144: {  	v25 =	vadd.f32 v42, v25;
	v56 =	vmul.f32 v57, v44;
	v62 =	vmul.f32 v45, v43  }
0x145: {  	v42 =	vld [tilespmem:s16+$0x260];
	v53 =	vmul.f32 v63, v57;
	v57 =	vmul.f32 v54, v41;
	v22 =	vadd.f32 v63, v22  }
0x146: {  	v24 =	vadd.f32 v55, v24;
	v21 =	vadd.f32 v56, v21;
	v41 =	vmul.f32 v41, v44  }
0x147: {  	v17 =	vadd.f32 v62, v17;
	v55 =	vmul.f32 v60, v46;
	v59 =	vmul.f32 v60, v43  }
0x148: {  	v40 =	vmul.f32 v60, v44;
	v62 =	vmul.f32 v52, v39;
	v26 =	vadd.f32 v53, v26  }
0x149: {  	v16 =	vadd.f32 v41, v16;
	v53 =	vmul.f32 v45, v44;
	v41 =	vbroadcast v3, $0xD  }
0x14a: {  	v23 =	vadd.f32 v57, v23;
	v63 =	vmul.f32 v42, v46;
	v56 =	vmul.f32 v42, v43  }
0x14b: {  	v57 =	vld [tilespmem:s16+$0x290];
	v46 =	vmul.f32 v55, v60;
	v8 =	vadd.f32 v55, v8;
	v7 =	vadd.f32 v59, v7  }
0x14c: {  	v6 =	vadd.f32 v40, v6;
	v37 =	vadd.f32 v62, v37;
	v58 =	vmul.f32 v52, v41  }
0x14d: {  	v55 =	vld [tilespmem:s16+$0x2C0];
	v14 =	vadd.f32 v53, v14;
	v54 =	vmul.f32 v63, v42;
	v42 =	vmul.f32 v42, v44  }
0x14e: {  	v11 =	vadd.f32 v63, v11;
	v12 =	vadd.f32 v56, v12;
	v44 =	vbroadcast v5, $0xD  }
0x14f: {  	v40 =	vld [tilespmem:s16+$0x2B0];
	v10 =	vadd.f32 v46, v10;
	v60 =	vmul.f32 v58, v52;
	v35 =	vadd.f32 v58, v35  }
0x150: {  	v59 =	vld [tilespmem:s16+$0x2D0];
	v13 =	vadd.f32 v54, v13;
	v61 =	vmul.f32 v57, v41;
	v63 =	vmul.f32 v52, v44  }
0x151: {  	v9 =	vadd.f32 v42, v9;
	v54 =	vmul.f32 v57, v39;
	v45 =	vmul.f32 v57, v44  }
0x152: {  	v36 =	vadd.f32 v60, v36;
	v62 =	vmul.f32 v55, v41;
	v51 =	vmul.f32 v55, v39  }
0x153: {  	v52 =	vmul.f32 v61, v57;
	v33 =	vadd.f32 v63, v33;
	v30 =	vadd.f32 v61, v30  }
0x154: {  	v32 =	vadd.f32 v54, v32;
	v57 =	vmul.f32 v40, v41;
	v61 =	vmul.f32 v40, v39  }
0x155: {  	v42 =	vld [tilespmem:s16+$0x2A0];
	v31 =	vadd.f32 v45, v31;
	v54 =	vmul.f32 v55, v44;
	v45 =	vmul.f32 v59, v44  }
0x156: {  	v50 =	vmul.f32 v62, v55;
	v19 =	vadd.f32 v62, v19;
	v20 =	vadd.f32 v51, v20  }
0x157: {  	v34 =	vadd.f32 v52, v34;
	v60 =	vmul.f32 v57, v40;
	v40 =	vmul.f32 v40, v44  }
0x158: {  	v22 =	vadd.f32 v57, v22;
	v24 =	vadd.f32 v61, v24;
	v52 =	vmul.f32 v59, v41  }
0x159: {  	v63 =	vld [tilespmem:s16+$0x2E0];
	v16 =	vadd.f32 v54, v16;
	v57 =	vmul.f32 v59, v39;
	v14 =	vadd.f32 v45, v14  }
0x15a: {  	v53 =	vmul.f32 v42, v41;
	v23 =	vadd.f32 v50, v23;
	v26 =	vadd.f32 v60, v26  }
0x15b: {  	v58 =	vmul.f32 v42, v39;
	v21 =	vadd.f32 v40, v21;
	v17 =	vadd.f32 v57, v17;
	v57 =	vld [tilespmem:s16+$0x330]  }
0x15c: {  	v55 =	vmul.f32 v52, v59;
	v56 =	vmul.f32 v53, v42;
	v27 =	vadd.f32 v53, v27;
	v53 =	vld [tilespmem:s16+$0x2F0]  }
0x15d: {  	v15 =	vadd.f32 v52, v15;
	v42 =	vmul.f32 v42, v44;
	v28 =	vadd.f32 v58, v28  }
0x15e: {  	v59 =	vld [tilespmem:s16+$0x300];
	v61 =	vmul.f32 v63, v39;
	v29 =	vadd.f32 v56, v29;
	v56 =	vmul.f32 v63, v41  }
0x15f: {  	v62 =	vmul.f32 v63, v44;
	v18 =	vadd.f32 v55, v18;
	v25 =	vadd.f32 v42, v25  }
0x160: {  	v54 =	vld [tilespmem:s16+$0x320];
	v12 =	vadd.f32 v61, v12;
	v58 =	vmul.f32 v56, v63;
	v50 =	vmul.f32 v57, v47  }
0x161: {  	v9 =	vadd.f32 v62, v9;
	v61 =	vld [tilespmem:s16+$0x340];
	v60 =	vmul.f32 v53, v41;
	v39 =	vmul.f32 v53, v39  }
0x162: {  	v11 =	vadd.f32 v56, v11;
	v52 =	vmul.f32 v53, v44;
	v44 =	vbroadcast v5, $0xE  }
0x163: {  	v63 =	vld [tilespmem:s16+$0x310];
	v13 =	vadd.f32 v58, v13;
	v58 =	vmul.f32 v59, v38;
	v22 =	vadd.f32 v50, v22  }
0x164: {  	v51 =	vmul.f32 v60, v53;
	v53 =	vmul.f32 v59, v47;
	v8 =	vadd.f32 v60, v8  }
0x165: {  	v7 =	vadd.f32 v39, v7;
	v42 =	vmul.f32 v59, v44;
	v60 =	vmul.f32 v54, v47  }
0x166: {  	v6 =	vadd.f32 v52, v6;
	v43 =	vmul.f32 v54, v44;
	v41 =	vmul.f32 v61, v44  }
0x167: {  	v46 =	vld [tilespmem:s16+$0x380];
	v39 =	vbroadcast v5, $0xF;
	v37 =	vadd.f32 v58, v37;
	v58 =	vmul.f32 v61, v38  }
0x168: {  	v40 =	vld [tilespmem:s16+$0x3B0];
	v10 =	vadd.f32 v51, v10;
	v55 =	vmul.f32 v53, v59;
	v56 =	vmul.f32 v63, v47  }
0x169: {  	v35 =	vadd.f32 v53, v35;
	v62 =	vmul.f32 v63, v38;
	v49 =	vmul.f32 v60, v54  }
0x16a: {  	v33 =	vadd.f32 v42, v33;
	v51 =	vmul.f32 v54, v38;
	v53 =	vmul.f32 v50, v57  }
0x16b: {  	v27 =	vadd.f32 v60, v27;
	v54 =	vmul.f32 v61, v47;
	v25 =	vadd.f32 v43, v25  }
0x16c: {  	v16 =	vadd.f32 v41, v16;
	v50 =	vmul.f32 v46, v39;
	v20 =	vadd.f32 v58, v20  }
0x16d: {  	v52 =	vld [tilespmem:s16+$0x350];
	v48 =	vmul.f32 v40, v39;
	v36 =	vadd.f32 v55, v36;
	v30 =	vadd.f32 v56, v30  }
0x16e: {  	v43 =	vld [tilespmem:s16+$0x360];
	v59 =	vmul.f32 v56, v63;
	v32 =	vadd.f32 v62, v32;
	v29 =	vadd.f32 v49, v29  }
0x16f: {  	v60 =	vld [tilespmem:s16+$0x370];
	v63 =	vmul.f32 v63, v44;
	v28 =	vadd.f32 v51, v28;
	v26 =	vadd.f32 v53, v26  }
0x170: {  	v55 =	vmul.f32 v57, v38;
	v56 =	vmul.f32 v57, v44;
	v19 =	vadd.f32 v54, v19  }
0x171: {  	v57 =	vmul.f32 v54, v61;
	v33 =	vadd.f32 v50, v33;
	v34 =	vadd.f32 v59, v34  }
0x172: {  	v62 =	vmul.f32 v52, v38;
	v31 =	vadd.f32 v63, v31;
	v24 =	vadd.f32 v55, v24  }
0x173: {  	v59 =	vmul.f32 v52, v47;
	v21 =	vadd.f32 v56, v21;
	v63 =	vmul.f32 v43, v47  }
0x174: {  	v23 =	vadd.f32 v57, v23;
	v54 =	vmul.f32 v43, v38;
	v55 =	vmul.f32 v60, v47  }
0x175: {  	v17 =	vadd.f32 v62, v17;
	v47 =	vbroadcast v3, $0xF;
	v57 =	vmul.f32 v43, v44  }
0x176: {  	v38 =	vmul.f32 v60, v38;
	v61 =	vmul.f32 v59, v52;
	v15 =	vadd.f32 v59, v15  }
0x177: {  	v56 =	vld [tilespmem:s16+$0x390];
	v52 =	vmul.f32 v52, v44;
	v21 =	vadd.f32 v48, v21;
	v53 =	vmul.f32 v63, v43  }
0x178: {  	v11 =	vadd.f32 v63, v11;
	v12 =	vadd.f32 v54, v12;
	v58 =	vmul.f32 v55, v60  }
0x179: {  	v59 =	vmul.f32 v46, v47;
	v9 =	vadd.f32 v57, v9;
	v8 =	vadd.f32 v55, v8  }
0x17a: {  	v60 =	vmul.f32 v60, v44;
	v7 =	vadd.f32 v38, v7;
	v18 =	vadd.f32 v61, v18  }
0x17b: {  	v44 =	vbroadcast v4, $0xF;
	v14 =	vadd.f32 v52, v14;
	v13 =	vadd.f32 v53, v13  }
0x17c: {  	v54 =	vld [tilespmem:s16+$0x3C0];
	v10 =	vadd.f32 v58, v10;
	v62 =	vmul.f32 v59, v46;
	v63 =	vmul.f32 v56, v47  }
0x17d: {  	v61 =	vld [tilespmem:s16+$0x3A0];
	v6 =	vadd.f32 v60, v6;
	v49 =	vmul.f32 v46, v44;
	v53 =	vmul.f32 v56, v44  }
0x17e: {  	v35 =	vadd.f32 v59, v35;
	v55 =	vmul.f32 v56, v39;
	v58 =	vmul.f32 v40, v47  }
0x17f: {  	v36 =	vadd.f32 v62, v36;
	v51 =	vmul.f32 v63, v56;
	v37 =	vadd.f32 v49, v37  }
0x180: {  	v59 =	vld [tilespmem:s16+$0x3D0];
	v30 =	vadd.f32 v63, v30;
	v32 =	vadd.f32 v53, v32;
	v60 =	vmul.f32 v58, v40  }
0x181: {  	v31 =	vadd.f32 v55, v31;
	v62 =	vmul.f32 v54, v47;
	v53 =	vmul.f32 v54, v44  }
0x182: {  	v22 =	vadd.f32 v58, v22;
	v42 =	vmul.f32 v54, v39;
	v52 =	vmul.f32 v61, v47  }
0x183: {  	v63 =	vld [tilespmem:s16+$0x3E0];
	v34 =	vadd.f32 v51, v34;
	v57 =	vmul.f32 v61, v44;
	v43 =	vmul.f32 v61, v39  }
0x184: {  	v26 =	vadd.f32 v60, v26;
	v50 =	vmul.f32 v62, v54;
	v19 =	vadd.f32 v62, v19  }
0x185: {  	v51 =	vmul.f32 v59, v47;
	v20 =	vadd.f32 v53, v20;
	v16 =	vadd.f32 v42, v16  }
0x186: {  	v56 =	vmul.f32 v52, v61;
	v27 =	vadd.f32 v52, v27;
	v28 =	vadd.f32 v57, v28  }
0x187: {  	v25 =	vadd.f32 v43, v25;
	v61 =	vmul.f32 v40, v44;
	v52 =	vld [tilespmem:s16+$0x3F0];
	v57 =	vmul.f32 v59, v39  }
0x188: {  	v23 =	vadd.f32 v50, v23;
	v54 =	vmul.f32 v51, v59;
	v55 =	vmul.f32 v63, v47  }
0x189: {  	v15 =	vadd.f32 v51, v15;
	v60 =	vmul.f32 v63, v44;
	v29 =	vadd.f32 v56, v29  }
0x18a: {  	v24 =	vadd.f32 v61, v24;
	v56 =	vmul.f32 v59, v44;
	v14 =	vadd.f32 v57, v14  }
0x18b: {  	p0 =	sne.s32 s17, $0x1C0;
	v61 =	vmul.f32 v63, v39;
	v18 =	vadd.f32 v54, v18;
	v58 =	vmul.f32 v55, v63  }
.Ltmp0:
0x18c: {  	v11 =	vadd.f32 v55, v11;
	v12 =	vadd.f32 v60, v12;
	v59 =	vmul.f32 v52, v47;
	(pc) =	sbr.rel @p0 .LBB2_2-.Ltmp0, $4  }
0x18d: {  	v17 =	vadd.f32 v56, v17;
	v9 =	vadd.f32 v61, v9;
	v63 =	vmul.f32 v52, v44  }
0x18e: {  	v13 =	vadd.f32 v58, v13;
	v39 =	vmul.f32 v52, v39;
	v62 =	vmul.f32 v59, v52  }
0x18f: {  	v8 =	vadd.f32 v59, v8;
	v7 =	vadd.f32 v63, v7  }
0x190: {  	s17 =	sadd.s32 $0x40, s17;
	s16 =	sadd.s32 $0x800, s16;
	v6 =	vadd.f32 v39, v6;
	v10 =	vadd.f32 v62, v10  }
0x191: {  	v3 =	vld [tilespmem:$0x8100]  }
0x192: {  	v4 =	vld [tilespmem:$0x8180]  }
0x193: {  	v5 =	vld [tilespmem:$0x8200]  }
0x194: {  	v40 =	vld [tilespmem:$0x8110]  }
0x195: {  	v41 =	vld [tilespmem:$0x8190]  }
0x196: {  	v46 =	vld [tilespmem:$0x81A0]  }
0x197: {  	v53 =	vld [tilespmem:$0x8120]  }
0x198: {  	v38 =	vmul.f32 $3.000000000e+00, v3;
	v39 =	vmul.f32 $4.000000000e+00, v4  }
0x199: {  	v36 =	vadd.f32 $0.0e+00, v36;
	v52 =	vadd.f32 v4, v4;
	v42 =	vmul.f32 v3, v35  }
0x19a: {  	v44 =	vmul.f32 $3.000000000e+00, v40;
	v55 =	vadd.f32 v41, v41;
	v38 =	vsub.f32 v39, v38  }
0x19b: {  	v45 =	vmul.f32 $4.000000000e+00, v41;
	v63 =	vadd.f32 v46, v46;
	v41 =	vadd.f32 v41, v40  }
0x19c: {  	v43 =	vld [tilespmem:$0x8210];
	v59 =	vmul.f32 $3.000000000e+00, v53;
	v39 =	vsub.f32 v3, v52;
	v38 =	vsub.f32 v38, v5  }
0x19d: {  	v60 =	vmul.f32 $4.000000000e+00, v46;
	v50 =	vadd.f32 v46, v53;
	v42 =	vadd.f32 $0.0e+00, v42  }
0x19e: {  	v58 =	vld [tilespmem:$0x8220];
	v54 =	vsub.f32 v45, v44;
	v39 =	vadd.f32 v39, v5;
	v38 =	vmul.f32 $5.000000000e-01, v38  }
0x19f: {  	v57 =	vsub.f32 v40, v55;
	v3 =	vadd.f32 v4, v3  }
0x1a0: {  	v4 =	vsub.f32 v60, v59;
	v39 =	vmul.f32 $5.000000000e-01, v39;
	v37 =	vmul.f32 v38, v37  }
0x1a1: {  	v61 =	vmul.f32 v40, v30;
	v56 =	vsub.f32 v54, v43;
	v3 =	vadd.f32 v5, v3  }
0x1a2: {  	v33 =	vmul.f32 v39, v33;
	v39 =	vadd.f32 v57, v43;
	v37 =	vadd.f32 v37, v42  }
0x1a3: {  	v4 =	vsub.f32 v4, v58;
	v3 =	vmul.f32 v3, v35;
	v35 =	vsub.f32 v53, v63;
	v63 =	vld [tilespmem:$0x81D0]  }
0x1a4: {  	v55 =	vld [tilespmem:$0x81C0];
	v62 =	vmul.f32 $5.000000000e-01, v39;
	v33 =	vadd.f32 v37, v33;
	v37 =	vmul.f32 $5.000000000e-01, v56  }
0x1a5: {  	v44 =	vmul.f32 v53, v27;
	v54 =	vadd.f32 v58, v50;
	v45 =	vadd.f32 v35, v58;
	v39 =	vld [tilespmem:$0x81B0]  }
0x1a6: {  	v5 =	vmul.f32 v62, v31;
	v31 =	vadd.f32 v34, v36;
	v32 =	vmul.f32 v37, v32;
	v37 =	vld [tilespmem:$0x8130]  }
0x1a7: {  	v4 =	vmul.f32 $5.000000000e-01, v4;
	v3 =	vadd.f32 $0.0e+00, v3;
	v33 =	vadd.f32 v33, v61  }
0x1a8: {  	v46 =	vadd.f32 v63, v63;
	v34 =	vmul.f32 $5.000000000e-01, v45;
	v29 =	vadd.f32 v29, v31  }
0x1a9: {  	v47 =	vld [tilespmem:$0x8230];
	v4 =	vmul.f32 v4, v28;
	v36 =	vadd.f32 v55, v55;
	v32 =	vadd.f32 v32, v33  }
0x1aa: {  	v53 =	vmul.f32 v34, v25;
	v34 =	vld [tilespmem:$0x8140];
	v49 =	vmul.f32 $4.000000000e+00, v39;
	v26 =	vadd.f32 v26, v29  }
0x1ab: {  	v25 =	vld [tilespmem:$0x8150];
	v52 =	vadd.f32 v39, v39;
	v5 =	vadd.f32 v32, v5;
	v48 =	vmul.f32 $3.000000000e+00, v37  }
0x1ac: {  	v56 =	vmul.f32 v54, v27;
	v33 =	vadd.f32 v43, v41;
	v54 =	vadd.f32 v23, v26  }
0x1ad: {  	v62 =	vmul.f32 $4.000000000e+00, v55;
	v5 =	vadd.f32 v5, v44;
	v32 =	vsub.f32 v49, v48  }
0x1ae: {  	v51 =	vmul.f32 v33, v30;
	v33 =	vsub.f32 v37, v52;
	v38 =	vadd.f32 v39, v37  }
0x1af: {  	v59 =	vmul.f32 v37, v22;
	v4 =	vadd.f32 v4, v5;
	v32 =	vsub.f32 v32, v47  }
0x1b0: {  	v60 =	vld [tilespmem:$0x8240];
	v61 =	vmul.f32 $3.000000000e+00, v34;
	v39 =	vsub.f32 v34, v36;
	v50 =	vsub.f32 v25, v46  }
0x1b1: {  	v58 =	vadd.f32 v33, v47;
	v4 =	vadd.f32 v4, v53;
	v57 =	vmul.f32 $5.000000000e-01, v32  }
0x1b2: {  	v43 =	vmul.f32 $3.000000000e+00, v25;
	v55 =	vadd.f32 v55, v34;
	v29 =	vsub.f32 v62, v61  }
0x1b3: {  	v27 =	vmul.f32 $5.000000000e-01, v58;
	v4 =	vadd.f32 v4, v59;
	v24 =	vmul.f32 v57, v24  }
0x1b4: {  	v45 =	vmul.f32 v34, v19;
	v3 =	vadd.f32 v51, v3;
	v18 =	vadd.f32 v18, v54  }
0x1b5: {  	v42 =	vld [tilespmem:$0x8250];
	v41 =	vsub.f32 v29, v60;
	v21 =	vmul.f32 v27, v21;
	v4 =	vadd.f32 v24, v4  }
0x1b6: {  	v44 =	vmul.f32 $4.000000000e+00, v63;
	v40 =	vadd.f32 v47, v38;
	v61 =	vadd.f32 v63, v25  }
0x1b7: {  	v49 =	vld [tilespmem:$0x8160];
	v27 =	vmul.f32 $5.000000000e-01, v41;
	v4 =	vadd.f32 v4, v21;
	v21 =	vadd.f32 v39, v60  }
0x1b8: {  	v51 =	vld [tilespmem:$0x81E0];
	v3 =	vadd.f32 v56, v3;
	v48 =	vsub.f32 v44, v43  }
0x1b9: {  	v20 =	vmul.f32 v27, v20;
	v21 =	vmul.f32 $5.000000000e-01, v21;
	v4 =	vadd.f32 v4, v45  }
0x1ba: {  	v5 =	vadd.f32 v60, v55;
	v52 =	vsub.f32 v48, v42  }
0x1bb: {  	v62 =	vld [tilespmem:$0x8170];
	v47 =	vmul.f32 v40, v22;
	v4 =	vadd.f32 v20, v4;
	v16 =	vmul.f32 v21, v16  }
0x1bc: {  	v58 =	vld [tilespmem:$0x8260];
	v53 =	vadd.f32 v50, v42;
	v22 =	vmul.f32 $5.000000000e-01, v52;
	v59 =	vmul.f32 $3.000000000e+00, v49  }
0x1bd: {  	v32 =	vld [tilespmem:$0x81F0];
	v57 =	vmul.f32 v25, v15;
	v60 =	vmul.f32 $4.000000000e+00, v51;
	v4 =	vadd.f32 v4, v16  }
0x1be: {  	v33 =	vadd.f32 v42, v61;
	v31 =	vadd.f32 v51, v51;
	v56 =	vmul.f32 $5.000000000e-01, v53  }
0x1bf: {  	v17 =	vmul.f32 v22, v17;
	v63 =	vsub.f32 v60, v59;
	v4 =	vadd.f32 v4, v57  }
0x1c0: {  	v3 =	vadd.f32 v47, v3;
	v35 =	vsub.f32 v49, v31  }
0x1c1: {  	v14 =	vmul.f32 v56, v14;
	v34 =	vsub.f32 v63, v58;
	v4 =	vadd.f32 v17, v4  }
0x1c2: {  	v40 =	vld [tilespmem:$0x8270];
	v41 =	vmul.f32 $3.000000000e+00, v62;
	v38 =	vadd.f32 v35, v58;
	v42 =	vmul.f32 $4.000000000e+00, v32  }
0x1c3: {  	v39 =	vmul.f32 v49, v11;
	v37 =	vmul.f32 $5.000000000e-01, v34;
	v4 =	vadd.f32 v4, v14  }
0x1c4: {  	v36 =	vmul.f32 v33, v15;
	v44 =	vadd.f32 v32, v32;
	v15 =	vmul.f32 $5.000000000e-01, v38  }
0x1c5: {  	v43 =	vsub.f32 v42, v41;
	v12 =	vmul.f32 v37, v12;
	v4 =	vadd.f32 v4, v39  }
0x1c6: {  	v5 =	vmul.f32 v5, v19;
	v48 =	vadd.f32 v51, v49;
	v47 =	vsub.f32 v62, v44  }
0x1c7: {  	v45 =	vmul.f32 v15, v9;
	v46 =	vsub.f32 v43, v40;
	v4 =	vadd.f32 v12, v4  }
0x1c8: {  	v3 =	vadd.f32 v5, v3;
	v5 =	vadd.f32 v58, v48;
	v49 =	vmul.f32 v62, v8  }
0x1c9: {  	v9 =	vmul.f32 $5.000000000e-01, v46;
	v12 =	vadd.f32 v47, v40;
	v4 =	vadd.f32 v4, v45  }
0x1ca: {  	v3 =	vadd.f32 v36, v3;
	v50 =	vadd.f32 v32, v62  }
0x1cb: {  	v7 =	vmul.f32 v9, v7;
	v12 =	vmul.f32 $5.000000000e-01, v12;
	v4 =	vadd.f32 v4, v49  }
0x1cc: {  	v5 =	vmul.f32 v5, v11;
	v51 =	vadd.f32 v13, v18;
	v52 =	vadd.f32 v40, v50  }
0x1cd: {  	(xrf2) =	vadd.scan.msk.f32 $0xffff, v2;
	v54 =	vmul.f32 v12, v6;
	v53 =	vadd.f32 v7, v4  }
0x1ce: {  	(xrf2) =	vadd.scan.msk.f32 $0xffff, v1;
	v55 =	vadd.f32 v5, v3;
	v56 =	vadd.f32 v10, v51;
	v57 =	vmul.f32 v52, v8  }
0x1cf: {  	(xrf2) =	vadd.scan.msk.f32 $0xffff, v0;
	v58 =	vadd.f32 v53, v54  }
0x1d0: {  	(xrf2) =	vadd.scan.msk.f32 $0xffff, v56;
	v1 =	vadd.f32 v57, v55  }
0x1d1: {  	(xrf2) =	vadd.scan.msk.f32 $0xffff, v58  }
0x1d2: {  	(xrf2) =	vadd.scan.msk.f32 $0xffff, v1;
	_ =	sdelay $0x4  }
0x1d3: {  	v59, _, _ =	vpop (xrf2)  }
0x1d4: {  	v60, _, _ =	vpop (xrf2)  }
0x1d5: {  	v61, _, _ =	vpop (xrf2)  }
0x1d6: {  	v3, _, _ =	vpop (xrf2)  }
0x1d7: {  	v3 =	vbroadcast v3, $0xF;
	v62, _, _ =	vpop (xrf2)  }
0x1d8: {  	v63, _, _ =	vpop (xrf2);
	v4 =	vbroadcast v62, $0xF  }
0x1d9: {  	v3 =	vnsel vm5, $0x0, v3;
	v5 =	vbroadcast v63, $0xF  }
0x1da: {  	v0 =	vbroadcast v59, $0xF;
	v3 =	vsel vm0, v3, v4  }
0x1db: {  	v1 =	vbroadcast v60, $0xF;
	v3 =	vsel vm1, v3, v5  }
0x1dc: {  	v2 =	vbroadcast v61, $0xF;
	v0 =	vsel vm2, v3, v0  }
0x1dd: {  	s15 =	sadd.s32 $0x1, s15;
	v0 =	vsel vm3, v0, v1  }
0x1de: {  	p0 =	sne.s32 s15, s8;
	v0 =	vsel vm4, v0, v2  }
.Ltmp1:
0x1df: {  	[tilespmem:$0x8300] =	vst v0;
	(pc) =	sbr.rel @p0 .LBB2_1-.Ltmp1, $4  }
0x1e0: {  	[hbm4b:s7+s3] =	stream.linear.scatter [tilespmem:s14], [sflag:$0x2], $0x80, $0x38;
	[tilespmem:$0x8380] =	vst v63  }
0x1e1: {  	_ =	swait.ge [sflag:s10], $0x80  }
0x1e2: {  	[sflag:s10] =	ssyncset.done $0x0  }
0x1e3: {  	[sflag:s10] =	ssyncadd.s32 $0xFFFFFF80  }
0x1e4: {  	_ =	sfence.sel $0x180000  }
0x1e5: {  	[bflag:$0x0] =	sbarrier.arrive $0xFFFF  }
0x1e6: {  	p0 =	sne.s32 s1, $0x0;
	_ =	strace $0x90000047  }
0x1e7: {  	s0 =	sadd.s32 @!p0 $0x100000, s0;
	[bflag:$0x2] =	sbarrier.arrive $0xFFFF  }
0x1e8: {  	[sflag:s0] =	ssyncadd.tile.s32 @!p0 $0x1;
	_ =	shalt  }
.Lfunc_end2:
_tile_overlayer_lowered:
.L_overlay_start_2:
0x1e9: {  	(tag) =	ssettag $0x2  }
0x1ea: {  	s0 =	rddreg [dreg:$0x0];
	s2 =	stileid.u32  }
0x1eb: {  	s1 =	rddreg [dreg:$0x1];
	p0 =	sne.s32 s2, $0x0  }
0x1ec: {  	s3 =	rddreg [dreg:$0x2];
	[bflag:$0x3] =	sbarrier.arrive $0xFFFF;
	s2 =	simm.s32 @!p0 $0x1C02  }
0x1ed: {  	[timem:s3], [sflag:s2] =	dma.local @!p0 [hbm:s0], s1  }
0x1ee: {  	s0 =	simm.s32 @!p0 $0x2  }
0x1ef: {  	_ =	swait.ge @!p0 [sflag:s0], s1  }
0x1f0: {  	s1 =	ssub.s32 @!p0 $0x0, s1;
	[sflag:s0] =	ssyncset.done @!p0 $0x0  }
0x1f1: {  	[sflag:s0] =	ssyncadd.s32 @!p0 s1  }
0x1f2: {  	[bflag:$0x3] =	sbarrier.arrive $0xFFFF  }
0x1f3: {  	_ =	shalt  }

</sc_bundles>
